<compile_context>
chip_gen: v7x
topology: tpu7x:2x2x1
jax: 0.10.2.dev20260603
libtpu: 0.0.44.dev20260713+nightly
codegen_flags: <defaults>
</compile_context>

<pallas_src>
import functools

import jax
import jax.numpy as jnp
from jax import lax
from jax.experimental import pallas as pl
from jax.experimental.pallas import tpu as pltpu
from jax.experimental.pallas import tpu_sc as plsc

_NC = 2
_NS = 16
_K = 128
_CB = 8
_G = 128


def _round_up(a, b):
    return (a + b - 1) // b * b



def _sc_degree(dst3, n_pad):
    ch = dst3.shape[1]
    rpt = n_pad // _NS
    zn = _round_up(rpt, 16)
    mesh = plsc.VectorSubcoreMesh(core_axis_name="c", subcore_axis_name="s")

    @functools.partial(
        pl.kernel,
        out_type=jax.ShapeDtypeStruct((_NC * n_pad,), jnp.float32),
        mesh=mesh,
        scratch_types=[
            pltpu.VMEM((ch, _K), jnp.int32),
            pltpu.VMEM((_K,), jnp.float32),
            pltpu.VMEM((zn,), jnp.float32),
            pltpu.VMEM_SHARED((n_pad,), jnp.float32),
        ],
    )
    def k(dst_hbm, out_hbm, dst_v, ones_v, zbuf_v, acc):
        c = lax.axis_index("c")
        s = lax.axis_index("s")
        wid = c * _NS + s
        pltpu.sync_copy(dst_hbm.at[wid], dst_v)
        def fill(i, _):
            ones_v[pl.ds(i * 16, 16)] = jnp.ones((16,), jnp.float32)
            return 0
        lax.fori_loop(0, _K // 16, fill, 0)
        def fillz(i, _):
            zbuf_v[pl.ds(i * 16, 16)] = jnp.zeros((16,), jnp.float32)
            return 0
        lax.fori_loop(0, zn // 16, fillz, 0)
        base = s * rpt
        pltpu.sync_copy(zbuf_v.at[pl.ds(0, rpt)], acc.at[pl.ds(base, rpt)])
        plsc.subcore_barrier()
        def step(j, _):
            pltpu.sync_copy(ones_v, acc.at[dst_v.at[j]], add=True)
            return 0
        lax.fori_loop(0, ch, step, 0)
        plsc.subcore_barrier()
        pltpu.sync_copy(acc.at[pl.ds(base, rpt)],
                        out_hbm.at[pl.ds(c * n_pad + base, rpt)])

    return k(dst3)


def _sc_scatter(table, src4, dst4, zeros_hbm, n_pad):
    nb = src4.shape[1]
    assert nb % 2 == 0 and _CB >= 6
    h = table.shape[1]
    rpt = n_pad // _NS
    mesh = plsc.VectorSubcoreMesh(core_axis_name="c", subcore_axis_name="s")

    @functools.partial(
        pl.kernel,
        out_type=jax.ShapeDtypeStruct((_NC * n_pad, h), jnp.float32),
        mesh=mesh,
        scratch_types=[
            pltpu.VMEM((2, _CB, _K), jnp.int32),
            pltpu.VMEM((2, _CB, _K), jnp.int32),
            pltpu.VMEM((2, _K, h), jnp.float32),
            pltpu.VMEM_SHARED((n_pad, h), jnp.float32),
            pltpu.SemaphoreType.DMA,
            pltpu.SemaphoreType.DMA,
            pltpu.SemaphoreType.DMA,
            pltpu.SemaphoreType.DMA,
            pltpu.SemaphoreType.DMA,
            pltpu.SemaphoreType.DMA,
        ],
    )
    def k(tab_hbm, src_hbm, dst_hbm, z_hbm, out_hbm,
          sidx, didx, rows, acc,
          semg0, semg1, sems0, sems1, semi0, semi1):
        c = lax.axis_index("c")
        s = lax.axis_index("s")
        wid = c * _NS + s
        semg = (semg0, semg1)
        sems = (sems0, sems1)
        semi = (semi0, semi1)

        def gdesc(slot, j, buf):
            return pltpu.make_async_copy(tab_hbm.at[sidx.at[slot, j]],
                                         rows.at[buf], semg[buf])

        def sdesc(slot, j, buf):
            return pltpu.make_async_copy(rows.at[buf],
                                         acc.at[didx.at[slot, j]], sems[buf])

        pltpu.sync_copy(z_hbm, rows.at[0])
        base = s * rpt
        for i in range(rpt // _K):
            pltpu.sync_copy(rows.at[0], acc.at[pl.ds(base + i * _K, _K)])
        rem = rpt % _K
        if rem:
            pltpu.sync_copy(rows.at[0, pl.ds(0, rem)],
                            acc.at[pl.ds(base + rpt - rem, rem)])
        pltpu.sync_copy(src_hbm.at[wid, 0], sidx.at[0])
        pltpu.sync_copy(dst_hbm.at[wid, 0], didx.at[0])
        plsc.subcore_barrier()

        def pair(p, _):
            for sub in (0, 1):
                b = 2 * p + sub
                cur, nxt = sub, 1 - sub
                for j in range(_CB):
                    buf = j % 2
                    if j >= 2:
                        sdesc(cur, j - 2, buf).wait()
                    else:
                        @pl.when(b > 0)
                        def _(nxt=nxt, j=j, buf=buf):
                            sdesc(nxt, j + _CB - 2, buf).wait()
                    if j == 0:
                        @pl.when(b > 0)
                        def _(cur=cur, b=b):
                            pltpu.make_async_copy(src_hbm.at[wid, b],
                                                  sidx.at[cur],
                                                  semi[cur]).wait()
                            pltpu.make_async_copy(dst_hbm.at[wid, b],
                                                  didx.at[cur],
                                                  semi[cur]).wait()
                    if j == 4:
                        @pl.when(b < nb - 1)
                        def _(nxt=nxt, b=b):
                            pltpu.async_copy(src_hbm.at[wid, b + 1],
                                             sidx.at[nxt], semi[nxt])
                            pltpu.async_copy(dst_hbm.at[wid, b + 1],
                                             didx.at[nxt], semi[nxt])
                    pltpu.async_copy(tab_hbm.at[sidx.at[cur, j]],
                                     rows.at[buf], semg[buf])
                    if j >= 1:
                        gdesc(cur, j - 1, 1 - buf).wait()
                        pltpu.async_copy(rows.at[1 - buf],
                                         acc.at[didx.at[cur, j - 1]],
                                         sems[1 - buf], add=True)
                    else:
                        @pl.when(b > 0)
                        def _(nxt=nxt):
                            gdesc(nxt, _CB - 1, 1).wait()
                            pltpu.async_copy(rows.at[1],
                                             acc.at[didx.at[nxt, _CB - 1]],
                                             sems[1], add=True)
            return 0
        lax.fori_loop(0, nb // 2, pair, 0)
        gdesc(1, _CB - 1, 1).wait()
        pltpu.async_copy(rows.at[1], acc.at[didx.at[1, _CB - 1]], sems[1],
                         add=True)
        sdesc(1, _CB - 2, 0).wait()
        sdesc(1, _CB - 1, 1).wait()
        plsc.subcore_barrier()
        pltpu.sync_copy(acc.at[pl.ds(base, rpt)],
                        out_hbm.at[pl.ds(c * n_pad + base, rpt)])

    return k(table, src4, dst4, zeros_hbm)



def _dinv(deg_ref):
    return lax.rsqrt(deg_ref[...] + 1.0)


def _tc1a_body(x_ref, w_ref, o_ref):
    o_ref[...] = jnp.dot(x_ref[...], w_ref[...],
                         preferred_element_type=jnp.float32)


def _tc1b_body(h_ref, deg_ref, o_ref):
    o_ref[...] = h_ref[...] * _dinv(deg_ref)


def _tc2_body(p_ref, hs_ref, deg_ref, b_ref, w_ref, o_ref):
    dinv = _dinv(deg_ref)
    agg = p_ref[0] + p_ref[1] + hs_ref[...]
    hcur = jnp.maximum(agg * dinv + b_ref[...], 0.0)
    o_ref[...] = jnp.dot(hcur, w_ref[...],
                         preferred_element_type=jnp.float32) * dinv


def _tc3_body(p_ref, hs_ref, deg_ref, b_ref, batch_ref, wl_ref, bl_ref,
              o_ref, pool_acc, cnt_acc):
    j = pl.program_id(0)
    nsteps = pl.num_programs(0)

    @pl.when(j == 0)
    def _():
        pool_acc[...] = jnp.zeros_like(pool_acc)
        cnt_acc[...] = jnp.zeros_like(cnt_acc)

    dinv = _dinv(deg_ref)
    agg = p_ref[0] + p_ref[1] + hs_ref[...]
    hcur = jnp.maximum(agg * dinv + b_ref[...], 0.0)
    gid = lax.broadcasted_iota(jnp.int32, (_G, hcur.shape[0]), 0)
    m = (gid == batch_ref[0]).astype(jnp.float32)
    pool_acc[...] += lax.dot_general(m, hcur, (((1,), (0,)), ((), ())),
                                     preferred_element_type=jnp.float32)
    cnt_acc[...] += jnp.sum(m, axis=1, keepdims=True)

    @pl.when(j == nsteps - 1)
    def _():
        pooled = pool_acc[...] / jnp.maximum(cnt_acc[...], 1.0)
        o_ref[...] = (jnp.dot(pooled, wl_ref[...],
                              preferred_element_type=jnp.float32)
                      + bl_ref[...])



def kernel(x, edge_index, batch, W1, b1, W2, b2, Wl, bl):
    n, d = x.shape
    h = W1.shape[1]
    o = Wl.shape[1]
    e = edge_index.shape[1]
    src = edge_index[0]
    dst = edge_index[1]

    n_pad = _round_up(n + 1, _NS * 16)
    n_acc = _round_up(n + 1, _NS * 8)
    n_junk = min(n_pad, n_acc) - n

    workers = _NC * _NS
    blk = _CB * _K
    nb = _round_up(_round_up(e, workers * blk) // (workers * blk), 2)
    e_pad = workers * nb * blk
    npd = e_pad - e
    fill_src = (jnp.arange(npd, dtype=jnp.int32) * 2003) % n
    fill_dst = n + (jnp.arange(npd, dtype=jnp.int32) % n_junk)
    src4 = jnp.concatenate([src, fill_src]).reshape(workers, nb, _CB, _K)
    dst4 = jnp.concatenate([dst, fill_dst]).reshape(workers, nb, _CB, _K)
    dst3 = dst4.reshape(workers, nb * _CB, _K)

    zeros_hbm = jnp.zeros((_K, h), jnp.float32)

    degp = _sc_degree(dst3, n_pad)
    deg2 = (degp[:n] + degp[n_pad:n_pad + n]).reshape(n, 1)

    br = 1000
    grid = n // br
    h1 = pl.pallas_call(
        _tc1a_body,
        grid=(grid,),
        in_specs=[
            pl.BlockSpec((br, d), lambda j: (j, 0)),
            pl.BlockSpec((d, h), lambda j: (0, 0)),
        ],
        out_specs=pl.BlockSpec((br, h), lambda j: (j, 0)),
        out_shape=jax.ShapeDtypeStruct((n, h), jnp.float32),
    )(x, W1)

    hs1 = pl.pallas_call(
        _tc1b_body,
        grid=(grid,),
        in_specs=[
            pl.BlockSpec((br, h), lambda j: (j, 0)),
            pl.BlockSpec((br, 1), lambda j: (j, 0)),
        ],
        out_specs=pl.BlockSpec((br, h), lambda j: (j, 0)),
        out_shape=jax.ShapeDtypeStruct((n, h), jnp.float32),
    )(h1, deg2)

    p1 = _sc_scatter(hs1, src4, dst4, zeros_hbm, n_acc).reshape(2, n_acc, h)

    hs2 = pl.pallas_call(
        _tc2_body,
        grid=(grid,),
        in_specs=[
            pl.BlockSpec((_NC, br, h), lambda j: (0, j, 0)),
            pl.BlockSpec((br, h), lambda j: (j, 0)),
            pl.BlockSpec((br, 1), lambda j: (j, 0)),
            pl.BlockSpec((1, h), lambda j: (0, 0)),
            pl.BlockSpec((h, h), lambda j: (0, 0)),
        ],
        out_specs=pl.BlockSpec((br, h), lambda j: (j, 0)),
        out_shape=jax.ShapeDtypeStruct((n, h), jnp.float32),
    )(p1, hs1, deg2, b1.reshape(1, h), W2)

    p2 = _sc_scatter(hs2, src4, dst4, zeros_hbm, n_acc).reshape(2, n_acc, h)

    out = pl.pallas_call(
        _tc3_body,
        grid=(grid,),
        in_specs=[
            pl.BlockSpec((_NC, br, h), lambda j: (0, j, 0)),
            pl.BlockSpec((br, h), lambda j: (j, 0)),
            pl.BlockSpec((br, 1), lambda j: (j, 0)),
            pl.BlockSpec((1, h), lambda j: (0, 0)),
            pl.BlockSpec((1, 1, br), lambda j: (j, 0, 0)),
            pl.BlockSpec((h, o), lambda j: (0, 0)),
            pl.BlockSpec((1, o), lambda j: (0, 0)),
        ],
        out_specs=pl.BlockSpec((_G, o), lambda j: (0, 0)),
        out_shape=jax.ShapeDtypeStruct((_G, o), jnp.float32),
        scratch_shapes=[
            pltpu.VMEM((_G, h), jnp.float32),
            pltpu.VMEM((_G, 1), jnp.float32),
        ],
    )(p2, hs2, deg2, b2.reshape(1, h), batch.reshape(grid, 1, br), Wl,
      bl.reshape(1, o))

    return out

# --- scband reference (transcript-rebuilt; emitter-appended) ---
"""Pipeline reference for scband-gcn-43576738186087 (READ-ONLY COPY).

The authoritative reference and input builder live on the scoring server;
editing this copy changes nothing except your own understanding.
"""

import jax, jax.numpy as jnp
import numpy as np

N = 10000
E = 320000
D = 128
H = 128
O = 128
G = 128


def setup_inputs(seed: int = 0) -> dict:
    key = jax.random.key(seed)
    ks = jax.random.split(key, 10)
    x = jax.random.normal(ks[0], (N, D), dtype=jnp.float32)
    edge_index = jax.random.randint(ks[1], (2, E), 0, N, dtype=jnp.int32)
    batch = jnp.sort(jax.random.randint(ks[2], (N,), 0, G, dtype=jnp.int32))
    W1 = jax.random.normal(ks[3], (D, H), dtype=jnp.float32) * (1.0 / np.sqrt(D))
    b1 = jnp.zeros((H,), dtype=jnp.float32)
    W2 = jax.random.normal(ks[4], (H, H), dtype=jnp.float32) * (1.0 / np.sqrt(H))
    b2 = jnp.zeros((H,), dtype=jnp.float32)
    Wl = jax.random.normal(ks[5], (H, O), dtype=jnp.float32) * (1.0 / np.sqrt(H))
    bl = jnp.zeros((O,), dtype=jnp.float32)
    return {"x": x, "edge_index": edge_index, "batch": batch,
            "W1": W1, "b1": b1, "W2": W2, "b2": b2, "Wl": Wl, "bl": bl}


def _gcn_conv(x, src, dst, W, b):
    # PyG GCNConv: x' = D^{-1/2} (A + I) D^{-1/2} (x W) + b
    num_nodes = x.shape[0]
    h = x @ W
    loop = jnp.arange(num_nodes, dtype=src.dtype)
    s = jnp.concatenate([src, loop])
    d = jnp.concatenate([dst, loop])
    deg = jnp.zeros((num_nodes,), h.dtype).at[d].add(1.0)
    dinv = jnp.where(deg > 0, jax.lax.rsqrt(deg), 0.0)
    norm = dinv[s] * dinv[d]
    msg = h[s] * norm[:, None]
    out = jnp.zeros_like(h).at[d].add(msg)
    return out + b


def reference(x, edge_index, batch, W1, b1, W2, b2, Wl, bl):
    src = edge_index[0]
    dst = edge_index[1]
    h = jax.nn.relu(_gcn_conv(x, src, dst, W1, b1))
    h = jax.nn.relu(_gcn_conv(h, src, dst, W2, b2))
    # global_mean_pool over batch ids
    ones = jnp.ones((h.shape[0],), h.dtype)
    counts = jax.ops.segment_sum(ones, batch, num_segments=G)
    sums = jax.ops.segment_sum(h, batch, num_segments=G)
    pooled = sums / jnp.maximum(counts, 1.0)[:, None]
    # dropout p=0.5 is identity in eval mode
    return pooled @ Wl + bl

if __name__ == "__main__":
    import jax
    _d = setup_inputs()
    print(jax.jit(kernel)(*tuple(_d.values())))

</pallas_src>

<mosaic_0001>
#map = affine_map<(d0, d1) -> (0, 0, 0)>
#map1 = affine_map<(d0, d1) -> (0)>
module attributes {stable_mosaic.version = 14 : i64} {
  func.func @k(%arg0: i32, %arg1: i32, %arg2: memref<32x80x128xi32, #tpu.memory_space<hbm>>, %arg3: memref<20480xf32, #tpu.memory_space<hbm>>, %arg4: memref<80x128xi32, #tpu.memory_space<vmem>>, %arg5: memref<128xf32, #tpu.memory_space<vmem>>, %arg6: memref<640xf32, #tpu.memory_space<vmem>>, %arg7: memref<10240xf32, #tpu.memory_space<vmem_shared>>) attributes {dimension_semantics = [#tpu.dimension_semantics<core_parallel>, #tpu.dimension_semantics<subcore_parallel>], iteration_bounds = array<i64: 2, 16>, scalar_prefetch = 0 : i64, scratch_operands = 4 : i64, tpu.core_type = #tpu.core_type<sc_vector_subcore>, window_params = [{transform_indices = #map}, {transform_indices = #map1}]} {
    %mul3A = arith.constant 16 : i32
    %mul3A_0 = arith.muli %arg0, %mul3A : i32
    %add3A = arith.addi %mul3A_0, %arg1 : i32
    "tpu.region"() ({
      %run_scoped3A = tpu.sem_alloc : memref<!tpu.dma_semaphore, #tpu.memory_space<semaphore_mem>>
      %dma_start3A = arith.constant 0 : i32
      %dma_start3A_27 = arith.constant 0 : i32
      %dma_start3A_28 = tpu.memref_slice %arg2[%add3A, %dma_start3A, %dma_start3A_27] : memref<32x80x128xi32, #tpu.memory_space<hbm>> -> memref<1x80x128xi32, #tpu.memory_space<hbm>>
      %dma_start3A_29 = tpu.memref_squeeze %dma_start3A_28 : memref<1x80x128xi32, #tpu.memory_space<hbm>> -> memref<80x128xi32, #tpu.memory_space<hbm>>
      %dma_start3A_30 = arith.constant 0 : i32
      %dma_start3A_31 = arith.constant 0 : i32
      %dma_start3A_32 = tpu.memref_slice %arg2[%add3A, %dma_start3A_30, %dma_start3A_31] : memref<32x80x128xi32, #tpu.memory_space<hbm>> -> memref<1x80x128xi32, #tpu.memory_space<hbm>>
      %dma_start3A_33 = tpu.memref_squeeze %dma_start3A_32 : memref<1x80x128xi32, #tpu.memory_space<hbm>> -> memref<80x128xi32, #tpu.memory_space<hbm>>
      tpu.enqueue_dma source(%dma_start3A_33 : memref<80x128xi32, #tpu.memory_space<hbm>>) target(%arg4 : memref<80x128xi32, #tpu.memory_space<vmem>>) target_semaphore(%run_scoped3A : memref<!tpu.dma_semaphore, #tpu.memory_space<semaphore_mem>>)
      %dma_wait3A = arith.constant 0 : i32
      %dma_wait3A_34 = arith.constant 0 : i32
      %dma_wait3A_35 = tpu.memref_slice %arg2[%add3A, %dma_wait3A, %dma_wait3A_34] : memref<32x80x128xi32, #tpu.memory_space<hbm>> -> memref<1x80x128xi32, #tpu.memory_space<hbm>>
      %dma_wait3A_36 = tpu.memref_squeeze %dma_wait3A_35 : memref<1x80x128xi32, #tpu.memory_space<hbm>> -> memref<80x128xi32, #tpu.memory_space<hbm>>
      %dma_wait3A_37 = arith.constant 0 : i32
      %dma_wait3A_38 = arith.constant 0 : i32
      %dma_wait3A_39 = tpu.memref_slice %arg2[%add3A, %dma_wait3A_37, %dma_wait3A_38] : memref<32x80x128xi32, #tpu.memory_space<hbm>> -> memref<1x80x128xi32, #tpu.memory_space<hbm>>
      %dma_wait3A_40 = tpu.memref_squeeze %dma_wait3A_39 : memref<1x80x128xi32, #tpu.memory_space<hbm>> -> memref<80x128xi32, #tpu.memory_space<hbm>>
      tpu.wait_dma2 semaphore(%run_scoped3A : memref<!tpu.dma_semaphore, #tpu.memory_space<semaphore_mem>>) src(%dma_wait3A_40 : memref<80x128xi32, #tpu.memory_space<hbm>>) dst(%arg4 : memref<80x128xi32, #tpu.memory_space<vmem>>)
      tpu.yield
    }) : () -> ()
    %scan3A = arith.constant 0 : i32
    %scan3A_1 = arith.constant 0 : i32
    %scan3A_2 = arith.constant 8 : i32
    %scan3A_3 = arith.addi %scan3A_1, %scan3A_2 : i32
    %scan3A_4 = arith.constant 1 : i32
    %scan3A_5 = scf.for %scan3A_27 = %scan3A_1 to %scan3A_3 step %scan3A_4 iter_args(%scan3A_28 = %scan3A) -> (i32)  : i32 {
      %broadcast_in_dim3A = arith.constant 1.000000e+00 : f32
      %broadcast_in_dim3A_29 = vector.broadcast %broadcast_in_dim3A : f32 to vector<16xf32>
      %mul3A_30 = arith.constant 16 : i32
      %mul3A_31 = arith.muli %scan3A_27, %mul3A_30 : i32
      %swap3A = arith.index_cast %mul3A_31 : i32 to index
      %swap3A_32 = tpu.vector_load %arg5[%swap3A] {strides = array<i32>} : memref<128xf32, #tpu.memory_space<vmem>>, vector<16xf32>,
      %swap3A_33 = vector.shape_cast %swap3A_32 : vector<16xf32> to vector<16xf32>
      %swap3A_34 = vector.shape_cast %broadcast_in_dim3A_29 : vector<16xf32> to vector<16xf32>
      tpu.vector_store %arg5[%swap3A], %swap3A_34 {strides = array<i32>} : memref<128xf32, #tpu.memory_space<vmem>>, vector<16xf32>,
      %scan3A_35 = arith.constant 0 : i32
      scf.yield %scan3A_35 : i32
    }
    %scan3A_6 = arith.constant 8 : i32
    %scan3A_7 = arith.constant 0 : i32
    %scan3A_8 = arith.constant 0 : i32
    %scan3A_9 = arith.constant 40 : i32
    %scan3A_10 = arith.addi %scan3A_8, %scan3A_9 : i32
    %scan3A_11 = arith.constant 1 : i32
    %scan3A_12 = scf.for %scan3A_27 = %scan3A_8 to %scan3A_10 step %scan3A_11 iter_args(%scan3A_28 = %scan3A_7) -> (i32)  : i32 {
      %broadcast_in_dim3A = arith.constant 0.000000e+00 : f32
      %broadcast_in_dim3A_29 = vector.broadcast %broadcast_in_dim3A : f32 to vector<16xf32>
      %mul3A_30 = arith.constant 16 : i32
      %mul3A_31 = arith.muli %scan3A_27, %mul3A_30 : i32
      %swap3A = arith.index_cast %mul3A_31 : i32 to index
      %swap3A_32 = tpu.vector_load %arg6[%swap3A] {strides = array<i32>} : memref<640xf32, #tpu.memory_space<vmem>>, vector<16xf32>,
      %swap3A_33 = vector.shape_cast %swap3A_32 : vector<16xf32> to vector<16xf32>
      %swap3A_34 = vector.shape_cast %broadcast_in_dim3A_29 : vector<16xf32> to vector<16xf32>
      tpu.vector_store %arg6[%swap3A], %swap3A_34 {strides = array<i32>} : memref<640xf32, #tpu.memory_space<vmem>>, vector<16xf32>,
      %scan3A_35 = arith.constant 0 : i32
      scf.yield %scan3A_35 : i32
    }
    %scan3A_13 = arith.constant 40 : i32
    %mul3A_14 = arith.constant 640 : i32
    %mul3A_15 = arith.muli %arg1, %mul3A_14 : i32
    "tpu.region"() ({
      %run_scoped3A = tpu.sem_alloc : memref<!tpu.dma_semaphore, #tpu.memory_space<semaphore_mem>>
      %dma_start3A = arith.constant 0 : i32
      %dma_start3A_27 = tpu.memref_slice %arg6[%dma_start3A] : memref<640xf32, #tpu.memory_space<vmem>> -> memref<640xf32, #tpu.memory_space<vmem>>
      %dma_start3A_28 = tpu.memref_slice %arg7[%mul3A_15] : memref<10240xf32, #tpu.memory_space<vmem_shared>> -> memref<640xf32, #tpu.memory_space<vmem_shared>>
      %dma_start3A_29 = tpu.memref_slice %arg7[%mul3A_15] : memref<10240xf32, #tpu.memory_space<vmem_shared>> -> memref<640xf32, #tpu.memory_space<vmem_shared>>
      %dma_start3A_30 = arith.constant 0 : i32
      %dma_start3A_31 = tpu.memref_slice %arg6[%dma_start3A_30] : memref<640xf32, #tpu.memory_space<vmem>> -> memref<640xf32, #tpu.memory_space<vmem>>
      tpu.enqueue_dma source(%dma_start3A_31 : memref<640xf32, #tpu.memory_space<vmem>>) target(%dma_start3A_29 : memref<640xf32, #tpu.memory_space<vmem_shared>>) target_semaphore(%run_scoped3A : memref<!tpu.dma_semaphore, #tpu.memory_space<semaphore_mem>>)
      %dma_wait3A = arith.constant 0 : i32
      %dma_wait3A_32 = tpu.memref_slice %arg6[%dma_wait3A] : memref<640xf32, #tpu.memory_space<vmem>> -> memref<640xf32, #tpu.memory_space<vmem>>
      %dma_wait3A_33 = tpu.memref_slice %arg7[%mul3A_15] : memref<10240xf32, #tpu.memory_space<vmem_shared>> -> memref<640xf32, #tpu.memory_space<vmem_shared>>
      %dma_wait3A_34 = tpu.memref_slice %arg7[%mul3A_15] : memref<10240xf32, #tpu.memory_space<vmem_shared>> -> memref<640xf32, #tpu.memory_space<vmem_shared>>
      %dma_wait3A_35 = arith.constant 0 : i32
      %dma_wait3A_36 = tpu.memref_slice %arg6[%dma_wait3A_35] : memref<640xf32, #tpu.memory_space<vmem>> -> memref<640xf32, #tpu.memory_space<vmem>>
      tpu.wait_dma2 semaphore(%run_scoped3A : memref<!tpu.dma_semaphore, #tpu.memory_space<semaphore_mem>>) src(%dma_wait3A_36 : memref<640xf32, #tpu.memory_space<vmem>>) dst(%dma_wait3A_34 : memref<640xf32, #tpu.memory_space<vmem_shared>>)
      tpu.yield
    }) : () -> ()
    %barrier3A = arith.constant 0 : index
    tpu.barrier barrier_id(%barrier3A)
    %scan3A_16 = arith.constant 0 : i32
    %scan3A_17 = arith.constant 0 : i32
    %scan3A_18 = arith.constant 80 : i32
    %scan3A_19 = arith.addi %scan3A_17, %scan3A_18 : i32
    %scan3A_20 = arith.constant 1 : i32
    %scan3A_21 = scf.for %scan3A_27 = %scan3A_17 to %scan3A_19 step %scan3A_20 iter_args(%scan3A_28 = %scan3A_16) -> (i32)  : i32 {
      "tpu.region"() ({
        %run_scoped3A = tpu.sem_alloc : memref<!tpu.dma_semaphore, #tpu.memory_space<semaphore_mem>>
        %dma_start3A = arith.constant 0 : i32
        %dma_start3A_30 = tpu.memref_slice %arg4[%scan3A_27, %dma_start3A] : memref<80x128xi32, #tpu.memory_space<vmem>> -> memref<1x128xi32, #tpu.memory_space<vmem>>
        %dma_start3A_31 = tpu.memref_squeeze %dma_start3A_30 : memref<1x128xi32, #tpu.memory_space<vmem>> -> memref<128xi32, #tpu.memory_space<vmem>>
        %dma_start3A_32 = arith.constant 0 : i32
        %dma_start3A_33 = tpu.memref_slice %arg7[%dma_start3A_32] : memref<10240xf32, #tpu.memory_space<vmem_shared>> -> memref<10240xf32, #tpu.memory_space<vmem_shared>>
        tpu.enqueue_indirect_dma source(%arg5 : memref<128xf32, #tpu.memory_space<vmem>>) target(%dma_start3A_33 : memref<10240xf32, #tpu.memory_space<vmem_shared>>) offsets(%dma_start3A_31 : memref<128xi32, #tpu.memory_space<vmem>>) semaphore(%run_scoped3A : memref<!tpu.dma_semaphore, #tpu.memory_space<semaphore_mem>>) {add = true}
        %dma_wait3A = arith.constant 0 : i32
        %dma_wait3A_34 = tpu.memref_slice %arg4[%scan3A_27, %dma_wait3A] : memref<80x128xi32, #tpu.memory_space<vmem>> -> memref<1x128xi32, #tpu.memory_space<vmem>>
        %dma_wait3A_35 = tpu.memref_squeeze %dma_wait3A_34 : memref<1x128xi32, #tpu.memory_space<vmem>> -> memref<128xi32, #tpu.memory_space<vmem>>
        %dma_wait3A_36 = arith.constant 0 : i32
        %dma_wait3A_37 = tpu.memref_slice %arg7[%dma_wait3A_36] : memref<10240xf32, #tpu.memory_space<vmem_shared>> -> memref<10240xf32, #tpu.memory_space<vmem_shared>>
        tpu.wait_indirect_dma semaphore(%run_scoped3A : memref<!tpu.dma_semaphore, #tpu.memory_space<semaphore_mem>>) src(%arg5 : memref<128xf32, #tpu.memory_space<vmem>>) dst(%dma_wait3A_37 : memref<10240xf32, #tpu.memory_space<vmem_shared>>)
        tpu.yield
      }) : () -> ()
      %scan3A_29 = arith.constant 0 : i32
      scf.yield %scan3A_29 : i32
    }
    %scan3A_22 = arith.constant 80 : i32
    %barrier3A_23 = arith.constant 0 : index
    tpu.barrier barrier_id(%barrier3A_23)
    %mul3A_24 = arith.constant 10240 : i32
    %mul3A_25 = arith.muli %arg0, %mul3A_24 : i32
    %add3A_26 = arith.addi %mul3A_25, %mul3A_15 : i32
    "tpu.region"() ({
      %run_scoped3A = tpu.sem_alloc : memref<!tpu.dma_semaphore, #tpu.memory_space<semaphore_mem>>
      %dma_start3A = tpu.memref_slice %arg3[%add3A_26] : memref<20480xf32, #tpu.memory_space<hbm>> -> memref<640xf32, #tpu.memory_space<hbm>>
      %dma_start3A_27 = tpu.memref_slice %arg7[%mul3A_15] : memref<10240xf32, #tpu.memory_space<vmem_shared>> -> memref<640xf32, #tpu.memory_space<vmem_shared>>
      tpu.enqueue_dma source(%dma_start3A_27 : memref<640xf32, #tpu.memory_space<vmem_shared>>) target(%dma_start3A : memref<640xf32, #tpu.memory_space<hbm>>) target_semaphore(%run_scoped3A : memref<!tpu.dma_semaphore, #tpu.memory_space<semaphore_mem>>)
      %dma_wait3A = tpu.memref_slice %arg3[%add3A_26] : memref<20480xf32, #tpu.memory_space<hbm>> -> memref<640xf32, #tpu.memory_space<hbm>>
      %dma_wait3A_28 = tpu.memref_slice %arg7[%mul3A_15] : memref<10240xf32, #tpu.memory_space<vmem_shared>> -> memref<640xf32, #tpu.memory_space<vmem_shared>>
      tpu.wait_dma2 semaphore(%run_scoped3A : memref<!tpu.dma_semaphore, #tpu.memory_space<semaphore_mem>>) src(%dma_wait3A_28 : memref<640xf32, #tpu.memory_space<vmem_shared>>) dst(%dma_wait3A : memref<640xf32, #tpu.memory_space<hbm>>)
      tpu.yield
    }) : () -> ()
    return
  }
}

#map = affine_map<(d0, d1) -> (0, 0)>
#map1 = affine_map<(d0, d1) -> (0, 0, 0, 0)>
module attributes {stable_mosaic.version = 14 : i64} {
  func.func @k(%arg0: i32, %arg1: i32, %arg2: memref<10000x128xf32, #tpu.memory_space<hbm>>, %arg3: memref<32x10x8x128xi32, #tpu.memory_space<hbm>>, %arg4: memref<32x10x8x128xi32, #tpu.memory_space<hbm>>, %arg5: memref<128x128xf32, #tpu.memory_space<hbm>>, %arg6: memref<20224x128xf32, #tpu.memory_space<hbm>>, %arg7: memref<2x8x128xi32, #tpu.memory_space<vmem>>, %arg8: memref<2x8x128xi32, #tpu.memory_space<vmem>>, %arg9: memref<2x128x128xf32, #tpu.memory_space<vmem>>, %arg10: memref<10112x128xf32, #tpu.memory_space<vmem_shared>>, %arg11: memref<!tpu.dma_semaphore, #tpu.memory_space<semaphore_mem>>, %arg12: memref<!tpu.dma_semaphore, #tpu.memory_space<semaphore_mem>>, %arg13: memref<!tpu.dma_semaphore, #tpu.memory_space<semaphore_mem>>, %arg14: memref<!tpu.dma_semaphore, #tpu.memory_space<semaphore_mem>>, %arg15: memref<!tpu.dma_semaphore, #tpu.memory_space<semaphore_mem>>, %arg16: memref<!tpu.dma_semaphore, #tpu.memory_space<semaphore_mem>>) attributes {dimension_semantics = [#tpu.dimension_semantics<core_parallel>, #tpu.dimension_semantics<subcore_parallel>], iteration_bounds = array<i64: 2, 16>, scalar_prefetch = 0 : i64, scratch_operands = 10 : i64, tpu.core_type = #tpu.core_type<sc_vector_subcore>, window_params = [{transform_indices = #map}, {transform_indices = #map1}, {transform_indices = #map1}, {transform_indices = #map}, {transform_indices = #map}]} {
    %mul3A = arith.constant 16 : i32
    %mul3A_0 = arith.muli %arg0, %mul3A : i32
    %add3A = arith.addi %mul3A_0, %arg1 : i32
    %run_scoped3A = arith.constant 0 : i32
    "tpu.region"() ({
      %run_scoped3A_83 = tpu.sem_alloc : memref<!tpu.dma_semaphore, #tpu.memory_space<semaphore_mem>>
      %dma_start3A_84 = arith.constant 0 : i32
      %dma_start3A_85 = arith.constant 0 : i32
      %dma_start3A_86 = tpu.memref_slice %arg9[%run_scoped3A, %dma_start3A_84, %dma_start3A_85] : memref<2x128x128xf32, #tpu.memory_space<vmem>> -> memref<1x128x128xf32, #tpu.memory_space<vmem>>
      %dma_start3A_87 = tpu.memref_squeeze %dma_start3A_86 : memref<1x128x128xf32, #tpu.memory_space<vmem>> -> memref<128x128xf32, #tpu.memory_space<vmem>>
      %dma_start3A_88 = arith.constant 0 : i32
      %dma_start3A_89 = arith.constant 0 : i32
      %dma_start3A_90 = tpu.memref_slice %arg9[%run_scoped3A, %dma_start3A_88, %dma_start3A_89] : memref<2x128x128xf32, #tpu.memory_space<vmem>> -> memref<1x128x128xf32, #tpu.memory_space<vmem>>
      %dma_start3A_91 = tpu.memref_squeeze %dma_start3A_90 : memref<1x128x128xf32, #tpu.memory_space<vmem>> -> memref<128x128xf32, #tpu.memory_space<vmem>>
      tpu.enqueue_dma source(%arg5 : memref<128x128xf32, #tpu.memory_space<hbm>>) target(%dma_start3A_91 : memref<128x128xf32, #tpu.memory_space<vmem>>) target_semaphore(%run_scoped3A_83 : memref<!tpu.dma_semaphore, #tpu.memory_space<semaphore_mem>>)
      %dma_wait3A_92 = arith.constant 0 : i32
      %dma_wait3A_93 = arith.constant 0 : i32
      %dma_wait3A_94 = tpu.memref_slice %arg9[%run_scoped3A, %dma_wait3A_92, %dma_wait3A_93] : memref<2x128x128xf32, #tpu.memory_space<vmem>> -> memref<1x128x128xf32, #tpu.memory_space<vmem>>
      %dma_wait3A_95 = tpu.memref_squeeze %dma_wait3A_94 : memref<1x128x128xf32, #tpu.memory_space<vmem>> -> memref<128x128xf32, #tpu.memory_space<vmem>>
      %dma_wait3A_96 = arith.constant 0 : i32
      %dma_wait3A_97 = arith.constant 0 : i32
      %dma_wait3A_98 = tpu.memref_slice %arg9[%run_scoped3A, %dma_wait3A_96, %dma_wait3A_97] : memref<2x128x128xf32, #tpu.memory_space<vmem>> -> memref<1x128x128xf32, #tpu.memory_space<vmem>>
      %dma_wait3A_99 = tpu.memref_squeeze %dma_wait3A_98 : memref<1x128x128xf32, #tpu.memory_space<vmem>> -> memref<128x128xf32, #tpu.memory_space<vmem>>
      tpu.wait_dma2 semaphore(%run_scoped3A_83 : memref<!tpu.dma_semaphore, #tpu.memory_space<semaphore_mem>>) src(%arg5 : memref<128x128xf32, #tpu.memory_space<hbm>>) dst(%dma_wait3A_99 : memref<128x128xf32, #tpu.memory_space<vmem>>)
      tpu.yield
    }) : () -> ()
    %mul3A_1 = arith.constant 632 : i32
    %mul3A_2 = arith.muli %arg1, %mul3A_1 : i32
    %add3A_3 = arith.constant 0 : i32
    %add3A_4 = arith.addi %mul3A_2, %add3A_3 : i32
    %run_scoped3A_5 = arith.constant 0 : i32
    "tpu.region"() ({
      %run_scoped3A_83 = tpu.sem_alloc : memref<!tpu.dma_semaphore, #tpu.memory_space<semaphore_mem>>
      %dma_start3A_84 = arith.constant 0 : i32
      %dma_start3A_85 = arith.constant 0 : i32
      %dma_start3A_86 = tpu.memref_slice %arg9[%run_scoped3A_5, %dma_start3A_84, %dma_start3A_85] : memref<2x128x128xf32, #tpu.memory_space<vmem>> -> memref<1x128x128xf32, #tpu.memory_space<vmem>>
      %dma_start3A_87 = tpu.memref_squeeze %dma_start3A_86 : memref<1x128x128xf32, #tpu.memory_space<vmem>> -> memref<128x128xf32, #tpu.memory_space<vmem>>
      %dma_start3A_88 = arith.constant 0 : i32
      %dma_start3A_89 = tpu.memref_slice %arg10[%add3A_4, %dma_start3A_88] : memref<10112x128xf32, #tpu.memory_space<vmem_shared>> -> memref<128x128xf32, #tpu.memory_space<vmem_shared>>
      %dma_start3A_90 = arith.constant 0 : i32
      %dma_start3A_91 = tpu.memref_slice %arg10[%add3A_4, %dma_start3A_90] : memref<10112x128xf32, #tpu.memory_space<vmem_shared>> -> memref<128x128xf32, #tpu.memory_space<vmem_shared>>
      %dma_start3A_92 = arith.constant 0 : i32
      %dma_start3A_93 = arith.constant 0 : i32
      %dma_start3A_94 = tpu.memref_slice %arg9[%run_scoped3A_5, %dma_start3A_92, %dma_start3A_93] : memref<2x128x128xf32, #tpu.memory_space<vmem>> -> memref<1x128x128xf32, #tpu.memory_space<vmem>>
      %dma_start3A_95 = tpu.memref_squeeze %dma_start3A_94 : memref<1x128x128xf32, #tpu.memory_space<vmem>> -> memref<128x128xf32, #tpu.memory_space<vmem>>
      tpu.enqueue_dma source(%dma_start3A_95 : memref<128x128xf32, #tpu.memory_space<vmem>>) target(%dma_start3A_91 : memref<128x128xf32, #tpu.memory_space<vmem_shared>>) target_semaphore(%run_scoped3A_83 : memref<!tpu.dma_semaphore, #tpu.memory_space<semaphore_mem>>)
      %dma_wait3A_96 = arith.constant 0 : i32
      %dma_wait3A_97 = arith.constant 0 : i32
      %dma_wait3A_98 = tpu.memref_slice %arg9[%run_scoped3A_5, %dma_wait3A_96, %dma_wait3A_97] : memref<2x128x128xf32, #tpu.memory_space<vmem>> -> memref<1x128x128xf32, #tpu.memory_space<vmem>>
      %dma_wait3A_99 = tpu.memref_squeeze %dma_wait3A_98 : memref<1x128x128xf32, #tpu.memory_space<vmem>> -> memref<128x128xf32, #tpu.memory_space<vmem>>
      %dma_wait3A_100 = arith.constant 0 : i32
      %dma_wait3A_101 = tpu.memref_slice %arg10[%add3A_4, %dma_wait3A_100] : memref<10112x128xf32, #tpu.memory_space<vmem_shared>> -> memref<128x128xf32, #tpu.memory_space<vmem_shared>>
      %dma_wait3A_102 = arith.constant 0 : i32
      %dma_wait3A_103 = tpu.memref_slice %arg10[%add3A_4, %dma_wait3A_102] : memref<10112x128xf32, #tpu.memory_space<vmem_shared>> -> memref<128x128xf32, #tpu.memory_space<vmem_shared>>
      %dma_wait3A_104 = arith.constant 0 : i32
      %dma_wait3A_105 = arith.constant 0 : i32
      %dma_wait3A_106 = tpu.memref_slice %arg9[%run_scoped3A_5, %dma_wait3A_104, %dma_wait3A_105] : memref<2x128x128xf32, #tpu.memory_space<vmem>> -> memref<1x128x128xf32, #tpu.memory_space<vmem>>
      %dma_wait3A_107 = tpu.memref_squeeze %dma_wait3A_106 : memref<1x128x128xf32, #tpu.memory_space<vmem>> -> memref<128x128xf32, #tpu.memory_space<vmem>>
      tpu.wait_dma2 semaphore(%run_scoped3A_83 : memref<!tpu.dma_semaphore, #tpu.memory_space<semaphore_mem>>) src(%dma_wait3A_107 : memref<128x128xf32, #tpu.memory_space<vmem>>) dst(%dma_wait3A_103 : memref<128x128xf32, #tpu.memory_space<vmem_shared>>)
      tpu.yield
    }) : () -> ()
    %add3A_6 = arith.constant 128 : i32
    %add3A_7 = arith.addi %mul3A_2, %add3A_6 : i32
    %run_scoped3A_8 = arith.constant 0 : i32
    "tpu.region"() ({
      %run_scoped3A_83 = tpu.sem_alloc : memref<!tpu.dma_semaphore, #tpu.memory_space<semaphore_mem>>
      %dma_start3A_84 = arith.constant 0 : i32
      %dma_start3A_85 = arith.constant 0 : i32
      %dma_start3A_86 = tpu.memref_slice %arg9[%run_scoped3A_8, %dma_start3A_84, %dma_start3A_85] : memref<2x128x128xf32, #tpu.memory_space<vmem>> -> memref<1x128x128xf32, #tpu.memory_space<vmem>>
      %dma_start3A_87 = tpu.memref_squeeze %dma_start3A_86 : memref<1x128x128xf32, #tpu.memory_space<vmem>> -> memref<128x128xf32, #tpu.memory_space<vmem>>
      %dma_start3A_88 = arith.constant 0 : i32
      %dma_start3A_89 = tpu.memref_slice %arg10[%add3A_7, %dma_start3A_88] : memref<10112x128xf32, #tpu.memory_space<vmem_shared>> -> memref<128x128xf32, #tpu.memory_space<vmem_shared>>
      %dma_start3A_90 = arith.constant 0 : i32
      %dma_start3A_91 = tpu.memref_slice %arg10[%add3A_7, %dma_start3A_90] : memref<10112x128xf32, #tpu.memory_space<vmem_shared>> -> memref<128x128xf32, #tpu.memory_space<vmem_shared>>
      %dma_start3A_92 = arith.constant 0 : i32
      %dma_start3A_93 = arith.constant 0 : i32
      %dma_start3A_94 = tpu.memref_slice %arg9[%run_scoped3A_8, %dma_start3A_92, %dma_start3A_93] : memref<2x128x128xf32, #tpu.memory_space<vmem>> -> memref<1x128x128xf32, #tpu.memory_space<vmem>>
      %dma_start3A_95 = tpu.memref_squeeze %dma_start3A_94 : memref<1x128x128xf32, #tpu.memory_space<vmem>> -> memref<128x128xf32, #tpu.memory_space<vmem>>
      tpu.enqueue_dma source(%dma_start3A_95 : memref<128x128xf32, #tpu.memory_space<vmem>>) target(%dma_start3A_91 : memref<128x128xf32, #tpu.memory_space<vmem_shared>>) target_semaphore(%run_scoped3A_83 : memref<!tpu.dma_semaphore, #tpu.memory_space<semaphore_mem>>)
      %dma_wait3A_96 = arith.constant 0 : i32
      %dma_wait3A_97 = arith.constant 0 : i32
      %dma_wait3A_98 = tpu.memref_slice %arg9[%run_scoped3A_8, %dma_wait3A_96, %dma_wait3A_97] : memref<2x128x128xf32, #tpu.memory_space<vmem>> -> memref<1x128x128xf32, #tpu.memory_space<vmem>>
      %dma_wait3A_99 = tpu.memref_squeeze %dma_wait3A_98 : memref<1x128x128xf32, #tpu.memory_space<vmem>> -> memref<128x128xf32, #tpu.memory_space<vmem>>
      %dma_wait3A_100 = arith.constant 0 : i32
      %dma_wait3A_101 = tpu.memref_slice %arg10[%add3A_7, %dma_wait3A_100] : memref<10112x128xf32, #tpu.memory_space<vmem_shared>> -> memref<128x128xf32, #tpu.memory_space<vmem_shared>>
      %dma_wait3A_102 = arith.constant 0 : i32
      %dma_wait3A_103 = tpu.memref_slice %arg10[%add3A_7, %dma_wait3A_102] : memref<10112x128xf32, #tpu.memory_space<vmem_shared>> -> memref<128x128xf32, #tpu.memory_space<vmem_shared>>
      %dma_wait3A_104 = arith.constant 0 : i32
      %dma_wait3A_105 = arith.constant 0 : i32
      %dma_wait3A_106 = tpu.memref_slice %arg9[%run_scoped3A_8, %dma_wait3A_104, %dma_wait3A_105] : memref<2x128x128xf32, #tpu.memory_space<vmem>> -> memref<1x128x128xf32, #tpu.memory_space<vmem>>
      %dma_wait3A_107 = tpu.memref_squeeze %dma_wait3A_106 : memref<1x128x128xf32, #tpu.memory_space<vmem>> -> memref<128x128xf32, #tpu.memory_space<vmem>>
      tpu.wait_dma2 semaphore(%run_scoped3A_83 : memref<!tpu.dma_semaphore, #tpu.memory_space<semaphore_mem>>) src(%dma_wait3A_107 : memref<128x128xf32, #tpu.memory_space<vmem>>) dst(%dma_wait3A_103 : memref<128x128xf32, #tpu.memory_space<vmem_shared>>)
      tpu.yield
    }) : () -> ()
    %add3A_9 = arith.constant 256 : i32
    %add3A_10 = arith.addi %mul3A_2, %add3A_9 : i32
    %run_scoped3A_11 = arith.constant 0 : i32
    "tpu.region"() ({
      %run_scoped3A_83 = tpu.sem_alloc : memref<!tpu.dma_semaphore, #tpu.memory_space<semaphore_mem>>
      %dma_start3A_84 = arith.constant 0 : i32
      %dma_start3A_85 = arith.constant 0 : i32
      %dma_start3A_86 = tpu.memref_slice %arg9[%run_scoped3A_11, %dma_start3A_84, %dma_start3A_85] : memref<2x128x128xf32, #tpu.memory_space<vmem>> -> memref<1x128x128xf32, #tpu.memory_space<vmem>>
      %dma_start3A_87 = tpu.memref_squeeze %dma_start3A_86 : memref<1x128x128xf32, #tpu.memory_space<vmem>> -> memref<128x128xf32, #tpu.memory_space<vmem>>
      %dma_start3A_88 = arith.constant 0 : i32
      %dma_start3A_89 = tpu.memref_slice %arg10[%add3A_10, %dma_start3A_88] : memref<10112x128xf32, #tpu.memory_space<vmem_shared>> -> memref<128x128xf32, #tpu.memory_space<vmem_shared>>
      %dma_start3A_90 = arith.constant 0 : i32
      %dma_start3A_91 = tpu.memref_slice %arg10[%add3A_10, %dma_start3A_90] : memref<10112x128xf32, #tpu.memory_space<vmem_shared>> -> memref<128x128xf32, #tpu.memory_space<vmem_shared>>
      %dma_start3A_92 = arith.constant 0 : i32
      %dma_start3A_93 = arith.constant 0 : i32
      %dma_start3A_94 = tpu.memref_slice %arg9[%run_scoped3A_11, %dma_start3A_92, %dma_start3A_93] : memref<2x128x128xf32, #tpu.memory_space<vmem>> -> memref<1x128x128xf32, #tpu.memory_space<vmem>>
      %dma_start3A_95 = tpu.memref_squeeze %dma_start3A_94 : memref<1x128x128xf32, #tpu.memory_space<vmem>> -> memref<128x128xf32, #tpu.memory_space<vmem>>
      tpu.enqueue_dma source(%dma_start3A_95 : memref<128x128xf32, #tpu.memory_space<vmem>>) target(%dma_start3A_91 : memref<128x128xf32, #tpu.memory_space<vmem_shared>>) target_semaphore(%run_scoped3A_83 : memref<!tpu.dma_semaphore, #tpu.memory_space<semaphore_mem>>)
      %dma_wait3A_96 = arith.constant 0 : i32
      %dma_wait3A_97 = arith.constant 0 : i32
      %dma_wait3A_98 = tpu.memref_slice %arg9[%run_scoped3A_11, %dma_wait3A_96, %dma_wait3A_97] : memref<2x128x128xf32, #tpu.memory_space<vmem>> -> memref<1x128x128xf32, #tpu.memory_space<vmem>>
      %dma_wait3A_99 = tpu.memref_squeeze %dma_wait3A_98 : memref<1x128x128xf32, #tpu.memory_space<vmem>> -> memref<128x128xf32, #tpu.memory_space<vmem>>
      %dma_wait3A_100 = arith.constant 0 : i32
      %dma_wait3A_101 = tpu.memref_slice %arg10[%add3A_10, %dma_wait3A_100] : memref<10112x128xf32, #tpu.memory_space<vmem_shared>> -> memref<128x128xf32, #tpu.memory_space<vmem_shared>>
      %dma_wait3A_102 = arith.constant 0 : i32
      %dma_wait3A_103 = tpu.memref_slice %arg10[%add3A_10, %dma_wait3A_102] : memref<10112x128xf32, #tpu.memory_space<vmem_shared>> -> memref<128x128xf32, #tpu.memory_space<vmem_shared>>
      %dma_wait3A_104 = arith.constant 0 : i32
      %dma_wait3A_105 = arith.constant 0 : i32
      %dma_wait3A_106 = tpu.memref_slice %arg9[%run_scoped3A_11, %dma_wait3A_104, %dma_wait3A_105] : memref<2x128x128xf32, #tpu.memory_space<vmem>> -> memref<1x128x128xf32, #tpu.memory_space<vmem>>
      %dma_wait3A_107 = tpu.memref_squeeze %dma_wait3A_106 : memref<1x128x128xf32, #tpu.memory_space<vmem>> -> memref<128x128xf32, #tpu.memory_space<vmem>>
      tpu.wait_dma2 semaphore(%run_scoped3A_83 : memref<!tpu.dma_semaphore, #tpu.memory_space<semaphore_mem>>) src(%dma_wait3A_107 : memref<128x128xf32, #tpu.memory_space<vmem>>) dst(%dma_wait3A_103 : memref<128x128xf32, #tpu.memory_space<vmem_shared>>)
      tpu.yield
    }) : () -> ()
    %add3A_12 = arith.constant 384 : i32
    %add3A_13 = arith.addi %mul3A_2, %add3A_12 : i32
    %run_scoped3A_14 = arith.constant 0 : i32
    "tpu.region"() ({
      %run_scoped3A_83 = tpu.sem_alloc : memref<!tpu.dma_semaphore, #tpu.memory_space<semaphore_mem>>
      %dma_start3A_84 = arith.constant 0 : i32
      %dma_start3A_85 = arith.constant 0 : i32
      %dma_start3A_86 = tpu.memref_slice %arg9[%run_scoped3A_14, %dma_start3A_84, %dma_start3A_85] : memref<2x128x128xf32, #tpu.memory_space<vmem>> -> memref<1x128x128xf32, #tpu.memory_space<vmem>>
      %dma_start3A_87 = tpu.memref_squeeze %dma_start3A_86 : memref<1x128x128xf32, #tpu.memory_space<vmem>> -> memref<128x128xf32, #tpu.memory_space<vmem>>
      %dma_start3A_88 = arith.constant 0 : i32
      %dma_start3A_89 = tpu.memref_slice %arg10[%add3A_13, %dma_start3A_88] : memref<10112x128xf32, #tpu.memory_space<vmem_shared>> -> memref<128x128xf32, #tpu.memory_space<vmem_shared>>
      %dma_start3A_90 = arith.constant 0 : i32
      %dma_start3A_91 = tpu.memref_slice %arg10[%add3A_13, %dma_start3A_90] : memref<10112x128xf32, #tpu.memory_space<vmem_shared>> -> memref<128x128xf32, #tpu.memory_space<vmem_shared>>
      %dma_start3A_92 = arith.constant 0 : i32
      %dma_start3A_93 = arith.constant 0 : i32
      %dma_start3A_94 = tpu.memref_slice %arg9[%run_scoped3A_14, %dma_start3A_92, %dma_start3A_93] : memref<2x128x128xf32, #tpu.memory_space<vmem>> -> memref<1x128x128xf32, #tpu.memory_space<vmem>>
      %dma_start3A_95 = tpu.memref_squeeze %dma_start3A_94 : memref<1x128x128xf32, #tpu.memory_space<vmem>> -> memref<128x128xf32, #tpu.memory_space<vmem>>
      tpu.enqueue_dma source(%dma_start3A_95 : memref<128x128xf32, #tpu.memory_space<vmem>>) target(%dma_start3A_91 : memref<128x128xf32, #tpu.memory_space<vmem_shared>>) target_semaphore(%run_scoped3A_83 : memref<!tpu.dma_semaphore, #tpu.memory_space<semaphore_mem>>)
      %dma_wait3A_96 = arith.constant 0 : i32
      %dma_wait3A_97 = arith.constant 0 : i32
      %dma_wait3A_98 = tpu.memref_slice %arg9[%run_scoped3A_14, %dma_wait3A_96, %dma_wait3A_97] : memref<2x128x128xf32, #tpu.memory_space<vmem>> -> memref<1x128x128xf32, #tpu.memory_space<vmem>>
      %dma_wait3A_99 = tpu.memref_squeeze %dma_wait3A_98 : memref<1x128x128xf32, #tpu.memory_space<vmem>> -> memref<128x128xf32, #tpu.memory_space<vmem>>
      %dma_wait3A_100 = arith.constant 0 : i32
      %dma_wait3A_101 = tpu.memref_slice %arg10[%add3A_13, %dma_wait3A_100] : memref<10112x128xf32, #tpu.memory_space<vmem_shared>> -> memref<128x128xf32, #tpu.memory_space<vmem_shared>>
      %dma_wait3A_102 = arith.constant 0 : i32
      %dma_wait3A_103 = tpu.memref_slice %arg10[%add3A_13, %dma_wait3A_102] : memref<10112x128xf32, #tpu.memory_space<vmem_shared>> -> memref<128x128xf32, #tpu.memory_space<vmem_shared>>
      %dma_wait3A_104 = arith.constant 0 : i32
      %dma_wait3A_105 = arith.constant 0 : i32
      %dma_wait3A_106 = tpu.memref_slice %arg9[%run_scoped3A_14, %dma_wait3A_104, %dma_wait3A_105] : memref<2x128x128xf32, #tpu.memory_space<vmem>> -> memref<1x128x128xf32, #tpu.memory_space<vmem>>
      %dma_wait3A_107 = tpu.memref_squeeze %dma_wait3A_106 : memref<1x128x128xf32, #tpu.memory_space<vmem>> -> memref<128x128xf32, #tpu.memory_space<vmem>>
      tpu.wait_dma2 semaphore(%run_scoped3A_83 : memref<!tpu.dma_semaphore, #tpu.memory_space<semaphore_mem>>) src(%dma_wait3A_107 : memref<128x128xf32, #tpu.memory_space<vmem>>) dst(%dma_wait3A_103 : memref<128x128xf32, #tpu.memory_space<vmem_shared>>)
      tpu.yield
    }) : () -> ()
    %add3A_15 = arith.constant 632 : i32
    %add3A_16 = arith.addi %mul3A_2, %add3A_15 : i32
    %sub3A = arith.constant 120 : i32
    %sub3A_17 = arith.subi %add3A_16, %sub3A : i32
    %run_scoped3A_18 = arith.constant 0 : i32
    "tpu.region"() ({
      %run_scoped3A_83 = tpu.sem_alloc : memref<!tpu.dma_semaphore, #tpu.memory_space<semaphore_mem>>
      %dma_start3A_84 = arith.constant 0 : i32
      %dma_start3A_85 = arith.constant 0 : i32
      %dma_start3A_86 = tpu.memref_slice %arg9[%run_scoped3A_18, %dma_start3A_84, %dma_start3A_85] : memref<2x128x128xf32, #tpu.memory_space<vmem>> -> memref<1x120x128xf32, #tpu.memory_space<vmem>>
      %dma_start3A_87 = tpu.memref_squeeze %dma_start3A_86 : memref<1x120x128xf32, #tpu.memory_space<vmem>> -> memref<120x128xf32, #tpu.memory_space<vmem>>
      %dma_start3A_88 = arith.constant 0 : i32
      %dma_start3A_89 = tpu.memref_slice %arg10[%sub3A_17, %dma_start3A_88] : memref<10112x128xf32, #tpu.memory_space<vmem_shared>> -> memref<120x128xf32, #tpu.memory_space<vmem_shared>>
      %dma_start3A_90 = arith.constant 0 : i32
      %dma_start3A_91 = tpu.memref_slice %arg10[%sub3A_17, %dma_start3A_90] : memref<10112x128xf32, #tpu.memory_space<vmem_shared>> -> memref<120x128xf32, #tpu.memory_space<vmem_shared>>
      %dma_start3A_92 = arith.constant 0 : i32
      %dma_start3A_93 = arith.constant 0 : i32
      %dma_start3A_94 = tpu.memref_slice %arg9[%run_scoped3A_18, %dma_start3A_92, %dma_start3A_93] : memref<2x128x128xf32, #tpu.memory_space<vmem>> -> memref<1x120x128xf32, #tpu.memory_space<vmem>>
      %dma_start3A_95 = tpu.memref_squeeze %dma_start3A_94 : memref<1x120x128xf32, #tpu.memory_space<vmem>> -> memref<120x128xf32, #tpu.memory_space<vmem>>
      tpu.enqueue_dma source(%dma_start3A_95 : memref<120x128xf32, #tpu.memory_space<vmem>>) target(%dma_start3A_91 : memref<120x128xf32, #tpu.memory_space<vmem_shared>>) target_semaphore(%run_scoped3A_83 : memref<!tpu.dma_semaphore, #tpu.memory_space<semaphore_mem>>)
      %dma_wait3A_96 = arith.constant 0 : i32
      %dma_wait3A_97 = arith.constant 0 : i32
      %dma_wait3A_98 = tpu.memref_slice %arg9[%run_scoped3A_18, %dma_wait3A_96, %dma_wait3A_97] : memref<2x128x128xf32, #tpu.memory_space<vmem>> -> memref<1x120x128xf32, #tpu.memory_space<vmem>>
      %dma_wait3A_99 = tpu.memref_squeeze %dma_wait3A_98 : memref<1x120x128xf32, #tpu.memory_space<vmem>> -> memref<120x128xf32, #tpu.memory_space<vmem>>
      %dma_wait3A_100 = arith.constant 0 : i32
      %dma_wait3A_101 = tpu.memref_slice %arg10[%sub3A_17, %dma_wait3A_100] : memref<10112x128xf32, #tpu.memory_space<vmem_shared>> -> memref<120x128xf32, #tpu.memory_space<vmem_shared>>
      %dma_wait3A_102 = arith.constant 0 : i32
      %dma_wait3A_103 = tpu.memref_slice %arg10[%sub3A_17, %dma_wait3A_102] : memref<10112x128xf32, #tpu.memory_space<vmem_shared>> -> memref<120x128xf32, #tpu.memory_space<vmem_shared>>
      %dma_wait3A_104 = arith.constant 0 : i32
      %dma_wait3A_105 = arith.constant 0 : i32
      %dma_wait3A_106 = tpu.memref_slice %arg9[%run_scoped3A_18, %dma_wait3A_104, %dma_wait3A_105] : memref<2x128x128xf32, #tpu.memory_space<vmem>> -> memref<1x120x128xf32, #tpu.memory_space<vmem>>
      %dma_wait3A_107 = tpu.memref_squeeze %dma_wait3A_106 : memref<1x120x128xf32, #tpu.memory_space<vmem>> -> memref<120x128xf32, #tpu.memory_space<vmem>>
      tpu.wait_dma2 semaphore(%run_scoped3A_83 : memref<!tpu.dma_semaphore, #tpu.memory_space<semaphore_mem>>) src(%dma_wait3A_107 : memref<120x128xf32, #tpu.memory_space<vmem>>) dst(%dma_wait3A_103 : memref<120x128xf32, #tpu.memory_space<vmem_shared>>)
      tpu.yield
    }) : () -> ()
    %run_scoped3A_19 = arith.constant 0 : i32
    %run_scoped3A_20 = arith.constant 0 : i32
    "tpu.region"() ({
      %run_scoped3A_83 = tpu.sem_alloc : memref<!tpu.dma_semaphore, #tpu.memory_space<semaphore_mem>>
      %dma_start3A_84 = arith.constant 0 : i32
      %dma_start3A_85 = arith.constant 0 : i32
      %dma_start3A_86 = tpu.memref_slice %arg7[%run_scoped3A_20, %dma_start3A_84, %dma_start3A_85] : memref<2x8x128xi32, #tpu.memory_space<vmem>> -> memref<1x8x128xi32, #tpu.memory_space<vmem>>
      %dma_start3A_87 = tpu.memref_squeeze %dma_start3A_86 : memref<1x8x128xi32, #tpu.memory_space<vmem>> -> memref<8x128xi32, #tpu.memory_space<vmem>>
      %dma_start3A_88 = arith.constant 0 : i32
      %dma_start3A_89 = arith.constant 0 : i32
      %dma_start3A_90 = tpu.memref_slice %arg3[%add3A, %run_scoped3A_19, %dma_start3A_88, %dma_start3A_89] : memref<32x10x8x128xi32, #tpu.memory_space<hbm>> -> memref<1x1x8x128xi32, #tpu.memory_space<hbm>>
      %dma_start3A_91 = tpu.memref_squeeze %dma_start3A_90 : memref<1x1x8x128xi32, #tpu.memory_space<hbm>> -> memref<8x128xi32, #tpu.memory_space<hbm>>
      %dma_start3A_92 = arith.constant 0 : i32
      %dma_start3A_93 = arith.constant 0 : i32
      %dma_start3A_94 = tpu.memref_slice %arg7[%run_scoped3A_20, %dma_start3A_92, %dma_start3A_93] : memref<2x8x128xi32, #tpu.memory_space<vmem>> -> memref<1x8x128xi32, #tpu.memory_space<vmem>>
      %dma_start3A_95 = tpu.memref_squeeze %dma_start3A_94 : memref<1x8x128xi32, #tpu.memory_space<vmem>> -> memref<8x128xi32, #tpu.memory_space<vmem>>
      %dma_start3A_96 = arith.constant 0 : i32
      %dma_start3A_97 = arith.constant 0 : i32
      %dma_start3A_98 = tpu.memref_slice %arg3[%add3A, %run_scoped3A_19, %dma_start3A_96, %dma_start3A_97] : memref<32x10x8x128xi32, #tpu.memory_space<hbm>> -> memref<1x1x8x128xi32, #tpu.memory_space<hbm>>
      %dma_start3A_99 = tpu.memref_squeeze %dma_start3A_98 : memref<1x1x8x128xi32, #tpu.memory_space<hbm>> -> memref<8x128xi32, #tpu.memory_space<hbm>>
      tpu.enqueue_dma source(%dma_start3A_99 : memref<8x128xi32, #tpu.memory_space<hbm>>) target(%dma_start3A_95 : memref<8x128xi32, #tpu.memory_space<vmem>>) target_semaphore(%run_scoped3A_83 : memref<!tpu.dma_semaphore, #tpu.memory_space<semaphore_mem>>)
      %dma_wait3A_100 = arith.constant 0 : i32
      %dma_wait3A_101 = arith.constant 0 : i32
      %dma_wait3A_102 = tpu.memref_slice %arg7[%run_scoped3A_20, %dma_wait3A_100, %dma_wait3A_101] : memref<2x8x128xi32, #tpu.memory_space<vmem>> -> memref<1x8x128xi32, #tpu.memory_space<vmem>>
      %dma_wait3A_103 = tpu.memref_squeeze %dma_wait3A_102 : memref<1x8x128xi32, #tpu.memory_space<vmem>> -> memref<8x128xi32, #tpu.memory_space<vmem>>
      %dma_wait3A_104 = arith.constant 0 : i32
      %dma_wait3A_105 = arith.constant 0 : i32
      %dma_wait3A_106 = tpu.memref_slice %arg3[%add3A, %run_scoped3A_19, %dma_wait3A_104, %dma_wait3A_105] : memref<32x10x8x128xi32, #tpu.memory_space<hbm>> -> memref<1x1x8x128xi32, #tpu.memory_space<hbm>>
      %dma_wait3A_107 = tpu.memref_squeeze %dma_wait3A_106 : memref<1x1x8x128xi32, #tpu.memory_space<hbm>> -> memref<8x128xi32, #tpu.memory_space<hbm>>
      %dma_wait3A_108 = arith.constant 0 : i32
      %dma_wait3A_109 = arith.constant 0 : i32
      %dma_wait3A_110 = tpu.memref_slice %arg7[%run_scoped3A_20, %dma_wait3A_108, %dma_wait3A_109] : memref<2x8x128xi32, #tpu.memory_space<vmem>> -> memref<1x8x128xi32, #tpu.memory_space<vmem>>
      %dma_wait3A_111 = tpu.memref_squeeze %dma_wait3A_110 : memref<1x8x128xi32, #tpu.memory_space<vmem>> -> memref<8x128xi32, #tpu.memory_space<vmem>>
      %dma_wait3A_112 = arith.constant 0 : i32
      %dma_wait3A_113 = arith.constant 0 : i32
      %dma_wait3A_114 = tpu.memref_slice %arg3[%add3A, %run_scoped3A_19, %dma_wait3A_112, %dma_wait3A_113] : memref<32x10x8x128xi32, #tpu.memory_space<hbm>> -> memref<1x1x8x128xi32, #tpu.memory_space<hbm>>
      %dma_wait3A_115 = tpu.memref_squeeze %dma_wait3A_114 : memref<1x1x8x128xi32, #tpu.memory_space<hbm>> -> memref<8x128xi32, #tpu.memory_space<hbm>>
      tpu.wait_dma2 semaphore(%run_scoped3A_83 : memref<!tpu.dma_semaphore, #tpu.memory_space<semaphore_mem>>) src(%dma_wait3A_115 : memref<8x128xi32, #tpu.memory_space<hbm>>) dst(%dma_wait3A_111 : memref<8x128xi32, #tpu.memory_space<vmem>>)
      tpu.yield
    }) : () -> ()
    %run_scoped3A_21 = arith.constant 0 : i32
    %run_scoped3A_22 = arith.constant 0 : i32
    "tpu.region"() ({
      %run_scoped3A_83 = tpu.sem_alloc : memref<!tpu.dma_semaphore, #tpu.memory_space<semaphore_mem>>
      %dma_start3A_84 = arith.constant 0 : i32
      %dma_start3A_85 = arith.constant 0 : i32
      %dma_start3A_86 = tpu.memref_slice %arg8[%run_scoped3A_22, %dma_start3A_84, %dma_start3A_85] : memref<2x8x128xi32, #tpu.memory_space<vmem>> -> memref<1x8x128xi32, #tpu.memory_space<vmem>>
      %dma_start3A_87 = tpu.memref_squeeze %dma_start3A_86 : memref<1x8x128xi32, #tpu.memory_space<vmem>> -> memref<8x128xi32, #tpu.memory_space<vmem>>
      %dma_start3A_88 = arith.constant 0 : i32
      %dma_start3A_89 = arith.constant 0 : i32
      %dma_start3A_90 = tpu.memref_slice %arg4[%add3A, %run_scoped3A_21, %dma_start3A_88, %dma_start3A_89] : memref<32x10x8x128xi32, #tpu.memory_space<hbm>> -> memref<1x1x8x128xi32, #tpu.memory_space<hbm>>
      %dma_start3A_91 = tpu.memref_squeeze %dma_start3A_90 : memref<1x1x8x128xi32, #tpu.memory_space<hbm>> -> memref<8x128xi32, #tpu.memory_space<hbm>>
      %dma_start3A_92 = arith.constant 0 : i32
      %dma_start3A_93 = arith.constant 0 : i32
      %dma_start3A_94 = tpu.memref_slice %arg8[%run_scoped3A_22, %dma_start3A_92, %dma_start3A_93] : memref<2x8x128xi32, #tpu.memory_space<vmem>> -> memref<1x8x128xi32, #tpu.memory_space<vmem>>
      %dma_start3A_95 = tpu.memref_squeeze %dma_start3A_94 : memref<1x8x128xi32, #tpu.memory_space<vmem>> -> memref<8x128xi32, #tpu.memory_space<vmem>>
      %dma_start3A_96 = arith.constant 0 : i32
      %dma_start3A_97 = arith.constant 0 : i32
      %dma_start3A_98 = tpu.memref_slice %arg4[%add3A, %run_scoped3A_21, %dma_start3A_96, %dma_start3A_97] : memref<32x10x8x128xi32, #tpu.memory_space<hbm>> -> memref<1x1x8x128xi32, #tpu.memory_space<hbm>>
      %dma_start3A_99 = tpu.memref_squeeze %dma_start3A_98 : memref<1x1x8x128xi32, #tpu.memory_space<hbm>> -> memref<8x128xi32, #tpu.memory_space<hbm>>
      tpu.enqueue_dma source(%dma_start3A_99 : memref<8x128xi32, #tpu.memory_space<hbm>>) target(%dma_start3A_95 : memref<8x128xi32, #tpu.memory_space<vmem>>) target_semaphore(%run_scoped3A_83 : memref<!tpu.dma_semaphore, #tpu.memory_space<semaphore_mem>>)
      %dma_wait3A_100 = arith.constant 0 : i32
      %dma_wait3A_101 = arith.constant 0 : i32
      %dma_wait3A_102 = tpu.memref_slice %arg8[%run_scoped3A_22, %dma_wait3A_100, %dma_wait3A_101] : memref<2x8x128xi32, #tpu.memory_space<vmem>> -> memref<1x8x128xi32, #tpu.memory_space<vmem>>
      %dma_wait3A_103 = tpu.memref_squeeze %dma_wait3A_102 : memref<1x8x128xi32, #tpu.memory_space<vmem>> -> memref<8x128xi32, #tpu.memory_space<vmem>>
      %dma_wait3A_104 = arith.constant 0 : i32
      %dma_wait3A_105 = arith.constant 0 : i32
      %dma_wait3A_106 = tpu.memref_slice %arg4[%add3A, %run_scoped3A_21, %dma_wait3A_104, %dma_wait3A_105] : memref<32x10x8x128xi32, #tpu.memory_space<hbm>> -> memref<1x1x8x128xi32, #tpu.memory_space<hbm>>
      %dma_wait3A_107 = tpu.memref_squeeze %dma_wait3A_106 : memref<1x1x8x128xi32, #tpu.memory_space<hbm>> -> memref<8x128xi32, #tpu.memory_space<hbm>>
      %dma_wait3A_108 = arith.constant 0 : i32
      %dma_wait3A_109 = arith.constant 0 : i32
      %dma_wait3A_110 = tpu.memref_slice %arg8[%run_scoped3A_22, %dma_wait3A_108, %dma_wait3A_109] : memref<2x8x128xi32, #tpu.memory_space<vmem>> -> memref<1x8x128xi32, #tpu.memory_space<vmem>>
      %dma_wait3A_111 = tpu.memref_squeeze %dma_wait3A_110 : memref<1x8x128xi32, #tpu.memory_space<vmem>> -> memref<8x128xi32, #tpu.memory_space<vmem>>
      %dma_wait3A_112 = arith.constant 0 : i32
      %dma_wait3A_113 = arith.constant 0 : i32
      %dma_wait3A_114 = tpu.memref_slice %arg4[%add3A, %run_scoped3A_21, %dma_wait3A_112, %dma_wait3A_113] : memref<32x10x8x128xi32, #tpu.memory_space<hbm>> -> memref<1x1x8x128xi32, #tpu.memory_space<hbm>>
      %dma_wait3A_115 = tpu.memref_squeeze %dma_wait3A_114 : memref<1x1x8x128xi32, #tpu.memory_space<hbm>> -> memref<8x128xi32, #tpu.memory_space<hbm>>
      tpu.wait_dma2 semaphore(%run_scoped3A_83 : memref<!tpu.dma_semaphore, #tpu.memory_space<semaphore_mem>>) src(%dma_wait3A_115 : memref<8x128xi32, #tpu.memory_space<hbm>>) dst(%dma_wait3A_111 : memref<8x128xi32, #tpu.memory_space<vmem>>)
      tpu.yield
    }) : () -> ()
    %barrier3A = arith.constant 0 : index
    tpu.barrier barrier_id(%barrier3A)
    %scan3A = arith.constant 0 : i32
    %scan3A_23 = arith.constant 0 : i32
    %scan3A_24 = arith.constant 5 : i32
    %scan3A_25 = arith.addi %scan3A_23, %scan3A_24 : i32
    %scan3A_26 = arith.constant 1 : i32
    %scan3A_27 = scf.for %scan3A_83 = %scan3A_23 to %scan3A_25 step %scan3A_26 iter_args(%scan3A_84 = %scan3A) -> (i32)  : i32 {
      %mul3A_85 = arith.constant 2 : i32
      %mul3A_86 = arith.muli %mul3A_85, %scan3A_83 : i32
      %add3A_87 = arith.constant 0 : i32
      %add3A_88 = arith.addi %mul3A_86, %add3A_87 : i32
      %gt3A = arith.constant 0 : i32
      %gt3A_89 = arith.cmpi sgt, %add3A_88, %gt3A : i32
      %convert_element_type3A = arith.extui %gt3A_89 : i1 to i32
      %cond3A = arith.constant 0 : i32
      %cond3A_90 = arith.cmpi ne, %convert_element_type3A, %cond3A : i32
      scf.if %cond3A_90 {
        %dma_wait3A_868 = arith.constant 0 : i32
        %dma_wait3A_869 = arith.constant 1 : i32
        %dma_wait3A_870 = arith.constant 6 : i32
        %dma_wait3A_871 = arith.constant 0 : i32
        %dma_wait3A_872 = arith.constant 0 : i32
        %dma_wait3A_873 = tpu.memref_slice %arg9[%dma_wait3A_868, %dma_wait3A_871, %dma_wait3A_872] : memref<2x128x128xf32, #tpu.memory_space<vmem>> -> memref<1x128x128xf32, #tpu.memory_space<vmem>>
        %dma_wait3A_874 = tpu.memref_squeeze %dma_wait3A_873 : memref<1x128x128xf32, #tpu.memory_space<vmem>> -> memref<128x128xf32, #tpu.memory_space<vmem>>
        %dma_wait3A_875 = arith.constant 0 : i32
        %dma_wait3A_876 = tpu.memref_slice %arg8[%dma_wait3A_869, %dma_wait3A_870, %dma_wait3A_875] : memref<2x8x128xi32, #tpu.memory_space<vmem>> -> memref<1x1x128xi32, #tpu.memory_space<vmem>>
        %dma_wait3A_877 = tpu.memref_squeeze %dma_wait3A_876 : memref<1x1x128xi32, #tpu.memory_space<vmem>> -> memref<128xi32, #tpu.memory_space<vmem>>
        %dma_wait3A_878 = arith.constant 0 : i32
        %dma_wait3A_879 = arith.constant 0 : i32
        %dma_wait3A_880 = tpu.memref_slice %arg10[%dma_wait3A_878, %dma_wait3A_879] : memref<10112x128xf32, #tpu.memory_space<vmem_shared>> -> memref<10112x128xf32, #tpu.memory_space<vmem_shared>>
        tpu.wait_indirect_dma semaphore(%arg13 : memref<!tpu.dma_semaphore, #tpu.memory_space<semaphore_mem>>) src(%dma_wait3A_874 : memref<128x128xf32, #tpu.memory_space<vmem>>) dst(%dma_wait3A_880 : memref<10112x128xf32, #tpu.memory_space<vmem_shared>>)
      } else {
      }
      %gt3A_91 = arith.constant 0 : i32
      %gt3A_92 = arith.cmpi sgt, %add3A_88, %gt3A_91 : i32
      %convert_element_type3A_93 = arith.extui %gt3A_92 : i1 to i32
      %cond3A_94 = arith.constant 0 : i32
      %cond3A_95 = arith.cmpi ne, %convert_element_type3A_93, %cond3A_94 : i32
      scf.if %cond3A_95 {
        %dma_wait3A_868 = arith.constant 0 : i32
        %dma_wait3A_869 = arith.constant 0 : i32
        %dma_wait3A_870 = arith.constant 0 : i32
        %dma_wait3A_871 = tpu.memref_slice %arg7[%dma_wait3A_868, %dma_wait3A_869, %dma_wait3A_870] : memref<2x8x128xi32, #tpu.memory_space<vmem>> -> memref<1x8x128xi32, #tpu.memory_space<vmem>>
        %dma_wait3A_872 = tpu.memref_squeeze %dma_wait3A_871 : memref<1x8x128xi32, #tpu.memory_space<vmem>> -> memref<8x128xi32, #tpu.memory_space<vmem>>
        %dma_wait3A_873 = arith.constant 0 : i32
        %dma_wait3A_874 = arith.constant 0 : i32
        %dma_wait3A_875 = tpu.memref_slice %arg3[%add3A, %add3A_88, %dma_wait3A_873, %dma_wait3A_874] : memref<32x10x8x128xi32, #tpu.memory_space<hbm>> -> memref<1x1x8x128xi32, #tpu.memory_space<hbm>>
        %dma_wait3A_876 = tpu.memref_squeeze %dma_wait3A_875 : memref<1x1x8x128xi32, #tpu.memory_space<hbm>> -> memref<8x128xi32, #tpu.memory_space<hbm>>
        %dma_wait3A_877 = arith.constant 0 : i32
        %dma_wait3A_878 = arith.constant 0 : i32
        %dma_wait3A_879 = tpu.memref_slice %arg7[%dma_wait3A_868, %dma_wait3A_877, %dma_wait3A_878] : memref<2x8x128xi32, #tpu.memory_space<vmem>> -> memref<1x8x128xi32, #tpu.memory_space<vmem>>
        %dma_wait3A_880 = tpu.memref_squeeze %dma_wait3A_879 : memref<1x8x128xi32, #tpu.memory_space<vmem>> -> memref<8x128xi32, #tpu.memory_space<vmem>>
        %dma_wait3A_881 = arith.constant 0 : i32
        %dma_wait3A_882 = arith.constant 0 : i32
        %dma_wait3A_883 = tpu.memref_slice %arg3[%add3A, %add3A_88, %dma_wait3A_881, %dma_wait3A_882] : memref<32x10x8x128xi32, #tpu.memory_space<hbm>> -> memref<1x1x8x128xi32, #tpu.memory_space<hbm>>
        %dma_wait3A_884 = tpu.memref_squeeze %dma_wait3A_883 : memref<1x1x8x128xi32, #tpu.memory_space<hbm>> -> memref<8x128xi32, #tpu.memory_space<hbm>>
        tpu.wait_dma2 semaphore(%arg15 : memref<!tpu.dma_semaphore, #tpu.memory_space<semaphore_mem>>) src(%dma_wait3A_884 : memref<8x128xi32, #tpu.memory_space<hbm>>) dst(%dma_wait3A_880 : memref<8x128xi32, #tpu.memory_space<vmem>>)
        %dma_wait3A_885 = arith.constant 0 : i32
        %dma_wait3A_886 = arith.constant 0 : i32
        %dma_wait3A_887 = arith.constant 0 : i32
        %dma_wait3A_888 = tpu.memref_slice %arg8[%dma_wait3A_885, %dma_wait3A_886, %dma_wait3A_887] : memref<2x8x128xi32, #tpu.memory_space<vmem>> -> memref<1x8x128xi32, #tpu.memory_space<vmem>>
        %dma_wait3A_889 = tpu.memref_squeeze %dma_wait3A_888 : memref<1x8x128xi32, #tpu.memory_space<vmem>> -> memref<8x128xi32, #tpu.memory_space<vmem>>
        %dma_wait3A_890 = arith.constant 0 : i32
        %dma_wait3A_891 = arith.constant 0 : i32
        %dma_wait3A_892 = tpu.memref_slice %arg4[%add3A, %add3A_88, %dma_wait3A_890, %dma_wait3A_891] : memref<32x10x8x128xi32, #tpu.memory_space<hbm>> -> memref<1x1x8x128xi32, #tpu.memory_space<hbm>>
        %dma_wait3A_893 = tpu.memref_squeeze %dma_wait3A_892 : memref<1x1x8x128xi32, #tpu.memory_space<hbm>> -> memref<8x128xi32, #tpu.memory_space<hbm>>
        %dma_wait3A_894 = arith.constant 0 : i32
        %dma_wait3A_895 = arith.constant 0 : i32
        %dma_wait3A_896 = tpu.memref_slice %arg8[%dma_wait3A_885, %dma_wait3A_894, %dma_wait3A_895] : memref<2x8x128xi32, #tpu.memory_space<vmem>> -> memref<1x8x128xi32, #tpu.memory_space<vmem>>
        %dma_wait3A_897 = tpu.memref_squeeze %dma_wait3A_896 : memref<1x8x128xi32, #tpu.memory_space<vmem>> -> memref<8x128xi32, #tpu.memory_space<vmem>>
        %dma_wait3A_898 = arith.constant 0 : i32
        %dma_wait3A_899 = arith.constant 0 : i32
        %dma_wait3A_900 = tpu.memref_slice %arg4[%add3A, %add3A_88, %dma_wait3A_898, %dma_wait3A_899] : memref<32x10x8x128xi32, #tpu.memory_space<hbm>> -> memref<1x1x8x128xi32, #tpu.memory_space<hbm>>
        %dma_wait3A_901 = tpu.memref_squeeze %dma_wait3A_900 : memref<1x1x8x128xi32, #tpu.memory_space<hbm>> -> memref<8x128xi32, #tpu.memory_space<hbm>>
        tpu.wait_dma2 semaphore(%arg15 : memref<!tpu.dma_semaphore, #tpu.memory_space<semaphore_mem>>) src(%dma_wait3A_901 : memref<8x128xi32, #tpu.memory_space<hbm>>) dst(%dma_wait3A_897 : memref<8x128xi32, #tpu.memory_space<vmem>>)
      } else {
      }
      %dma_start3A_96 = arith.constant 0 : i32
      %dma_start3A_97 = arith.constant 0 : i32
      %dma_start3A_98 = arith.constant 0 : i32
      %dma_start3A_99 = arith.constant 0 : i32
      %dma_start3A_100 = arith.constant 0 : i32
      %dma_start3A_101 = tpu.memref_slice %arg9[%dma_start3A_98, %dma_start3A_99, %dma_start3A_100] : memref<2x128x128xf32, #tpu.memory_space<vmem>> -> memref<1x128x128xf32, #tpu.memory_space<vmem>>
      %dma_start3A_102 = tpu.memref_squeeze %dma_start3A_101 : memref<1x128x128xf32, #tpu.memory_space<vmem>> -> memref<128x128xf32, #tpu.memory_space<vmem>>
      %dma_start3A_103 = arith.constant 0 : i32
      %dma_start3A_104 = tpu.memref_slice %arg7[%dma_start3A_96, %dma_start3A_97, %dma_start3A_103] : memref<2x8x128xi32, #tpu.memory_space<vmem>> -> memref<1x1x128xi32, #tpu.memory_space<vmem>>
      %dma_start3A_105 = tpu.memref_squeeze %dma_start3A_104 : memref<1x1x128xi32, #tpu.memory_space<vmem>> -> memref<128xi32, #tpu.memory_space<vmem>>
      %dma_start3A_106 = arith.constant 0 : i32
      %dma_start3A_107 = arith.constant 0 : i32
      %dma_start3A_108 = tpu.memref_slice %arg2[%dma_start3A_106, %dma_start3A_107] : memref<10000x128xf32, #tpu.memory_space<hbm>> -> memref<10000x128xf32, #tpu.memory_space<hbm>>
      tpu.enqueue_indirect_dma source(%dma_start3A_108 : memref<10000x128xf32, #tpu.memory_space<hbm>>) target(%dma_start3A_102 : memref<128x128xf32, #tpu.memory_space<vmem>>) offsets(%dma_start3A_105 : memref<128xi32, #tpu.memory_space<vmem>>) semaphore(%arg11 : memref<!tpu.dma_semaphore, #tpu.memory_space<semaphore_mem>>)
      %gt3A_109 = arith.constant 0 : i32
      %gt3A_110 = arith.cmpi sgt, %add3A_88, %gt3A_109 : i32
      %convert_element_type3A_111 = arith.extui %gt3A_110 : i1 to i32
      %cond3A_112 = arith.constant 0 : i32
      %cond3A_113 = arith.cmpi ne, %convert_element_type3A_111, %cond3A_112 : i32
      scf.if %cond3A_113 {
        %dma_wait3A_868 = arith.constant 1 : i32
        %dma_wait3A_869 = arith.constant 7 : i32
        %dma_wait3A_870 = arith.constant 1 : i32
        %dma_wait3A_871 = arith.constant 0 : i32
        %dma_wait3A_872 = arith.constant 0 : i32
        %dma_wait3A_873 = tpu.memref_slice %arg9[%dma_wait3A_870, %dma_wait3A_871, %dma_wait3A_872] : memref<2x128x128xf32, #tpu.memory_space<vmem>> -> memref<1x128x128xf32, #tpu.memory_space<vmem>>
        %dma_wait3A_874 = tpu.memref_squeeze %dma_wait3A_873 : memref<1x128x128xf32, #tpu.memory_space<vmem>> -> memref<128x128xf32, #tpu.memory_space<vmem>>
        %dma_wait3A_875 = arith.constant 0 : i32
        %dma_wait3A_876 = tpu.memref_slice %arg7[%dma_wait3A_868, %dma_wait3A_869, %dma_wait3A_875] : memref<2x8x128xi32, #tpu.memory_space<vmem>> -> memref<1x1x128xi32, #tpu.memory_space<vmem>>
        %dma_wait3A_877 = tpu.memref_squeeze %dma_wait3A_876 : memref<1x1x128xi32, #tpu.memory_space<vmem>> -> memref<128xi32, #tpu.memory_space<vmem>>
        %dma_wait3A_878 = arith.constant 0 : i32
        %dma_wait3A_879 = arith.constant 0 : i32
        %dma_wait3A_880 = tpu.memref_slice %arg2[%dma_wait3A_878, %dma_wait3A_879] : memref<10000x128xf32, #tpu.memory_space<hbm>> -> memref<10000x128xf32, #tpu.memory_space<hbm>>
        tpu.wait_indirect_dma semaphore(%arg12 : memref<!tpu.dma_semaphore, #tpu.memory_space<semaphore_mem>>) src(%dma_wait3A_880 : memref<10000x128xf32, #tpu.memory_space<hbm>>) dst(%dma_wait3A_874 : memref<128x128xf32, #tpu.memory_space<vmem>>)
        %dma_start3A_881 = arith.constant 1 : i32
        %dma_start3A_882 = arith.constant 1 : i32
        %dma_start3A_883 = arith.constant 7 : i32
        %dma_start3A_884 = arith.constant 0 : i32
        %dma_start3A_885 = arith.constant 0 : i32
        %dma_start3A_886 = tpu.memref_slice %arg9[%dma_start3A_881, %dma_start3A_884, %dma_start3A_885] : memref<2x128x128xf32, #tpu.memory_space<vmem>> -> memref<1x128x128xf32, #tpu.memory_space<vmem>>
        %dma_start3A_887 = tpu.memref_squeeze %dma_start3A_886 : memref<1x128x128xf32, #tpu.memory_space<vmem>> -> memref<128x128xf32, #tpu.memory_space<vmem>>
        %dma_start3A_888 = arith.constant 0 : i32
        %dma_start3A_889 = tpu.memref_slice %arg8[%dma_start3A_882, %dma_start3A_883, %dma_start3A_888] : memref<2x8x128xi32, #tpu.memory_space<vmem>> -> memref<1x1x128xi32, #tpu.memory_space<vmem>>
        %dma_start3A_890 = tpu.memref_squeeze %dma_start3A_889 : memref<1x1x128xi32, #tpu.memory_space<vmem>> -> memref<128xi32, #tpu.memory_space<vmem>>
        %dma_start3A_891 = arith.constant 0 : i32
        %dma_start3A_892 = arith.constant 0 : i32
        %dma_start3A_893 = tpu.memref_slice %arg10[%dma_start3A_891, %dma_start3A_892] : memref<10112x128xf32, #tpu.memory_space<vmem_shared>> -> memref<10112x128xf32, #tpu.memory_space<vmem_shared>>
        tpu.enqueue_indirect_dma source(%dma_start3A_887 : memref<128x128xf32, #tpu.memory_space<vmem>>) target(%dma_start3A_893 : memref<10112x128xf32, #tpu.memory_space<vmem_shared>>) offsets(%dma_start3A_890 : memref<128xi32, #tpu.memory_space<vmem>>) semaphore(%arg14 : memref<!tpu.dma_semaphore, #tpu.memory_space<semaphore_mem>>) {add = true}
      } else {
      }
      %gt3A_114 = arith.constant 0 : i32
      %gt3A_115 = arith.cmpi sgt, %add3A_88, %gt3A_114 : i32
      %convert_element_type3A_116 = arith.extui %gt3A_115 : i1 to i32
      %cond3A_117 = arith.constant 0 : i32
      %cond3A_118 = arith.cmpi ne, %convert_element_type3A_116, %cond3A_117 : i32
      scf.if %cond3A_118 {
        %dma_wait3A_868 = arith.constant 1 : i32
        %dma_wait3A_869 = arith.constant 1 : i32
        %dma_wait3A_870 = arith.constant 7 : i32
        %dma_wait3A_871 = arith.constant 0 : i32
        %dma_wait3A_872 = arith.constant 0 : i32
        %dma_wait3A_873 = tpu.memref_slice %arg9[%dma_wait3A_868, %dma_wait3A_871, %dma_wait3A_872] : memref<2x128x128xf32, #tpu.memory_space<vmem>> -> memref<1x128x128xf32, #tpu.memory_space<vmem>>
        %dma_wait3A_874 = tpu.memref_squeeze %dma_wait3A_873 : memref<1x128x128xf32, #tpu.memory_space<vmem>> -> memref<128x128xf32, #tpu.memory_space<vmem>>
        %dma_wait3A_875 = arith.constant 0 : i32
        %dma_wait3A_876 = tpu.memref_slice %arg8[%dma_wait3A_869, %dma_wait3A_870, %dma_wait3A_875] : memref<2x8x128xi32, #tpu.memory_space<vmem>> -> memref<1x1x128xi32, #tpu.memory_space<vmem>>
        %dma_wait3A_877 = tpu.memref_squeeze %dma_wait3A_876 : memref<1x1x128xi32, #tpu.memory_space<vmem>> -> memref<128xi32, #tpu.memory_space<vmem>>
        %dma_wait3A_878 = arith.constant 0 : i32
        %dma_wait3A_879 = arith.constant 0 : i32
        %dma_wait3A_880 = tpu.memref_slice %arg10[%dma_wait3A_878, %dma_wait3A_879] : memref<10112x128xf32, #tpu.memory_space<vmem_shared>> -> memref<10112x128xf32, #tpu.memory_space<vmem_shared>>
        tpu.wait_indirect_dma semaphore(%arg14 : memref<!tpu.dma_semaphore, #tpu.memory_space<semaphore_mem>>) src(%dma_wait3A_874 : memref<128x128xf32, #tpu.memory_space<vmem>>) dst(%dma_wait3A_880 : memref<10112x128xf32, #tpu.memory_space<vmem_shared>>)
      } else {
      }
      %dma_start3A_119 = arith.constant 0 : i32
      %dma_start3A_120 = arith.constant 1 : i32
      %dma_start3A_121 = arith.constant 1 : i32
      %dma_start3A_122 = arith.constant 0 : i32
      %dma_start3A_123 = arith.constant 0 : i32
      %dma_start3A_124 = tpu.memref_slice %arg9[%dma_start3A_121, %dma_start3A_122, %dma_start3A_123] : memref<2x128x128xf32, #tpu.memory_space<vmem>> -> memref<1x128x128xf32, #tpu.memory_space<vmem>>
      %dma_start3A_125 = tpu.memref_squeeze %dma_start3A_124 : memref<1x128x128xf32, #tpu.memory_space<vmem>> -> memref<128x128xf32, #tpu.memory_space<vmem>>
      %dma_start3A_126 = arith.constant 0 : i32
      %dma_start3A_127 = tpu.memref_slice %arg7[%dma_start3A_119, %dma_start3A_120, %dma_start3A_126] : memref<2x8x128xi32, #tpu.memory_space<vmem>> -> memref<1x1x128xi32, #tpu.memory_space<vmem>>
      %dma_start3A_128 = tpu.memref_squeeze %dma_start3A_127 : memref<1x1x128xi32, #tpu.memory_space<vmem>> -> memref<128xi32, #tpu.memory_space<vmem>>
      %dma_start3A_129 = arith.constant 0 : i32
      %dma_start3A_130 = arith.constant 0 : i32
      %dma_start3A_131 = tpu.memref_slice %arg2[%dma_start3A_129, %dma_start3A_130] : memref<10000x128xf32, #tpu.memory_space<hbm>> -> memref<10000x128xf32, #tpu.memory_space<hbm>>
      tpu.enqueue_indirect_dma source(%dma_start3A_131 : memref<10000x128xf32, #tpu.memory_space<hbm>>) target(%dma_start3A_125 : memref<128x128xf32, #tpu.memory_space<vmem>>) offsets(%dma_start3A_128 : memref<128xi32, #tpu.memory_space<vmem>>) semaphore(%arg12 : memref<!tpu.dma_semaphore, #tpu.memory_space<semaphore_mem>>)
      %dma_wait3A_132 = arith.constant 0 : i32
      %dma_wait3A_133 = arith.constant 0 : i32
      %dma_wait3A_134 = arith.constant 0 : i32
      %dma_wait3A_135 = arith.constant 0 : i32
      %dma_wait3A_136 = arith.constant 0 : i32
      %dma_wait3A_137 = tpu.memref_slice %arg9[%dma_wait3A_134, %dma_wait3A_135, %dma_wait3A_136] : memref<2x128x128xf32, #tpu.memory_space<vmem>> -> memref<1x128x128xf32, #tpu.memory_space<vmem>>
      %dma_wait3A_138 = tpu.memref_squeeze %dma_wait3A_137 : memref<1x128x128xf32, #tpu.memory_space<vmem>> -> memref<128x128xf32, #tpu.memory_space<vmem>>
      %dma_wait3A_139 = arith.constant 0 : i32
      %dma_wait3A_140 = tpu.memref_slice %arg7[%dma_wait3A_132, %dma_wait3A_133, %dma_wait3A_139] : memref<2x8x128xi32, #tpu.memory_space<vmem>> -> memref<1x1x128xi32, #tpu.memory_space<vmem>>
      %dma_wait3A_141 = tpu.memref_squeeze %dma_wait3A_140 : memref<1x1x128xi32, #tpu.memory_space<vmem>> -> memref<128xi32, #tpu.memory_space<vmem>>
      %dma_wait3A_142 = arith.constant 0 : i32
      %dma_wait3A_143 = arith.constant 0 : i32
      %dma_wait3A_144 = tpu.memref_slice %arg2[%dma_wait3A_142, %dma_wait3A_143] : memref<10000x128xf32, #tpu.memory_space<hbm>> -> memref<10000x128xf32, #tpu.memory_space<hbm>>
      tpu.wait_indirect_dma semaphore(%arg11 : memref<!tpu.dma_semaphore, #tpu.memory_space<semaphore_mem>>) src(%dma_wait3A_144 : memref<10000x128xf32, #tpu.memory_space<hbm>>) dst(%dma_wait3A_138 : memref<128x128xf32, #tpu.memory_space<vmem>>)
      %dma_start3A_145 = arith.constant 0 : i32
      %dma_start3A_146 = arith.constant 0 : i32
      %dma_start3A_147 = arith.constant 0 : i32
      %dma_start3A_148 = arith.constant 0 : i32
      %dma_start3A_149 = arith.constant 0 : i32
      %dma_start3A_150 = tpu.memref_slice %arg9[%dma_start3A_145, %dma_start3A_148, %dma_start3A_149] : memref<2x128x128xf32, #tpu.memory_space<vmem>> -> memref<1x128x128xf32, #tpu.memory_space<vmem>>
      %dma_start3A_151 = tpu.memref_squeeze %dma_start3A_150 : memref<1x128x128xf32, #tpu.memory_space<vmem>> -> memref<128x128xf32, #tpu.memory_space<vmem>>
      %dma_start3A_152 = arith.constant 0 : i32
      %dma_start3A_153 = tpu.memref_slice %arg8[%dma_start3A_146, %dma_start3A_147, %dma_start3A_152] : memref<2x8x128xi32, #tpu.memory_space<vmem>> -> memref<1x1x128xi32, #tpu.memory_space<vmem>>
      %dma_start3A_154 = tpu.memref_squeeze %dma_start3A_153 : memref<1x1x128xi32, #tpu.memory_space<vmem>> -> memref<128xi32, #tpu.memory_space<vmem>>
      %dma_start3A_155 = arith.constant 0 : i32
      %dma_start3A_156 = arith.constant 0 : i32
      %dma_start3A_157 = tpu.memref_slice %arg10[%dma_start3A_155, %dma_start3A_156] : memref<10112x128xf32, #tpu.memory_space<vmem_shared>> -> memref<10112x128xf32, #tpu.memory_space<vmem_shared>>
      tpu.enqueue_indirect_dma source(%dma_start3A_151 : memref<128x128xf32, #tpu.memory_space<vmem>>) target(%dma_start3A_157 : memref<10112x128xf32, #tpu.memory_space<vmem_shared>>) offsets(%dma_start3A_154 : memref<128xi32, #tpu.memory_space<vmem>>) semaphore(%arg13 : memref<!tpu.dma_semaphore, #tpu.memory_space<semaphore_mem>>) {add = true}
      %dma_wait3A_158 = arith.constant 0 : i32
      %dma_wait3A_159 = arith.constant 0 : i32
      %dma_wait3A_160 = arith.constant 0 : i32
      %dma_wait3A_161 = arith.constant 0 : i32
      %dma_wait3A_162 = arith.constant 0 : i32
      %dma_wait3A_163 = tpu.memref_slice %arg9[%dma_wait3A_158, %dma_wait3A_161, %dma_wait3A_162] : memref<2x128x128xf32, #tpu.memory_space<vmem>> -> memref<1x128x128xf32, #tpu.memory_space<vmem>>
      %dma_wait3A_164 = tpu.memref_squeeze %dma_wait3A_163 : memref<1x128x128xf32, #tpu.memory_space<vmem>> -> memref<128x128xf32, #tpu.memory_space<vmem>>
      %dma_wait3A_165 = arith.constant 0 : i32
      %dma_wait3A_166 = tpu.memref_slice %arg8[%dma_wait3A_159, %dma_wait3A_160, %dma_wait3A_165] : memref<2x8x128xi32, #tpu.memory_space<vmem>> -> memref<1x1x128xi32, #tpu.memory_space<vmem>>
      %dma_wait3A_167 = tpu.memref_squeeze %dma_wait3A_166 : memref<1x1x128xi32, #tpu.memory_space<vmem>> -> memref<128xi32, #tpu.memory_space<vmem>>
      %dma_wait3A_168 = arith.constant 0 : i32
      %dma_wait3A_169 = arith.constant 0 : i32
      %dma_wait3A_170 = tpu.memref_slice %arg10[%dma_wait3A_168, %dma_wait3A_169] : memref<10112x128xf32, #tpu.memory_space<vmem_shared>> -> memref<10112x128xf32, #tpu.memory_space<vmem_shared>>
      tpu.wait_indirect_dma semaphore(%arg13 : memref<!tpu.dma_semaphore, #tpu.memory_space<semaphore_mem>>) src(%dma_wait3A_164 : memref<128x128xf32, #tpu.memory_space<vmem>>) dst(%dma_wait3A_170 : memref<10112x128xf32, #tpu.memory_space<vmem_shared>>)
      %dma_start3A_171 = arith.constant 0 : i32
      %dma_start3A_172 = arith.constant 2 : i32
      %dma_start3A_173 = arith.constant 0 : i32
      %dma_start3A_174 = arith.constant 0 : i32
      %dma_start3A_175 = arith.constant 0 : i32
      %dma_start3A_176 = tpu.memref_slice %arg9[%dma_start3A_173, %dma_start3A_174, %dma_start3A_175] : memref<2x128x128xf32, #tpu.memory_space<vmem>> -> memref<1x128x128xf32, #tpu.memory_space<vmem>>
      %dma_start3A_177 = tpu.memref_squeeze %dma_start3A_176 : memref<1x128x128xf32, #tpu.memory_space<vmem>> -> memref<128x128xf32, #tpu.memory_space<vmem>>
      %dma_start3A_178 = arith.constant 0 : i32
      %dma_start3A_179 = tpu.memref_slice %arg7[%dma_start3A_171, %dma_start3A_172, %dma_start3A_178] : memref<2x8x128xi32, #tpu.memory_space<vmem>> -> memref<1x1x128xi32, #tpu.memory_space<vmem>>
      %dma_start3A_180 = tpu.memref_squeeze %dma_start3A_179 : memref<1x1x128xi32, #tpu.memory_space<vmem>> -> memref<128xi32, #tpu.memory_space<vmem>>
      %dma_start3A_181 = arith.constant 0 : i32
      %dma_start3A_182 = arith.constant 0 : i32
      %dma_start3A_183 = tpu.memref_slice %arg2[%dma_start3A_181, %dma_start3A_182] : memref<10000x128xf32, #tpu.memory_space<hbm>> -> memref<10000x128xf32, #tpu.memory_space<hbm>>
      tpu.enqueue_indirect_dma source(%dma_start3A_183 : memref<10000x128xf32, #tpu.memory_space<hbm>>) target(%dma_start3A_177 : memref<128x128xf32, #tpu.memory_space<vmem>>) offsets(%dma_start3A_180 : memref<128xi32, #tpu.memory_space<vmem>>) semaphore(%arg11 : memref<!tpu.dma_semaphore, #tpu.memory_space<semaphore_mem>>)
      %dma_wait3A_184 = arith.constant 0 : i32
      %dma_wait3A_185 = arith.constant 1 : i32
      %dma_wait3A_186 = arith.constant 1 : i32
      %dma_wait3A_187 = arith.constant 0 : i32
      %dma_wait3A_188 = arith.constant 0 : i32
      %dma_wait3A_189 = tpu.memref_slice %arg9[%dma_wait3A_186, %dma_wait3A_187, %dma_wait3A_188] : memref<2x128x128xf32, #tpu.memory_space<vmem>> -> memref<1x128x128xf32, #tpu.memory_space<vmem>>
      %dma_wait3A_190 = tpu.memref_squeeze %dma_wait3A_189 : memref<1x128x128xf32, #tpu.memory_space<vmem>> -> memref<128x128xf32, #tpu.memory_space<vmem>>
      %dma_wait3A_191 = arith.constant 0 : i32
      %dma_wait3A_192 = tpu.memref_slice %arg7[%dma_wait3A_184, %dma_wait3A_185, %dma_wait3A_191] : memref<2x8x128xi32, #tpu.memory_space<vmem>> -> memref<1x1x128xi32, #tpu.memory_space<vmem>>
      %dma_wait3A_193 = tpu.memref_squeeze %dma_wait3A_192 : memref<1x1x128xi32, #tpu.memory_space<vmem>> -> memref<128xi32, #tpu.memory_space<vmem>>
      %dma_wait3A_194 = arith.constant 0 : i32
      %dma_wait3A_195 = arith.constant 0 : i32
      %dma_wait3A_196 = tpu.memref_slice %arg2[%dma_wait3A_194, %dma_wait3A_195] : memref<10000x128xf32, #tpu.memory_space<hbm>> -> memref<10000x128xf32, #tpu.memory_space<hbm>>
      tpu.wait_indirect_dma semaphore(%arg12 : memref<!tpu.dma_semaphore, #tpu.memory_space<semaphore_mem>>) src(%dma_wait3A_196 : memref<10000x128xf32, #tpu.memory_space<hbm>>) dst(%dma_wait3A_190 : memref<128x128xf32, #tpu.memory_space<vmem>>)
      %dma_start3A_197 = arith.constant 1 : i32
      %dma_start3A_198 = arith.constant 0 : i32
      %dma_start3A_199 = arith.constant 1 : i32
      %dma_start3A_200 = arith.constant 0 : i32
      %dma_start3A_201 = arith.constant 0 : i32
      %dma_start3A_202 = tpu.memref_slice %arg9[%dma_start3A_197, %dma_start3A_200, %dma_start3A_201] : memref<2x128x128xf32, #tpu.memory_space<vmem>> -> memref<1x128x128xf32, #tpu.memory_space<vmem>>
      %dma_start3A_203 = tpu.memref_squeeze %dma_start3A_202 : memref<1x128x128xf32, #tpu.memory_space<vmem>> -> memref<128x128xf32, #tpu.memory_space<vmem>>
      %dma_start3A_204 = arith.constant 0 : i32
      %dma_start3A_205 = tpu.memref_slice %arg8[%dma_start3A_198, %dma_start3A_199, %dma_start3A_204] : memref<2x8x128xi32, #tpu.memory_space<vmem>> -> memref<1x1x128xi32, #tpu.memory_space<vmem>>
      %dma_start3A_206 = tpu.memref_squeeze %dma_start3A_205 : memref<1x1x128xi32, #tpu.memory_space<vmem>> -> memref<128xi32, #tpu.memory_space<vmem>>
      %dma_start3A_207 = arith.constant 0 : i32
      %dma_start3A_208 = arith.constant 0 : i32
      %dma_start3A_209 = tpu.memref_slice %arg10[%dma_start3A_207, %dma_start3A_208] : memref<10112x128xf32, #tpu.memory_space<vmem_shared>> -> memref<10112x128xf32, #tpu.memory_space<vmem_shared>>
      tpu.enqueue_indirect_dma source(%dma_start3A_203 : memref<128x128xf32, #tpu.memory_space<vmem>>) target(%dma_start3A_209 : memref<10112x128xf32, #tpu.memory_space<vmem_shared>>) offsets(%dma_start3A_206 : memref<128xi32, #tpu.memory_space<vmem>>) semaphore(%arg14 : memref<!tpu.dma_semaphore, #tpu.memory_space<semaphore_mem>>) {add = true}
      %dma_wait3A_210 = arith.constant 1 : i32
      %dma_wait3A_211 = arith.constant 0 : i32
      %dma_wait3A_212 = arith.constant 1 : i32
      %dma_wait3A_213 = arith.constant 0 : i32
      %dma_wait3A_214 = arith.constant 0 : i32
      %dma_wait3A_215 = tpu.memref_slice %arg9[%dma_wait3A_210, %dma_wait3A_213, %dma_wait3A_214] : memref<2x128x128xf32, #tpu.memory_space<vmem>> -> memref<1x128x128xf32, #tpu.memory_space<vmem>>
      %dma_wait3A_216 = tpu.memref_squeeze %dma_wait3A_215 : memref<1x128x128xf32, #tpu.memory_space<vmem>> -> memref<128x128xf32, #tpu.memory_space<vmem>>
      %dma_wait3A_217 = arith.constant 0 : i32
      %dma_wait3A_218 = tpu.memref_slice %arg8[%dma_wait3A_211, %dma_wait3A_212, %dma_wait3A_217] : memref<2x8x128xi32, #tpu.memory_space<vmem>> -> memref<1x1x128xi32, #tpu.memory_space<vmem>>
      %dma_wait3A_219 = tpu.memref_squeeze %dma_wait3A_218 : memref<1x1x128xi32, #tpu.memory_space<vmem>> -> memref<128xi32, #tpu.memory_space<vmem>>
      %dma_wait3A_220 = arith.constant 0 : i32
      %dma_wait3A_221 = arith.constant 0 : i32
      %dma_wait3A_222 = tpu.memref_slice %arg10[%dma_wait3A_220, %dma_wait3A_221] : memref<10112x128xf32, #tpu.memory_space<vmem_shared>> -> memref<10112x128xf32, #tpu.memory_space<vmem_shared>>
      tpu.wait_indirect_dma semaphore(%arg14 : memref<!tpu.dma_semaphore, #tpu.memory_space<semaphore_mem>>) src(%dma_wait3A_216 : memref<128x128xf32, #tpu.memory_space<vmem>>) dst(%dma_wait3A_222 : memref<10112x128xf32, #tpu.memory_space<vmem_shared>>)
      %dma_start3A_223 = arith.constant 0 : i32
      %dma_start3A_224 = arith.constant 3 : i32
      %dma_start3A_225 = arith.constant 1 : i32
      %dma_start3A_226 = arith.constant 0 : i32
      %dma_start3A_227 = arith.constant 0 : i32
      %dma_start3A_228 = tpu.memref_slice %arg9[%dma_start3A_225, %dma_start3A_226, %dma_start3A_227] : memref<2x128x128xf32, #tpu.memory_space<vmem>> -> memref<1x128x128xf32, #tpu.memory_space<vmem>>
      %dma_start3A_229 = tpu.memref_squeeze %dma_start3A_228 : memref<1x128x128xf32, #tpu.memory_space<vmem>> -> memref<128x128xf32, #tpu.memory_space<vmem>>
      %dma_start3A_230 = arith.constant 0 : i32
      %dma_start3A_231 = tpu.memref_slice %arg7[%dma_start3A_223, %dma_start3A_224, %dma_start3A_230] : memref<2x8x128xi32, #tpu.memory_space<vmem>> -> memref<1x1x128xi32, #tpu.memory_space<vmem>>
      %dma_start3A_232 = tpu.memref_squeeze %dma_start3A_231 : memref<1x1x128xi32, #tpu.memory_space<vmem>> -> memref<128xi32, #tpu.memory_space<vmem>>
      %dma_start3A_233 = arith.constant 0 : i32
      %dma_start3A_234 = arith.constant 0 : i32
      %dma_start3A_235 = tpu.memref_slice %arg2[%dma_start3A_233, %dma_start3A_234] : memref<10000x128xf32, #tpu.memory_space<hbm>> -> memref<10000x128xf32, #tpu.memory_space<hbm>>
      tpu.enqueue_indirect_dma source(%dma_start3A_235 : memref<10000x128xf32, #tpu.memory_space<hbm>>) target(%dma_start3A_229 : memref<128x128xf32, #tpu.memory_space<vmem>>) offsets(%dma_start3A_232 : memref<128xi32, #tpu.memory_space<vmem>>) semaphore(%arg12 : memref<!tpu.dma_semaphore, #tpu.memory_space<semaphore_mem>>)
      %dma_wait3A_236 = arith.constant 0 : i32
      %dma_wait3A_237 = arith.constant 2 : i32
      %dma_wait3A_238 = arith.constant 0 : i32
      %dma_wait3A_239 = arith.constant 0 : i32
      %dma_wait3A_240 = arith.constant 0 : i32
      %dma_wait3A_241 = tpu.memref_slice %arg9[%dma_wait3A_238, %dma_wait3A_239, %dma_wait3A_240] : memref<2x128x128xf32, #tpu.memory_space<vmem>> -> memref<1x128x128xf32, #tpu.memory_space<vmem>>
      %dma_wait3A_242 = tpu.memref_squeeze %dma_wait3A_241 : memref<1x128x128xf32, #tpu.memory_space<vmem>> -> memref<128x128xf32, #tpu.memory_space<vmem>>
      %dma_wait3A_243 = arith.constant 0 : i32
      %dma_wait3A_244 = tpu.memref_slice %arg7[%dma_wait3A_236, %dma_wait3A_237, %dma_wait3A_243] : memref<2x8x128xi32, #tpu.memory_space<vmem>> -> memref<1x1x128xi32, #tpu.memory_space<vmem>>
      %dma_wait3A_245 = tpu.memref_squeeze %dma_wait3A_244 : memref<1x1x128xi32, #tpu.memory_space<vmem>> -> memref<128xi32, #tpu.memory_space<vmem>>
      %dma_wait3A_246 = arith.constant 0 : i32
      %dma_wait3A_247 = arith.constant 0 : i32
      %dma_wait3A_248 = tpu.memref_slice %arg2[%dma_wait3A_246, %dma_wait3A_247] : memref<10000x128xf32, #tpu.memory_space<hbm>> -> memref<10000x128xf32, #tpu.memory_space<hbm>>
      tpu.wait_indirect_dma semaphore(%arg11 : memref<!tpu.dma_semaphore, #tpu.memory_space<semaphore_mem>>) src(%dma_wait3A_248 : memref<10000x128xf32, #tpu.memory_space<hbm>>) dst(%dma_wait3A_242 : memref<128x128xf32, #tpu.memory_space<vmem>>)
      %dma_start3A_249 = arith.constant 0 : i32
      %dma_start3A_250 = arith.constant 0 : i32
      %dma_start3A_251 = arith.constant 2 : i32
      %dma_start3A_252 = arith.constant 0 : i32
      %dma_start3A_253 = arith.constant 0 : i32
      %dma_start3A_254 = tpu.memref_slice %arg9[%dma_start3A_249, %dma_start3A_252, %dma_start3A_253] : memref<2x128x128xf32, #tpu.memory_space<vmem>> -> memref<1x128x128xf32, #tpu.memory_space<vmem>>
      %dma_start3A_255 = tpu.memref_squeeze %dma_start3A_254 : memref<1x128x128xf32, #tpu.memory_space<vmem>> -> memref<128x128xf32, #tpu.memory_space<vmem>>
      %dma_start3A_256 = arith.constant 0 : i32
      %dma_start3A_257 = tpu.memref_slice %arg8[%dma_start3A_250, %dma_start3A_251, %dma_start3A_256] : memref<2x8x128xi32, #tpu.memory_space<vmem>> -> memref<1x1x128xi32, #tpu.memory_space<vmem>>
      %dma_start3A_258 = tpu.memref_squeeze %dma_start3A_257 : memref<1x1x128xi32, #tpu.memory_space<vmem>> -> memref<128xi32, #tpu.memory_space<vmem>>
      %dma_start3A_259 = arith.constant 0 : i32
      %dma_start3A_260 = arith.constant 0 : i32
      %dma_start3A_261 = tpu.memref_slice %arg10[%dma_start3A_259, %dma_start3A_260] : memref<10112x128xf32, #tpu.memory_space<vmem_shared>> -> memref<10112x128xf32, #tpu.memory_space<vmem_shared>>
      tpu.enqueue_indirect_dma source(%dma_start3A_255 : memref<128x128xf32, #tpu.memory_space<vmem>>) target(%dma_start3A_261 : memref<10112x128xf32, #tpu.memory_space<vmem_shared>>) offsets(%dma_start3A_258 : memref<128xi32, #tpu.memory_space<vmem>>) semaphore(%arg13 : memref<!tpu.dma_semaphore, #tpu.memory_space<semaphore_mem>>) {add = true}
      %dma_wait3A_262 = arith.constant 0 : i32
      %dma_wait3A_263 = arith.constant 0 : i32
      %dma_wait3A_264 = arith.constant 2 : i32
      %dma_wait3A_265 = arith.constant 0 : i32
      %dma_wait3A_266 = arith.constant 0 : i32
      %dma_wait3A_267 = tpu.memref_slice %arg9[%dma_wait3A_262, %dma_wait3A_265, %dma_wait3A_266] : memref<2x128x128xf32, #tpu.memory_space<vmem>> -> memref<1x128x128xf32, #tpu.memory_space<vmem>>
      %dma_wait3A_268 = tpu.memref_squeeze %dma_wait3A_267 : memref<1x128x128xf32, #tpu.memory_space<vmem>> -> memref<128x128xf32, #tpu.memory_space<vmem>>
      %dma_wait3A_269 = arith.constant 0 : i32
      %dma_wait3A_270 = tpu.memref_slice %arg8[%dma_wait3A_263, %dma_wait3A_264, %dma_wait3A_269] : memref<2x8x128xi32, #tpu.memory_space<vmem>> -> memref<1x1x128xi32, #tpu.memory_space<vmem>>
      %dma_wait3A_271 = tpu.memref_squeeze %dma_wait3A_270 : memref<1x1x128xi32, #tpu.memory_space<vmem>> -> memref<128xi32, #tpu.memory_space<vmem>>
      %dma_wait3A_272 = arith.constant 0 : i32
      %dma_wait3A_273 = arith.constant 0 : i32
      %dma_wait3A_274 = tpu.memref_slice %arg10[%dma_wait3A_272, %dma_wait3A_273] : memref<10112x128xf32, #tpu.memory_space<vmem_shared>> -> memref<10112x128xf32, #tpu.memory_space<vmem_shared>>
      tpu.wait_indirect_dma semaphore(%arg13 : memref<!tpu.dma_semaphore, #tpu.memory_space<semaphore_mem>>) src(%dma_wait3A_268 : memref<128x128xf32, #tpu.memory_space<vmem>>) dst(%dma_wait3A_274 : memref<10112x128xf32, #tpu.memory_space<vmem_shared>>)
      %lt3A = arith.constant 9 : i32
      %lt3A_275 = arith.cmpi slt, %add3A_88, %lt3A : i32
      %convert_element_type3A_276 = arith.extui %lt3A_275 : i1 to i32
      %cond3A_277 = arith.constant 0 : i32
      %cond3A_278 = arith.cmpi ne, %convert_element_type3A_276, %cond3A_277 : i32
      scf.if %cond3A_278 {
        %add3A_868 = arith.constant 1 : i32
        %add3A_869 = arith.addi %add3A_88, %add3A_868 : i32
        %dma_start3A_870 = arith.constant 1 : i32
        %dma_start3A_871 = arith.constant 0 : i32
        %dma_start3A_872 = arith.constant 0 : i32
        %dma_start3A_873 = tpu.memref_slice %arg7[%dma_start3A_870, %dma_start3A_871, %dma_start3A_872] : memref<2x8x128xi32, #tpu.memory_space<vmem>> -> memref<1x8x128xi32, #tpu.memory_space<vmem>>
        %dma_start3A_874 = tpu.memref_squeeze %dma_start3A_873 : memref<1x8x128xi32, #tpu.memory_space<vmem>> -> memref<8x128xi32, #tpu.memory_space<vmem>>
        %dma_start3A_875 = arith.constant 0 : i32
        %dma_start3A_876 = arith.constant 0 : i32
        %dma_start3A_877 = tpu.memref_slice %arg3[%add3A, %add3A_869, %dma_start3A_875, %dma_start3A_876] : memref<32x10x8x128xi32, #tpu.memory_space<hbm>> -> memref<1x1x8x128xi32, #tpu.memory_space<hbm>>
        %dma_start3A_878 = tpu.memref_squeeze %dma_start3A_877 : memref<1x1x8x128xi32, #tpu.memory_space<hbm>> -> memref<8x128xi32, #tpu.memory_space<hbm>>
        %dma_start3A_879 = arith.constant 0 : i32
        %dma_start3A_880 = arith.constant 0 : i32
        %dma_start3A_881 = tpu.memref_slice %arg7[%dma_start3A_870, %dma_start3A_879, %dma_start3A_880] : memref<2x8x128xi32, #tpu.memory_space<vmem>> -> memref<1x8x128xi32, #tpu.memory_space<vmem>>
        %dma_start3A_882 = tpu.memref_squeeze %dma_start3A_881 : memref<1x8x128xi32, #tpu.memory_space<vmem>> -> memref<8x128xi32, #tpu.memory_space<vmem>>
        %dma_start3A_883 = arith.constant 0 : i32
        %dma_start3A_884 = arith.constant 0 : i32
        %dma_start3A_885 = tpu.memref_slice %arg3[%add3A, %add3A_869, %dma_start3A_883, %dma_start3A_884] : memref<32x10x8x128xi32, #tpu.memory_space<hbm>> -> memref<1x1x8x128xi32, #tpu.memory_space<hbm>>
        %dma_start3A_886 = tpu.memref_squeeze %dma_start3A_885 : memref<1x1x8x128xi32, #tpu.memory_space<hbm>> -> memref<8x128xi32, #tpu.memory_space<hbm>>
        tpu.enqueue_dma source(%dma_start3A_886 : memref<8x128xi32, #tpu.memory_space<hbm>>) target(%dma_start3A_882 : memref<8x128xi32, #tpu.memory_space<vmem>>) target_semaphore(%arg16 : memref<!tpu.dma_semaphore, #tpu.memory_space<semaphore_mem>>)
        %add3A_887 = arith.constant 1 : i32
        %add3A_888 = arith.addi %add3A_88, %add3A_887 : i32
        %dma_start3A_889 = arith.constant 1 : i32
        %dma_start3A_890 = arith.constant 0 : i32
        %dma_start3A_891 = arith.constant 0 : i32
        %dma_start3A_892 = tpu.memref_slice %arg8[%dma_start3A_889, %dma_start3A_890, %dma_start3A_891] : memref<2x8x128xi32, #tpu.memory_space<vmem>> -> memref<1x8x128xi32, #tpu.memory_space<vmem>>
        %dma_start3A_893 = tpu.memref_squeeze %dma_start3A_892 : memref<1x8x128xi32, #tpu.memory_space<vmem>> -> memref<8x128xi32, #tpu.memory_space<vmem>>
        %dma_start3A_894 = arith.constant 0 : i32
        %dma_start3A_895 = arith.constant 0 : i32
        %dma_start3A_896 = tpu.memref_slice %arg4[%add3A, %add3A_888, %dma_start3A_894, %dma_start3A_895] : memref<32x10x8x128xi32, #tpu.memory_space<hbm>> -> memref<1x1x8x128xi32, #tpu.memory_space<hbm>>
        %dma_start3A_897 = tpu.memref_squeeze %dma_start3A_896 : memref<1x1x8x128xi32, #tpu.memory_space<hbm>> -> memref<8x128xi32, #tpu.memory_space<hbm>>
        %dma_start3A_898 = arith.constant 0 : i32
        %dma_start3A_899 = arith.constant 0 : i32
        %dma_start3A_900 = tpu.memref_slice %arg8[%dma_start3A_889, %dma_start3A_898, %dma_start3A_899] : memref<2x8x128xi32, #tpu.memory_space<vmem>> -> memref<1x8x128xi32, #tpu.memory_space<vmem>>
        %dma_start3A_901 = tpu.memref_squeeze %dma_start3A_900 : memref<1x8x128xi32, #tpu.memory_space<vmem>> -> memref<8x128xi32, #tpu.memory_space<vmem>>
        %dma_start3A_902 = arith.constant 0 : i32
        %dma_start3A_903 = arith.constant 0 : i32
        %dma_start3A_904 = tpu.memref_slice %arg4[%add3A, %add3A_888, %dma_start3A_902, %dma_start3A_903] : memref<32x10x8x128xi32, #tpu.memory_space<hbm>> -> memref<1x1x8x128xi32, #tpu.memory_space<hbm>>
        %dma_start3A_905 = tpu.memref_squeeze %dma_start3A_904 : memref<1x1x8x128xi32, #tpu.memory_space<hbm>> -> memref<8x128xi32, #tpu.memory_space<hbm>>
        tpu.enqueue_dma source(%dma_start3A_905 : memref<8x128xi32, #tpu.memory_space<hbm>>) target(%dma_start3A_901 : memref<8x128xi32, #tpu.memory_space<vmem>>) target_semaphore(%arg16 : memref<!tpu.dma_semaphore, #tpu.memory_space<semaphore_mem>>)
      } else {
      }
      %dma_start3A_279 = arith.constant 0 : i32
      %dma_start3A_280 = arith.constant 4 : i32
      %dma_start3A_281 = arith.constant 0 : i32
      %dma_start3A_282 = arith.constant 0 : i32
      %dma_start3A_283 = arith.constant 0 : i32
      %dma_start3A_284 = tpu.memref_slice %arg9[%dma_start3A_281, %dma_start3A_282, %dma_start3A_283] : memref<2x128x128xf32, #tpu.memory_space<vmem>> -> memref<1x128x128xf32, #tpu.memory_space<vmem>>
      %dma_start3A_285 = tpu.memref_squeeze %dma_start3A_284 : memref<1x128x128xf32, #tpu.memory_space<vmem>> -> memref<128x128xf32, #tpu.memory_space<vmem>>
      %dma_start3A_286 = arith.constant 0 : i32
      %dma_start3A_287 = tpu.memref_slice %arg7[%dma_start3A_279, %dma_start3A_280, %dma_start3A_286] : memref<2x8x128xi32, #tpu.memory_space<vmem>> -> memref<1x1x128xi32, #tpu.memory_space<vmem>>
      %dma_start3A_288 = tpu.memref_squeeze %dma_start3A_287 : memref<1x1x128xi32, #tpu.memory_space<vmem>> -> memref<128xi32, #tpu.memory_space<vmem>>
      %dma_start3A_289 = arith.constant 0 : i32
      %dma_start3A_290 = arith.constant 0 : i32
      %dma_start3A_291 = tpu.memref_slice %arg2[%dma_start3A_289, %dma_start3A_290] : memref<10000x128xf32, #tpu.memory_space<hbm>> -> memref<10000x128xf32, #tpu.memory_space<hbm>>
      tpu.enqueue_indirect_dma source(%dma_start3A_291 : memref<10000x128xf32, #tpu.memory_space<hbm>>) target(%dma_start3A_285 : memref<128x128xf32, #tpu.memory_space<vmem>>) offsets(%dma_start3A_288 : memref<128xi32, #tpu.memory_space<vmem>>) semaphore(%arg11 : memref<!tpu.dma_semaphore, #tpu.memory_space<semaphore_mem>>)
      %dma_wait3A_292 = arith.constant 0 : i32
      %dma_wait3A_293 = arith.constant 3 : i32
      %dma_wait3A_294 = arith.constant 1 : i32
      %dma_wait3A_295 = arith.constant 0 : i32
      %dma_wait3A_296 = arith.constant 0 : i32
      %dma_wait3A_297 = tpu.memref_slice %arg9[%dma_wait3A_294, %dma_wait3A_295, %dma_wait3A_296] : memref<2x128x128xf32, #tpu.memory_space<vmem>> -> memref<1x128x128xf32, #tpu.memory_space<vmem>>
      %dma_wait3A_298 = tpu.memref_squeeze %dma_wait3A_297 : memref<1x128x128xf32, #tpu.memory_space<vmem>> -> memref<128x128xf32, #tpu.memory_space<vmem>>
      %dma_wait3A_299 = arith.constant 0 : i32
      %dma_wait3A_300 = tpu.memref_slice %arg7[%dma_wait3A_292, %dma_wait3A_293, %dma_wait3A_299] : memref<2x8x128xi32, #tpu.memory_space<vmem>> -> memref<1x1x128xi32, #tpu.memory_space<vmem>>
      %dma_wait3A_301 = tpu.memref_squeeze %dma_wait3A_300 : memref<1x1x128xi32, #tpu.memory_space<vmem>> -> memref<128xi32, #tpu.memory_space<vmem>>
      %dma_wait3A_302 = arith.constant 0 : i32
      %dma_wait3A_303 = arith.constant 0 : i32
      %dma_wait3A_304 = tpu.memref_slice %arg2[%dma_wait3A_302, %dma_wait3A_303] : memref<10000x128xf32, #tpu.memory_space<hbm>> -> memref<10000x128xf32, #tpu.memory_space<hbm>>
      tpu.wait_indirect_dma semaphore(%arg12 : memref<!tpu.dma_semaphore, #tpu.memory_space<semaphore_mem>>) src(%dma_wait3A_304 : memref<10000x128xf32, #tpu.memory_space<hbm>>) dst(%dma_wait3A_298 : memref<128x128xf32, #tpu.memory_space<vmem>>)
      %dma_start3A_305 = arith.constant 1 : i32
      %dma_start3A_306 = arith.constant 0 : i32
      %dma_start3A_307 = arith.constant 3 : i32
      %dma_start3A_308 = arith.constant 0 : i32
      %dma_start3A_309 = arith.constant 0 : i32
      %dma_start3A_310 = tpu.memref_slice %arg9[%dma_start3A_305, %dma_start3A_308, %dma_start3A_309] : memref<2x128x128xf32, #tpu.memory_space<vmem>> -> memref<1x128x128xf32, #tpu.memory_space<vmem>>
      %dma_start3A_311 = tpu.memref_squeeze %dma_start3A_310 : memref<1x128x128xf32, #tpu.memory_space<vmem>> -> memref<128x128xf32, #tpu.memory_space<vmem>>
      %dma_start3A_312 = arith.constant 0 : i32
      %dma_start3A_313 = tpu.memref_slice %arg8[%dma_start3A_306, %dma_start3A_307, %dma_start3A_312] : memref<2x8x128xi32, #tpu.memory_space<vmem>> -> memref<1x1x128xi32, #tpu.memory_space<vmem>>
      %dma_start3A_314 = tpu.memref_squeeze %dma_start3A_313 : memref<1x1x128xi32, #tpu.memory_space<vmem>> -> memref<128xi32, #tpu.memory_space<vmem>>
      %dma_start3A_315 = arith.constant 0 : i32
      %dma_start3A_316 = arith.constant 0 : i32
      %dma_start3A_317 = tpu.memref_slice %arg10[%dma_start3A_315, %dma_start3A_316] : memref<10112x128xf32, #tpu.memory_space<vmem_shared>> -> memref<10112x128xf32, #tpu.memory_space<vmem_shared>>
      tpu.enqueue_indirect_dma source(%dma_start3A_311 : memref<128x128xf32, #tpu.memory_space<vmem>>) target(%dma_start3A_317 : memref<10112x128xf32, #tpu.memory_space<vmem_shared>>) offsets(%dma_start3A_314 : memref<128xi32, #tpu.memory_space<vmem>>) semaphore(%arg14 : memref<!tpu.dma_semaphore, #tpu.memory_space<semaphore_mem>>) {add = true}
      %dma_wait3A_318 = arith.constant 1 : i32
      %dma_wait3A_319 = arith.constant 0 : i32
      %dma_wait3A_320 = arith.constant 3 : i32
      %dma_wait3A_321 = arith.constant 0 : i32
      %dma_wait3A_322 = arith.constant 0 : i32
      %dma_wait3A_323 = tpu.memref_slice %arg9[%dma_wait3A_318, %dma_wait3A_321, %dma_wait3A_322] : memref<2x128x128xf32, #tpu.memory_space<vmem>> -> memref<1x128x128xf32, #tpu.memory_space<vmem>>
      %dma_wait3A_324 = tpu.memref_squeeze %dma_wait3A_323 : memref<1x128x128xf32, #tpu.memory_space<vmem>> -> memref<128x128xf32, #tpu.memory_space<vmem>>
      %dma_wait3A_325 = arith.constant 0 : i32
      %dma_wait3A_326 = tpu.memref_slice %arg8[%dma_wait3A_319, %dma_wait3A_320, %dma_wait3A_325] : memref<2x8x128xi32, #tpu.memory_space<vmem>> -> memref<1x1x128xi32, #tpu.memory_space<vmem>>
      %dma_wait3A_327 = tpu.memref_squeeze %dma_wait3A_326 : memref<1x1x128xi32, #tpu.memory_space<vmem>> -> memref<128xi32, #tpu.memory_space<vmem>>
      %dma_wait3A_328 = arith.constant 0 : i32
      %dma_wait3A_329 = arith.constant 0 : i32
      %dma_wait3A_330 = tpu.memref_slice %arg10[%dma_wait3A_328, %dma_wait3A_329] : memref<10112x128xf32, #tpu.memory_space<vmem_shared>> -> memref<10112x128xf32, #tpu.memory_space<vmem_shared>>
      tpu.wait_indirect_dma semaphore(%arg14 : memref<!tpu.dma_semaphore, #tpu.memory_space<semaphore_mem>>) src(%dma_wait3A_324 : memref<128x128xf32, #tpu.memory_space<vmem>>) dst(%dma_wait3A_330 : memref<10112x128xf32, #tpu.memory_space<vmem_shared>>)
      %dma_start3A_331 = arith.constant 0 : i32
      %dma_start3A_332 = arith.constant 5 : i32
      %dma_start3A_333 = arith.constant 1 : i32
      %dma_start3A_334 = arith.constant 0 : i32
      %dma_start3A_335 = arith.constant 0 : i32
      %dma_start3A_336 = tpu.memref_slice %arg9[%dma_start3A_333, %dma_start3A_334, %dma_start3A_335] : memref<2x128x128xf32, #tpu.memory_space<vmem>> -> memref<1x128x128xf32, #tpu.memory_space<vmem>>
      %dma_start3A_337 = tpu.memref_squeeze %dma_start3A_336 : memref<1x128x128xf32, #tpu.memory_space<vmem>> -> memref<128x128xf32, #tpu.memory_space<vmem>>
      %dma_start3A_338 = arith.constant 0 : i32
      %dma_start3A_339 = tpu.memref_slice %arg7[%dma_start3A_331, %dma_start3A_332, %dma_start3A_338] : memref<2x8x128xi32, #tpu.memory_space<vmem>> -> memref<1x1x128xi32, #tpu.memory_space<vmem>>
      %dma_start3A_340 = tpu.memref_squeeze %dma_start3A_339 : memref<1x1x128xi32, #tpu.memory_space<vmem>> -> memref<128xi32, #tpu.memory_space<vmem>>
      %dma_start3A_341 = arith.constant 0 : i32
      %dma_start3A_342 = arith.constant 0 : i32
      %dma_start3A_343 = tpu.memref_slice %arg2[%dma_start3A_341, %dma_start3A_342] : memref<10000x128xf32, #tpu.memory_space<hbm>> -> memref<10000x128xf32, #tpu.memory_space<hbm>>
      tpu.enqueue_indirect_dma source(%dma_start3A_343 : memref<10000x128xf32, #tpu.memory_space<hbm>>) target(%dma_start3A_337 : memref<128x128xf32, #tpu.memory_space<vmem>>) offsets(%dma_start3A_340 : memref<128xi32, #tpu.memory_space<vmem>>) semaphore(%arg12 : memref<!tpu.dma_semaphore, #tpu.memory_space<semaphore_mem>>)
      %dma_wait3A_344 = arith.constant 0 : i32
      %dma_wait3A_345 = arith.constant 4 : i32
      %dma_wait3A_346 = arith.constant 0 : i32
      %dma_wait3A_347 = arith.constant 0 : i32
      %dma_wait3A_348 = arith.constant 0 : i32
      %dma_wait3A_349 = tpu.memref_slice %arg9[%dma_wait3A_346, %dma_wait3A_347, %dma_wait3A_348] : memref<2x128x128xf32, #tpu.memory_space<vmem>> -> memref<1x128x128xf32, #tpu.memory_space<vmem>>
      %dma_wait3A_350 = tpu.memref_squeeze %dma_wait3A_349 : memref<1x128x128xf32, #tpu.memory_space<vmem>> -> memref<128x128xf32, #tpu.memory_space<vmem>>
      %dma_wait3A_351 = arith.constant 0 : i32
      %dma_wait3A_352 = tpu.memref_slice %arg7[%dma_wait3A_344, %dma_wait3A_345, %dma_wait3A_351] : memref<2x8x128xi32, #tpu.memory_space<vmem>> -> memref<1x1x128xi32, #tpu.memory_space<vmem>>
      %dma_wait3A_353 = tpu.memref_squeeze %dma_wait3A_352 : memref<1x1x128xi32, #tpu.memory_space<vmem>> -> memref<128xi32, #tpu.memory_space<vmem>>
      %dma_wait3A_354 = arith.constant 0 : i32
      %dma_wait3A_355 = arith.constant 0 : i32
      %dma_wait3A_356 = tpu.memref_slice %arg2[%dma_wait3A_354, %dma_wait3A_355] : memref<10000x128xf32, #tpu.memory_space<hbm>> -> memref<10000x128xf32, #tpu.memory_space<hbm>>
      tpu.wait_indirect_dma semaphore(%arg11 : memref<!tpu.dma_semaphore, #tpu.memory_space<semaphore_mem>>) src(%dma_wait3A_356 : memref<10000x128xf32, #tpu.memory_space<hbm>>) dst(%dma_wait3A_350 : memref<128x128xf32, #tpu.memory_space<vmem>>)
      %dma_start3A_357 = arith.constant 0 : i32
      %dma_start3A_358 = arith.constant 0 : i32
      %dma_start3A_359 = arith.constant 4 : i32
      %dma_start3A_360 = arith.constant 0 : i32
      %dma_start3A_361 = arith.constant 0 : i32
      %dma_start3A_362 = tpu.memref_slice %arg9[%dma_start3A_357, %dma_start3A_360, %dma_start3A_361] : memref<2x128x128xf32, #tpu.memory_space<vmem>> -> memref<1x128x128xf32, #tpu.memory_space<vmem>>
      %dma_start3A_363 = tpu.memref_squeeze %dma_start3A_362 : memref<1x128x128xf32, #tpu.memory_space<vmem>> -> memref<128x128xf32, #tpu.memory_space<vmem>>
      %dma_start3A_364 = arith.constant 0 : i32
      %dma_start3A_365 = tpu.memref_slice %arg8[%dma_start3A_358, %dma_start3A_359, %dma_start3A_364] : memref<2x8x128xi32, #tpu.memory_space<vmem>> -> memref<1x1x128xi32, #tpu.memory_space<vmem>>
      %dma_start3A_366 = tpu.memref_squeeze %dma_start3A_365 : memref<1x1x128xi32, #tpu.memory_space<vmem>> -> memref<128xi32, #tpu.memory_space<vmem>>
      %dma_start3A_367 = arith.constant 0 : i32
      %dma_start3A_368 = arith.constant 0 : i32
      %dma_start3A_369 = tpu.memref_slice %arg10[%dma_start3A_367, %dma_start3A_368] : memref<10112x128xf32, #tpu.memory_space<vmem_shared>> -> memref<10112x128xf32, #tpu.memory_space<vmem_shared>>
      tpu.enqueue_indirect_dma source(%dma_start3A_363 : memref<128x128xf32, #tpu.memory_space<vmem>>) target(%dma_start3A_369 : memref<10112x128xf32, #tpu.memory_space<vmem_shared>>) offsets(%dma_start3A_366 : memref<128xi32, #tpu.memory_space<vmem>>) semaphore(%arg13 : memref<!tpu.dma_semaphore, #tpu.memory_space<semaphore_mem>>) {add = true}
      %dma_wait3A_370 = arith.constant 0 : i32
      %dma_wait3A_371 = arith.constant 0 : i32
      %dma_wait3A_372 = arith.constant 4 : i32
      %dma_wait3A_373 = arith.constant 0 : i32
      %dma_wait3A_374 = arith.constant 0 : i32
      %dma_wait3A_375 = tpu.memref_slice %arg9[%dma_wait3A_370, %dma_wait3A_373, %dma_wait3A_374] : memref<2x128x128xf32, #tpu.memory_space<vmem>> -> memref<1x128x128xf32, #tpu.memory_space<vmem>>
      %dma_wait3A_376 = tpu.memref_squeeze %dma_wait3A_375 : memref<1x128x128xf32, #tpu.memory_space<vmem>> -> memref<128x128xf32, #tpu.memory_space<vmem>>
      %dma_wait3A_377 = arith.constant 0 : i32
      %dma_wait3A_378 = tpu.memref_slice %arg8[%dma_wait3A_371, %dma_wait3A_372, %dma_wait3A_377] : memref<2x8x128xi32, #tpu.memory_space<vmem>> -> memref<1x1x128xi32, #tpu.memory_space<vmem>>
      %dma_wait3A_379 = tpu.memref_squeeze %dma_wait3A_378 : memref<1x1x128xi32, #tpu.memory_space<vmem>> -> memref<128xi32, #tpu.memory_space<vmem>>
      %dma_wait3A_380 = arith.constant 0 : i32
      %dma_wait3A_381 = arith.constant 0 : i32
      %dma_wait3A_382 = tpu.memref_slice %arg10[%dma_wait3A_380, %dma_wait3A_381] : memref<10112x128xf32, #tpu.memory_space<vmem_shared>> -> memref<10112x128xf32, #tpu.memory_space<vmem_shared>>
      tpu.wait_indirect_dma semaphore(%arg13 : memref<!tpu.dma_semaphore, #tpu.memory_space<semaphore_mem>>) src(%dma_wait3A_376 : memref<128x128xf32, #tpu.memory_space<vmem>>) dst(%dma_wait3A_382 : memref<10112x128xf32, #tpu.memory_space<vmem_shared>>)
      %dma_start3A_383 = arith.constant 0 : i32
      %dma_start3A_384 = arith.constant 6 : i32
      %dma_start3A_385 = arith.constant 0 : i32
      %dma_start3A_386 = arith.constant 0 : i32
      %dma_start3A_387 = arith.constant 0 : i32
      %dma_start3A_388 = tpu.memref_slice %arg9[%dma_start3A_385, %dma_start3A_386, %dma_start3A_387] : memref<2x128x128xf32, #tpu.memory_space<vmem>> -> memref<1x128x128xf32, #tpu.memory_space<vmem>>
      %dma_start3A_389 = tpu.memref_squeeze %dma_start3A_388 : memref<1x128x128xf32, #tpu.memory_space<vmem>> -> memref<128x128xf32, #tpu.memory_space<vmem>>
      %dma_start3A_390 = arith.constant 0 : i32
      %dma_start3A_391 = tpu.memref_slice %arg7[%dma_start3A_383, %dma_start3A_384, %dma_start3A_390] : memref<2x8x128xi32, #tpu.memory_space<vmem>> -> memref<1x1x128xi32, #tpu.memory_space<vmem>>
      %dma_start3A_392 = tpu.memref_squeeze %dma_start3A_391 : memref<1x1x128xi32, #tpu.memory_space<vmem>> -> memref<128xi32, #tpu.memory_space<vmem>>
      %dma_start3A_393 = arith.constant 0 : i32
      %dma_start3A_394 = arith.constant 0 : i32
      %dma_start3A_395 = tpu.memref_slice %arg2[%dma_start3A_393, %dma_start3A_394] : memref<10000x128xf32, #tpu.memory_space<hbm>> -> memref<10000x128xf32, #tpu.memory_space<hbm>>
      tpu.enqueue_indirect_dma source(%dma_start3A_395 : memref<10000x128xf32, #tpu.memory_space<hbm>>) target(%dma_start3A_389 : memref<128x128xf32, #tpu.memory_space<vmem>>) offsets(%dma_start3A_392 : memref<128xi32, #tpu.memory_space<vmem>>) semaphore(%arg11 : memref<!tpu.dma_semaphore, #tpu.memory_space<semaphore_mem>>)
      %dma_wait3A_396 = arith.constant 0 : i32
      %dma_wait3A_397 = arith.constant 5 : i32
      %dma_wait3A_398 = arith.constant 1 : i32
      %dma_wait3A_399 = arith.constant 0 : i32
      %dma_wait3A_400 = arith.constant 0 : i32
      %dma_wait3A_401 = tpu.memref_slice %arg9[%dma_wait3A_398, %dma_wait3A_399, %dma_wait3A_400] : memref<2x128x128xf32, #tpu.memory_space<vmem>> -> memref<1x128x128xf32, #tpu.memory_space<vmem>>
      %dma_wait3A_402 = tpu.memref_squeeze %dma_wait3A_401 : memref<1x128x128xf32, #tpu.memory_space<vmem>> -> memref<128x128xf32, #tpu.memory_space<vmem>>
      %dma_wait3A_403 = arith.constant 0 : i32
      %dma_wait3A_404 = tpu.memref_slice %arg7[%dma_wait3A_396, %dma_wait3A_397, %dma_wait3A_403] : memref<2x8x128xi32, #tpu.memory_space<vmem>> -> memref<1x1x128xi32, #tpu.memory_space<vmem>>
      %dma_wait3A_405 = tpu.memref_squeeze %dma_wait3A_404 : memref<1x1x128xi32, #tpu.memory_space<vmem>> -> memref<128xi32, #tpu.memory_space<vmem>>
      %dma_wait3A_406 = arith.constant 0 : i32
      %dma_wait3A_407 = arith.constant 0 : i32
      %dma_wait3A_408 = tpu.memref_slice %arg2[%dma_wait3A_406, %dma_wait3A_407] : memref<10000x128xf32, #tpu.memory_space<hbm>> -> memref<10000x128xf32, #tpu.memory_space<hbm>>
      tpu.wait_indirect_dma semaphore(%arg12 : memref<!tpu.dma_semaphore, #tpu.memory_space<semaphore_mem>>) src(%dma_wait3A_408 : memref<10000x128xf32, #tpu.memory_space<hbm>>) dst(%dma_wait3A_402 : memref<128x128xf32, #tpu.memory_space<vmem>>)
      %dma_start3A_409 = arith.constant 1 : i32
      %dma_start3A_410 = arith.constant 0 : i32
      %dma_start3A_411 = arith.constant 5 : i32
      %dma_start3A_412 = arith.constant 0 : i32
      %dma_start3A_413 = arith.constant 0 : i32
      %dma_start3A_414 = tpu.memref_slice %arg9[%dma_start3A_409, %dma_start3A_412, %dma_start3A_413] : memref<2x128x128xf32, #tpu.memory_space<vmem>> -> memref<1x128x128xf32, #tpu.memory_space<vmem>>
      %dma_start3A_415 = tpu.memref_squeeze %dma_start3A_414 : memref<1x128x128xf32, #tpu.memory_space<vmem>> -> memref<128x128xf32, #tpu.memory_space<vmem>>
      %dma_start3A_416 = arith.constant 0 : i32
      %dma_start3A_417 = tpu.memref_slice %arg8[%dma_start3A_410, %dma_start3A_411, %dma_start3A_416] : memref<2x8x128xi32, #tpu.memory_space<vmem>> -> memref<1x1x128xi32, #tpu.memory_space<vmem>>
      %dma_start3A_418 = tpu.memref_squeeze %dma_start3A_417 : memref<1x1x128xi32, #tpu.memory_space<vmem>> -> memref<128xi32, #tpu.memory_space<vmem>>
      %dma_start3A_419 = arith.constant 0 : i32
      %dma_start3A_420 = arith.constant 0 : i32
      %dma_start3A_421 = tpu.memref_slice %arg10[%dma_start3A_419, %dma_start3A_420] : memref<10112x128xf32, #tpu.memory_space<vmem_shared>> -> memref<10112x128xf32, #tpu.memory_space<vmem_shared>>
      tpu.enqueue_indirect_dma source(%dma_start3A_415 : memref<128x128xf32, #tpu.memory_space<vmem>>) target(%dma_start3A_421 : memref<10112x128xf32, #tpu.memory_space<vmem_shared>>) offsets(%dma_start3A_418 : memref<128xi32, #tpu.memory_space<vmem>>) semaphore(%arg14 : memref<!tpu.dma_semaphore, #tpu.memory_space<semaphore_mem>>) {add = true}
      %dma_wait3A_422 = arith.constant 1 : i32
      %dma_wait3A_423 = arith.constant 0 : i32
      %dma_wait3A_424 = arith.constant 5 : i32
      %dma_wait3A_425 = arith.constant 0 : i32
      %dma_wait3A_426 = arith.constant 0 : i32
      %dma_wait3A_427 = tpu.memref_slice %arg9[%dma_wait3A_422, %dma_wait3A_425, %dma_wait3A_426] : memref<2x128x128xf32, #tpu.memory_space<vmem>> -> memref<1x128x128xf32, #tpu.memory_space<vmem>>
      %dma_wait3A_428 = tpu.memref_squeeze %dma_wait3A_427 : memref<1x128x128xf32, #tpu.memory_space<vmem>> -> memref<128x128xf32, #tpu.memory_space<vmem>>
      %dma_wait3A_429 = arith.constant 0 : i32
      %dma_wait3A_430 = tpu.memref_slice %arg8[%dma_wait3A_423, %dma_wait3A_424, %dma_wait3A_429] : memref<2x8x128xi32, #tpu.memory_space<vmem>> -> memref<1x1x128xi32, #tpu.memory_space<vmem>>
      %dma_wait3A_431 = tpu.memref_squeeze %dma_wait3A_430 : memref<1x1x128xi32, #tpu.memory_space<vmem>> -> memref<128xi32, #tpu.memory_space<vmem>>
      %dma_wait3A_432 = arith.constant 0 : i32
      %dma_wait3A_433 = arith.constant 0 : i32
      %dma_wait3A_434 = tpu.memref_slice %arg10[%dma_wait3A_432, %dma_wait3A_433] : memref<10112x128xf32, #tpu.memory_space<vmem_shared>> -> memref<10112x128xf32, #tpu.memory_space<vmem_shared>>
      tpu.wait_indirect_dma semaphore(%arg14 : memref<!tpu.dma_semaphore, #tpu.memory_space<semaphore_mem>>) src(%dma_wait3A_428 : memref<128x128xf32, #tpu.memory_space<vmem>>) dst(%dma_wait3A_434 : memref<10112x128xf32, #tpu.memory_space<vmem_shared>>)
      %dma_start3A_435 = arith.constant 0 : i32
      %dma_start3A_436 = arith.constant 7 : i32
      %dma_start3A_437 = arith.constant 1 : i32
      %dma_start3A_438 = arith.constant 0 : i32
      %dma_start3A_439 = arith.constant 0 : i32
      %dma_start3A_440 = tpu.memref_slice %arg9[%dma_start3A_437, %dma_start3A_438, %dma_start3A_439] : memref<2x128x128xf32, #tpu.memory_space<vmem>> -> memref<1x128x128xf32, #tpu.memory_space<vmem>>
      %dma_start3A_441 = tpu.memref_squeeze %dma_start3A_440 : memref<1x128x128xf32, #tpu.memory_space<vmem>> -> memref<128x128xf32, #tpu.memory_space<vmem>>
      %dma_start3A_442 = arith.constant 0 : i32
      %dma_start3A_443 = tpu.memref_slice %arg7[%dma_start3A_435, %dma_start3A_436, %dma_start3A_442] : memref<2x8x128xi32, #tpu.memory_space<vmem>> -> memref<1x1x128xi32, #tpu.memory_space<vmem>>
      %dma_start3A_444 = tpu.memref_squeeze %dma_start3A_443 : memref<1x1x128xi32, #tpu.memory_space<vmem>> -> memref<128xi32, #tpu.memory_space<vmem>>
      %dma_start3A_445 = arith.constant 0 : i32
      %dma_start3A_446 = arith.constant 0 : i32
      %dma_start3A_447 = tpu.memref_slice %arg2[%dma_start3A_445, %dma_start3A_446] : memref<10000x128xf32, #tpu.memory_space<hbm>> -> memref<10000x128xf32, #tpu.memory_space<hbm>>
      tpu.enqueue_indirect_dma source(%dma_start3A_447 : memref<10000x128xf32, #tpu.memory_space<hbm>>) target(%dma_start3A_441 : memref<128x128xf32, #tpu.memory_space<vmem>>) offsets(%dma_start3A_444 : memref<128xi32, #tpu.memory_space<vmem>>) semaphore(%arg12 : memref<!tpu.dma_semaphore, #tpu.memory_space<semaphore_mem>>)
      %dma_wait3A_448 = arith.constant 0 : i32
      %dma_wait3A_449 = arith.constant 6 : i32
      %dma_wait3A_450 = arith.constant 0 : i32
      %dma_wait3A_451 = arith.constant 0 : i32
      %dma_wait3A_452 = arith.constant 0 : i32
      %dma_wait3A_453 = tpu.memref_slice %arg9[%dma_wait3A_450, %dma_wait3A_451, %dma_wait3A_452] : memref<2x128x128xf32, #tpu.memory_space<vmem>> -> memref<1x128x128xf32, #tpu.memory_space<vmem>>
      %dma_wait3A_454 = tpu.memref_squeeze %dma_wait3A_453 : memref<1x128x128xf32, #tpu.memory_space<vmem>> -> memref<128x128xf32, #tpu.memory_space<vmem>>
      %dma_wait3A_455 = arith.constant 0 : i32
      %dma_wait3A_456 = tpu.memref_slice %arg7[%dma_wait3A_448, %dma_wait3A_449, %dma_wait3A_455] : memref<2x8x128xi32, #tpu.memory_space<vmem>> -> memref<1x1x128xi32, #tpu.memory_space<vmem>>
      %dma_wait3A_457 = tpu.memref_squeeze %dma_wait3A_456 : memref<1x1x128xi32, #tpu.memory_space<vmem>> -> memref<128xi32, #tpu.memory_space<vmem>>
      %dma_wait3A_458 = arith.constant 0 : i32
      %dma_wait3A_459 = arith.constant 0 : i32
      %dma_wait3A_460 = tpu.memref_slice %arg2[%dma_wait3A_458, %dma_wait3A_459] : memref<10000x128xf32, #tpu.memory_space<hbm>> -> memref<10000x128xf32, #tpu.memory_space<hbm>>
      tpu.wait_indirect_dma semaphore(%arg11 : memref<!tpu.dma_semaphore, #tpu.memory_space<semaphore_mem>>) src(%dma_wait3A_460 : memref<10000x128xf32, #tpu.memory_space<hbm>>) dst(%dma_wait3A_454 : memref<128x128xf32, #tpu.memory_space<vmem>>)
      %dma_start3A_461 = arith.constant 0 : i32
      %dma_start3A_462 = arith.constant 0 : i32
      %dma_start3A_463 = arith.constant 6 : i32
      %dma_start3A_464 = arith.constant 0 : i32
      %dma_start3A_465 = arith.constant 0 : i32
      %dma_start3A_466 = tpu.memref_slice %arg9[%dma_start3A_461, %dma_start3A_464, %dma_start3A_465] : memref<2x128x128xf32, #tpu.memory_space<vmem>> -> memref<1x128x128xf32, #tpu.memory_space<vmem>>
      %dma_start3A_467 = tpu.memref_squeeze %dma_start3A_466 : memref<1x128x128xf32, #tpu.memory_space<vmem>> -> memref<128x128xf32, #tpu.memory_space<vmem>>
      %dma_start3A_468 = arith.constant 0 : i32
      %dma_start3A_469 = tpu.memref_slice %arg8[%dma_start3A_462, %dma_start3A_463, %dma_start3A_468] : memref<2x8x128xi32, #tpu.memory_space<vmem>> -> memref<1x1x128xi32, #tpu.memory_space<vmem>>
      %dma_start3A_470 = tpu.memref_squeeze %dma_start3A_469 : memref<1x1x128xi32, #tpu.memory_space<vmem>> -> memref<128xi32, #tpu.memory_space<vmem>>
      %dma_start3A_471 = arith.constant 0 : i32
      %dma_start3A_472 = arith.constant 0 : i32
      %dma_start3A_473 = tpu.memref_slice %arg10[%dma_start3A_471, %dma_start3A_472] : memref<10112x128xf32, #tpu.memory_space<vmem_shared>> -> memref<10112x128xf32, #tpu.memory_space<vmem_shared>>
      tpu.enqueue_indirect_dma source(%dma_start3A_467 : memref<128x128xf32, #tpu.memory_space<vmem>>) target(%dma_start3A_473 : memref<10112x128xf32, #tpu.memory_space<vmem_shared>>) offsets(%dma_start3A_470 : memref<128xi32, #tpu.memory_space<vmem>>) semaphore(%arg13 : memref<!tpu.dma_semaphore, #tpu.memory_space<semaphore_mem>>) {add = true}
      %mul3A_474 = arith.constant 2 : i32
      %mul3A_475 = arith.muli %mul3A_474, %scan3A_83 : i32
      %add3A_476 = arith.constant 1 : i32
      %add3A_477 = arith.addi %mul3A_475, %add3A_476 : i32
      %gt3A_478 = arith.constant 0 : i32
      %gt3A_479 = arith.cmpi sgt, %add3A_477, %gt3A_478 : i32
      %convert_element_type3A_480 = arith.extui %gt3A_479 : i1 to i32
      %cond3A_481 = arith.constant 0 : i32
      %cond3A_482 = arith.cmpi ne, %convert_element_type3A_480, %cond3A_481 : i32
      scf.if %cond3A_482 {
        %dma_wait3A_868 = arith.constant 0 : i32
        %dma_wait3A_869 = arith.constant 0 : i32
        %dma_wait3A_870 = arith.constant 6 : i32
        %dma_wait3A_871 = arith.constant 0 : i32
        %dma_wait3A_872 = arith.constant 0 : i32
        %dma_wait3A_873 = tpu.memref_slice %arg9[%dma_wait3A_868, %dma_wait3A_871, %dma_wait3A_872] : memref<2x128x128xf32, #tpu.memory_space<vmem>> -> memref<1x128x128xf32, #tpu.memory_space<vmem>>
        %dma_wait3A_874 = tpu.memref_squeeze %dma_wait3A_873 : memref<1x128x128xf32, #tpu.memory_space<vmem>> -> memref<128x128xf32, #tpu.memory_space<vmem>>
        %dma_wait3A_875 = arith.constant 0 : i32
        %dma_wait3A_876 = tpu.memref_slice %arg8[%dma_wait3A_869, %dma_wait3A_870, %dma_wait3A_875] : memref<2x8x128xi32, #tpu.memory_space<vmem>> -> memref<1x1x128xi32, #tpu.memory_space<vmem>>
        %dma_wait3A_877 = tpu.memref_squeeze %dma_wait3A_876 : memref<1x1x128xi32, #tpu.memory_space<vmem>> -> memref<128xi32, #tpu.memory_space<vmem>>
        %dma_wait3A_878 = arith.constant 0 : i32
        %dma_wait3A_879 = arith.constant 0 : i32
        %dma_wait3A_880 = tpu.memref_slice %arg10[%dma_wait3A_878, %dma_wait3A_879] : memref<10112x128xf32, #tpu.memory_space<vmem_shared>> -> memref<10112x128xf32, #tpu.memory_space<vmem_shared>>
        tpu.wait_indirect_dma semaphore(%arg13 : memref<!tpu.dma_semaphore, #tpu.memory_space<semaphore_mem>>) src(%dma_wait3A_874 : memref<128x128xf32, #tpu.memory_space<vmem>>) dst(%dma_wait3A_880 : memref<10112x128xf32, #tpu.memory_space<vmem_shared>>)
      } else {
      }
      %gt3A_483 = arith.constant 0 : i32
      %gt3A_484 = arith.cmpi sgt, %add3A_477, %gt3A_483 : i32
      %convert_element_type3A_485 = arith.extui %gt3A_484 : i1 to i32
      %cond3A_486 = arith.constant 0 : i32
      %cond3A_487 = arith.cmpi ne, %convert_element_type3A_485, %cond3A_486 : i32
      scf.if %cond3A_487 {
        %dma_wait3A_868 = arith.constant 1 : i32
        %dma_wait3A_869 = arith.constant 0 : i32
        %dma_wait3A_870 = arith.constant 0 : i32
        %dma_wait3A_871 = tpu.memref_slice %arg7[%dma_wait3A_868, %dma_wait3A_869, %dma_wait3A_870] : memref<2x8x128xi32, #tpu.memory_space<vmem>> -> memref<1x8x128xi32, #tpu.memory_space<vmem>>
        %dma_wait3A_872 = tpu.memref_squeeze %dma_wait3A_871 : memref<1x8x128xi32, #tpu.memory_space<vmem>> -> memref<8x128xi32, #tpu.memory_space<vmem>>
        %dma_wait3A_873 = arith.constant 0 : i32
        %dma_wait3A_874 = arith.constant 0 : i32
        %dma_wait3A_875 = tpu.memref_slice %arg3[%add3A, %add3A_477, %dma_wait3A_873, %dma_wait3A_874] : memref<32x10x8x128xi32, #tpu.memory_space<hbm>> -> memref<1x1x8x128xi32, #tpu.memory_space<hbm>>
        %dma_wait3A_876 = tpu.memref_squeeze %dma_wait3A_875 : memref<1x1x8x128xi32, #tpu.memory_space<hbm>> -> memref<8x128xi32, #tpu.memory_space<hbm>>
        %dma_wait3A_877 = arith.constant 0 : i32
        %dma_wait3A_878 = arith.constant 0 : i32
        %dma_wait3A_879 = tpu.memref_slice %arg7[%dma_wait3A_868, %dma_wait3A_877, %dma_wait3A_878] : memref<2x8x128xi32, #tpu.memory_space<vmem>> -> memref<1x8x128xi32, #tpu.memory_space<vmem>>
        %dma_wait3A_880 = tpu.memref_squeeze %dma_wait3A_879 : memref<1x8x128xi32, #tpu.memory_space<vmem>> -> memref<8x128xi32, #tpu.memory_space<vmem>>
        %dma_wait3A_881 = arith.constant 0 : i32
        %dma_wait3A_882 = arith.constant 0 : i32
        %dma_wait3A_883 = tpu.memref_slice %arg3[%add3A, %add3A_477, %dma_wait3A_881, %dma_wait3A_882] : memref<32x10x8x128xi32, #tpu.memory_space<hbm>> -> memref<1x1x8x128xi32, #tpu.memory_space<hbm>>
        %dma_wait3A_884 = tpu.memref_squeeze %dma_wait3A_883 : memref<1x1x8x128xi32, #tpu.memory_space<hbm>> -> memref<8x128xi32, #tpu.memory_space<hbm>>
        tpu.wait_dma2 semaphore(%arg16 : memref<!tpu.dma_semaphore, #tpu.memory_space<semaphore_mem>>) src(%dma_wait3A_884 : memref<8x128xi32, #tpu.memory_space<hbm>>) dst(%dma_wait3A_880 : memref<8x128xi32, #tpu.memory_space<vmem>>)
        %dma_wait3A_885 = arith.constant 1 : i32
        %dma_wait3A_886 = arith.constant 0 : i32
        %dma_wait3A_887 = arith.constant 0 : i32
        %dma_wait3A_888 = tpu.memref_slice %arg8[%dma_wait3A_885, %dma_wait3A_886, %dma_wait3A_887] : memref<2x8x128xi32, #tpu.memory_space<vmem>> -> memref<1x8x128xi32, #tpu.memory_space<vmem>>
        %dma_wait3A_889 = tpu.memref_squeeze %dma_wait3A_888 : memref<1x8x128xi32, #tpu.memory_space<vmem>> -> memref<8x128xi32, #tpu.memory_space<vmem>>
        %dma_wait3A_890 = arith.constant 0 : i32
        %dma_wait3A_891 = arith.constant 0 : i32
        %dma_wait3A_892 = tpu.memref_slice %arg4[%add3A, %add3A_477, %dma_wait3A_890, %dma_wait3A_891] : memref<32x10x8x128xi32, #tpu.memory_space<hbm>> -> memref<1x1x8x128xi32, #tpu.memory_space<hbm>>
        %dma_wait3A_893 = tpu.memref_squeeze %dma_wait3A_892 : memref<1x1x8x128xi32, #tpu.memory_space<hbm>> -> memref<8x128xi32, #tpu.memory_space<hbm>>
        %dma_wait3A_894 = arith.constant 0 : i32
        %dma_wait3A_895 = arith.constant 0 : i32
        %dma_wait3A_896 = tpu.memref_slice %arg8[%dma_wait3A_885, %dma_wait3A_894, %dma_wait3A_895] : memref<2x8x128xi32, #tpu.memory_space<vmem>> -> memref<1x8x128xi32, #tpu.memory_space<vmem>>
        %dma_wait3A_897 = tpu.memref_squeeze %dma_wait3A_896 : memref<1x8x128xi32, #tpu.memory_space<vmem>> -> memref<8x128xi32, #tpu.memory_space<vmem>>
        %dma_wait3A_898 = arith.constant 0 : i32
        %dma_wait3A_899 = arith.constant 0 : i32
        %dma_wait3A_900 = tpu.memref_slice %arg4[%add3A, %add3A_477, %dma_wait3A_898, %dma_wait3A_899] : memref<32x10x8x128xi32, #tpu.memory_space<hbm>> -> memref<1x1x8x128xi32, #tpu.memory_space<hbm>>
        %dma_wait3A_901 = tpu.memref_squeeze %dma_wait3A_900 : memref<1x1x8x128xi32, #tpu.memory_space<hbm>> -> memref<8x128xi32, #tpu.memory_space<hbm>>
        tpu.wait_dma2 semaphore(%arg16 : memref<!tpu.dma_semaphore, #tpu.memory_space<semaphore_mem>>) src(%dma_wait3A_901 : memref<8x128xi32, #tpu.memory_space<hbm>>) dst(%dma_wait3A_897 : memref<8x128xi32, #tpu.memory_space<vmem>>)
      } else {
      }
      %dma_start3A_488 = arith.constant 1 : i32
      %dma_start3A_489 = arith.constant 0 : i32
      %dma_start3A_490 = arith.constant 0 : i32
      %dma_start3A_491 = arith.constant 0 : i32
      %dma_start3A_492 = arith.constant 0 : i32
      %dma_start3A_493 = tpu.memref_slice %arg9[%dma_start3A_490, %dma_start3A_491, %dma_start3A_492] : memref<2x128x128xf32, #tpu.memory_space<vmem>> -> memref<1x128x128xf32, #tpu.memory_space<vmem>>
      %dma_start3A_494 = tpu.memref_squeeze %dma_start3A_493 : memref<1x128x128xf32, #tpu.memory_space<vmem>> -> memref<128x128xf32, #tpu.memory_space<vmem>>
      %dma_start3A_495 = arith.constant 0 : i32
      %dma_start3A_496 = tpu.memref_slice %arg7[%dma_start3A_488, %dma_start3A_489, %dma_start3A_495] : memref<2x8x128xi32, #tpu.memory_space<vmem>> -> memref<1x1x128xi32, #tpu.memory_space<vmem>>
      %dma_start3A_497 = tpu.memref_squeeze %dma_start3A_496 : memref<1x1x128xi32, #tpu.memory_space<vmem>> -> memref<128xi32, #tpu.memory_space<vmem>>
      %dma_start3A_498 = arith.constant 0 : i32
      %dma_start3A_499 = arith.constant 0 : i32
      %dma_start3A_500 = tpu.memref_slice %arg2[%dma_start3A_498, %dma_start3A_499] : memref<10000x128xf32, #tpu.memory_space<hbm>> -> memref<10000x128xf32, #tpu.memory_space<hbm>>
      tpu.enqueue_indirect_dma source(%dma_start3A_500 : memref<10000x128xf32, #tpu.memory_space<hbm>>) target(%dma_start3A_494 : memref<128x128xf32, #tpu.memory_space<vmem>>) offsets(%dma_start3A_497 : memref<128xi32, #tpu.memory_space<vmem>>) semaphore(%arg11 : memref<!tpu.dma_semaphore, #tpu.memory_space<semaphore_mem>>)
      %gt3A_501 = arith.constant 0 : i32
      %gt3A_502 = arith.cmpi sgt, %add3A_477, %gt3A_501 : i32
      %convert_element_type3A_503 = arith.extui %gt3A_502 : i1 to i32
      %cond3A_504 = arith.constant 0 : i32
      %cond3A_505 = arith.cmpi ne, %convert_element_type3A_503, %cond3A_504 : i32
      scf.if %cond3A_505 {
        %dma_wait3A_868 = arith.constant 0 : i32
        %dma_wait3A_869 = arith.constant 7 : i32
        %dma_wait3A_870 = arith.constant 1 : i32
        %dma_wait3A_871 = arith.constant 0 : i32
        %dma_wait3A_872 = arith.constant 0 : i32
        %dma_wait3A_873 = tpu.memref_slice %arg9[%dma_wait3A_870, %dma_wait3A_871, %dma_wait3A_872] : memref<2x128x128xf32, #tpu.memory_space<vmem>> -> memref<1x128x128xf32, #tpu.memory_space<vmem>>
        %dma_wait3A_874 = tpu.memref_squeeze %dma_wait3A_873 : memref<1x128x128xf32, #tpu.memory_space<vmem>> -> memref<128x128xf32, #tpu.memory_space<vmem>>
        %dma_wait3A_875 = arith.constant 0 : i32
        %dma_wait3A_876 = tpu.memref_slice %arg7[%dma_wait3A_868, %dma_wait3A_869, %dma_wait3A_875] : memref<2x8x128xi32, #tpu.memory_space<vmem>> -> memref<1x1x128xi32, #tpu.memory_space<vmem>>
        %dma_wait3A_877 = tpu.memref_squeeze %dma_wait3A_876 : memref<1x1x128xi32, #tpu.memory_space<vmem>> -> memref<128xi32, #tpu.memory_space<vmem>>
        %dma_wait3A_878 = arith.constant 0 : i32
        %dma_wait3A_879 = arith.constant 0 : i32
        %dma_wait3A_880 = tpu.memref_slice %arg2[%dma_wait3A_878, %dma_wait3A_879] : memref<10000x128xf32, #tpu.memory_space<hbm>> -> memref<10000x128xf32, #tpu.memory_space<hbm>>
        tpu.wait_indirect_dma semaphore(%arg12 : memref<!tpu.dma_semaphore, #tpu.memory_space<semaphore_mem>>) src(%dma_wait3A_880 : memref<10000x128xf32, #tpu.memory_space<hbm>>) dst(%dma_wait3A_874 : memref<128x128xf32, #tpu.memory_space<vmem>>)
        %dma_start3A_881 = arith.constant 1 : i32
        %dma_start3A_882 = arith.constant 0 : i32
        %dma_start3A_883 = arith.constant 7 : i32
        %dma_start3A_884 = arith.constant 0 : i32
        %dma_start3A_885 = arith.constant 0 : i32
        %dma_start3A_886 = tpu.memref_slice %arg9[%dma_start3A_881, %dma_start3A_884, %dma_start3A_885] : memref<2x128x128xf32, #tpu.memory_space<vmem>> -> memref<1x128x128xf32, #tpu.memory_space<vmem>>
        %dma_start3A_887 = tpu.memref_squeeze %dma_start3A_886 : memref<1x128x128xf32, #tpu.memory_space<vmem>> -> memref<128x128xf32, #tpu.memory_space<vmem>>
        %dma_start3A_888 = arith.constant 0 : i32
        %dma_start3A_889 = tpu.memref_slice %arg8[%dma_start3A_882, %dma_start3A_883, %dma_start3A_888] : memref<2x8x128xi32, #tpu.memory_space<vmem>> -> memref<1x1x128xi32, #tpu.memory_space<vmem>>
        %dma_start3A_890 = tpu.memref_squeeze %dma_start3A_889 : memref<1x1x128xi32, #tpu.memory_space<vmem>> -> memref<128xi32, #tpu.memory_space<vmem>>
        %dma_start3A_891 = arith.constant 0 : i32
        %dma_start3A_892 = arith.constant 0 : i32
        %dma_start3A_893 = tpu.memref_slice %arg10[%dma_start3A_891, %dma_start3A_892] : memref<10112x128xf32, #tpu.memory_space<vmem_shared>> -> memref<10112x128xf32, #tpu.memory_space<vmem_shared>>
        tpu.enqueue_indirect_dma source(%dma_start3A_887 : memref<128x128xf32, #tpu.memory_space<vmem>>) target(%dma_start3A_893 : memref<10112x128xf32, #tpu.memory_space<vmem_shared>>) offsets(%dma_start3A_890 : memref<128xi32, #tpu.memory_space<vmem>>) semaphore(%arg14 : memref<!tpu.dma_semaphore, #tpu.memory_space<semaphore_mem>>) {add = true}
      } else {
      }
      %gt3A_506 = arith.constant 0 : i32
      %gt3A_507 = arith.cmpi sgt, %add3A_477, %gt3A_506 : i32
      %convert_element_type3A_508 = arith.extui %gt3A_507 : i1 to i32
      %cond3A_509 = arith.constant 0 : i32
      %cond3A_510 = arith.cmpi ne, %convert_element_type3A_508, %cond3A_509 : i32
      scf.if %cond3A_510 {
        %dma_wait3A_868 = arith.constant 1 : i32
        %dma_wait3A_869 = arith.constant 0 : i32
        %dma_wait3A_870 = arith.constant 7 : i32
        %dma_wait3A_871 = arith.constant 0 : i32
        %dma_wait3A_872 = arith.constant 0 : i32
        %dma_wait3A_873 = tpu.memref_slice %arg9[%dma_wait3A_868, %dma_wait3A_871, %dma_wait3A_872] : memref<2x128x128xf32, #tpu.memory_space<vmem>> -> memref<1x128x128xf32, #tpu.memory_space<vmem>>
        %dma_wait3A_874 = tpu.memref_squeeze %dma_wait3A_873 : memref<1x128x128xf32, #tpu.memory_space<vmem>> -> memref<128x128xf32, #tpu.memory_space<vmem>>
        %dma_wait3A_875 = arith.constant 0 : i32
        %dma_wait3A_876 = tpu.memref_slice %arg8[%dma_wait3A_869, %dma_wait3A_870, %dma_wait3A_875] : memref<2x8x128xi32, #tpu.memory_space<vmem>> -> memref<1x1x128xi32, #tpu.memory_space<vmem>>
        %dma_wait3A_877 = tpu.memref_squeeze %dma_wait3A_876 : memref<1x1x128xi32, #tpu.memory_space<vmem>> -> memref<128xi32, #tpu.memory_space<vmem>>
        %dma_wait3A_878 = arith.constant 0 : i32
        %dma_wait3A_879 = arith.constant 0 : i32
        %dma_wait3A_880 = tpu.memref_slice %arg10[%dma_wait3A_878, %dma_wait3A_879] : memref<10112x128xf32, #tpu.memory_space<vmem_shared>> -> memref<10112x128xf32, #tpu.memory_space<vmem_shared>>
        tpu.wait_indirect_dma semaphore(%arg14 : memref<!tpu.dma_semaphore, #tpu.memory_space<semaphore_mem>>) src(%dma_wait3A_874 : memref<128x128xf32, #tpu.memory_space<vmem>>) dst(%dma_wait3A_880 : memref<10112x128xf32, #tpu.memory_space<vmem_shared>>)
      } else {
      }
      %dma_start3A_511 = arith.constant 1 : i32
      %dma_start3A_512 = arith.constant 1 : i32
      %dma_start3A_513 = arith.constant 1 : i32
      %dma_start3A_514 = arith.constant 0 : i32
      %dma_start3A_515 = arith.constant 0 : i32
      %dma_start3A_516 = tpu.memref_slice %arg9[%dma_start3A_513, %dma_start3A_514, %dma_start3A_515] : memref<2x128x128xf32, #tpu.memory_space<vmem>> -> memref<1x128x128xf32, #tpu.memory_space<vmem>>
      %dma_start3A_517 = tpu.memref_squeeze %dma_start3A_516 : memref<1x128x128xf32, #tpu.memory_space<vmem>> -> memref<128x128xf32, #tpu.memory_space<vmem>>
      %dma_start3A_518 = arith.constant 0 : i32
      %dma_start3A_519 = tpu.memref_slice %arg7[%dma_start3A_511, %dma_start3A_512, %dma_start3A_518] : memref<2x8x128xi32, #tpu.memory_space<vmem>> -> memref<1x1x128xi32, #tpu.memory_space<vmem>>
      %dma_start3A_520 = tpu.memref_squeeze %dma_start3A_519 : memref<1x1x128xi32, #tpu.memory_space<vmem>> -> memref<128xi32, #tpu.memory_space<vmem>>
      %dma_start3A_521 = arith.constant 0 : i32
      %dma_start3A_522 = arith.constant 0 : i32
      %dma_start3A_523 = tpu.memref_slice %arg2[%dma_start3A_521, %dma_start3A_522] : memref<10000x128xf32, #tpu.memory_space<hbm>> -> memref<10000x128xf32, #tpu.memory_space<hbm>>
      tpu.enqueue_indirect_dma source(%dma_start3A_523 : memref<10000x128xf32, #tpu.memory_space<hbm>>) target(%dma_start3A_517 : memref<128x128xf32, #tpu.memory_space<vmem>>) offsets(%dma_start3A_520 : memref<128xi32, #tpu.memory_space<vmem>>) semaphore(%arg12 : memref<!tpu.dma_semaphore, #tpu.memory_space<semaphore_mem>>)
      %dma_wait3A_524 = arith.constant 1 : i32
      %dma_wait3A_525 = arith.constant 0 : i32
      %dma_wait3A_526 = arith.constant 0 : i32
      %dma_wait3A_527 = arith.constant 0 : i32
      %dma_wait3A_528 = arith.constant 0 : i32
      %dma_wait3A_529 = tpu.memref_slice %arg9[%dma_wait3A_526, %dma_wait3A_527, %dma_wait3A_528] : memref<2x128x128xf32, #tpu.memory_space<vmem>> -> memref<1x128x128xf32, #tpu.memory_space<vmem>>
      %dma_wait3A_530 = tpu.memref_squeeze %dma_wait3A_529 : memref<1x128x128xf32, #tpu.memory_space<vmem>> -> memref<128x128xf32, #tpu.memory_space<vmem>>
      %dma_wait3A_531 = arith.constant 0 : i32
      %dma_wait3A_532 = tpu.memref_slice %arg7[%dma_wait3A_524, %dma_wait3A_525, %dma_wait3A_531] : memref<2x8x128xi32, #tpu.memory_space<vmem>> -> memref<1x1x128xi32, #tpu.memory_space<vmem>>
      %dma_wait3A_533 = tpu.memref_squeeze %dma_wait3A_532 : memref<1x1x128xi32, #tpu.memory_space<vmem>> -> memref<128xi32, #tpu.memory_space<vmem>>
      %dma_wait3A_534 = arith.constant 0 : i32
      %dma_wait3A_535 = arith.constant 0 : i32
      %dma_wait3A_536 = tpu.memref_slice %arg2[%dma_wait3A_534, %dma_wait3A_535] : memref<10000x128xf32, #tpu.memory_space<hbm>> -> memref<10000x128xf32, #tpu.memory_space<hbm>>
      tpu.wait_indirect_dma semaphore(%arg11 : memref<!tpu.dma_semaphore, #tpu.memory_space<semaphore_mem>>) src(%dma_wait3A_536 : memref<10000x128xf32, #tpu.memory_space<hbm>>) dst(%dma_wait3A_530 : memref<128x128xf32, #tpu.memory_space<vmem>>)
      %dma_start3A_537 = arith.constant 0 : i32
      %dma_start3A_538 = arith.constant 1 : i32
      %dma_start3A_539 = arith.constant 0 : i32
      %dma_start3A_540 = arith.constant 0 : i32
      %dma_start3A_541 = arith.constant 0 : i32
      %dma_start3A_542 = tpu.memref_slice %arg9[%dma_start3A_537, %dma_start3A_540, %dma_start3A_541] : memref<2x128x128xf32, #tpu.memory_space<vmem>> -> memref<1x128x128xf32, #tpu.memory_space<vmem>>
      %dma_start3A_543 = tpu.memref_squeeze %dma_start3A_542 : memref<1x128x128xf32, #tpu.memory_space<vmem>> -> memref<128x128xf32, #tpu.memory_space<vmem>>
      %dma_start3A_544 = arith.constant 0 : i32
      %dma_start3A_545 = tpu.memref_slice %arg8[%dma_start3A_538, %dma_start3A_539, %dma_start3A_544] : memref<2x8x128xi32, #tpu.memory_space<vmem>> -> memref<1x1x128xi32, #tpu.memory_space<vmem>>
      %dma_start3A_546 = tpu.memref_squeeze %dma_start3A_545 : memref<1x1x128xi32, #tpu.memory_space<vmem>> -> memref<128xi32, #tpu.memory_space<vmem>>
      %dma_start3A_547 = arith.constant 0 : i32
      %dma_start3A_548 = arith.constant 0 : i32
      %dma_start3A_549 = tpu.memref_slice %arg10[%dma_start3A_547, %dma_start3A_548] : memref<10112x128xf32, #tpu.memory_space<vmem_shared>> -> memref<10112x128xf32, #tpu.memory_space<vmem_shared>>
      tpu.enqueue_indirect_dma source(%dma_start3A_543 : memref<128x128xf32, #tpu.memory_space<vmem>>) target(%dma_start3A_549 : memref<10112x128xf32, #tpu.memory_space<vmem_shared>>) offsets(%dma_start3A_546 : memref<128xi32, #tpu.memory_space<vmem>>) semaphore(%arg13 : memref<!tpu.dma_semaphore, #tpu.memory_space<semaphore_mem>>) {add = true}
      %dma_wait3A_550 = arith.constant 0 : i32
      %dma_wait3A_551 = arith.constant 1 : i32
      %dma_wait3A_552 = arith.constant 0 : i32
      %dma_wait3A_553 = arith.constant 0 : i32
      %dma_wait3A_554 = arith.constant 0 : i32
      %dma_wait3A_555 = tpu.memref_slice %arg9[%dma_wait3A_550, %dma_wait3A_553, %dma_wait3A_554] : memref<2x128x128xf32, #tpu.memory_space<vmem>> -> memref<1x128x128xf32, #tpu.memory_space<vmem>>
      %dma_wait3A_556 = tpu.memref_squeeze %dma_wait3A_555 : memref<1x128x128xf32, #tpu.memory_space<vmem>> -> memref<128x128xf32, #tpu.memory_space<vmem>>
      %dma_wait3A_557 = arith.constant 0 : i32
      %dma_wait3A_558 = tpu.memref_slice %arg8[%dma_wait3A_551, %dma_wait3A_552, %dma_wait3A_557] : memref<2x8x128xi32, #tpu.memory_space<vmem>> -> memref<1x1x128xi32, #tpu.memory_space<vmem>>
      %dma_wait3A_559 = tpu.memref_squeeze %dma_wait3A_558 : memref<1x1x128xi32, #tpu.memory_space<vmem>> -> memref<128xi32, #tpu.memory_space<vmem>>
      %dma_wait3A_560 = arith.constant 0 : i32
      %dma_wait3A_561 = arith.constant 0 : i32
      %dma_wait3A_562 = tpu.memref_slice %arg10[%dma_wait3A_560, %dma_wait3A_561] : memref<10112x128xf32, #tpu.memory_space<vmem_shared>> -> memref<10112x128xf32, #tpu.memory_space<vmem_shared>>
      tpu.wait_indirect_dma semaphore(%arg13 : memref<!tpu.dma_semaphore, #tpu.memory_space<semaphore_mem>>) src(%dma_wait3A_556 : memref<128x128xf32, #tpu.memory_space<vmem>>) dst(%dma_wait3A_562 : memref<10112x128xf32, #tpu.memory_space<vmem_shared>>)
      %dma_start3A_563 = arith.constant 1 : i32
      %dma_start3A_564 = arith.constant 2 : i32
      %dma_start3A_565 = arith.constant 0 : i32
      %dma_start3A_566 = arith.constant 0 : i32
      %dma_start3A_567 = arith.constant 0 : i32
      %dma_start3A_568 = tpu.memref_slice %arg9[%dma_start3A_565, %dma_start3A_566, %dma_start3A_567] : memref<2x128x128xf32, #tpu.memory_space<vmem>> -> memref<1x128x128xf32, #tpu.memory_space<vmem>>
      %dma_start3A_569 = tpu.memref_squeeze %dma_start3A_568 : memref<1x128x128xf32, #tpu.memory_space<vmem>> -> memref<128x128xf32, #tpu.memory_space<vmem>>
      %dma_start3A_570 = arith.constant 0 : i32
      %dma_start3A_571 = tpu.memref_slice %arg7[%dma_start3A_563, %dma_start3A_564, %dma_start3A_570] : memref<2x8x128xi32, #tpu.memory_space<vmem>> -> memref<1x1x128xi32, #tpu.memory_space<vmem>>
      %dma_start3A_572 = tpu.memref_squeeze %dma_start3A_571 : memref<1x1x128xi32, #tpu.memory_space<vmem>> -> memref<128xi32, #tpu.memory_space<vmem>>
      %dma_start3A_573 = arith.constant 0 : i32
      %dma_start3A_574 = arith.constant 0 : i32
      %dma_start3A_575 = tpu.memref_slice %arg2[%dma_start3A_573, %dma_start3A_574] : memref<10000x128xf32, #tpu.memory_space<hbm>> -> memref<10000x128xf32, #tpu.memory_space<hbm>>
      tpu.enqueue_indirect_dma source(%dma_start3A_575 : memref<10000x128xf32, #tpu.memory_space<hbm>>) target(%dma_start3A_569 : memref<128x128xf32, #tpu.memory_space<vmem>>) offsets(%dma_start3A_572 : memref<128xi32, #tpu.memory_space<vmem>>) semaphore(%arg11 : memref<!tpu.dma_semaphore, #tpu.memory_space<semaphore_mem>>)
      %dma_wait3A_576 = arith.constant 1 : i32
      %dma_wait3A_577 = arith.constant 1 : i32
      %dma_wait3A_578 = arith.constant 1 : i32
      %dma_wait3A_579 = arith.constant 0 : i32
      %dma_wait3A_580 = arith.constant 0 : i32
      %dma_wait3A_581 = tpu.memref_slice %arg9[%dma_wait3A_578, %dma_wait3A_579, %dma_wait3A_580] : memref<2x128x128xf32, #tpu.memory_space<vmem>> -> memref<1x128x128xf32, #tpu.memory_space<vmem>>
      %dma_wait3A_582 = tpu.memref_squeeze %dma_wait3A_581 : memref<1x128x128xf32, #tpu.memory_space<vmem>> -> memref<128x128xf32, #tpu.memory_space<vmem>>
      %dma_wait3A_583 = arith.constant 0 : i32
      %dma_wait3A_584 = tpu.memref_slice %arg7[%dma_wait3A_576, %dma_wait3A_577, %dma_wait3A_583] : memref<2x8x128xi32, #tpu.memory_space<vmem>> -> memref<1x1x128xi32, #tpu.memory_space<vmem>>
      %dma_wait3A_585 = tpu.memref_squeeze %dma_wait3A_584 : memref<1x1x128xi32, #tpu.memory_space<vmem>> -> memref<128xi32, #tpu.memory_space<vmem>>
      %dma_wait3A_586 = arith.constant 0 : i32
      %dma_wait3A_587 = arith.constant 0 : i32
      %dma_wait3A_588 = tpu.memref_slice %arg2[%dma_wait3A_586, %dma_wait3A_587] : memref<10000x128xf32, #tpu.memory_space<hbm>> -> memref<10000x128xf32, #tpu.memory_space<hbm>>
      tpu.wait_indirect_dma semaphore(%arg12 : memref<!tpu.dma_semaphore, #tpu.memory_space<semaphore_mem>>) src(%dma_wait3A_588 : memref<10000x128xf32, #tpu.memory_space<hbm>>) dst(%dma_wait3A_582 : memref<128x128xf32, #tpu.memory_space<vmem>>)
      %dma_start3A_589 = arith.constant 1 : i32
      %dma_start3A_590 = arith.constant 1 : i32
      %dma_start3A_591 = arith.constant 1 : i32
      %dma_start3A_592 = arith.constant 0 : i32
      %dma_start3A_593 = arith.constant 0 : i32
      %dma_start3A_594 = tpu.memref_slice %arg9[%dma_start3A_589, %dma_start3A_592, %dma_start3A_593] : memref<2x128x128xf32, #tpu.memory_space<vmem>> -> memref<1x128x128xf32, #tpu.memory_space<vmem>>
      %dma_start3A_595 = tpu.memref_squeeze %dma_start3A_594 : memref<1x128x128xf32, #tpu.memory_space<vmem>> -> memref<128x128xf32, #tpu.memory_space<vmem>>
      %dma_start3A_596 = arith.constant 0 : i32
      %dma_start3A_597 = tpu.memref_slice %arg8[%dma_start3A_590, %dma_start3A_591, %dma_start3A_596] : memref<2x8x128xi32, #tpu.memory_space<vmem>> -> memref<1x1x128xi32, #tpu.memory_space<vmem>>
      %dma_start3A_598 = tpu.memref_squeeze %dma_start3A_597 : memref<1x1x128xi32, #tpu.memory_space<vmem>> -> memref<128xi32, #tpu.memory_space<vmem>>
      %dma_start3A_599 = arith.constant 0 : i32
      %dma_start3A_600 = arith.constant 0 : i32
      %dma_start3A_601 = tpu.memref_slice %arg10[%dma_start3A_599, %dma_start3A_600] : memref<10112x128xf32, #tpu.memory_space<vmem_shared>> -> memref<10112x128xf32, #tpu.memory_space<vmem_shared>>
      tpu.enqueue_indirect_dma source(%dma_start3A_595 : memref<128x128xf32, #tpu.memory_space<vmem>>) target(%dma_start3A_601 : memref<10112x128xf32, #tpu.memory_space<vmem_shared>>) offsets(%dma_start3A_598 : memref<128xi32, #tpu.memory_space<vmem>>) semaphore(%arg14 : memref<!tpu.dma_semaphore, #tpu.memory_space<semaphore_mem>>) {add = true}
      %dma_wait3A_602 = arith.constant 1 : i32
      %dma_wait3A_603 = arith.constant 1 : i32
      %dma_wait3A_604 = arith.constant 1 : i32
      %dma_wait3A_605 = arith.constant 0 : i32
      %dma_wait3A_606 = arith.constant 0 : i32
      %dma_wait3A_607 = tpu.memref_slice %arg9[%dma_wait3A_602, %dma_wait3A_605, %dma_wait3A_606] : memref<2x128x128xf32, #tpu.memory_space<vmem>> -> memref<1x128x128xf32, #tpu.memory_space<vmem>>
      %dma_wait3A_608 = tpu.memref_squeeze %dma_wait3A_607 : memref<1x128x128xf32, #tpu.memory_space<vmem>> -> memref<128x128xf32, #tpu.memory_space<vmem>>
      %dma_wait3A_609 = arith.constant 0 : i32
      %dma_wait3A_610 = tpu.memref_slice %arg8[%dma_wait3A_603, %dma_wait3A_604, %dma_wait3A_609] : memref<2x8x128xi32, #tpu.memory_space<vmem>> -> memref<1x1x128xi32, #tpu.memory_space<vmem>>
      %dma_wait3A_611 = tpu.memref_squeeze %dma_wait3A_610 : memref<1x1x128xi32, #tpu.memory_space<vmem>> -> memref<128xi32, #tpu.memory_space<vmem>>
      %dma_wait3A_612 = arith.constant 0 : i32
      %dma_wait3A_613 = arith.constant 0 : i32
      %dma_wait3A_614 = tpu.memref_slice %arg10[%dma_wait3A_612, %dma_wait3A_613] : memref<10112x128xf32, #tpu.memory_space<vmem_shared>> -> memref<10112x128xf32, #tpu.memory_space<vmem_shared>>
      tpu.wait_indirect_dma semaphore(%arg14 : memref<!tpu.dma_semaphore, #tpu.memory_space<semaphore_mem>>) src(%dma_wait3A_608 : memref<128x128xf32, #tpu.memory_space<vmem>>) dst(%dma_wait3A_614 : memref<10112x128xf32, #tpu.memory_space<vmem_shared>>)
      %dma_start3A_615 = arith.constant 1 : i32
      %dma_start3A_616 = arith.constant 3 : i32
      %dma_start3A_617 = arith.constant 1 : i32
      %dma_start3A_618 = arith.constant 0 : i32
      %dma_start3A_619 = arith.constant 0 : i32
      %dma_start3A_620 = tpu.memref_slice %arg9[%dma_start3A_617, %dma_start3A_618, %dma_start3A_619] : memref<2x128x128xf32, #tpu.memory_space<vmem>> -> memref<1x128x128xf32, #tpu.memory_space<vmem>>
      %dma_start3A_621 = tpu.memref_squeeze %dma_start3A_620 : memref<1x128x128xf32, #tpu.memory_space<vmem>> -> memref<128x128xf32, #tpu.memory_space<vmem>>
      %dma_start3A_622 = arith.constant 0 : i32
      %dma_start3A_623 = tpu.memref_slice %arg7[%dma_start3A_615, %dma_start3A_616, %dma_start3A_622] : memref<2x8x128xi32, #tpu.memory_space<vmem>> -> memref<1x1x128xi32, #tpu.memory_space<vmem>>
      %dma_start3A_624 = tpu.memref_squeeze %dma_start3A_623 : memref<1x1x128xi32, #tpu.memory_space<vmem>> -> memref<128xi32, #tpu.memory_space<vmem>>
      %dma_start3A_625 = arith.constant 0 : i32
      %dma_start3A_626 = arith.constant 0 : i32
      %dma_start3A_627 = tpu.memref_slice %arg2[%dma_start3A_625, %dma_start3A_626] : memref<10000x128xf32, #tpu.memory_space<hbm>> -> memref<10000x128xf32, #tpu.memory_space<hbm>>
      tpu.enqueue_indirect_dma source(%dma_start3A_627 : memref<10000x128xf32, #tpu.memory_space<hbm>>) target(%dma_start3A_621 : memref<128x128xf32, #tpu.memory_space<vmem>>) offsets(%dma_start3A_624 : memref<128xi32, #tpu.memory_space<vmem>>) semaphore(%arg12 : memref<!tpu.dma_semaphore, #tpu.memory_space<semaphore_mem>>)
      %dma_wait3A_628 = arith.constant 1 : i32
      %dma_wait3A_629 = arith.constant 2 : i32
      %dma_wait3A_630 = arith.constant 0 : i32
      %dma_wait3A_631 = arith.constant 0 : i32
      %dma_wait3A_632 = arith.constant 0 : i32
      %dma_wait3A_633 = tpu.memref_slice %arg9[%dma_wait3A_630, %dma_wait3A_631, %dma_wait3A_632] : memref<2x128x128xf32, #tpu.memory_space<vmem>> -> memref<1x128x128xf32, #tpu.memory_space<vmem>>
      %dma_wait3A_634 = tpu.memref_squeeze %dma_wait3A_633 : memref<1x128x128xf32, #tpu.memory_space<vmem>> -> memref<128x128xf32, #tpu.memory_space<vmem>>
      %dma_wait3A_635 = arith.constant 0 : i32
      %dma_wait3A_636 = tpu.memref_slice %arg7[%dma_wait3A_628, %dma_wait3A_629, %dma_wait3A_635] : memref<2x8x128xi32, #tpu.memory_space<vmem>> -> memref<1x1x128xi32, #tpu.memory_space<vmem>>
      %dma_wait3A_637 = tpu.memref_squeeze %dma_wait3A_636 : memref<1x1x128xi32, #tpu.memory_space<vmem>> -> memref<128xi32, #tpu.memory_space<vmem>>
      %dma_wait3A_638 = arith.constant 0 : i32
      %dma_wait3A_639 = arith.constant 0 : i32
      %dma_wait3A_640 = tpu.memref_slice %arg2[%dma_wait3A_638, %dma_wait3A_639] : memref<10000x128xf32, #tpu.memory_space<hbm>> -> memref<10000x128xf32, #tpu.memory_space<hbm>>
      tpu.wait_indirect_dma semaphore(%arg11 : memref<!tpu.dma_semaphore, #tpu.memory_space<semaphore_mem>>) src(%dma_wait3A_640 : memref<10000x128xf32, #tpu.memory_space<hbm>>) dst(%dma_wait3A_634 : memref<128x128xf32, #tpu.memory_space<vmem>>)
      %dma_start3A_641 = arith.constant 0 : i32
      %dma_start3A_642 = arith.constant 1 : i32
      %dma_start3A_643 = arith.constant 2 : i32
      %dma_start3A_644 = arith.constant 0 : i32
      %dma_start3A_645 = arith.constant 0 : i32
      %dma_start3A_646 = tpu.memref_slice %arg9[%dma_start3A_641, %dma_start3A_644, %dma_start3A_645] : memref<2x128x128xf32, #tpu.memory_space<vmem>> -> memref<1x128x128xf32, #tpu.memory_space<vmem>>
      %dma_start3A_647 = tpu.memref_squeeze %dma_start3A_646 : memref<1x128x128xf32, #tpu.memory_space<vmem>> -> memref<128x128xf32, #tpu.memory_space<vmem>>
      %dma_start3A_648 = arith.constant 0 : i32
      %dma_start3A_649 = tpu.memref_slice %arg8[%dma_start3A_642, %dma_start3A_643, %dma_start3A_648] : memref<2x8x128xi32, #tpu.memory_space<vmem>> -> memref<1x1x128xi32, #tpu.memory_space<vmem>>
      %dma_start3A_650 = tpu.memref_squeeze %dma_start3A_649 : memref<1x1x128xi32, #tpu.memory_space<vmem>> -> memref<128xi32, #tpu.memory_space<vmem>>
      %dma_start3A_651 = arith.constant 0 : i32
      %dma_start3A_652 = arith.constant 0 : i32
      %dma_start3A_653 = tpu.memref_slice %arg10[%dma_start3A_651, %dma_start3A_652] : memref<10112x128xf32, #tpu.memory_space<vmem_shared>> -> memref<10112x128xf32, #tpu.memory_space<vmem_shared>>
      tpu.enqueue_indirect_dma source(%dma_start3A_647 : memref<128x128xf32, #tpu.memory_space<vmem>>) target(%dma_start3A_653 : memref<10112x128xf32, #tpu.memory_space<vmem_shared>>) offsets(%dma_start3A_650 : memref<128xi32, #tpu.memory_space<vmem>>) semaphore(%arg13 : memref<!tpu.dma_semaphore, #tpu.memory_space<semaphore_mem>>) {add = true}
      %dma_wait3A_654 = arith.constant 0 : i32
      %dma_wait3A_655 = arith.constant 1 : i32
      %dma_wait3A_656 = arith.constant 2 : i32
      %dma_wait3A_657 = arith.constant 0 : i32
      %dma_wait3A_658 = arith.constant 0 : i32
      %dma_wait3A_659 = tpu.memref_slice %arg9[%dma_wait3A_654, %dma_wait3A_657, %dma_wait3A_658] : memref<2x128x128xf32, #tpu.memory_space<vmem>> -> memref<1x128x128xf32, #tpu.memory_space<vmem>>
      %dma_wait3A_660 = tpu.memref_squeeze %dma_wait3A_659 : memref<1x128x128xf32, #tpu.memory_space<vmem>> -> memref<128x128xf32, #tpu.memory_space<vmem>>
      %dma_wait3A_661 = arith.constant 0 : i32
      %dma_wait3A_662 = tpu.memref_slice %arg8[%dma_wait3A_655, %dma_wait3A_656, %dma_wait3A_661] : memref<2x8x128xi32, #tpu.memory_space<vmem>> -> memref<1x1x128xi32, #tpu.memory_space<vmem>>
      %dma_wait3A_663 = tpu.memref_squeeze %dma_wait3A_662 : memref<1x1x128xi32, #tpu.memory_space<vmem>> -> memref<128xi32, #tpu.memory_space<vmem>>
      %dma_wait3A_664 = arith.constant 0 : i32
      %dma_wait3A_665 = arith.constant 0 : i32
      %dma_wait3A_666 = tpu.memref_slice %arg10[%dma_wait3A_664, %dma_wait3A_665] : memref<10112x128xf32, #tpu.memory_space<vmem_shared>> -> memref<10112x128xf32, #tpu.memory_space<vmem_shared>>
      tpu.wait_indirect_dma semaphore(%arg13 : memref<!tpu.dma_semaphore, #tpu.memory_space<semaphore_mem>>) src(%dma_wait3A_660 : memref<128x128xf32, #tpu.memory_space<vmem>>) dst(%dma_wait3A_666 : memref<10112x128xf32, #tpu.memory_space<vmem_shared>>)
      %lt3A_667 = arith.constant 9 : i32
      %lt3A_668 = arith.cmpi slt, %add3A_477, %lt3A_667 : i32
      %convert_element_type3A_669 = arith.extui %lt3A_668 : i1 to i32
      %cond3A_670 = arith.constant 0 : i32
      %cond3A_671 = arith.cmpi ne, %convert_element_type3A_669, %cond3A_670 : i32
      scf.if %cond3A_671 {
        %add3A_868 = arith.constant 1 : i32
        %add3A_869 = arith.addi %add3A_477, %add3A_868 : i32
        %dma_start3A_870 = arith.constant 0 : i32
        %dma_start3A_871 = arith.constant 0 : i32
        %dma_start3A_872 = arith.constant 0 : i32
        %dma_start3A_873 = tpu.memref_slice %arg7[%dma_start3A_870, %dma_start3A_871, %dma_start3A_872] : memref<2x8x128xi32, #tpu.memory_space<vmem>> -> memref<1x8x128xi32, #tpu.memory_space<vmem>>
        %dma_start3A_874 = tpu.memref_squeeze %dma_start3A_873 : memref<1x8x128xi32, #tpu.memory_space<vmem>> -> memref<8x128xi32, #tpu.memory_space<vmem>>
        %dma_start3A_875 = arith.constant 0 : i32
        %dma_start3A_876 = arith.constant 0 : i32
        %dma_start3A_877 = tpu.memref_slice %arg3[%add3A, %add3A_869, %dma_start3A_875, %dma_start3A_876] : memref<32x10x8x128xi32, #tpu.memory_space<hbm>> -> memref<1x1x8x128xi32, #tpu.memory_space<hbm>>
        %dma_start3A_878 = tpu.memref_squeeze %dma_start3A_877 : memref<1x1x8x128xi32, #tpu.memory_space<hbm>> -> memref<8x128xi32, #tpu.memory_space<hbm>>
        %dma_start3A_879 = arith.constant 0 : i32
        %dma_start3A_880 = arith.constant 0 : i32
        %dma_start3A_881 = tpu.memref_slice %arg7[%dma_start3A_870, %dma_start3A_879, %dma_start3A_880] : memref<2x8x128xi32, #tpu.memory_space<vmem>> -> memref<1x8x128xi32, #tpu.memory_space<vmem>>
        %dma_start3A_882 = tpu.memref_squeeze %dma_start3A_881 : memref<1x8x128xi32, #tpu.memory_space<vmem>> -> memref<8x128xi32, #tpu.memory_space<vmem>>
        %dma_start3A_883 = arith.constant 0 : i32
        %dma_start3A_884 = arith.constant 0 : i32
        %dma_start3A_885 = tpu.memref_slice %arg3[%add3A, %add3A_869, %dma_start3A_883, %dma_start3A_884] : memref<32x10x8x128xi32, #tpu.memory_space<hbm>> -> memref<1x1x8x128xi32, #tpu.memory_space<hbm>>
        %dma_start3A_886 = tpu.memref_squeeze %dma_start3A_885 : memref<1x1x8x128xi32, #tpu.memory_space<hbm>> -> memref<8x128xi32, #tpu.memory_space<hbm>>
        tpu.enqueue_dma source(%dma_start3A_886 : memref<8x128xi32, #tpu.memory_space<hbm>>) target(%dma_start3A_882 : memref<8x128xi32, #tpu.memory_space<vmem>>) target_semaphore(%arg15 : memref<!tpu.dma_semaphore, #tpu.memory_space<semaphore_mem>>)
        %add3A_887 = arith.constant 1 : i32
        %add3A_888 = arith.addi %add3A_477, %add3A_887 : i32
        %dma_start3A_889 = arith.constant 0 : i32
        %dma_start3A_890 = arith.constant 0 : i32
        %dma_start3A_891 = arith.constant 0 : i32
        %dma_start3A_892 = tpu.memref_slice %arg8[%dma_start3A_889, %dma_start3A_890, %dma_start3A_891] : memref<2x8x128xi32, #tpu.memory_space<vmem>> -> memref<1x8x128xi32, #tpu.memory_space<vmem>>
        %dma_start3A_893 = tpu.memref_squeeze %dma_start3A_892 : memref<1x8x128xi32, #tpu.memory_space<vmem>> -> memref<8x128xi32, #tpu.memory_space<vmem>>
        %dma_start3A_894 = arith.constant 0 : i32
        %dma_start3A_895 = arith.constant 0 : i32
        %dma_start3A_896 = tpu.memref_slice %arg4[%add3A, %add3A_888, %dma_start3A_894, %dma_start3A_895] : memref<32x10x8x128xi32, #tpu.memory_space<hbm>> -> memref<1x1x8x128xi32, #tpu.memory_space<hbm>>
        %dma_start3A_897 = tpu.memref_squeeze %dma_start3A_896 : memref<1x1x8x128xi32, #tpu.memory_space<hbm>> -> memref<8x128xi32, #tpu.memory_space<hbm>>
        %dma_start3A_898 = arith.constant 0 : i32
        %dma_start3A_899 = arith.constant 0 : i32
        %dma_start3A_900 = tpu.memref_slice %arg8[%dma_start3A_889, %dma_start3A_898, %dma_start3A_899] : memref<2x8x128xi32, #tpu.memory_space<vmem>> -> memref<1x8x128xi32, #tpu.memory_space<vmem>>
        %dma_start3A_901 = tpu.memref_squeeze %dma_start3A_900 : memref<1x8x128xi32, #tpu.memory_space<vmem>> -> memref<8x128xi32, #tpu.memory_space<vmem>>
        %dma_start3A_902 = arith.constant 0 : i32
        %dma_start3A_903 = arith.constant 0 : i32
        %dma_start3A_904 = tpu.memref_slice %arg4[%add3A, %add3A_888, %dma_start3A_902, %dma_start3A_903] : memref<32x10x8x128xi32, #tpu.memory_space<hbm>> -> memref<1x1x8x128xi32, #tpu.memory_space<hbm>>
        %dma_start3A_905 = tpu.memref_squeeze %dma_start3A_904 : memref<1x1x8x128xi32, #tpu.memory_space<hbm>> -> memref<8x128xi32, #tpu.memory_space<hbm>>
        tpu.enqueue_dma source(%dma_start3A_905 : memref<8x128xi32, #tpu.memory_space<hbm>>) target(%dma_start3A_901 : memref<8x128xi32, #tpu.memory_space<vmem>>) target_semaphore(%arg15 : memref<!tpu.dma_semaphore, #tpu.memory_space<semaphore_mem>>)
      } else {
      }
      %dma_start3A_672 = arith.constant 1 : i32
      %dma_start3A_673 = arith.constant 4 : i32
      %dma_start3A_674 = arith.constant 0 : i32
      %dma_start3A_675 = arith.constant 0 : i32
      %dma_start3A_676 = arith.constant 0 : i32
      %dma_start3A_677 = tpu.memref_slice %arg9[%dma_start3A_674, %dma_start3A_675, %dma_start3A_676] : memref<2x128x128xf32, #tpu.memory_space<vmem>> -> memref<1x128x128xf32, #tpu.memory_space<vmem>>
      %dma_start3A_678 = tpu.memref_squeeze %dma_start3A_677 : memref<1x128x128xf32, #tpu.memory_space<vmem>> -> memref<128x128xf32, #tpu.memory_space<vmem>>
      %dma_start3A_679 = arith.constant 0 : i32
      %dma_start3A_680 = tpu.memref_slice %arg7[%dma_start3A_672, %dma_start3A_673, %dma_start3A_679] : memref<2x8x128xi32, #tpu.memory_space<vmem>> -> memref<1x1x128xi32, #tpu.memory_space<vmem>>
      %dma_start3A_681 = tpu.memref_squeeze %dma_start3A_680 : memref<1x1x128xi32, #tpu.memory_space<vmem>> -> memref<128xi32, #tpu.memory_space<vmem>>
      %dma_start3A_682 = arith.constant 0 : i32
      %dma_start3A_683 = arith.constant 0 : i32
      %dma_start3A_684 = tpu.memref_slice %arg2[%dma_start3A_682, %dma_start3A_683] : memref<10000x128xf32, #tpu.memory_space<hbm>> -> memref<10000x128xf32, #tpu.memory_space<hbm>>
      tpu.enqueue_indirect_dma source(%dma_start3A_684 : memref<10000x128xf32, #tpu.memory_space<hbm>>) target(%dma_start3A_678 : memref<128x128xf32, #tpu.memory_space<vmem>>) offsets(%dma_start3A_681 : memref<128xi32, #tpu.memory_space<vmem>>) semaphore(%arg11 : memref<!tpu.dma_semaphore, #tpu.memory_space<semaphore_mem>>)
      %dma_wait3A_685 = arith.constant 1 : i32
      %dma_wait3A_686 = arith.constant 3 : i32
      %dma_wait3A_687 = arith.constant 1 : i32
      %dma_wait3A_688 = arith.constant 0 : i32
      %dma_wait3A_689 = arith.constant 0 : i32
      %dma_wait3A_690 = tpu.memref_slice %arg9[%dma_wait3A_687, %dma_wait3A_688, %dma_wait3A_689] : memref<2x128x128xf32, #tpu.memory_space<vmem>> -> memref<1x128x128xf32, #tpu.memory_space<vmem>>
      %dma_wait3A_691 = tpu.memref_squeeze %dma_wait3A_690 : memref<1x128x128xf32, #tpu.memory_space<vmem>> -> memref<128x128xf32, #tpu.memory_space<vmem>>
      %dma_wait3A_692 = arith.constant 0 : i32
      %dma_wait3A_693 = tpu.memref_slice %arg7[%dma_wait3A_685, %dma_wait3A_686, %dma_wait3A_692] : memref<2x8x128xi32, #tpu.memory_space<vmem>> -> memref<1x1x128xi32, #tpu.memory_space<vmem>>
      %dma_wait3A_694 = tpu.memref_squeeze %dma_wait3A_693 : memref<1x1x128xi32, #tpu.memory_space<vmem>> -> memref<128xi32, #tpu.memory_space<vmem>>
      %dma_wait3A_695 = arith.constant 0 : i32
      %dma_wait3A_696 = arith.constant 0 : i32
      %dma_wait3A_697 = tpu.memref_slice %arg2[%dma_wait3A_695, %dma_wait3A_696] : memref<10000x128xf32, #tpu.memory_space<hbm>> -> memref<10000x128xf32, #tpu.memory_space<hbm>>
      tpu.wait_indirect_dma semaphore(%arg12 : memref<!tpu.dma_semaphore, #tpu.memory_space<semaphore_mem>>) src(%dma_wait3A_697 : memref<10000x128xf32, #tpu.memory_space<hbm>>) dst(%dma_wait3A_691 : memref<128x128xf32, #tpu.memory_space<vmem>>)
      %dma_start3A_698 = arith.constant 1 : i32
      %dma_start3A_699 = arith.constant 1 : i32
      %dma_start3A_700 = arith.constant 3 : i32
      %dma_start3A_701 = arith.constant 0 : i32
      %dma_start3A_702 = arith.constant 0 : i32
      %dma_start3A_703 = tpu.memref_slice %arg9[%dma_start3A_698, %dma_start3A_701, %dma_start3A_702] : memref<2x128x128xf32, #tpu.memory_space<vmem>> -> memref<1x128x128xf32, #tpu.memory_space<vmem>>
      %dma_start3A_704 = tpu.memref_squeeze %dma_start3A_703 : memref<1x128x128xf32, #tpu.memory_space<vmem>> -> memref<128x128xf32, #tpu.memory_space<vmem>>
      %dma_start3A_705 = arith.constant 0 : i32
      %dma_start3A_706 = tpu.memref_slice %arg8[%dma_start3A_699, %dma_start3A_700, %dma_start3A_705] : memref<2x8x128xi32, #tpu.memory_space<vmem>> -> memref<1x1x128xi32, #tpu.memory_space<vmem>>
      %dma_start3A_707 = tpu.memref_squeeze %dma_start3A_706 : memref<1x1x128xi32, #tpu.memory_space<vmem>> -> memref<128xi32, #tpu.memory_space<vmem>>
      %dma_start3A_708 = arith.constant 0 : i32
      %dma_start3A_709 = arith.constant 0 : i32
      %dma_start3A_710 = tpu.memref_slice %arg10[%dma_start3A_708, %dma_start3A_709] : memref<10112x128xf32, #tpu.memory_space<vmem_shared>> -> memref<10112x128xf32, #tpu.memory_space<vmem_shared>>
      tpu.enqueue_indirect_dma source(%dma_start3A_704 : memref<128x128xf32, #tpu.memory_space<vmem>>) target(%dma_start3A_710 : memref<10112x128xf32, #tpu.memory_space<vmem_shared>>) offsets(%dma_start3A_707 : memref<128xi32, #tpu.memory_space<vmem>>) semaphore(%arg14 : memref<!tpu.dma_semaphore, #tpu.memory_space<semaphore_mem>>) {add = true}
      %dma_wait3A_711 = arith.constant 1 : i32
      %dma_wait3A_712 = arith.constant 1 : i32
      %dma_wait3A_713 = arith.constant 3 : i32
      %dma_wait3A_714 = arith.constant 0 : i32
      %dma_wait3A_715 = arith.constant 0 : i32
      %dma_wait3A_716 = tpu.memref_slice %arg9[%dma_wait3A_711, %dma_wait3A_714, %dma_wait3A_715] : memref<2x128x128xf32, #tpu.memory_space<vmem>> -> memref<1x128x128xf32, #tpu.memory_space<vmem>>
      %dma_wait3A_717 = tpu.memref_squeeze %dma_wait3A_716 : memref<1x128x128xf32, #tpu.memory_space<vmem>> -> memref<128x128xf32, #tpu.memory_space<vmem>>
      %dma_wait3A_718 = arith.constant 0 : i32
      %dma_wait3A_719 = tpu.memref_slice %arg8[%dma_wait3A_712, %dma_wait3A_713, %dma_wait3A_718] : memref<2x8x128xi32, #tpu.memory_space<vmem>> -> memref<1x1x128xi32, #tpu.memory_space<vmem>>
      %dma_wait3A_720 = tpu.memref_squeeze %dma_wait3A_719 : memref<1x1x128xi32, #tpu.memory_space<vmem>> -> memref<128xi32, #tpu.memory_space<vmem>>
      %dma_wait3A_721 = arith.constant 0 : i32
      %dma_wait3A_722 = arith.constant 0 : i32
      %dma_wait3A_723 = tpu.memref_slice %arg10[%dma_wait3A_721, %dma_wait3A_722] : memref<10112x128xf32, #tpu.memory_space<vmem_shared>> -> memref<10112x128xf32, #tpu.memory_space<vmem_shared>>
      tpu.wait_indirect_dma semaphore(%arg14 : memref<!tpu.dma_semaphore, #tpu.memory_space<semaphore_mem>>) src(%dma_wait3A_717 : memref<128x128xf32, #tpu.memory_space<vmem>>) dst(%dma_wait3A_723 : memref<10112x128xf32, #tpu.memory_space<vmem_shared>>)
      %dma_start3A_724 = arith.constant 1 : i32
      %dma_start3A_725 = arith.constant 5 : i32
      %dma_start3A_726 = arith.constant 1 : i32
      %dma_start3A_727 = arith.constant 0 : i32
      %dma_start3A_728 = arith.constant 0 : i32
      %dma_start3A_729 = tpu.memref_slice %arg9[%dma_start3A_726, %dma_start3A_727, %dma_start3A_728] : memref<2x128x128xf32, #tpu.memory_space<vmem>> -> memref<1x128x128xf32, #tpu.memory_space<vmem>>
      %dma_start3A_730 = tpu.memref_squeeze %dma_start3A_729 : memref<1x128x128xf32, #tpu.memory_space<vmem>> -> memref<128x128xf32, #tpu.memory_space<vmem>>
      %dma_start3A_731 = arith.constant 0 : i32
      %dma_start3A_732 = tpu.memref_slice %arg7[%dma_start3A_724, %dma_start3A_725, %dma_start3A_731] : memref<2x8x128xi32, #tpu.memory_space<vmem>> -> memref<1x1x128xi32, #tpu.memory_space<vmem>>
      %dma_start3A_733 = tpu.memref_squeeze %dma_start3A_732 : memref<1x1x128xi32, #tpu.memory_space<vmem>> -> memref<128xi32, #tpu.memory_space<vmem>>
      %dma_start3A_734 = arith.constant 0 : i32
      %dma_start3A_735 = arith.constant 0 : i32
      %dma_start3A_736 = tpu.memref_slice %arg2[%dma_start3A_734, %dma_start3A_735] : memref<10000x128xf32, #tpu.memory_space<hbm>> -> memref<10000x128xf32, #tpu.memory_space<hbm>>
      tpu.enqueue_indirect_dma source(%dma_start3A_736 : memref<10000x128xf32, #tpu.memory_space<hbm>>) target(%dma_start3A_730 : memref<128x128xf32, #tpu.memory_space<vmem>>) offsets(%dma_start3A_733 : memref<128xi32, #tpu.memory_space<vmem>>) semaphore(%arg12 : memref<!tpu.dma_semaphore, #tpu.memory_space<semaphore_mem>>)
      %dma_wait3A_737 = arith.constant 1 : i32
      %dma_wait3A_738 = arith.constant 4 : i32
      %dma_wait3A_739 = arith.constant 0 : i32
      %dma_wait3A_740 = arith.constant 0 : i32
      %dma_wait3A_741 = arith.constant 0 : i32
      %dma_wait3A_742 = tpu.memref_slice %arg9[%dma_wait3A_739, %dma_wait3A_740, %dma_wait3A_741] : memref<2x128x128xf32, #tpu.memory_space<vmem>> -> memref<1x128x128xf32, #tpu.memory_space<vmem>>
      %dma_wait3A_743 = tpu.memref_squeeze %dma_wait3A_742 : memref<1x128x128xf32, #tpu.memory_space<vmem>> -> memref<128x128xf32, #tpu.memory_space<vmem>>
      %dma_wait3A_744 = arith.constant 0 : i32
      %dma_wait3A_745 = tpu.memref_slice %arg7[%dma_wait3A_737, %dma_wait3A_738, %dma_wait3A_744] : memref<2x8x128xi32, #tpu.memory_space<vmem>> -> memref<1x1x128xi32, #tpu.memory_space<vmem>>
      %dma_wait3A_746 = tpu.memref_squeeze %dma_wait3A_745 : memref<1x1x128xi32, #tpu.memory_space<vmem>> -> memref<128xi32, #tpu.memory_space<vmem>>
      %dma_wait3A_747 = arith.constant 0 : i32
      %dma_wait3A_748 = arith.constant 0 : i32
      %dma_wait3A_749 = tpu.memref_slice %arg2[%dma_wait3A_747, %dma_wait3A_748] : memref<10000x128xf32, #tpu.memory_space<hbm>> -> memref<10000x128xf32, #tpu.memory_space<hbm>>
      tpu.wait_indirect_dma semaphore(%arg11 : memref<!tpu.dma_semaphore, #tpu.memory_space<semaphore_mem>>) src(%dma_wait3A_749 : memref<10000x128xf32, #tpu.memory_space<hbm>>) dst(%dma_wait3A_743 : memref<128x128xf32, #tpu.memory_space<vmem>>)
      %dma_start3A_750 = arith.constant 0 : i32
      %dma_start3A_751 = arith.constant 1 : i32
      %dma_start3A_752 = arith.constant 4 : i32
      %dma_start3A_753 = arith.constant 0 : i32
      %dma_start3A_754 = arith.constant 0 : i32
      %dma_start3A_755 = tpu.memref_slice %arg9[%dma_start3A_750, %dma_start3A_753, %dma_start3A_754] : memref<2x128x128xf32, #tpu.memory_space<vmem>> -> memref<1x128x128xf32, #tpu.memory_space<vmem>>
      %dma_start3A_756 = tpu.memref_squeeze %dma_start3A_755 : memref<1x128x128xf32, #tpu.memory_space<vmem>> -> memref<128x128xf32, #tpu.memory_space<vmem>>
      %dma_start3A_757 = arith.constant 0 : i32
      %dma_start3A_758 = tpu.memref_slice %arg8[%dma_start3A_751, %dma_start3A_752, %dma_start3A_757] : memref<2x8x128xi32, #tpu.memory_space<vmem>> -> memref<1x1x128xi32, #tpu.memory_space<vmem>>
      %dma_start3A_759 = tpu.memref_squeeze %dma_start3A_758 : memref<1x1x128xi32, #tpu.memory_space<vmem>> -> memref<128xi32, #tpu.memory_space<vmem>>
      %dma_start3A_760 = arith.constant 0 : i32
      %dma_start3A_761 = arith.constant 0 : i32
      %dma_start3A_762 = tpu.memref_slice %arg10[%dma_start3A_760, %dma_start3A_761] : memref<10112x128xf32, #tpu.memory_space<vmem_shared>> -> memref<10112x128xf32, #tpu.memory_space<vmem_shared>>
      tpu.enqueue_indirect_dma source(%dma_start3A_756 : memref<128x128xf32, #tpu.memory_space<vmem>>) target(%dma_start3A_762 : memref<10112x128xf32, #tpu.memory_space<vmem_shared>>) offsets(%dma_start3A_759 : memref<128xi32, #tpu.memory_space<vmem>>) semaphore(%arg13 : memref<!tpu.dma_semaphore, #tpu.memory_space<semaphore_mem>>) {add = true}
      %dma_wait3A_763 = arith.constant 0 : i32
      %dma_wait3A_764 = arith.constant 1 : i32
      %dma_wait3A_765 = arith.constant 4 : i32
      %dma_wait3A_766 = arith.constant 0 : i32
      %dma_wait3A_767 = arith.constant 0 : i32
      %dma_wait3A_768 = tpu.memref_slice %arg9[%dma_wait3A_763, %dma_wait3A_766, %dma_wait3A_767] : memref<2x128x128xf32, #tpu.memory_space<vmem>> -> memref<1x128x128xf32, #tpu.memory_space<vmem>>
      %dma_wait3A_769 = tpu.memref_squeeze %dma_wait3A_768 : memref<1x128x128xf32, #tpu.memory_space<vmem>> -> memref<128x128xf32, #tpu.memory_space<vmem>>
      %dma_wait3A_770 = arith.constant 0 : i32
      %dma_wait3A_771 = tpu.memref_slice %arg8[%dma_wait3A_764, %dma_wait3A_765, %dma_wait3A_770] : memref<2x8x128xi32, #tpu.memory_space<vmem>> -> memref<1x1x128xi32, #tpu.memory_space<vmem>>
      %dma_wait3A_772 = tpu.memref_squeeze %dma_wait3A_771 : memref<1x1x128xi32, #tpu.memory_space<vmem>> -> memref<128xi32, #tpu.memory_space<vmem>>
      %dma_wait3A_773 = arith.constant 0 : i32
      %dma_wait3A_774 = arith.constant 0 : i32
      %dma_wait3A_775 = tpu.memref_slice %arg10[%dma_wait3A_773, %dma_wait3A_774] : memref<10112x128xf32, #tpu.memory_space<vmem_shared>> -> memref<10112x128xf32, #tpu.memory_space<vmem_shared>>
      tpu.wait_indirect_dma semaphore(%arg13 : memref<!tpu.dma_semaphore, #tpu.memory_space<semaphore_mem>>) src(%dma_wait3A_769 : memref<128x128xf32, #tpu.memory_space<vmem>>) dst(%dma_wait3A_775 : memref<10112x128xf32, #tpu.memory_space<vmem_shared>>)
      %dma_start3A_776 = arith.constant 1 : i32
      %dma_start3A_777 = arith.constant 6 : i32
      %dma_start3A_778 = arith.constant 0 : i32
      %dma_start3A_779 = arith.constant 0 : i32
      %dma_start3A_780 = arith.constant 0 : i32
      %dma_start3A_781 = tpu.memref_slice %arg9[%dma_start3A_778, %dma_start3A_779, %dma_start3A_780] : memref<2x128x128xf32, #tpu.memory_space<vmem>> -> memref<1x128x128xf32, #tpu.memory_space<vmem>>
      %dma_start3A_782 = tpu.memref_squeeze %dma_start3A_781 : memref<1x128x128xf32, #tpu.memory_space<vmem>> -> memref<128x128xf32, #tpu.memory_space<vmem>>
      %dma_start3A_783 = arith.constant 0 : i32
      %dma_start3A_784 = tpu.memref_slice %arg7[%dma_start3A_776, %dma_start3A_777, %dma_start3A_783] : memref<2x8x128xi32, #tpu.memory_space<vmem>> -> memref<1x1x128xi32, #tpu.memory_space<vmem>>
      %dma_start3A_785 = tpu.memref_squeeze %dma_start3A_784 : memref<1x1x128xi32, #tpu.memory_space<vmem>> -> memref<128xi32, #tpu.memory_space<vmem>>
      %dma_start3A_786 = arith.constant 0 : i32
      %dma_start3A_787 = arith.constant 0 : i32
      %dma_start3A_788 = tpu.memref_slice %arg2[%dma_start3A_786, %dma_start3A_787] : memref<10000x128xf32, #tpu.memory_space<hbm>> -> memref<10000x128xf32, #tpu.memory_space<hbm>>
      tpu.enqueue_indirect_dma source(%dma_start3A_788 : memref<10000x128xf32, #tpu.memory_space<hbm>>) target(%dma_start3A_782 : memref<128x128xf32, #tpu.memory_space<vmem>>) offsets(%dma_start3A_785 : memref<128xi32, #tpu.memory_space<vmem>>) semaphore(%arg11 : memref<!tpu.dma_semaphore, #tpu.memory_space<semaphore_mem>>)
      %dma_wait3A_789 = arith.constant 1 : i32
      %dma_wait3A_790 = arith.constant 5 : i32
      %dma_wait3A_791 = arith.constant 1 : i32
      %dma_wait3A_792 = arith.constant 0 : i32
      %dma_wait3A_793 = arith.constant 0 : i32
      %dma_wait3A_794 = tpu.memref_slice %arg9[%dma_wait3A_791, %dma_wait3A_792, %dma_wait3A_793] : memref<2x128x128xf32, #tpu.memory_space<vmem>> -> memref<1x128x128xf32, #tpu.memory_space<vmem>>
      %dma_wait3A_795 = tpu.memref_squeeze %dma_wait3A_794 : memref<1x128x128xf32, #tpu.memory_space<vmem>> -> memref<128x128xf32, #tpu.memory_space<vmem>>
      %dma_wait3A_796 = arith.constant 0 : i32
      %dma_wait3A_797 = tpu.memref_slice %arg7[%dma_wait3A_789, %dma_wait3A_790, %dma_wait3A_796] : memref<2x8x128xi32, #tpu.memory_space<vmem>> -> memref<1x1x128xi32, #tpu.memory_space<vmem>>
      %dma_wait3A_798 = tpu.memref_squeeze %dma_wait3A_797 : memref<1x1x128xi32, #tpu.memory_space<vmem>> -> memref<128xi32, #tpu.memory_space<vmem>>
      %dma_wait3A_799 = arith.constant 0 : i32
      %dma_wait3A_800 = arith.constant 0 : i32
      %dma_wait3A_801 = tpu.memref_slice %arg2[%dma_wait3A_799, %dma_wait3A_800] : memref<10000x128xf32, #tpu.memory_space<hbm>> -> memref<10000x128xf32, #tpu.memory_space<hbm>>
      tpu.wait_indirect_dma semaphore(%arg12 : memref<!tpu.dma_semaphore, #tpu.memory_space<semaphore_mem>>) src(%dma_wait3A_801 : memref<10000x128xf32, #tpu.memory_space<hbm>>) dst(%dma_wait3A_795 : memref<128x128xf32, #tpu.memory_space<vmem>>)
      %dma_start3A_802 = arith.constant 1 : i32
      %dma_start3A_803 = arith.constant 1 : i32
      %dma_start3A_804 = arith.constant 5 : i32
      %dma_start3A_805 = arith.constant 0 : i32
      %dma_start3A_806 = arith.constant 0 : i32
      %dma_start3A_807 = tpu.memref_slice %arg9[%dma_start3A_802, %dma_start3A_805, %dma_start3A_806] : memref<2x128x128xf32, #tpu.memory_space<vmem>> -> memref<1x128x128xf32, #tpu.memory_space<vmem>>
      %dma_start3A_808 = tpu.memref_squeeze %dma_start3A_807 : memref<1x128x128xf32, #tpu.memory_space<vmem>> -> memref<128x128xf32, #tpu.memory_space<vmem>>
      %dma_start3A_809 = arith.constant 0 : i32
      %dma_start3A_810 = tpu.memref_slice %arg8[%dma_start3A_803, %dma_start3A_804, %dma_start3A_809] : memref<2x8x128xi32, #tpu.memory_space<vmem>> -> memref<1x1x128xi32, #tpu.memory_space<vmem>>
      %dma_start3A_811 = tpu.memref_squeeze %dma_start3A_810 : memref<1x1x128xi32, #tpu.memory_space<vmem>> -> memref<128xi32, #tpu.memory_space<vmem>>
      %dma_start3A_812 = arith.constant 0 : i32
      %dma_start3A_813 = arith.constant 0 : i32
      %dma_start3A_814 = tpu.memref_slice %arg10[%dma_start3A_812, %dma_start3A_813] : memref<10112x128xf32, #tpu.memory_space<vmem_shared>> -> memref<10112x128xf32, #tpu.memory_space<vmem_shared>>
      tpu.enqueue_indirect_dma source(%dma_start3A_808 : memref<128x128xf32, #tpu.memory_space<vmem>>) target(%dma_start3A_814 : memref<10112x128xf32, #tpu.memory_space<vmem_shared>>) offsets(%dma_start3A_811 : memref<128xi32, #tpu.memory_space<vmem>>) semaphore(%arg14 : memref<!tpu.dma_semaphore, #tpu.memory_space<semaphore_mem>>) {add = true}
      %dma_wait3A_815 = arith.constant 1 : i32
      %dma_wait3A_816 = arith.constant 1 : i32
      %dma_wait3A_817 = arith.constant 5 : i32
      %dma_wait3A_818 = arith.constant 0 : i32
      %dma_wait3A_819 = arith.constant 0 : i32
      %dma_wait3A_820 = tpu.memref_slice %arg9[%dma_wait3A_815, %dma_wait3A_818, %dma_wait3A_819] : memref<2x128x128xf32, #tpu.memory_space<vmem>> -> memref<1x128x128xf32, #tpu.memory_space<vmem>>
      %dma_wait3A_821 = tpu.memref_squeeze %dma_wait3A_820 : memref<1x128x128xf32, #tpu.memory_space<vmem>> -> memref<128x128xf32, #tpu.memory_space<vmem>>
      %dma_wait3A_822 = arith.constant 0 : i32
      %dma_wait3A_823 = tpu.memref_slice %arg8[%dma_wait3A_816, %dma_wait3A_817, %dma_wait3A_822] : memref<2x8x128xi32, #tpu.memory_space<vmem>> -> memref<1x1x128xi32, #tpu.memory_space<vmem>>
      %dma_wait3A_824 = tpu.memref_squeeze %dma_wait3A_823 : memref<1x1x128xi32, #tpu.memory_space<vmem>> -> memref<128xi32, #tpu.memory_space<vmem>>
      %dma_wait3A_825 = arith.constant 0 : i32
      %dma_wait3A_826 = arith.constant 0 : i32
      %dma_wait3A_827 = tpu.memref_slice %arg10[%dma_wait3A_825, %dma_wait3A_826] : memref<10112x128xf32, #tpu.memory_space<vmem_shared>> -> memref<10112x128xf32, #tpu.memory_space<vmem_shared>>
      tpu.wait_indirect_dma semaphore(%arg14 : memref<!tpu.dma_semaphore, #tpu.memory_space<semaphore_mem>>) src(%dma_wait3A_821 : memref<128x128xf32, #tpu.memory_space<vmem>>) dst(%dma_wait3A_827 : memref<10112x128xf32, #tpu.memory_space<vmem_shared>>)
      %dma_start3A_828 = arith.constant 1 : i32
      %dma_start3A_829 = arith.constant 7 : i32
      %dma_start3A_830 = arith.constant 1 : i32
      %dma_start3A_831 = arith.constant 0 : i32
      %dma_start3A_832 = arith.constant 0 : i32
      %dma_start3A_833 = tpu.memref_slice %arg9[%dma_start3A_830, %dma_start3A_831, %dma_start3A_832] : memref<2x128x128xf32, #tpu.memory_space<vmem>> -> memref<1x128x128xf32, #tpu.memory_space<vmem>>
      %dma_start3A_834 = tpu.memref_squeeze %dma_start3A_833 : memref<1x128x128xf32, #tpu.memory_space<vmem>> -> memref<128x128xf32, #tpu.memory_space<vmem>>
      %dma_start3A_835 = arith.constant 0 : i32
      %dma_start3A_836 = tpu.memref_slice %arg7[%dma_start3A_828, %dma_start3A_829, %dma_start3A_835] : memref<2x8x128xi32, #tpu.memory_space<vmem>> -> memref<1x1x128xi32, #tpu.memory_space<vmem>>
      %dma_start3A_837 = tpu.memref_squeeze %dma_start3A_836 : memref<1x1x128xi32, #tpu.memory_space<vmem>> -> memref<128xi32, #tpu.memory_space<vmem>>
      %dma_start3A_838 = arith.constant 0 : i32
      %dma_start3A_839 = arith.constant 0 : i32
      %dma_start3A_840 = tpu.memref_slice %arg2[%dma_start3A_838, %dma_start3A_839] : memref<10000x128xf32, #tpu.memory_space<hbm>> -> memref<10000x128xf32, #tpu.memory_space<hbm>>
      tpu.enqueue_indirect_dma source(%dma_start3A_840 : memref<10000x128xf32, #tpu.memory_space<hbm>>) target(%dma_start3A_834 : memref<128x128xf32, #tpu.memory_space<vmem>>) offsets(%dma_start3A_837 : memref<128xi32, #tpu.memory_space<vmem>>) semaphore(%arg12 : memref<!tpu.dma_semaphore, #tpu.memory_space<semaphore_mem>>)
      %dma_wait3A_841 = arith.constant 1 : i32
      %dma_wait3A_842 = arith.constant 6 : i32
      %dma_wait3A_843 = arith.constant 0 : i32
      %dma_wait3A_844 = arith.constant 0 : i32
      %dma_wait3A_845 = arith.constant 0 : i32
      %dma_wait3A_846 = tpu.memref_slice %arg9[%dma_wait3A_843, %dma_wait3A_844, %dma_wait3A_845] : memref<2x128x128xf32, #tpu.memory_space<vmem>> -> memref<1x128x128xf32, #tpu.memory_space<vmem>>
      %dma_wait3A_847 = tpu.memref_squeeze %dma_wait3A_846 : memref<1x128x128xf32, #tpu.memory_space<vmem>> -> memref<128x128xf32, #tpu.memory_space<vmem>>
      %dma_wait3A_848 = arith.constant 0 : i32
      %dma_wait3A_849 = tpu.memref_slice %arg7[%dma_wait3A_841, %dma_wait3A_842, %dma_wait3A_848] : memref<2x8x128xi32, #tpu.memory_space<vmem>> -> memref<1x1x128xi32, #tpu.memory_space<vmem>>
      %dma_wait3A_850 = tpu.memref_squeeze %dma_wait3A_849 : memref<1x1x128xi32, #tpu.memory_space<vmem>> -> memref<128xi32, #tpu.memory_space<vmem>>
      %dma_wait3A_851 = arith.constant 0 : i32
      %dma_wait3A_852 = arith.constant 0 : i32
      %dma_wait3A_853 = tpu.memref_slice %arg2[%dma_wait3A_851, %dma_wait3A_852] : memref<10000x128xf32, #tpu.memory_space<hbm>> -> memref<10000x128xf32, #tpu.memory_space<hbm>>
      tpu.wait_indirect_dma semaphore(%arg11 : memref<!tpu.dma_semaphore, #tpu.memory_space<semaphore_mem>>) src(%dma_wait3A_853 : memref<10000x128xf32, #tpu.memory_space<hbm>>) dst(%dma_wait3A_847 : memref<128x128xf32, #tpu.memory_space<vmem>>)
      %dma_start3A_854 = arith.constant 0 : i32
      %dma_start3A_855 = arith.constant 1 : i32
      %dma_start3A_856 = arith.constant 6 : i32
      %dma_start3A_857 = arith.constant 0 : i32
      %dma_start3A_858 = arith.constant 0 : i32
      %dma_start3A_859 = tpu.memref_slice %arg9[%dma_start3A_854, %dma_start3A_857, %dma_start3A_858] : memref<2x128x128xf32, #tpu.memory_space<vmem>> -> memref<1x128x128xf32, #tpu.memory_space<vmem>>
      %dma_start3A_860 = tpu.memref_squeeze %dma_start3A_859 : memref<1x128x128xf32, #tpu.memory_space<vmem>> -> memref<128x128xf32, #tpu.memory_space<vmem>>
      %dma_start3A_861 = arith.constant 0 : i32
      %dma_start3A_862 = tpu.memref_slice %arg8[%dma_start3A_855, %dma_start3A_856, %dma_start3A_861] : memref<2x8x128xi32, #tpu.memory_space<vmem>> -> memref<1x1x128xi32, #tpu.memory_space<vmem>>
      %dma_start3A_863 = tpu.memref_squeeze %dma_start3A_862 : memref<1x1x128xi32, #tpu.memory_space<vmem>> -> memref<128xi32, #tpu.memory_space<vmem>>
      %dma_start3A_864 = arith.constant 0 : i32
      %dma_start3A_865 = arith.constant 0 : i32
      %dma_start3A_866 = tpu.memref_slice %arg10[%dma_start3A_864, %dma_start3A_865] : memref<10112x128xf32, #tpu.memory_space<vmem_shared>> -> memref<10112x128xf32, #tpu.memory_space<vmem_shared>>
      tpu.enqueue_indirect_dma source(%dma_start3A_860 : memref<128x128xf32, #tpu.memory_space<vmem>>) target(%dma_start3A_866 : memref<10112x128xf32, #tpu.memory_space<vmem_shared>>) offsets(%dma_start3A_863 : memref<128xi32, #tpu.memory_space<vmem>>) semaphore(%arg13 : memref<!tpu.dma_semaphore, #tpu.memory_space<semaphore_mem>>) {add = true}
      %scan3A_867 = arith.constant 0 : i32
      scf.yield %scan3A_867 : i32
    }
    %scan3A_28 = arith.constant 5 : i32
    %dma_wait3A = arith.constant 1 : i32
    %dma_wait3A_29 = arith.constant 7 : i32
    %dma_wait3A_30 = arith.constant 1 : i32
    %dma_wait3A_31 = arith.constant 0 : i32
    %dma_wait3A_32 = arith.constant 0 : i32
    %dma_wait3A_33 = tpu.memref_slice %arg9[%dma_wait3A_30, %dma_wait3A_31, %dma_wait3A_32] : memref<2x128x128xf32, #tpu.memory_space<vmem>> -> memref<1x128x128xf32, #tpu.memory_space<vmem>>
    %dma_wait3A_34 = tpu.memref_squeeze %dma_wait3A_33 : memref<1x128x128xf32, #tpu.memory_space<vmem>> -> memref<128x128xf32, #tpu.memory_space<vmem>>
    %dma_wait3A_35 = arith.constant 0 : i32
    %dma_wait3A_36 = tpu.memref_slice %arg7[%dma_wait3A, %dma_wait3A_29, %dma_wait3A_35] : memref<2x8x128xi32, #tpu.memory_space<vmem>> -> memref<1x1x128xi32, #tpu.memory_space<vmem>>
    %dma_wait3A_37 = tpu.memref_squeeze %dma_wait3A_36 : memref<1x1x128xi32, #tpu.memory_space<vmem>> -> memref<128xi32, #tpu.memory_space<vmem>>
    %dma_wait3A_38 = arith.constant 0 : i32
    %dma_wait3A_39 = arith.constant 0 : i32
    %dma_wait3A_40 = tpu.memref_slice %arg2[%dma_wait3A_38, %dma_wait3A_39] : memref<10000x128xf32, #tpu.memory_space<hbm>> -> memref<10000x128xf32, #tpu.memory_space<hbm>>
    tpu.wait_indirect_dma semaphore(%arg12 : memref<!tpu.dma_semaphore, #tpu.memory_space<semaphore_mem>>) src(%dma_wait3A_40 : memref<10000x128xf32, #tpu.memory_space<hbm>>) dst(%dma_wait3A_34 : memref<128x128xf32, #tpu.memory_space<vmem>>)
    %dma_start3A = arith.constant 1 : i32
    %dma_start3A_41 = arith.constant 1 : i32
    %dma_start3A_42 = arith.constant 7 : i32
    %dma_start3A_43 = arith.constant 0 : i32
    %dma_start3A_44 = arith.constant 0 : i32
    %dma_start3A_45 = tpu.memref_slice %arg9[%dma_start3A, %dma_start3A_43, %dma_start3A_44] : memref<2x128x128xf32, #tpu.memory_space<vmem>> -> memref<1x128x128xf32, #tpu.memory_space<vmem>>
    %dma_start3A_46 = tpu.memref_squeeze %dma_start3A_45 : memref<1x128x128xf32, #tpu.memory_space<vmem>> -> memref<128x128xf32, #tpu.memory_space<vmem>>
    %dma_start3A_47 = arith.constant 0 : i32
    %dma_start3A_48 = tpu.memref_slice %arg8[%dma_start3A_41, %dma_start3A_42, %dma_start3A_47] : memref<2x8x128xi32, #tpu.memory_space<vmem>> -> memref<1x1x128xi32, #tpu.memory_space<vmem>>
    %dma_start3A_49 = tpu.memref_squeeze %dma_start3A_48 : memref<1x1x128xi32, #tpu.memory_space<vmem>> -> memref<128xi32, #tpu.memory_space<vmem>>
    %dma_start3A_50 = arith.constant 0 : i32
    %dma_start3A_51 = arith.constant 0 : i32
    %dma_start3A_52 = tpu.memref_slice %arg10[%dma_start3A_50, %dma_start3A_51] : memref<10112x128xf32, #tpu.memory_space<vmem_shared>> -> memref<10112x128xf32, #tpu.memory_space<vmem_shared>>
    tpu.enqueue_indirect_dma source(%dma_start3A_46 : memref<128x128xf32, #tpu.memory_space<vmem>>) target(%dma_start3A_52 : memref<10112x128xf32, #tpu.memory_space<vmem_shared>>) offsets(%dma_start3A_49 : memref<128xi32, #tpu.memory_space<vmem>>) semaphore(%arg14 : memref<!tpu.dma_semaphore, #tpu.memory_space<semaphore_mem>>) {add = true}
    %dma_wait3A_53 = arith.constant 0 : i32
    %dma_wait3A_54 = arith.constant 1 : i32
    %dma_wait3A_55 = arith.constant 6 : i32
    %dma_wait3A_56 = arith.constant 0 : i32
    %dma_wait3A_57 = arith.constant 0 : i32
    %dma_wait3A_58 = tpu.memref_slice %arg9[%dma_wait3A_53, %dma_wait3A_56, %dma_wait3A_57] : memref<2x128x128xf32, #tpu.memory_space<vmem>> -> memref<1x128x128xf32, #tpu.memory_space<vmem>>
    %dma_wait3A_59 = tpu.memref_squeeze %dma_wait3A_58 : memref<1x128x128xf32, #tpu.memory_space<vmem>> -> memref<128x128xf32, #tpu.memory_space<vmem>>
    %dma_wait3A_60 = arith.constant 0 : i32
    %dma_wait3A_61 = tpu.memref_slice %arg8[%dma_wait3A_54, %dma_wait3A_55, %dma_wait3A_60] : memref<2x8x128xi32, #tpu.memory_space<vmem>> -> memref<1x1x128xi32, #tpu.memory_space<vmem>>
    %dma_wait3A_62 = tpu.memref_squeeze %dma_wait3A_61 : memref<1x1x128xi32, #tpu.memory_space<vmem>> -> memref<128xi32, #tpu.memory_space<vmem>>
    %dma_wait3A_63 = arith.constant 0 : i32
    %dma_wait3A_64 = arith.constant 0 : i32
    %dma_wait3A_65 = tpu.memref_slice %arg10[%dma_wait3A_63, %dma_wait3A_64] : memref<10112x128xf32, #tpu.memory_space<vmem_shared>> -> memref<10112x128xf32, #tpu.memory_space<vmem_shared>>
    tpu.wait_indirect_dma semaphore(%arg13 : memref<!tpu.dma_semaphore, #tpu.memory_space<semaphore_mem>>) src(%dma_wait3A_59 : memref<128x128xf32, #tpu.memory_space<vmem>>) dst(%dma_wait3A_65 : memref<10112x128xf32, #tpu.memory_space<vmem_shared>>)
    %dma_wait3A_66 = arith.constant 1 : i32
    %dma_wait3A_67 = arith.constant 1 : i32
    %dma_wait3A_68 = arith.constant 7 : i32
    %dma_wait3A_69 = arith.constant 0 : i32
    %dma_wait3A_70 = arith.constant 0 : i32
    %dma_wait3A_71 = tpu.memref_slice %arg9[%dma_wait3A_66, %dma_wait3A_69, %dma_wait3A_70] : memref<2x128x128xf32, #tpu.memory_space<vmem>> -> memref<1x128x128xf32, #tpu.memory_space<vmem>>
    %dma_wait3A_72 = tpu.memref_squeeze %dma_wait3A_71 : memref<1x128x128xf32, #tpu.memory_space<vmem>> -> memref<128x128xf32, #tpu.memory_space<vmem>>
    %dma_wait3A_73 = arith.constant 0 : i32
    %dma_wait3A_74 = tpu.memref_slice %arg8[%dma_wait3A_67, %dma_wait3A_68, %dma_wait3A_73] : memref<2x8x128xi32, #tpu.memory_space<vmem>> -> memref<1x1x128xi32, #tpu.memory_space<vmem>>
    %dma_wait3A_75 = tpu.memref_squeeze %dma_wait3A_74 : memref<1x1x128xi32, #tpu.memory_space<vmem>> -> memref<128xi32, #tpu.memory_space<vmem>>
    %dma_wait3A_76 = arith.constant 0 : i32
    %dma_wait3A_77 = arith.constant 0 : i32
    %dma_wait3A_78 = tpu.memref_slice %arg10[%dma_wait3A_76, %dma_wait3A_77] : memref<10112x128xf32, #tpu.memory_space<vmem_shared>> -> memref<10112x128xf32, #tpu.memory_space<vmem_shared>>
    tpu.wait_indirect_dma semaphore(%arg14 : memref<!tpu.dma_semaphore, #tpu.memory_space<semaphore_mem>>) src(%dma_wait3A_72 : memref<128x128xf32, #tpu.memory_space<vmem>>) dst(%dma_wait3A_78 : memref<10112x128xf32, #tpu.memory_space<vmem_shared>>)
    %barrier3A_79 = arith.constant 0 : index
    tpu.barrier barrier_id(%barrier3A_79)
    %mul3A_80 = arith.constant 10112 : i32
    %mul3A_81 = arith.muli %arg0, %mul3A_80 : i32
    %add3A_82 = arith.addi %mul3A_81, %mul3A_2 : i32
    "tpu.region"() ({
      %run_scoped3A_83 = tpu.sem_alloc : memref<!tpu.dma_semaphore, #tpu.memory_space<semaphore_mem>>
      %dma_start3A_84 = arith.constant 0 : i32
      %dma_start3A_85 = tpu.memref_slice %arg6[%add3A_82, %dma_start3A_84] : memref<20224x128xf32, #tpu.memory_space<hbm>> -> memref<632x128xf32, #tpu.memory_space<hbm>>
      %dma_start3A_86 = arith.constant 0 : i32
      %dma_start3A_87 = tpu.memref_slice %arg10[%mul3A_2, %dma_start3A_86] : memref<10112x128xf32, #tpu.memory_space<vmem_shared>> -> memref<632x128xf32, #tpu.memory_space<vmem_shared>>
      tpu.enqueue_dma source(%dma_start3A_87 : memref<632x128xf32, #tpu.memory_space<vmem_shared>>) target(%dma_start3A_85 : memref<632x128xf32, #tpu.memory_space<hbm>>) target_semaphore(%run_scoped3A_83 : memref<!tpu.dma_semaphore, #tpu.memory_space<semaphore_mem>>)
      %dma_wait3A_88 = arith.constant 0 : i32
      %dma_wait3A_89 = tpu.memref_slice %arg6[%add3A_82, %dma_wait3A_88] : memref<20224x128xf32, #tpu.memory_space<hbm>> -> memref<632x128xf32, #tpu.memory_space<hbm>>
      %dma_wait3A_90 = arith.constant 0 : i32
      %dma_wait3A_91 = tpu.memref_slice %arg10[%mul3A_2, %dma_wait3A_90] : memref<10112x128xf32, #tpu.memory_space<vmem_shared>> -> memref<632x128xf32, #tpu.memory_space<vmem_shared>>
      tpu.wait_dma2 semaphore(%run_scoped3A_83 : memref<!tpu.dma_semaphore, #tpu.memory_space<semaphore_mem>>) src(%dma_wait3A_91 : memref<632x128xf32, #tpu.memory_space<vmem_shared>>) dst(%dma_wait3A_89 : memref<632x128xf32, #tpu.memory_space<hbm>>)
      tpu.yield
    }) : () -> ()
    return
  }
}

#map = affine_map<(d0, d1) -> (0, 0)>
#map1 = affine_map<(d0, d1) -> (0, 0, 0, 0)>
module attributes {stable_mosaic.version = 14 : i64} {
  func.func @k(%arg0: i32, %arg1: i32, %arg2: memref<10000x128xf32, #tpu.memory_space<hbm>>, %arg3: memref<32x10x8x128xi32, #tpu.memory_space<hbm>>, %arg4: memref<32x10x8x128xi32, #tpu.memory_space<hbm>>, %arg5: memref<128x128xf32, #tpu.memory_space<hbm>>, %arg6: memref<20224x128xf32, #tpu.memory_space<hbm>>, %arg7: memref<2x8x128xi32, #tpu.memory_space<vmem>>, %arg8: memref<2x8x128xi32, #tpu.memory_space<vmem>>, %arg9: memref<2x128x128xf32, #tpu.memory_space<vmem>>, %arg10: memref<10112x128xf32, #tpu.memory_space<vmem_shared>>, %arg11: memref<!tpu.dma_semaphore, #tpu.memory_space<semaphore_mem>>, %arg12: memref<!tpu.dma_semaphore, #tpu.memory_space<semaphore_mem>>, %arg13: memref<!tpu.dma_semaphore, #tpu.memory_space<semaphore_mem>>, %arg14: memref<!tpu.dma_semaphore, #tpu.memory_space<semaphore_mem>>, %arg15: memref<!tpu.dma_semaphore, #tpu.memory_space<semaphore_mem>>, %arg16: memref<!tpu.dma_semaphore, #tpu.memory_space<semaphore_mem>>) attributes {dimension_semantics = [#tpu.dimension_semantics<core_parallel>, #tpu.dimension_semantics<subcore_parallel>], iteration_bounds = array<i64: 2, 16>, scalar_prefetch = 0 : i64, scratch_operands = 10 : i64, tpu.core_type = #tpu.core_type<sc_vector_subcore>, window_params = [{transform_indices = #map}, {transform_indices = #map1}, {transform_indices = #map1}, {transform_indices = #map}, {transform_indices = #map}]} {
    %mul3A = arith.constant 16 : i32
    %mul3A_0 = arith.muli %arg0, %mul3A : i32
    %add3A = arith.addi %mul3A_0, %arg1 : i32
    %run_scoped3A = arith.constant 0 : i32
    "tpu.region"() ({
      %run_scoped3A_83 = tpu.sem_alloc : memref<!tpu.dma_semaphore, #tpu.memory_space<semaphore_mem>>
      %dma_start3A_84 = arith.constant 0 : i32
      %dma_start3A_85 = arith.constant 0 : i32
      %dma_start3A_86 = tpu.memref_slice %arg9[%run_scoped3A, %dma_start3A_84, %dma_start3A_85] : memref<2x128x128xf32, #tpu.memory_space<vmem>> -> memref<1x128x128xf32, #tpu.memory_space<vmem>>
      %dma_start3A_87 = tpu.memref_squeeze %dma_start3A_86 : memref<1x128x128xf32, #tpu.memory_space<vmem>> -> memref<128x128xf32, #tpu.memory_space<vmem>>
      %dma_start3A_88 = arith.constant 0 : i32
      %dma_start3A_89 = arith.constant 0 : i32
      %dma_start3A_90 = tpu.memref_slice %arg9[%run_scoped3A, %dma_start3A_88, %dma_start3A_89] : memref<2x128x128xf32, #tpu.memory_space<vmem>> -> memref<1x128x128xf32, #tpu.memory_space<vmem>>
      %dma_start3A_91 = tpu.memref_squeeze %dma_start3A_90 : memref<1x128x128xf32, #tpu.memory_space<vmem>> -> memref<128x128xf32, #tpu.memory_space<vmem>>
      tpu.enqueue_dma source(%arg5 : memref<128x128xf32, #tpu.memory_space<hbm>>) target(%dma_start3A_91 : memref<128x128xf32, #tpu.memory_space<vmem>>) target_semaphore(%run_scoped3A_83 : memref<!tpu.dma_semaphore, #tpu.memory_space<semaphore_mem>>)
      %dma_wait3A_92 = arith.constant 0 : i32
      %dma_wait3A_93 = arith.constant 0 : i32
      %dma_wait3A_94 = tpu.memref_slice %arg9[%run_scoped3A, %dma_wait3A_92, %dma_wait3A_93] : memref<2x128x128xf32, #tpu.memory_space<vmem>> -> memref<1x128x128xf32, #tpu.memory_space<vmem>>
      %dma_wait3A_95 = tpu.memref_squeeze %dma_wait3A_94 : memref<1x128x128xf32, #tpu.memory_space<vmem>> -> memref<128x128xf32, #tpu.memory_space<vmem>>
      %dma_wait3A_96 = arith.constant 0 : i32
      %dma_wait3A_97 = arith.constant 0 : i32
      %dma_wait3A_98 = tpu.memref_slice %arg9[%run_scoped3A, %dma_wait3A_96, %dma_wait3A_97] : memref<2x128x128xf32, #tpu.memory_space<vmem>> -> memref<1x128x128xf32, #tpu.memory_space<vmem>>
      %dma_wait3A_99 = tpu.memref_squeeze %dma_wait3A_98 : memref<1x128x128xf32, #tpu.memory_space<vmem>> -> memref<128x128xf32, #tpu.memory_space<vmem>>
      tpu.wait_dma2 semaphore(%run_scoped3A_83 : memref<!tpu.dma_semaphore, #tpu.memory_space<semaphore_mem>>) src(%arg5 : memref<128x128xf32, #tpu.memory_space<hbm>>) dst(%dma_wait3A_99 : memref<128x128xf32, #tpu.memory_space<vmem>>)
      tpu.yield
    }) : () -> ()
    %mul3A_1 = arith.constant 632 : i32
    %mul3A_2 = arith.muli %arg1, %mul3A_1 : i32
    %add3A_3 = arith.constant 0 : i32
    %add3A_4 = arith.addi %mul3A_2, %add3A_3 : i32
    %run_scoped3A_5 = arith.constant 0 : i32
    "tpu.region"() ({
      %run_scoped3A_83 = tpu.sem_alloc : memref<!tpu.dma_semaphore, #tpu.memory_space<semaphore_mem>>
      %dma_start3A_84 = arith.constant 0 : i32
      %dma_start3A_85 = arith.constant 0 : i32
      %dma_start3A_86 = tpu.memref_slice %arg9[%run_scoped3A_5, %dma_start3A_84, %dma_start3A_85] : memref<2x128x128xf32, #tpu.memory_space<vmem>> -> memref<1x128x128xf32, #tpu.memory_space<vmem>>
      %dma_start3A_87 = tpu.memref_squeeze %dma_start3A_86 : memref<1x128x128xf32, #tpu.memory_space<vmem>> -> memref<128x128xf32, #tpu.memory_space<vmem>>
      %dma_start3A_88 = arith.constant 0 : i32
      %dma_start3A_89 = tpu.memref_slice %arg10[%add3A_4, %dma_start3A_88] : memref<10112x128xf32, #tpu.memory_space<vmem_shared>> -> memref<128x128xf32, #tpu.memory_space<vmem_shared>>
      %dma_start3A_90 = arith.constant 0 : i32
      %dma_start3A_91 = tpu.memref_slice %arg10[%add3A_4, %dma_start3A_90] : memref<10112x128xf32, #tpu.memory_space<vmem_shared>> -> memref<128x128xf32, #tpu.memory_space<vmem_shared>>
      %dma_start3A_92 = arith.constant 0 : i32
      %dma_start3A_93 = arith.constant 0 : i32
      %dma_start3A_94 = tpu.memref_slice %arg9[%run_scoped3A_5, %dma_start3A_92, %dma_start3A_93] : memref<2x128x128xf32, #tpu.memory_space<vmem>> -> memref<1x128x128xf32, #tpu.memory_space<vmem>>
      %dma_start3A_95 = tpu.memref_squeeze %dma_start3A_94 : memref<1x128x128xf32, #tpu.memory_space<vmem>> -> memref<128x128xf32, #tpu.memory_space<vmem>>
      tpu.enqueue_dma source(%dma_start3A_95 : memref<128x128xf32, #tpu.memory_space<vmem>>) target(%dma_start3A_91 : memref<128x128xf32, #tpu.memory_space<vmem_shared>>) target_semaphore(%run_scoped3A_83 : memref<!tpu.dma_semaphore, #tpu.memory_space<semaphore_mem>>)
      %dma_wait3A_96 = arith.constant 0 : i32
      %dma_wait3A_97 = arith.constant 0 : i32
      %dma_wait3A_98 = tpu.memref_slice %arg9[%run_scoped3A_5, %dma_wait3A_96, %dma_wait3A_97] : memref<2x128x128xf32, #tpu.memory_space<vmem>> -> memref<1x128x128xf32, #tpu.memory_space<vmem>>
      %dma_wait3A_99 = tpu.memref_squeeze %dma_wait3A_98 : memref<1x128x128xf32, #tpu.memory_space<vmem>> -> memref<128x128xf32, #tpu.memory_space<vmem>>
      %dma_wait3A_100 = arith.constant 0 : i32
      %dma_wait3A_101 = tpu.memref_slice %arg10[%add3A_4, %dma_wait3A_100] : memref<10112x128xf32, #tpu.memory_space<vmem_shared>> -> memref<128x128xf32, #tpu.memory_space<vmem_shared>>
      %dma_wait3A_102 = arith.constant 0 : i32
      %dma_wait3A_103 = tpu.memref_slice %arg10[%add3A_4, %dma_wait3A_102] : memref<10112x128xf32, #tpu.memory_space<vmem_shared>> -> memref<128x128xf32, #tpu.memory_space<vmem_shared>>
      %dma_wait3A_104 = arith.constant 0 : i32
      %dma_wait3A_105 = arith.constant 0 : i32
      %dma_wait3A_106 = tpu.memref_slice %arg9[%run_scoped3A_5, %dma_wait3A_104, %dma_wait3A_105] : memref<2x128x128xf32, #tpu.memory_space<vmem>> -> memref<1x128x128xf32, #tpu.memory_space<vmem>>
      %dma_wait3A_107 = tpu.memref_squeeze %dma_wait3A_106 : memref<1x128x128xf32, #tpu.memory_space<vmem>> -> memref<128x128xf32, #tpu.memory_space<vmem>>
      tpu.wait_dma2 semaphore(%run_scoped3A_83 : memref<!tpu.dma_semaphore, #tpu.memory_space<semaphore_mem>>) src(%dma_wait3A_107 : memref<128x128xf32, #tpu.memory_space<vmem>>) dst(%dma_wait3A_103 : memref<128x128xf32, #tpu.memory_space<vmem_shared>>)
      tpu.yield
    }) : () -> ()
    %add3A_6 = arith.constant 128 : i32
    %add3A_7 = arith.addi %mul3A_2, %add3A_6 : i32
    %run_scoped3A_8 = arith.constant 0 : i32
    "tpu.region"() ({
      %run_scoped3A_83 = tpu.sem_alloc : memref<!tpu.dma_semaphore, #tpu.memory_space<semaphore_mem>>
      %dma_start3A_84 = arith.constant 0 : i32
      %dma_start3A_85 = arith.constant 0 : i32
      %dma_start3A_86 = tpu.memref_slice %arg9[%run_scoped3A_8, %dma_start3A_84, %dma_start3A_85] : memref<2x128x128xf32, #tpu.memory_space<vmem>> -> memref<1x128x128xf32, #tpu.memory_space<vmem>>
      %dma_start3A_87 = tpu.memref_squeeze %dma_start3A_86 : memref<1x128x128xf32, #tpu.memory_space<vmem>> -> memref<128x128xf32, #tpu.memory_space<vmem>>
      %dma_start3A_88 = arith.constant 0 : i32
      %dma_start3A_89 = tpu.memref_slice %arg10[%add3A_7, %dma_start3A_88] : memref<10112x128xf32, #tpu.memory_space<vmem_shared>> -> memref<128x128xf32, #tpu.memory_space<vmem_shared>>
      %dma_start3A_90 = arith.constant 0 : i32
      %dma_start3A_91 = tpu.memref_slice %arg10[%add3A_7, %dma_start3A_90] : memref<10112x128xf32, #tpu.memory_space<vmem_shared>> -> memref<128x128xf32, #tpu.memory_space<vmem_shared>>
      %dma_start3A_92 = arith.constant 0 : i32
      %dma_start3A_93 = arith.constant 0 : i32
      %dma_start3A_94 = tpu.memref_slice %arg9[%run_scoped3A_8, %dma_start3A_92, %dma_start3A_93] : memref<2x128x128xf32, #tpu.memory_space<vmem>> -> memref<1x128x128xf32, #tpu.memory_space<vmem>>
      %dma_start3A_95 = tpu.memref_squeeze %dma_start3A_94 : memref<1x128x128xf32, #tpu.memory_space<vmem>> -> memref<128x128xf32, #tpu.memory_space<vmem>>
      tpu.enqueue_dma source(%dma_start3A_95 : memref<128x128xf32, #tpu.memory_space<vmem>>) target(%dma_start3A_91 : memref<128x128xf32, #tpu.memory_space<vmem_shared>>) target_semaphore(%run_scoped3A_83 : memref<!tpu.dma_semaphore, #tpu.memory_space<semaphore_mem>>)
      %dma_wait3A_96 = arith.constant 0 : i32
      %dma_wait3A_97 = arith.constant 0 : i32
      %dma_wait3A_98 = tpu.memref_slice %arg9[%run_scoped3A_8, %dma_wait3A_96, %dma_wait3A_97] : memref<2x128x128xf32, #tpu.memory_space<vmem>> -> memref<1x128x128xf32, #tpu.memory_space<vmem>>
      %dma_wait3A_99 = tpu.memref_squeeze %dma_wait3A_98 : memref<1x128x128xf32, #tpu.memory_space<vmem>> -> memref<128x128xf32, #tpu.memory_space<vmem>>
      %dma_wait3A_100 = arith.constant 0 : i32
      %dma_wait3A_101 = tpu.memref_slice %arg10[%add3A_7, %dma_wait3A_100] : memref<10112x128xf32, #tpu.memory_space<vmem_shared>> -> memref<128x128xf32, #tpu.memory_space<vmem_shared>>
      %dma_wait3A_102 = arith.constant 0 : i32
      %dma_wait3A_103 = tpu.memref_slice %arg10[%add3A_7, %dma_wait3A_102] : memref<10112x128xf32, #tpu.memory_space<vmem_shared>> -> memref<128x128xf32, #tpu.memory_space<vmem_shared>>
      %dma_wait3A_104 = arith.constant 0 : i32
      %dma_wait3A_105 = arith.constant 0 : i32
      %dma_wait3A_106 = tpu.memref_slice %arg9[%run_scoped3A_8, %dma_wait3A_104, %dma_wait3A_105] : memref<2x128x128xf32, #tpu.memory_space<vmem>> -> memref<1x128x128xf32, #tpu.memory_space<vmem>>
      %dma_wait3A_107 = tpu.memref_squeeze %dma_wait3A_106 : memref<1x128x128xf32, #tpu.memory_space<vmem>> -> memref<128x128xf32, #tpu.memory_space<vmem>>
      tpu.wait_dma2 semaphore(%run_scoped3A_83 : memref<!tpu.dma_semaphore, #tpu.memory_space<semaphore_mem>>) src(%dma_wait3A_107 : memref<128x128xf32, #tpu.memory_space<vmem>>) dst(%dma_wait3A_103 : memref<128x128xf32, #tpu.memory_space<vmem_shared>>)
      tpu.yield
    }) : () -> ()
    %add3A_9 = arith.constant 256 : i32
    %add3A_10 = arith.addi %mul3A_2, %add3A_9 : i32
    %run_scoped3A_11 = arith.constant 0 : i32
    "tpu.region"() ({
      %run_scoped3A_83 = tpu.sem_alloc : memref<!tpu.dma_semaphore, #tpu.memory_space<semaphore_mem>>
      %dma_start3A_84 = arith.constant 0 : i32
      %dma_start3A_85 = arith.constant 0 : i32
      %dma_start3A_86 = tpu.memref_slice %arg9[%run_scoped3A_11, %dma_start3A_84, %dma_start3A_85] : memref<2x128x128xf32, #tpu.memory_space<vmem>> -> memref<1x128x128xf32, #tpu.memory_space<vmem>>
      %dma_start3A_87 = tpu.memref_squeeze %dma_start3A_86 : memref<1x128x128xf32, #tpu.memory_space<vmem>> -> memref<128x128xf32, #tpu.memory_space<vmem>>
      %dma_start3A_88 = arith.constant 0 : i32
      %dma_start3A_89 = tpu.memref_slice %arg10[%add3A_10, %dma_start3A_88] : memref<10112x128xf32, #tpu.memory_space<vmem_shared>> -> memref<128x128xf32, #tpu.memory_space<vmem_shared>>
      %dma_start3A_90 = arith.constant 0 : i32
      %dma_start3A_91 = tpu.memref_slice %arg10[%add3A_10, %dma_start3A_90] : memref<10112x128xf32, #tpu.memory_space<vmem_shared>> -> memref<128x128xf32, #tpu.memory_space<vmem_shared>>
      %dma_start3A_92 = arith.constant 0 : i32
      %dma_start3A_93 = arith.constant 0 : i32
      %dma_start3A_94 = tpu.memref_slice %arg9[%run_scoped3A_11, %dma_start3A_92, %dma_start3A_93] : memref<2x128x128xf32, #tpu.memory_space<vmem>> -> memref<1x128x128xf32, #tpu.memory_space<vmem>>
      %dma_start3A_95 = tpu.memref_squeeze %dma_start3A_94 : memref<1x128x128xf32, #tpu.memory_space<vmem>> -> memref<128x128xf32, #tpu.memory_space<vmem>>
      tpu.enqueue_dma source(%dma_start3A_95 : memref<128x128xf32, #tpu.memory_space<vmem>>) target(%dma_start3A_91 : memref<128x128xf32, #tpu.memory_space<vmem_shared>>) target_semaphore(%run_scoped3A_83 : memref<!tpu.dma_semaphore, #tpu.memory_space<semaphore_mem>>)
      %dma_wait3A_96 = arith.constant 0 : i32
      %dma_wait3A_97 = arith.constant 0 : i32
      %dma_wait3A_98 = tpu.memref_slice %arg9[%run_scoped3A_11, %dma_wait3A_96, %dma_wait3A_97] : memref<2x128x128xf32, #tpu.memory_space<vmem>> -> memref<1x128x128xf32, #tpu.memory_space<vmem>>
      %dma_wait3A_99 = tpu.memref_squeeze %dma_wait3A_98 : memref<1x128x128xf32, #tpu.memory_space<vmem>> -> memref<128x128xf32, #tpu.memory_space<vmem>>
      %dma_wait3A_100 = arith.constant 0 : i32
      %dma_wait3A_101 = tpu.memref_slice %arg10[%add3A_10, %dma_wait3A_100] : memref<10112x128xf32, #tpu.memory_space<vmem_shared>> -> memref<128x128xf32, #tpu.memory_space<vmem_shared>>
      %dma_wait3A_102 = arith.constant 0 : i32
      %dma_wait3A_103 = tpu.memref_slice %arg10[%add3A_10, %dma_wait3A_102] : memref<10112x128xf32, #tpu.memory_space<vmem_shared>> -> memref<128x128xf32, #tpu.memory_space<vmem_shared>>
      %dma_wait3A_104 = arith.constant 0 : i32
      %dma_wait3A_105 = arith.constant 0 : i32
      %dma_wait3A_106 = tpu.memref_slice %arg9[%run_scoped3A_11, %dma_wait3A_104, %dma_wait3A_105] : memref<2x128x128xf32, #tpu.memory_space<vmem>> -> memref<1x128x128xf32, #tpu.memory_space<vmem>>
      %dma_wait3A_107 = tpu.memref_squeeze %dma_wait3A_106 : memref<1x128x128xf32, #tpu.memory_space<vmem>> -> memref<128x128xf32, #tpu.memory_space<vmem>>
      tpu.wait_dma2 semaphore(%run_scoped3A_83 : memref<!tpu.dma_semaphore, #tpu.memory_space<semaphore_mem>>) src(%dma_wait3A_107 : memref<128x128xf32, #tpu.memory_space<vmem>>) dst(%dma_wait3A_103 : memref<128x128xf32, #tpu.memory_space<vmem_shared>>)
      tpu.yield
    }) : () -> ()
    %add3A_12 = arith.constant 384 : i32
    %add3A_13 = arith.addi %mul3A_2, %add3A_12 : i32
    %run_scoped3A_14 = arith.constant 0 : i32
    "tpu.region"() ({
      %run_scoped3A_83 = tpu.sem_alloc : memref<!tpu.dma_semaphore, #tpu.memory_space<semaphore_mem>>
      %dma_start3A_84 = arith.constant 0 : i32
      %dma_start3A_85 = arith.constant 0 : i32
      %dma_start3A_86 = tpu.memref_slice %arg9[%run_scoped3A_14, %dma_start3A_84, %dma_start3A_85] : memref<2x128x128xf32, #tpu.memory_space<vmem>> -> memref<1x128x128xf32, #tpu.memory_space<vmem>>
      %dma_start3A_87 = tpu.memref_squeeze %dma_start3A_86 : memref<1x128x128xf32, #tpu.memory_space<vmem>> -> memref<128x128xf32, #tpu.memory_space<vmem>>
      %dma_start3A_88 = arith.constant 0 : i32
      %dma_start3A_89 = tpu.memref_slice %arg10[%add3A_13, %dma_start3A_88] : memref<10112x128xf32, #tpu.memory_space<vmem_shared>> -> memref<128x128xf32, #tpu.memory_space<vmem_shared>>
      %dma_start3A_90 = arith.constant 0 : i32
      %dma_start3A_91 = tpu.memref_slice %arg10[%add3A_13, %dma_start3A_90] : memref<10112x128xf32, #tpu.memory_space<vmem_shared>> -> memref<128x128xf32, #tpu.memory_space<vmem_shared>>
      %dma_start3A_92 = arith.constant 0 : i32
      %dma_start3A_93 = arith.constant 0 : i32
      %dma_start3A_94 = tpu.memref_slice %arg9[%run_scoped3A_14, %dma_start3A_92, %dma_start3A_93] : memref<2x128x128xf32, #tpu.memory_space<vmem>> -> memref<1x128x128xf32, #tpu.memory_space<vmem>>
      %dma_start3A_95 = tpu.memref_squeeze %dma_start3A_94 : memref<1x128x128xf32, #tpu.memory_space<vmem>> -> memref<128x128xf32, #tpu.memory_space<vmem>>
      tpu.enqueue_dma source(%dma_start3A_95 : memref<128x128xf32, #tpu.memory_space<vmem>>) target(%dma_start3A_91 : memref<128x128xf32, #tpu.memory_space<vmem_shared>>) target_semaphore(%run_scoped3A_83 : memref<!tpu.dma_semaphore, #tpu.memory_space<semaphore_mem>>)
      %dma_wait3A_96 = arith.constant 0 : i32
      %dma_wait3A_97 = arith.constant 0 : i32
      %dma_wait3A_98 = tpu.memref_slice %arg9[%run_scoped3A_14, %dma_wait3A_96, %dma_wait3A_97] : memref<2x128x128xf32, #tpu.memory_space<vmem>> -> memref<1x128x128xf32, #tpu.memory_space<vmem>>
      %dma_wait3A_99 = tpu.memref_squeeze %dma_wait3A_98 : memref<1x128x128xf32, #tpu.memory_space<vmem>> -> memref<128x128xf32, #tpu.memory_space<vmem>>
      %dma_wait3A_100 = arith.constant 0 : i32
      %dma_wait3A_101 = tpu.memref_slice %arg10[%add3A_13, %dma_wait3A_100] : memref<10112x128xf32, #tpu.memory_space<vmem_shared>> -> memref<128x128xf32, #tpu.memory_space<vmem_shared>>
      %dma_wait3A_102 = arith.constant 0 : i32
      %dma_wait3A_103 = tpu.memref_slice %arg10[%add3A_13, %dma_wait3A_102] : memref<10112x128xf32, #tpu.memory_space<vmem_shared>> -> memref<128x128xf32, #tpu.memory_space<vmem_shared>>
      %dma_wait3A_104 = arith.constant 0 : i32
      %dma_wait3A_105 = arith.constant 0 : i32
      %dma_wait3A_106 = tpu.memref_slice %arg9[%run_scoped3A_14, %dma_wait3A_104, %dma_wait3A_105] : memref<2x128x128xf32, #tpu.memory_space<vmem>> -> memref<1x128x128xf32, #tpu.memory_space<vmem>>
      %dma_wait3A_107 = tpu.memref_squeeze %dma_wait3A_106 : memref<1x128x128xf32, #tpu.memory_space<vmem>> -> memref<128x128xf32, #tpu.memory_space<vmem>>
      tpu.wait_dma2 semaphore(%run_scoped3A_83 : memref<!tpu.dma_semaphore, #tpu.memory_space<semaphore_mem>>) src(%dma_wait3A_107 : memref<128x128xf32, #tpu.memory_space<vmem>>) dst(%dma_wait3A_103 : memref<128x128xf32, #tpu.memory_space<vmem_shared>>)
      tpu.yield
    }) : () -> ()
    %add3A_15 = arith.constant 632 : i32
    %add3A_16 = arith.addi %mul3A_2, %add3A_15 : i32
    %sub3A = arith.constant 120 : i32
    %sub3A_17 = arith.subi %add3A_16, %sub3A : i32
    %run_scoped3A_18 = arith.constant 0 : i32
    "tpu.region"() ({
      %run_scoped3A_83 = tpu.sem_alloc : memref<!tpu.dma_semaphore, #tpu.memory_space<semaphore_mem>>
      %dma_start3A_84 = arith.constant 0 : i32
      %dma_start3A_85 = arith.constant 0 : i32
      %dma_start3A_86 = tpu.memref_slice %arg9[%run_scoped3A_18, %dma_start3A_84, %dma_start3A_85] : memref<2x128x128xf32, #tpu.memory_space<vmem>> -> memref<1x120x128xf32, #tpu.memory_space<vmem>>
      %dma_start3A_87 = tpu.memref_squeeze %dma_start3A_86 : memref<1x120x128xf32, #tpu.memory_space<vmem>> -> memref<120x128xf32, #tpu.memory_space<vmem>>
      %dma_start3A_88 = arith.constant 0 : i32
      %dma_start3A_89 = tpu.memref_slice %arg10[%sub3A_17, %dma_start3A_88] : memref<10112x128xf32, #tpu.memory_space<vmem_shared>> -> memref<120x128xf32, #tpu.memory_space<vmem_shared>>
      %dma_start3A_90 = arith.constant 0 : i32
      %dma_start3A_91 = tpu.memref_slice %arg10[%sub3A_17, %dma_start3A_90] : memref<10112x128xf32, #tpu.memory_space<vmem_shared>> -> memref<120x128xf32, #tpu.memory_space<vmem_shared>>
      %dma_start3A_92 = arith.constant 0 : i32
      %dma_start3A_93 = arith.constant 0 : i32
      %dma_start3A_94 = tpu.memref_slice %arg9[%run_scoped3A_18, %dma_start3A_92, %dma_start3A_93] : memref<2x128x128xf32, #tpu.memory_space<vmem>> -> memref<1x120x128xf32, #tpu.memory_space<vmem>>
      %dma_start3A_95 = tpu.memref_squeeze %dma_start3A_94 : memref<1x120x128xf32, #tpu.memory_space<vmem>> -> memref<120x128xf32, #tpu.memory_space<vmem>>
      tpu.enqueue_dma source(%dma_start3A_95 : memref<120x128xf32, #tpu.memory_space<vmem>>) target(%dma_start3A_91 : memref<120x128xf32, #tpu.memory_space<vmem_shared>>) target_semaphore(%run_scoped3A_83 : memref<!tpu.dma_semaphore, #tpu.memory_space<semaphore_mem>>)
      %dma_wait3A_96 = arith.constant 0 : i32
      %dma_wait3A_97 = arith.constant 0 : i32
      %dma_wait3A_98 = tpu.memref_slice %arg9[%run_scoped3A_18, %dma_wait3A_96, %dma_wait3A_97] : memref<2x128x128xf32, #tpu.memory_space<vmem>> -> memref<1x120x128xf32, #tpu.memory_space<vmem>>
      %dma_wait3A_99 = tpu.memref_squeeze %dma_wait3A_98 : memref<1x120x128xf32, #tpu.memory_space<vmem>> -> memref<120x128xf32, #tpu.memory_space<vmem>>
      %dma_wait3A_100 = arith.constant 0 : i32
      %dma_wait3A_101 = tpu.memref_slice %arg10[%sub3A_17, %dma_wait3A_100] : memref<10112x128xf32, #tpu.memory_space<vmem_shared>> -> memref<120x128xf32, #tpu.memory_space<vmem_shared>>
      %dma_wait3A_102 = arith.constant 0 : i32
      %dma_wait3A_103 = tpu.memref_slice %arg10[%sub3A_17, %dma_wait3A_102] : memref<10112x128xf32, #tpu.memory_space<vmem_shared>> -> memref<120x128xf32, #tpu.memory_space<vmem_shared>>
      %dma_wait3A_104 = arith.constant 0 : i32
      %dma_wait3A_105 = arith.constant 0 : i32
      %dma_wait3A_106 = tpu.memref_slice %arg9[%run_scoped3A_18, %dma_wait3A_104, %dma_wait3A_105] : memref<2x128x128xf32, #tpu.memory_space<vmem>> -> memref<1x120x128xf32, #tpu.memory_space<vmem>>
      %dma_wait3A_107 = tpu.memref_squeeze %dma_wait3A_106 : memref<1x120x128xf32, #tpu.memory_space<vmem>> -> memref<120x128xf32, #tpu.memory_space<vmem>>
      tpu.wait_dma2 semaphore(%run_scoped3A_83 : memref<!tpu.dma_semaphore, #tpu.memory_space<semaphore_mem>>) src(%dma_wait3A_107 : memref<120x128xf32, #tpu.memory_space<vmem>>) dst(%dma_wait3A_103 : memref<120x128xf32, #tpu.memory_space<vmem_shared>>)
      tpu.yield
    }) : () -> ()
    %run_scoped3A_19 = arith.constant 0 : i32
    %run_scoped3A_20 = arith.constant 0 : i32
    "tpu.region"() ({
      %run_scoped3A_83 = tpu.sem_alloc : memref<!tpu.dma_semaphore, #tpu.memory_space<semaphore_mem>>
      %dma_start3A_84 = arith.constant 0 : i32
      %dma_start3A_85 = arith.constant 0 : i32
      %dma_start3A_86 = tpu.memref_slice %arg7[%run_scoped3A_20, %dma_start3A_84, %dma_start3A_85] : memref<2x8x128xi32, #tpu.memory_space<vmem>> -> memref<1x8x128xi32, #tpu.memory_space<vmem>>
      %dma_start3A_87 = tpu.memref_squeeze %dma_start3A_86 : memref<1x8x128xi32, #tpu.memory_space<vmem>> -> memref<8x128xi32, #tpu.memory_space<vmem>>
      %dma_start3A_88 = arith.constant 0 : i32
      %dma_start3A_89 = arith.constant 0 : i32
      %dma_start3A_90 = tpu.memref_slice %arg3[%add3A, %run_scoped3A_19, %dma_start3A_88, %dma_start3A_89] : memref<32x10x8x128xi32, #tpu.memory_space<hbm>> -> memref<1x1x8x128xi32, #tpu.memory_space<hbm>>
      %dma_start3A_91 = tpu.memref_squeeze %dma_start3A_90 : memref<1x1x8x128xi32, #tpu.memory_space<hbm>> -> memref<8x128xi32, #tpu.memory_space<hbm>>
      %dma_start3A_92 = arith.constant 0 : i32
      %dma_start3A_93 = arith.constant 0 : i32
      %dma_start3A_94 = tpu.memref_slice %arg7[%run_scoped3A_20, %dma_start3A_92, %dma_start3A_93] : memref<2x8x128xi32, #tpu.memory_space<vmem>> -> memref<1x8x128xi32, #tpu.memory_space<vmem>>
      %dma_start3A_95 = tpu.memref_squeeze %dma_start3A_94 : memref<1x8x128xi32, #tpu.memory_space<vmem>> -> memref<8x128xi32, #tpu.memory_space<vmem>>
      %dma_start3A_96 = arith.constant 0 : i32
      %dma_start3A_97 = arith.constant 0 : i32
      %dma_start3A_98 = tpu.memref_slice %arg3[%add3A, %run_scoped3A_19, %dma_start3A_96, %dma_start3A_97] : memref<32x10x8x128xi32, #tpu.memory_space<hbm>> -> memref<1x1x8x128xi32, #tpu.memory_space<hbm>>
      %dma_start3A_99 = tpu.memref_squeeze %dma_start3A_98 : memref<1x1x8x128xi32, #tpu.memory_space<hbm>> -> memref<8x128xi32, #tpu.memory_space<hbm>>
      tpu.enqueue_dma source(%dma_start3A_99 : memref<8x128xi32, #tpu.memory_space<hbm>>) target(%dma_start3A_95 : memref<8x128xi32, #tpu.memory_space<vmem>>) target_semaphore(%run_scoped3A_83 : memref<!tpu.dma_semaphore, #tpu.memory_space<semaphore_mem>>)
      %dma_wait3A_100 = arith.constant 0 : i32
      %dma_wait3A_101 = arith.constant 0 : i32
      %dma_wait3A_102 = tpu.memref_slice %arg7[%run_scoped3A_20, %dma_wait3A_100, %dma_wait3A_101] : memref<2x8x128xi32, #tpu.memory_space<vmem>> -> memref<1x8x128xi32, #tpu.memory_space<vmem>>
      %dma_wait3A_103 = tpu.memref_squeeze %dma_wait3A_102 : memref<1x8x128xi32, #tpu.memory_space<vmem>> -> memref<8x128xi32, #tpu.memory_space<vmem>>
      %dma_wait3A_104 = arith.constant 0 : i32
      %dma_wait3A_105 = arith.constant 0 : i32
      %dma_wait3A_106 = tpu.memref_slice %arg3[%add3A, %run_scoped3A_19, %dma_wait3A_104, %dma_wait3A_105] : memref<32x10x8x128xi32, #tpu.memory_space<hbm>> -> memref<1x1x8x128xi32, #tpu.memory_space<hbm>>
      %dma_wait3A_107 = tpu.memref_squeeze %dma_wait3A_106 : memref<1x1x8x128xi32, #tpu.memory_space<hbm>> -> memref<8x128xi32, #tpu.memory_space<hbm>>
      %dma_wait3A_108 = arith.constant 0 : i32
      %dma_wait3A_109 = arith.constant 0 : i32
      %dma_wait3A_110 = tpu.memref_slice %arg7[%run_scoped3A_20, %dma_wait3A_108, %dma_wait3A_109] : memref<2x8x128xi32, #tpu.memory_space<vmem>> -> memref<1x8x128xi32, #tpu.memory_space<vmem>>
      %dma_wait3A_111 = tpu.memref_squeeze %dma_wait3A_110 : memref<1x8x128xi32, #tpu.memory_space<vmem>> -> memref<8x128xi32, #tpu.memory_space<vmem>>
      %dma_wait3A_112 = arith.constant 0 : i32
      %dma_wait3A_113 = arith.constant 0 : i32
      %dma_wait3A_114 = tpu.memref_slice %arg3[%add3A, %run_scoped3A_19, %dma_wait3A_112, %dma_wait3A_113] : memref<32x10x8x128xi32, #tpu.memory_space<hbm>> -> memref<1x1x8x128xi32, #tpu.memory_space<hbm>>
      %dma_wait3A_115 = tpu.memref_squeeze %dma_wait3A_114 : memref<1x1x8x128xi32, #tpu.memory_space<hbm>> -> memref<8x128xi32, #tpu.memory_space<hbm>>
      tpu.wait_dma2 semaphore(%run_scoped3A_83 : memref<!tpu.dma_semaphore, #tpu.memory_space<semaphore_mem>>) src(%dma_wait3A_115 : memref<8x128xi32, #tpu.memory_space<hbm>>) dst(%dma_wait3A_111 : memref<8x128xi32, #tpu.memory_space<vmem>>)
      tpu.yield
    }) : () -> ()
    %run_scoped3A_21 = arith.constant 0 : i32
    %run_scoped3A_22 = arith.constant 0 : i32
    "tpu.region"() ({
      %run_scoped3A_83 = tpu.sem_alloc : memref<!tpu.dma_semaphore, #tpu.memory_space<semaphore_mem>>
      %dma_start3A_84 = arith.constant 0 : i32
      %dma_start3A_85 = arith.constant 0 : i32
      %dma_start3A_86 = tpu.memref_slice %arg8[%run_scoped3A_22, %dma_start3A_84, %dma_start3A_85] : memref<2x8x128xi32, #tpu.memory_space<vmem>> -> memref<1x8x128xi32, #tpu.memory_space<vmem>>
      %dma_start3A_87 = tpu.memref_squeeze %dma_start3A_86 : memref<1x8x128xi32, #tpu.memory_space<vmem>> -> memref<8x128xi32, #tpu.memory_space<vmem>>
      %dma_start3A_88 = arith.constant 0 : i32
      %dma_start3A_89 = arith.constant 0 : i32
      %dma_start3A_90 = tpu.memref_slice %arg4[%add3A, %run_scoped3A_21, %dma_start3A_88, %dma_start3A_89] : memref<32x10x8x128xi32, #tpu.memory_space<hbm>> -> memref<1x1x8x128xi32, #tpu.memory_space<hbm>>
      %dma_start3A_91 = tpu.memref_squeeze %dma_start3A_90 : memref<1x1x8x128xi32, #tpu.memory_space<hbm>> -> memref<8x128xi32, #tpu.memory_space<hbm>>
      %dma_start3A_92 = arith.constant 0 : i32
      %dma_start3A_93 = arith.constant 0 : i32
      %dma_start3A_94 = tpu.memref_slice %arg8[%run_scoped3A_22, %dma_start3A_92, %dma_start3A_93] : memref<2x8x128xi32, #tpu.memory_space<vmem>> -> memref<1x8x128xi32, #tpu.memory_space<vmem>>
      %dma_start3A_95 = tpu.memref_squeeze %dma_start3A_94 : memref<1x8x128xi32, #tpu.memory_space<vmem>> -> memref<8x128xi32, #tpu.memory_space<vmem>>
      %dma_start3A_96 = arith.constant 0 : i32
      %dma_start3A_97 = arith.constant 0 : i32
      %dma_start3A_98 = tpu.memref_slice %arg4[%add3A, %run_scoped3A_21, %dma_start3A_96, %dma_start3A_97] : memref<32x10x8x128xi32, #tpu.memory_space<hbm>> -> memref<1x1x8x128xi32, #tpu.memory_space<hbm>>
      %dma_start3A_99 = tpu.memref_squeeze %dma_start3A_98 : memref<1x1x8x128xi32, #tpu.memory_space<hbm>> -> memref<8x128xi32, #tpu.memory_space<hbm>>
      tpu.enqueue_dma source(%dma_start3A_99 : memref<8x128xi32, #tpu.memory_space<hbm>>) target(%dma_start3A_95 : memref<8x128xi32, #tpu.memory_space<vmem>>) target_semaphore(%run_scoped3A_83 : memref<!tpu.dma_semaphore, #tpu.memory_space<semaphore_mem>>)
      %dma_wait3A_100 = arith.constant 0 : i32
      %dma_wait3A_101 = arith.constant 0 : i32
      %dma_wait3A_102 = tpu.memref_slice %arg8[%run_scoped3A_22, %dma_wait3A_100, %dma_wait3A_101] : memref<2x8x128xi32, #tpu.memory_space<vmem>> -> memref<1x8x128xi32, #tpu.memory_space<vmem>>
      %dma_wait3A_103 = tpu.memref_squeeze %dma_wait3A_102 : memref<1x8x128xi32, #tpu.memory_space<vmem>> -> memref<8x128xi32, #tpu.memory_space<vmem>>
      %dma_wait3A_104 = arith.constant 0 : i32
      %dma_wait3A_105 = arith.constant 0 : i32
      %dma_wait3A_106 = tpu.memref_slice %arg4[%add3A, %run_scoped3A_21, %dma_wait3A_104, %dma_wait3A_105] : memref<32x10x8x128xi32, #tpu.memory_space<hbm>> -> memref<1x1x8x128xi32, #tpu.memory_space<hbm>>
      %dma_wait3A_107 = tpu.memref_squeeze %dma_wait3A_106 : memref<1x1x8x128xi32, #tpu.memory_space<hbm>> -> memref<8x128xi32, #tpu.memory_space<hbm>>
      %dma_wait3A_108 = arith.constant 0 : i32
      %dma_wait3A_109 = arith.constant 0 : i32
      %dma_wait3A_110 = tpu.memref_slice %arg8[%run_scoped3A_22, %dma_wait3A_108, %dma_wait3A_109] : memref<2x8x128xi32, #tpu.memory_space<vmem>> -> memref<1x8x128xi32, #tpu.memory_space<vmem>>
      %dma_wait3A_111 = tpu.memref_squeeze %dma_wait3A_110 : memref<1x8x128xi32, #tpu.memory_space<vmem>> -> memref<8x128xi32, #tpu.memory_space<vmem>>
      %dma_wait3A_112 = arith.constant 0 : i32
      %dma_wait3A_113 = arith.constant 0 : i32
      %dma_wait3A_114 = tpu.memref_slice %arg4[%add3A, %run_scoped3A_21, %dma_wait3A_112, %dma_wait3A_113] : memref<32x10x8x128xi32, #tpu.memory_space<hbm>> -> memref<1x1x8x128xi32, #tpu.memory_space<hbm>>
      %dma_wait3A_115 = tpu.memref_squeeze %dma_wait3A_114 : memref<1x1x8x128xi32, #tpu.memory_space<hbm>> -> memref<8x128xi32, #tpu.memory_space<hbm>>
      tpu.wait_dma2 semaphore(%run_scoped3A_83 : memref<!tpu.dma_semaphore, #tpu.memory_space<semaphore_mem>>) src(%dma_wait3A_115 : memref<8x128xi32, #tpu.memory_space<hbm>>) dst(%dma_wait3A_111 : memref<8x128xi32, #tpu.memory_space<vmem>>)
      tpu.yield
    }) : () -> ()
    %barrier3A = arith.constant 0 : index
    tpu.barrier barrier_id(%barrier3A)
    %scan3A = arith.constant 0 : i32
    %scan3A_23 = arith.constant 0 : i32
    %scan3A_24 = arith.constant 5 : i32
    %scan3A_25 = arith.addi %scan3A_23, %scan3A_24 : i32
    %scan3A_26 = arith.constant 1 : i32
    %scan3A_27 = scf.for %scan3A_83 = %scan3A_23 to %scan3A_25 step %scan3A_26 iter_args(%scan3A_84 = %scan3A) -> (i32)  : i32 {
      %mul3A_85 = arith.constant 2 : i32
      %mul3A_86 = arith.muli %mul3A_85, %scan3A_83 : i32
      %add3A_87 = arith.constant 0 : i32
      %add3A_88 = arith.addi %mul3A_86, %add3A_87 : i32
      %gt3A = arith.constant 0 : i32
      %gt3A_89 = arith.cmpi sgt, %add3A_88, %gt3A : i32
      %convert_element_type3A = arith.extui %gt3A_89 : i1 to i32
      %cond3A = arith.constant 0 : i32
      %cond3A_90 = arith.cmpi ne, %convert_element_type3A, %cond3A : i32
      scf.if %cond3A_90 {
        %dma_wait3A_868 = arith.constant 0 : i32
        %dma_wait3A_869 = arith.constant 1 : i32
        %dma_wait3A_870 = arith.constant 6 : i32
        %dma_wait3A_871 = arith.constant 0 : i32
        %dma_wait3A_872 = arith.constant 0 : i32
        %dma_wait3A_873 = tpu.memref_slice %arg9[%dma_wait3A_868, %dma_wait3A_871, %dma_wait3A_872] : memref<2x128x128xf32, #tpu.memory_space<vmem>> -> memref<1x128x128xf32, #tpu.memory_space<vmem>>
        %dma_wait3A_874 = tpu.memref_squeeze %dma_wait3A_873 : memref<1x128x128xf32, #tpu.memory_space<vmem>> -> memref<128x128xf32, #tpu.memory_space<vmem>>
        %dma_wait3A_875 = arith.constant 0 : i32
        %dma_wait3A_876 = tpu.memref_slice %arg8[%dma_wait3A_869, %dma_wait3A_870, %dma_wait3A_875] : memref<2x8x128xi32, #tpu.memory_space<vmem>> -> memref<1x1x128xi32, #tpu.memory_space<vmem>>
        %dma_wait3A_877 = tpu.memref_squeeze %dma_wait3A_876 : memref<1x1x128xi32, #tpu.memory_space<vmem>> -> memref<128xi32, #tpu.memory_space<vmem>>
        %dma_wait3A_878 = arith.constant 0 : i32
        %dma_wait3A_879 = arith.constant 0 : i32
        %dma_wait3A_880 = tpu.memref_slice %arg10[%dma_wait3A_878, %dma_wait3A_879] : memref<10112x128xf32, #tpu.memory_space<vmem_shared>> -> memref<10112x128xf32, #tpu.memory_space<vmem_shared>>
        tpu.wait_indirect_dma semaphore(%arg13 : memref<!tpu.dma_semaphore, #tpu.memory_space<semaphore_mem>>) src(%dma_wait3A_874 : memref<128x128xf32, #tpu.memory_space<vmem>>) dst(%dma_wait3A_880 : memref<10112x128xf32, #tpu.memory_space<vmem_shared>>)
      } else {
      }
      %gt3A_91 = arith.constant 0 : i32
      %gt3A_92 = arith.cmpi sgt, %add3A_88, %gt3A_91 : i32
      %convert_element_type3A_93 = arith.extui %gt3A_92 : i1 to i32
      %cond3A_94 = arith.constant 0 : i32
      %cond3A_95 = arith.cmpi ne, %convert_element_type3A_93, %cond3A_94 : i32
      scf.if %cond3A_95 {
        %dma_wait3A_868 = arith.constant 0 : i32
        %dma_wait3A_869 = arith.constant 0 : i32
        %dma_wait3A_870 = arith.constant 0 : i32
        %dma_wait3A_871 = tpu.memref_slice %arg7[%dma_wait3A_868, %dma_wait3A_869, %dma_wait3A_870] : memref<2x8x128xi32, #tpu.memory_space<vmem>> -> memref<1x8x128xi32, #tpu.memory_space<vmem>>
        %dma_wait3A_872 = tpu.memref_squeeze %dma_wait3A_871 : memref<1x8x128xi32, #tpu.memory_space<vmem>> -> memref<8x128xi32, #tpu.memory_space<vmem>>
        %dma_wait3A_873 = arith.constant 0 : i32
        %dma_wait3A_874 = arith.constant 0 : i32
        %dma_wait3A_875 = tpu.memref_slice %arg3[%add3A, %add3A_88, %dma_wait3A_873, %dma_wait3A_874] : memref<32x10x8x128xi32, #tpu.memory_space<hbm>> -> memref<1x1x8x128xi32, #tpu.memory_space<hbm>>
        %dma_wait3A_876 = tpu.memref_squeeze %dma_wait3A_875 : memref<1x1x8x128xi32, #tpu.memory_space<hbm>> -> memref<8x128xi32, #tpu.memory_space<hbm>>
        %dma_wait3A_877 = arith.constant 0 : i32
        %dma_wait3A_878 = arith.constant 0 : i32
        %dma_wait3A_879 = tpu.memref_slice %arg7[%dma_wait3A_868, %dma_wait3A_877, %dma_wait3A_878] : memref<2x8x128xi32, #tpu.memory_space<vmem>> -> memref<1x8x128xi32, #tpu.memory_space<vmem>>
        %dma_wait3A_880 = tpu.memref_squeeze %dma_wait3A_879 : memref<1x8x128xi32, #tpu.memory_space<vmem>> -> memref<8x128xi32, #tpu.memory_space<vmem>>
        %dma_wait3A_881 = arith.constant 0 : i32
        %dma_wait3A_882 = arith.constant 0 : i32
        %dma_wait3A_883 = tpu.memref_slice %arg3[%add3A, %add3A_88, %dma_wait3A_881, %dma_wait3A_882] : memref<32x10x8x128xi32, #tpu.memory_space<hbm>> -> memref<1x1x8x128xi32, #tpu.memory_space<hbm>>
        %dma_wait3A_884 = tpu.memref_squeeze %dma_wait3A_883 : memref<1x1x8x128xi32, #tpu.memory_space<hbm>> -> memref<8x128xi32, #tpu.memory_space<hbm>>
        tpu.wait_dma2 semaphore(%arg15 : memref<!tpu.dma_semaphore, #tpu.memory_space<semaphore_mem>>) src(%dma_wait3A_884 : memref<8x128xi32, #tpu.memory_space<hbm>>) dst(%dma_wait3A_880 : memref<8x128xi32, #tpu.memory_space<vmem>>)
        %dma_wait3A_885 = arith.constant 0 : i32
        %dma_wait3A_886 = arith.constant 0 : i32
        %dma_wait3A_887 = arith.constant 0 : i32
        %dma_wait3A_888 = tpu.memref_slice %arg8[%dma_wait3A_885, %dma_wait3A_886, %dma_wait3A_887] : memref<2x8x128xi32, #tpu.memory_space<vmem>> -> memref<1x8x128xi32, #tpu.memory_space<vmem>>
        %dma_wait3A_889 = tpu.memref_squeeze %dma_wait3A_888 : memref<1x8x128xi32, #tpu.memory_space<vmem>> -> memref<8x128xi32, #tpu.memory_space<vmem>>
        %dma_wait3A_890 = arith.constant 0 : i32
        %dma_wait3A_891 = arith.constant 0 : i32
        %dma_wait3A_892 = tpu.memref_slice %arg4[%add3A, %add3A_88, %dma_wait3A_890, %dma_wait3A_891] : memref<32x10x8x128xi32, #tpu.memory_space<hbm>> -> memref<1x1x8x128xi32, #tpu.memory_space<hbm>>
        %dma_wait3A_893 = tpu.memref_squeeze %dma_wait3A_892 : memref<1x1x8x128xi32, #tpu.memory_space<hbm>> -> memref<8x128xi32, #tpu.memory_space<hbm>>
        %dma_wait3A_894 = arith.constant 0 : i32
        %dma_wait3A_895 = arith.constant 0 : i32
        %dma_wait3A_896 = tpu.memref_slice %arg8[%dma_wait3A_885, %dma_wait3A_894, %dma_wait3A_895] : memref<2x8x128xi32, #tpu.memory_space<vmem>> -> memref<1x8x128xi32, #tpu.memory_space<vmem>>
        %dma_wait3A_897 = tpu.memref_squeeze %dma_wait3A_896 : memref<1x8x128xi32, #tpu.memory_space<vmem>> -> memref<8x128xi32, #tpu.memory_space<vmem>>
        %dma_wait3A_898 = arith.constant 0 : i32
        %dma_wait3A_899 = arith.constant 0 : i32
        %dma_wait3A_900 = tpu.memref_slice %arg4[%add3A, %add3A_88, %dma_wait3A_898, %dma_wait3A_899] : memref<32x10x8x128xi32, #tpu.memory_space<hbm>> -> memref<1x1x8x128xi32, #tpu.memory_space<hbm>>
        %dma_wait3A_901 = tpu.memref_squeeze %dma_wait3A_900 : memref<1x1x8x128xi32, #tpu.memory_space<hbm>> -> memref<8x128xi32, #tpu.memory_space<hbm>>
        tpu.wait_dma2 semaphore(%arg15 : memref<!tpu.dma_semaphore, #tpu.memory_space<semaphore_mem>>) src(%dma_wait3A_901 : memref<8x128xi32, #tpu.memory_space<hbm>>) dst(%dma_wait3A_897 : memref<8x128xi32, #tpu.memory_space<vmem>>)
      } else {
      }
      %dma_start3A_96 = arith.constant 0 : i32
      %dma_start3A_97 = arith.constant 0 : i32
      %dma_start3A_98 = arith.constant 0 : i32
      %dma_start3A_99 = arith.constant 0 : i32
      %dma_start3A_100 = arith.constant 0 : i32
      %dma_start3A_101 = tpu.memref_slice %arg9[%dma_start3A_98, %dma_start3A_99, %dma_start3A_100] : memref<2x128x128xf32, #tpu.memory_space<vmem>> -> memref<1x128x128xf32, #tpu.memory_space<vmem>>
      %dma_start3A_102 = tpu.memref_squeeze %dma_start3A_101 : memref<1x128x128xf32, #tpu.memory_space<vmem>> -> memref<128x128xf32, #tpu.memory_space<vmem>>
      %dma_start3A_103 = arith.constant 0 : i32
      %dma_start3A_104 = tpu.memref_slice %arg7[%dma_start3A_96, %dma_start3A_97, %dma_start3A_103] : memref<2x8x128xi32, #tpu.memory_space<vmem>> -> memref<1x1x128xi32, #tpu.memory_space<vmem>>
      %dma_start3A_105 = tpu.memref_squeeze %dma_start3A_104 : memref<1x1x128xi32, #tpu.memory_space<vmem>> -> memref<128xi32, #tpu.memory_space<vmem>>
      %dma_start3A_106 = arith.constant 0 : i32
      %dma_start3A_107 = arith.constant 0 : i32
      %dma_start3A_108 = tpu.memref_slice %arg2[%dma_start3A_106, %dma_start3A_107] : memref<10000x128xf32, #tpu.memory_space<hbm>> -> memref<10000x128xf32, #tpu.memory_space<hbm>>
      tpu.enqueue_indirect_dma source(%dma_start3A_108 : memref<10000x128xf32, #tpu.memory_space<hbm>>) target(%dma_start3A_102 : memref<128x128xf32, #tpu.memory_space<vmem>>) offsets(%dma_start3A_105 : memref<128xi32, #tpu.memory_space<vmem>>) semaphore(%arg11 : memref<!tpu.dma_semaphore, #tpu.memory_space<semaphore_mem>>)
      %gt3A_109 = arith.constant 0 : i32
      %gt3A_110 = arith.cmpi sgt, %add3A_88, %gt3A_109 : i32
      %convert_element_type3A_111 = arith.extui %gt3A_110 : i1 to i32
      %cond3A_112 = arith.constant 0 : i32
      %cond3A_113 = arith.cmpi ne, %convert_element_type3A_111, %cond3A_112 : i32
      scf.if %cond3A_113 {
        %dma_wait3A_868 = arith.constant 1 : i32
        %dma_wait3A_869 = arith.constant 7 : i32
        %dma_wait3A_870 = arith.constant 1 : i32
        %dma_wait3A_871 = arith.constant 0 : i32
        %dma_wait3A_872 = arith.constant 0 : i32
        %dma_wait3A_873 = tpu.memref_slice %arg9[%dma_wait3A_870, %dma_wait3A_871, %dma_wait3A_872] : memref<2x128x128xf32, #tpu.memory_space<vmem>> -> memref<1x128x128xf32, #tpu.memory_space<vmem>>
        %dma_wait3A_874 = tpu.memref_squeeze %dma_wait3A_873 : memref<1x128x128xf32, #tpu.memory_space<vmem>> -> memref<128x128xf32, #tpu.memory_space<vmem>>
        %dma_wait3A_875 = arith.constant 0 : i32
        %dma_wait3A_876 = tpu.memref_slice %arg7[%dma_wait3A_868, %dma_wait3A_869, %dma_wait3A_875] : memref<2x8x128xi32, #tpu.memory_space<vmem>> -> memref<1x1x128xi32, #tpu.memory_space<vmem>>
        %dma_wait3A_877 = tpu.memref_squeeze %dma_wait3A_876 : memref<1x1x128xi32, #tpu.memory_space<vmem>> -> memref<128xi32, #tpu.memory_space<vmem>>
        %dma_wait3A_878 = arith.constant 0 : i32
        %dma_wait3A_879 = arith.constant 0 : i32
        %dma_wait3A_880 = tpu.memref_slice %arg2[%dma_wait3A_878, %dma_wait3A_879] : memref<10000x128xf32, #tpu.memory_space<hbm>> -> memref<10000x128xf32, #tpu.memory_space<hbm>>
        tpu.wait_indirect_dma semaphore(%arg12 : memref<!tpu.dma_semaphore, #tpu.memory_space<semaphore_mem>>) src(%dma_wait3A_880 : memref<10000x128xf32, #tpu.memory_space<hbm>>) dst(%dma_wait3A_874 : memref<128x128xf32, #tpu.memory_space<vmem>>)
        %dma_start3A_881 = arith.constant 1 : i32
        %dma_start3A_882 = arith.constant 1 : i32
        %dma_start3A_883 = arith.constant 7 : i32
        %dma_start3A_884 = arith.constant 0 : i32
        %dma_start3A_885 = arith.constant 0 : i32
        %dma_start3A_886 = tpu.memref_slice %arg9[%dma_start3A_881, %dma_start3A_884, %dma_start3A_885] : memref<2x128x128xf32, #tpu.memory_space<vmem>> -> memref<1x128x128xf32, #tpu.memory_space<vmem>>
        %dma_start3A_887 = tpu.memref_squeeze %dma_start3A_886 : memref<1x128x128xf32, #tpu.memory_space<vmem>> -> memref<128x128xf32, #tpu.memory_space<vmem>>
        %dma_start3A_888 = arith.constant 0 : i32
        %dma_start3A_889 = tpu.memref_slice %arg8[%dma_start3A_882, %dma_start3A_883, %dma_start3A_888] : memref<2x8x128xi32, #tpu.memory_space<vmem>> -> memref<1x1x128xi32, #tpu.memory_space<vmem>>
        %dma_start3A_890 = tpu.memref_squeeze %dma_start3A_889 : memref<1x1x128xi32, #tpu.memory_space<vmem>> -> memref<128xi32, #tpu.memory_space<vmem>>
        %dma_start3A_891 = arith.constant 0 : i32
        %dma_start3A_892 = arith.constant 0 : i32
        %dma_start3A_893 = tpu.memref_slice %arg10[%dma_start3A_891, %dma_start3A_892] : memref<10112x128xf32, #tpu.memory_space<vmem_shared>> -> memref<10112x128xf32, #tpu.memory_space<vmem_shared>>
        tpu.enqueue_indirect_dma source(%dma_start3A_887 : memref<128x128xf32, #tpu.memory_space<vmem>>) target(%dma_start3A_893 : memref<10112x128xf32, #tpu.memory_space<vmem_shared>>) offsets(%dma_start3A_890 : memref<128xi32, #tpu.memory_space<vmem>>) semaphore(%arg14 : memref<!tpu.dma_semaphore, #tpu.memory_space<semaphore_mem>>) {add = true}
      } else {
      }
      %gt3A_114 = arith.constant 0 : i32
      %gt3A_115 = arith.cmpi sgt, %add3A_88, %gt3A_114 : i32
      %convert_element_type3A_116 = arith.extui %gt3A_115 : i1 to i32
      %cond3A_117 = arith.constant 0 : i32
      %cond3A_118 = arith.cmpi ne, %convert_element_type3A_116, %cond3A_117 : i32
      scf.if %cond3A_118 {
        %dma_wait3A_868 = arith.constant 1 : i32
        %dma_wait3A_869 = arith.constant 1 : i32
        %dma_wait3A_870 = arith.constant 7 : i32
        %dma_wait3A_871 = arith.constant 0 : i32
        %dma_wait3A_872 = arith.constant 0 : i32
        %dma_wait3A_873 = tpu.memref_slice %arg9[%dma_wait3A_868, %dma_wait3A_871, %dma_wait3A_872] : memref<2x128x128xf32, #tpu.memory_space<vmem>> -> memref<1x128x128xf32, #tpu.memory_space<vmem>>
        %dma_wait3A_874 = tpu.memref_squeeze %dma_wait3A_873 : memref<1x128x128xf32, #tpu.memory_space<vmem>> -> memref<128x128xf32, #tpu.memory_space<vmem>>
        %dma_wait3A_875 = arith.constant 0 : i32
        %dma_wait3A_876 = tpu.memref_slice %arg8[%dma_wait3A_869, %dma_wait3A_870, %dma_wait3A_875] : memref<2x8x128xi32, #tpu.memory_space<vmem>> -> memref<1x1x128xi32, #tpu.memory_space<vmem>>
        %dma_wait3A_877 = tpu.memref_squeeze %dma_wait3A_876 : memref<1x1x128xi32, #tpu.memory_space<vmem>> -> memref<128xi32, #tpu.memory_space<vmem>>
        %dma_wait3A_878 = arith.constant 0 : i32
        %dma_wait3A_879 = arith.constant 0 : i32
        %dma_wait3A_880 = tpu.memref_slice %arg10[%dma_wait3A_878, %dma_wait3A_879] : memref<10112x128xf32, #tpu.memory_space<vmem_shared>> -> memref<10112x128xf32, #tpu.memory_space<vmem_shared>>
        tpu.wait_indirect_dma semaphore(%arg14 : memref<!tpu.dma_semaphore, #tpu.memory_space<semaphore_mem>>) src(%dma_wait3A_874 : memref<128x128xf32, #tpu.memory_space<vmem>>) dst(%dma_wait3A_880 : memref<10112x128xf32, #tpu.memory_space<vmem_shared>>)
      } else {
      }
      %dma_start3A_119 = arith.constant 0 : i32
      %dma_start3A_120 = arith.constant 1 : i32
      %dma_start3A_121 = arith.constant 1 : i32
      %dma_start3A_122 = arith.constant 0 : i32
      %dma_start3A_123 = arith.constant 0 : i32
      %dma_start3A_124 = tpu.memref_slice %arg9[%dma_start3A_121, %dma_start3A_122, %dma_start3A_123] : memref<2x128x128xf32, #tpu.memory_space<vmem>> -> memref<1x128x128xf32, #tpu.memory_space<vmem>>
      %dma_start3A_125 = tpu.memref_squeeze %dma_start3A_124 : memref<1x128x128xf32, #tpu.memory_space<vmem>> -> memref<128x128xf32, #tpu.memory_space<vmem>>
      %dma_start3A_126 = arith.constant 0 : i32
      %dma_start3A_127 = tpu.memref_slice %arg7[%dma_start3A_119, %dma_start3A_120, %dma_start3A_126] : memref<2x8x128xi32, #tpu.memory_space<vmem>> -> memref<1x1x128xi32, #tpu.memory_space<vmem>>
      %dma_start3A_128 = tpu.memref_squeeze %dma_start3A_127 : memref<1x1x128xi32, #tpu.memory_space<vmem>> -> memref<128xi32, #tpu.memory_space<vmem>>
      %dma_start3A_129 = arith.constant 0 : i32
      %dma_start3A_130 = arith.constant 0 : i32
      %dma_start3A_131 = tpu.memref_slice %arg2[%dma_start3A_129, %dma_start3A_130] : memref<10000x128xf32, #tpu.memory_space<hbm>> -> memref<10000x128xf32, #tpu.memory_space<hbm>>
      tpu.enqueue_indirect_dma source(%dma_start3A_131 : memref<10000x128xf32, #tpu.memory_space<hbm>>) target(%dma_start3A_125 : memref<128x128xf32, #tpu.memory_space<vmem>>) offsets(%dma_start3A_128 : memref<128xi32, #tpu.memory_space<vmem>>) semaphore(%arg12 : memref<!tpu.dma_semaphore, #tpu.memory_space<semaphore_mem>>)
      %dma_wait3A_132 = arith.constant 0 : i32
      %dma_wait3A_133 = arith.constant 0 : i32
      %dma_wait3A_134 = arith.constant 0 : i32
      %dma_wait3A_135 = arith.constant 0 : i32
      %dma_wait3A_136 = arith.constant 0 : i32
      %dma_wait3A_137 = tpu.memref_slice %arg9[%dma_wait3A_134, %dma_wait3A_135, %dma_wait3A_136] : memref<2x128x128xf32, #tpu.memory_space<vmem>> -> memref<1x128x128xf32, #tpu.memory_space<vmem>>
      %dma_wait3A_138 = tpu.memref_squeeze %dma_wait3A_137 : memref<1x128x128xf32, #tpu.memory_space<vmem>> -> memref<128x128xf32, #tpu.memory_space<vmem>>
      %dma_wait3A_139 = arith.constant 0 : i32
      %dma_wait3A_140 = tpu.memref_slice %arg7[%dma_wait3A_132, %dma_wait3A_133, %dma_wait3A_139] : memref<2x8x128xi32, #tpu.memory_space<vmem>> -> memref<1x1x128xi32, #tpu.memory_space<vmem>>
      %dma_wait3A_141 = tpu.memref_squeeze %dma_wait3A_140 : memref<1x1x128xi32, #tpu.memory_space<vmem>> -> memref<128xi32, #tpu.memory_space<vmem>>
      %dma_wait3A_142 = arith.constant 0 : i32
      %dma_wait3A_143 = arith.constant 0 : i32
      %dma_wait3A_144 = tpu.memref_slice %arg2[%dma_wait3A_142, %dma_wait3A_143] : memref<10000x128xf32, #tpu.memory_space<hbm>> -> memref<10000x128xf32, #tpu.memory_space<hbm>>
      tpu.wait_indirect_dma semaphore(%arg11 : memref<!tpu.dma_semaphore, #tpu.memory_space<semaphore_mem>>) src(%dma_wait3A_144 : memref<10000x128xf32, #tpu.memory_space<hbm>>) dst(%dma_wait3A_138 : memref<128x128xf32, #tpu.memory_space<vmem>>)
      %dma_start3A_145 = arith.constant 0 : i32
      %dma_start3A_146 = arith.constant 0 : i32
      %dma_start3A_147 = arith.constant 0 : i32
      %dma_start3A_148 = arith.constant 0 : i32
      %dma_start3A_149 = arith.constant 0 : i32
      %dma_start3A_150 = tpu.memref_slice %arg9[%dma_start3A_145, %dma_start3A_148, %dma_start3A_149] : memref<2x128x128xf32, #tpu.memory_space<vmem>> -> memref<1x128x128xf32, #tpu.memory_space<vmem>>
      %dma_start3A_151 = tpu.memref_squeeze %dma_start3A_150 : memref<1x128x128xf32, #tpu.memory_space<vmem>> -> memref<128x128xf32, #tpu.memory_space<vmem>>
      %dma_start3A_152 = arith.constant 0 : i32
      %dma_start3A_153 = tpu.memref_slice %arg8[%dma_start3A_146, %dma_start3A_147, %dma_start3A_152] : memref<2x8x128xi32, #tpu.memory_space<vmem>> -> memref<1x1x128xi32, #tpu.memory_space<vmem>>
      %dma_start3A_154 = tpu.memref_squeeze %dma_start3A_153 : memref<1x1x128xi32, #tpu.memory_space<vmem>> -> memref<128xi32, #tpu.memory_space<vmem>>
      %dma_start3A_155 = arith.constant 0 : i32
      %dma_start3A_156 = arith.constant 0 : i32
      %dma_start3A_157 = tpu.memref_slice %arg10[%dma_start3A_155, %dma_start3A_156] : memref<10112x128xf32, #tpu.memory_space<vmem_shared>> -> memref<10112x128xf32, #tpu.memory_space<vmem_shared>>
      tpu.enqueue_indirect_dma source(%dma_start3A_151 : memref<128x128xf32, #tpu.memory_space<vmem>>) target(%dma_start3A_157 : memref<10112x128xf32, #tpu.memory_space<vmem_shared>>) offsets(%dma_start3A_154 : memref<128xi32, #tpu.memory_space<vmem>>) semaphore(%arg13 : memref<!tpu.dma_semaphore, #tpu.memory_space<semaphore_mem>>) {add = true}
      %dma_wait3A_158 = arith.constant 0 : i32
      %dma_wait3A_159 = arith.constant 0 : i32
      %dma_wait3A_160 = arith.constant 0 : i32
      %dma_wait3A_161 = arith.constant 0 : i32
      %dma_wait3A_162 = arith.constant 0 : i32
      %dma_wait3A_163 = tpu.memref_slice %arg9[%dma_wait3A_158, %dma_wait3A_161, %dma_wait3A_162] : memref<2x128x128xf32, #tpu.memory_space<vmem>> -> memref<1x128x128xf32, #tpu.memory_space<vmem>>
      %dma_wait3A_164 = tpu.memref_squeeze %dma_wait3A_163 : memref<1x128x128xf32, #tpu.memory_space<vmem>> -> memref<128x128xf32, #tpu.memory_space<vmem>>
      %dma_wait3A_165 = arith.constant 0 : i32
      %dma_wait3A_166 = tpu.memref_slice %arg8[%dma_wait3A_159, %dma_wait3A_160, %dma_wait3A_165] : memref<2x8x128xi32, #tpu.memory_space<vmem>> -> memref<1x1x128xi32, #tpu.memory_space<vmem>>
      %dma_wait3A_167 = tpu.memref_squeeze %dma_wait3A_166 : memref<1x1x128xi32, #tpu.memory_space<vmem>> -> memref<128xi32, #tpu.memory_space<vmem>>
      %dma_wait3A_168 = arith.constant 0 : i32
      %dma_wait3A_169 = arith.constant 0 : i32
      %dma_wait3A_170 = tpu.memref_slice %arg10[%dma_wait3A_168, %dma_wait3A_169] : memref<10112x128xf32, #tpu.memory_space<vmem_shared>> -> memref<10112x128xf32, #tpu.memory_space<vmem_shared>>
      tpu.wait_indirect_dma semaphore(%arg13 : memref<!tpu.dma_semaphore, #tpu.memory_space<semaphore_mem>>) src(%dma_wait3A_164 : memref<128x128xf32, #tpu.memory_space<vmem>>) dst(%dma_wait3A_170 : memref<10112x128xf32, #tpu.memory_space<vmem_shared>>)
      %dma_start3A_171 = arith.constant 0 : i32
      %dma_start3A_172 = arith.constant 2 : i32
      %dma_start3A_173 = arith.constant 0 : i32
      %dma_start3A_174 = arith.constant 0 : i32
      %dma_start3A_175 = arith.constant 0 : i32
      %dma_start3A_176 = tpu.memref_slice %arg9[%dma_start3A_173, %dma_start3A_174, %dma_start3A_175] : memref<2x128x128xf32, #tpu.memory_space<vmem>> -> memref<1x128x128xf32, #tpu.memory_space<vmem>>
      %dma_start3A_177 = tpu.memref_squeeze %dma_start3A_176 : memref<1x128x128xf32, #tpu.memory_space<vmem>> -> memref<128x128xf32, #tpu.memory_space<vmem>>
      %dma_start3A_178 = arith.constant 0 : i32
      %dma_start3A_179 = tpu.memref_slice %arg7[%dma_start3A_171, %dma_start3A_172, %dma_start3A_178] : memref<2x8x128xi32, #tpu.memory_space<vmem>> -> memref<1x1x128xi32, #tpu.memory_space<vmem>>
      %dma_start3A_180 = tpu.memref_squeeze %dma_start3A_179 : memref<1x1x128xi32, #tpu.memory_space<vmem>> -> memref<128xi32, #tpu.memory_space<vmem>>
      %dma_start3A_181 = arith.constant 0 : i32
      %dma_start3A_182 = arith.constant 0 : i32
      %dma_start3A_183 = tpu.memref_slice %arg2[%dma_start3A_181, %dma_start3A_182] : memref<10000x128xf32, #tpu.memory_space<hbm>> -> memref<10000x128xf32, #tpu.memory_space<hbm>>
      tpu.enqueue_indirect_dma source(%dma_start3A_183 : memref<10000x128xf32, #tpu.memory_space<hbm>>) target(%dma_start3A_177 : memref<128x128xf32, #tpu.memory_space<vmem>>) offsets(%dma_start3A_180 : memref<128xi32, #tpu.memory_space<vmem>>) semaphore(%arg11 : memref<!tpu.dma_semaphore, #tpu.memory_space<semaphore_mem>>)
      %dma_wait3A_184 = arith.constant 0 : i32
      %dma_wait3A_185 = arith.constant 1 : i32
      %dma_wait3A_186 = arith.constant 1 : i32
      %dma_wait3A_187 = arith.constant 0 : i32
      %dma_wait3A_188 = arith.constant 0 : i32
      %dma_wait3A_189 = tpu.memref_slice %arg9[%dma_wait3A_186, %dma_wait3A_187, %dma_wait3A_188] : memref<2x128x128xf32, #tpu.memory_space<vmem>> -> memref<1x128x128xf32, #tpu.memory_space<vmem>>
      %dma_wait3A_190 = tpu.memref_squeeze %dma_wait3A_189 : memref<1x128x128xf32, #tpu.memory_space<vmem>> -> memref<128x128xf32, #tpu.memory_space<vmem>>
      %dma_wait3A_191 = arith.constant 0 : i32
      %dma_wait3A_192 = tpu.memref_slice %arg7[%dma_wait3A_184, %dma_wait3A_185, %dma_wait3A_191] : memref<2x8x128xi32, #tpu.memory_space<vmem>> -> memref<1x1x128xi32, #tpu.memory_space<vmem>>
      %dma_wait3A_193 = tpu.memref_squeeze %dma_wait3A_192 : memref<1x1x128xi32, #tpu.memory_space<vmem>> -> memref<128xi32, #tpu.memory_space<vmem>>
      %dma_wait3A_194 = arith.constant 0 : i32
      %dma_wait3A_195 = arith.constant 0 : i32
      %dma_wait3A_196 = tpu.memref_slice %arg2[%dma_wait3A_194, %dma_wait3A_195] : memref<10000x128xf32, #tpu.memory_space<hbm>> -> memref<10000x128xf32, #tpu.memory_space<hbm>>
      tpu.wait_indirect_dma semaphore(%arg12 : memref<!tpu.dma_semaphore, #tpu.memory_space<semaphore_mem>>) src(%dma_wait3A_196 : memref<10000x128xf32, #tpu.memory_space<hbm>>) dst(%dma_wait3A_190 : memref<128x128xf32, #tpu.memory_space<vmem>>)
      %dma_start3A_197 = arith.constant 1 : i32
      %dma_start3A_198 = arith.constant 0 : i32
      %dma_start3A_199 = arith.constant 1 : i32
      %dma_start3A_200 = arith.constant 0 : i32
      %dma_start3A_201 = arith.constant 0 : i32
      %dma_start3A_202 = tpu.memref_slice %arg9[%dma_start3A_197, %dma_start3A_200, %dma_start3A_201] : memref<2x128x128xf32, #tpu.memory_space<vmem>> -> memref<1x128x128xf32, #tpu.memory_space<vmem>>
      %dma_start3A_203 = tpu.memref_squeeze %dma_start3A_202 : memref<1x128x128xf32, #tpu.memory_space<vmem>> -> memref<128x128xf32, #tpu.memory_space<vmem>>
      %dma_start3A_204 = arith.constant 0 : i32
      %dma_start3A_205 = tpu.memref_slice %arg8[%dma_start3A_198, %dma_start3A_199, %dma_start3A_204] : memref<2x8x128xi32, #tpu.memory_space<vmem>> -> memref<1x1x128xi32, #tpu.memory_space<vmem>>
      %dma_start3A_206 = tpu.memref_squeeze %dma_start3A_205 : memref<1x1x128xi32, #tpu.memory_space<vmem>> -> memref<128xi32, #tpu.memory_space<vmem>>
      %dma_start3A_207 = arith.constant 0 : i32
      %dma_start3A_208 = arith.constant 0 : i32
      %dma_start3A_209 = tpu.memref_slice %arg10[%dma_start3A_207, %dma_start3A_208] : memref<10112x128xf32, #tpu.memory_space<vmem_shared>> -> memref<10112x128xf32, #tpu.memory_space<vmem_shared>>
      tpu.enqueue_indirect_dma source(%dma_start3A_203 : memref<128x128xf32, #tpu.memory_space<vmem>>) target(%dma_start3A_209 : memref<10112x128xf32, #tpu.memory_space<vmem_shared>>) offsets(%dma_start3A_206 : memref<128xi32, #tpu.memory_space<vmem>>) semaphore(%arg14 : memref<!tpu.dma_semaphore, #tpu.memory_space<semaphore_mem>>) {add = true}
      %dma_wait3A_210 = arith.constant 1 : i32
      %dma_wait3A_211 = arith.constant 0 : i32
      %dma_wait3A_212 = arith.constant 1 : i32
      %dma_wait3A_213 = arith.constant 0 : i32
      %dma_wait3A_214 = arith.constant 0 : i32
      %dma_wait3A_215 = tpu.memref_slice %arg9[%dma_wait3A_210, %dma_wait3A_213, %dma_wait3A_214] : memref<2x128x128xf32, #tpu.memory_space<vmem>> -> memref<1x128x128xf32, #tpu.memory_space<vmem>>
      %dma_wait3A_216 = tpu.memref_squeeze %dma_wait3A_215 : memref<1x128x128xf32, #tpu.memory_space<vmem>> -> memref<128x128xf32, #tpu.memory_space<vmem>>
      %dma_wait3A_217 = arith.constant 0 : i32
      %dma_wait3A_218 = tpu.memref_slice %arg8[%dma_wait3A_211, %dma_wait3A_212, %dma_wait3A_217] : memref<2x8x128xi32, #tpu.memory_space<vmem>> -> memref<1x1x128xi32, #tpu.memory_space<vmem>>
      %dma_wait3A_219 = tpu.memref_squeeze %dma_wait3A_218 : memref<1x1x128xi32, #tpu.memory_space<vmem>> -> memref<128xi32, #tpu.memory_space<vmem>>
      %dma_wait3A_220 = arith.constant 0 : i32
      %dma_wait3A_221 = arith.constant 0 : i32
      %dma_wait3A_222 = tpu.memref_slice %arg10[%dma_wait3A_220, %dma_wait3A_221] : memref<10112x128xf32, #tpu.memory_space<vmem_shared>> -> memref<10112x128xf32, #tpu.memory_space<vmem_shared>>
      tpu.wait_indirect_dma semaphore(%arg14 : memref<!tpu.dma_semaphore, #tpu.memory_space<semaphore_mem>>) src(%dma_wait3A_216 : memref<128x128xf32, #tpu.memory_space<vmem>>) dst(%dma_wait3A_222 : memref<10112x128xf32, #tpu.memory_space<vmem_shared>>)
      %dma_start3A_223 = arith.constant 0 : i32
      %dma_start3A_224 = arith.constant 3 : i32
      %dma_start3A_225 = arith.constant 1 : i32
      %dma_start3A_226 = arith.constant 0 : i32
      %dma_start3A_227 = arith.constant 0 : i32
      %dma_start3A_228 = tpu.memref_slice %arg9[%dma_start3A_225, %dma_start3A_226, %dma_start3A_227] : memref<2x128x128xf32, #tpu.memory_space<vmem>> -> memref<1x128x128xf32, #tpu.memory_space<vmem>>
      %dma_start3A_229 = tpu.memref_squeeze %dma_start3A_228 : memref<1x128x128xf32, #tpu.memory_space<vmem>> -> memref<128x128xf32, #tpu.memory_space<vmem>>
      %dma_start3A_230 = arith.constant 0 : i32
      %dma_start3A_231 = tpu.memref_slice %arg7[%dma_start3A_223, %dma_start3A_224, %dma_start3A_230] : memref<2x8x128xi32, #tpu.memory_space<vmem>> -> memref<1x1x128xi32, #tpu.memory_space<vmem>>
      %dma_start3A_232 = tpu.memref_squeeze %dma_start3A_231 : memref<1x1x128xi32, #tpu.memory_space<vmem>> -> memref<128xi32, #tpu.memory_space<vmem>>
      %dma_start3A_233 = arith.constant 0 : i32
      %dma_start3A_234 = arith.constant 0 : i32
      %dma_start3A_235 = tpu.memref_slice %arg2[%dma_start3A_233, %dma_start3A_234] : memref<10000x128xf32, #tpu.memory_space<hbm>> -> memref<10000x128xf32, #tpu.memory_space<hbm>>
      tpu.enqueue_indirect_dma source(%dma_start3A_235 : memref<10000x128xf32, #tpu.memory_space<hbm>>) target(%dma_start3A_229 : memref<128x128xf32, #tpu.memory_space<vmem>>) offsets(%dma_start3A_232 : memref<128xi32, #tpu.memory_space<vmem>>) semaphore(%arg12 : memref<!tpu.dma_semaphore, #tpu.memory_space<semaphore_mem>>)
      %dma_wait3A_236 = arith.constant 0 : i32
      %dma_wait3A_237 = arith.constant 2 : i32
      %dma_wait3A_238 = arith.constant 0 : i32
      %dma_wait3A_239 = arith.constant 0 : i32
      %dma_wait3A_240 = arith.constant 0 : i32
      %dma_wait3A_241 = tpu.memref_slice %arg9[%dma_wait3A_238, %dma_wait3A_239, %dma_wait3A_240] : memref<2x128x128xf32, #tpu.memory_space<vmem>> -> memref<1x128x128xf32, #tpu.memory_space<vmem>>
      %dma_wait3A_242 = tpu.memref_squeeze %dma_wait3A_241 : memref<1x128x128xf32, #tpu.memory_space<vmem>> -> memref<128x128xf32, #tpu.memory_space<vmem>>
      %dma_wait3A_243 = arith.constant 0 : i32
      %dma_wait3A_244 = tpu.memref_slice %arg7[%dma_wait3A_236, %dma_wait3A_237, %dma_wait3A_243] : memref<2x8x128xi32, #tpu.memory_space<vmem>> -> memref<1x1x128xi32, #tpu.memory_space<vmem>>
      %dma_wait3A_245 = tpu.memref_squeeze %dma_wait3A_244 : memref<1x1x128xi32, #tpu.memory_space<vmem>> -> memref<128xi32, #tpu.memory_space<vmem>>
      %dma_wait3A_246 = arith.constant 0 : i32
      %dma_wait3A_247 = arith.constant 0 : i32
      %dma_wait3A_248 = tpu.memref_slice %arg2[%dma_wait3A_246, %dma_wait3A_247] : memref<10000x128xf32, #tpu.memory_space<hbm>> -> memref<10000x128xf32, #tpu.memory_space<hbm>>
      tpu.wait_indirect_dma semaphore(%arg11 : memref<!tpu.dma_semaphore, #tpu.memory_space<semaphore_mem>>) src(%dma_wait3A_248 : memref<10000x128xf32, #tpu.memory_space<hbm>>) dst(%dma_wait3A_242 : memref<128x128xf32, #tpu.memory_space<vmem>>)
      %dma_start3A_249 = arith.constant 0 : i32
      %dma_start3A_250 = arith.constant 0 : i32
      %dma_start3A_251 = arith.constant 2 : i32
      %dma_start3A_252 = arith.constant 0 : i32
      %dma_start3A_253 = arith.constant 0 : i32
      %dma_start3A_254 = tpu.memref_slice %arg9[%dma_start3A_249, %dma_start3A_252, %dma_start3A_253] : memref<2x128x128xf32, #tpu.memory_space<vmem>> -> memref<1x128x128xf32, #tpu.memory_space<vmem>>
      %dma_start3A_255 = tpu.memref_squeeze %dma_start3A_254 : memref<1x128x128xf32, #tpu.memory_space<vmem>> -> memref<128x128xf32, #tpu.memory_space<vmem>>
      %dma_start3A_256 = arith.constant 0 : i32
      %dma_start3A_257 = tpu.memref_slice %arg8[%dma_start3A_250, %dma_start3A_251, %dma_start3A_256] : memref<2x8x128xi32, #tpu.memory_space<vmem>> -> memref<1x1x128xi32, #tpu.memory_space<vmem>>
      %dma_start3A_258 = tpu.memref_squeeze %dma_start3A_257 : memref<1x1x128xi32, #tpu.memory_space<vmem>> -> memref<128xi32, #tpu.memory_space<vmem>>
      %dma_start3A_259 = arith.constant 0 : i32
      %dma_start3A_260 = arith.constant 0 : i32
      %dma_start3A_261 = tpu.memref_slice %arg10[%dma_start3A_259, %dma_start3A_260] : memref<10112x128xf32, #tpu.memory_space<vmem_shared>> -> memref<10112x128xf32, #tpu.memory_space<vmem_shared>>
      tpu.enqueue_indirect_dma source(%dma_start3A_255 : memref<128x128xf32, #tpu.memory_space<vmem>>) target(%dma_start3A_261 : memref<10112x128xf32, #tpu.memory_space<vmem_shared>>) offsets(%dma_start3A_258 : memref<128xi32, #tpu.memory_space<vmem>>) semaphore(%arg13 : memref<!tpu.dma_semaphore, #tpu.memory_space<semaphore_mem>>) {add = true}
      %dma_wait3A_262 = arith.constant 0 : i32
      %dma_wait3A_263 = arith.constant 0 : i32
      %dma_wait3A_264 = arith.constant 2 : i32
      %dma_wait3A_265 = arith.constant 0 : i32
      %dma_wait3A_266 = arith.constant 0 : i32
      %dma_wait3A_267 = tpu.memref_slice %arg9[%dma_wait3A_262, %dma_wait3A_265, %dma_wait3A_266] : memref<2x128x128xf32, #tpu.memory_space<vmem>> -> memref<1x128x128xf32, #tpu.memory_space<vmem>>
      %dma_wait3A_268 = tpu.memref_squeeze %dma_wait3A_267 : memref<1x128x128xf32, #tpu.memory_space<vmem>> -> memref<128x128xf32, #tpu.memory_space<vmem>>
      %dma_wait3A_269 = arith.constant 0 : i32
      %dma_wait3A_270 = tpu.memref_slice %arg8[%dma_wait3A_263, %dma_wait3A_264, %dma_wait3A_269] : memref<2x8x128xi32, #tpu.memory_space<vmem>> -> memref<1x1x128xi32, #tpu.memory_space<vmem>>
      %dma_wait3A_271 = tpu.memref_squeeze %dma_wait3A_270 : memref<1x1x128xi32, #tpu.memory_space<vmem>> -> memref<128xi32, #tpu.memory_space<vmem>>
      %dma_wait3A_272 = arith.constant 0 : i32
      %dma_wait3A_273 = arith.constant 0 : i32
      %dma_wait3A_274 = tpu.memref_slice %arg10[%dma_wait3A_272, %dma_wait3A_273] : memref<10112x128xf32, #tpu.memory_space<vmem_shared>> -> memref<10112x128xf32, #tpu.memory_space<vmem_shared>>
      tpu.wait_indirect_dma semaphore(%arg13 : memref<!tpu.dma_semaphore, #tpu.memory_space<semaphore_mem>>) src(%dma_wait3A_268 : memref<128x128xf32, #tpu.memory_space<vmem>>) dst(%dma_wait3A_274 : memref<10112x128xf32, #tpu.memory_space<vmem_shared>>)
      %lt3A = arith.constant 9 : i32
      %lt3A_275 = arith.cmpi slt, %add3A_88, %lt3A : i32
      %convert_element_type3A_276 = arith.extui %lt3A_275 : i1 to i32
      %cond3A_277 = arith.constant 0 : i32
      %cond3A_278 = arith.cmpi ne, %convert_element_type3A_276, %cond3A_277 : i32
      scf.if %cond3A_278 {
        %add3A_868 = arith.constant 1 : i32
        %add3A_869 = arith.addi %add3A_88, %add3A_868 : i32
        %dma_start3A_870 = arith.constant 1 : i32
        %dma_start3A_871 = arith.constant 0 : i32
        %dma_start3A_872 = arith.constant 0 : i32
        %dma_start3A_873 = tpu.memref_slice %arg7[%dma_start3A_870, %dma_start3A_871, %dma_start3A_872] : memref<2x8x128xi32, #tpu.memory_space<vmem>> -> memref<1x8x128xi32, #tpu.memory_space<vmem>>
        %dma_start3A_874 = tpu.memref_squeeze %dma_start3A_873 : memref<1x8x128xi32, #tpu.memory_space<vmem>> -> memref<8x128xi32, #tpu.memory_space<vmem>>
        %dma_start3A_875 = arith.constant 0 : i32
        %dma_start3A_876 = arith.constant 0 : i32
        %dma_start3A_877 = tpu.memref_slice %arg3[%add3A, %add3A_869, %dma_start3A_875, %dma_start3A_876] : memref<32x10x8x128xi32, #tpu.memory_space<hbm>> -> memref<1x1x8x128xi32, #tpu.memory_space<hbm>>
        %dma_start3A_878 = tpu.memref_squeeze %dma_start3A_877 : memref<1x1x8x128xi32, #tpu.memory_space<hbm>> -> memref<8x128xi32, #tpu.memory_space<hbm>>
        %dma_start3A_879 = arith.constant 0 : i32
        %dma_start3A_880 = arith.constant 0 : i32
        %dma_start3A_881 = tpu.memref_slice %arg7[%dma_start3A_870, %dma_start3A_879, %dma_start3A_880] : memref<2x8x128xi32, #tpu.memory_space<vmem>> -> memref<1x8x128xi32, #tpu.memory_space<vmem>>
        %dma_start3A_882 = tpu.memref_squeeze %dma_start3A_881 : memref<1x8x128xi32, #tpu.memory_space<vmem>> -> memref<8x128xi32, #tpu.memory_space<vmem>>
        %dma_start3A_883 = arith.constant 0 : i32
        %dma_start3A_884 = arith.constant 0 : i32
        %dma_start3A_885 = tpu.memref_slice %arg3[%add3A, %add3A_869, %dma_start3A_883, %dma_start3A_884] : memref<32x10x8x128xi32, #tpu.memory_space<hbm>> -> memref<1x1x8x128xi32, #tpu.memory_space<hbm>>
        %dma_start3A_886 = tpu.memref_squeeze %dma_start3A_885 : memref<1x1x8x128xi32, #tpu.memory_space<hbm>> -> memref<8x128xi32, #tpu.memory_space<hbm>>
        tpu.enqueue_dma source(%dma_start3A_886 : memref<8x128xi32, #tpu.memory_space<hbm>>) target(%dma_start3A_882 : memref<8x128xi32, #tpu.memory_space<vmem>>) target_semaphore(%arg16 : memref<!tpu.dma_semaphore, #tpu.memory_space<semaphore_mem>>)
        %add3A_887 = arith.constant 1 : i32
        %add3A_888 = arith.addi %add3A_88, %add3A_887 : i32
        %dma_start3A_889 = arith.constant 1 : i32
        %dma_start3A_890 = arith.constant 0 : i32
        %dma_start3A_891 = arith.constant 0 : i32
        %dma_start3A_892 = tpu.memref_slice %arg8[%dma_start3A_889, %dma_start3A_890, %dma_start3A_891] : memref<2x8x128xi32, #tpu.memory_space<vmem>> -> memref<1x8x128xi32, #tpu.memory_space<vmem>>
        %dma_start3A_893 = tpu.memref_squeeze %dma_start3A_892 : memref<1x8x128xi32, #tpu.memory_space<vmem>> -> memref<8x128xi32, #tpu.memory_space<vmem>>
        %dma_start3A_894 = arith.constant 0 : i32
        %dma_start3A_895 = arith.constant 0 : i32
        %dma_start3A_896 = tpu.memref_slice %arg4[%add3A, %add3A_888, %dma_start3A_894, %dma_start3A_895] : memref<32x10x8x128xi32, #tpu.memory_space<hbm>> -> memref<1x1x8x128xi32, #tpu.memory_space<hbm>>
        %dma_start3A_897 = tpu.memref_squeeze %dma_start3A_896 : memref<1x1x8x128xi32, #tpu.memory_space<hbm>> -> memref<8x128xi32, #tpu.memory_space<hbm>>
        %dma_start3A_898 = arith.constant 0 : i32
        %dma_start3A_899 = arith.constant 0 : i32
        %dma_start3A_900 = tpu.memref_slice %arg8[%dma_start3A_889, %dma_start3A_898, %dma_start3A_899] : memref<2x8x128xi32, #tpu.memory_space<vmem>> -> memref<1x8x128xi32, #tpu.memory_space<vmem>>
        %dma_start3A_901 = tpu.memref_squeeze %dma_start3A_900 : memref<1x8x128xi32, #tpu.memory_space<vmem>> -> memref<8x128xi32, #tpu.memory_space<vmem>>
        %dma_start3A_902 = arith.constant 0 : i32
        %dma_start3A_903 = arith.constant 0 : i32
        %dma_start3A_904 = tpu.memref_slice %arg4[%add3A, %add3A_888, %dma_start3A_902, %dma_start3A_903] : memref<32x10x8x128xi32, #tpu.memory_space<hbm>> -> memref<1x1x8x128xi32, #tpu.memory_space<hbm>>
        %dma_start3A_905 = tpu.memref_squeeze %dma_start3A_904 : memref<1x1x8x128xi32, #tpu.memory_space<hbm>> -> memref<8x128xi32, #tpu.memory_space<hbm>>
        tpu.enqueue_dma source(%dma_start3A_905 : memref<8x128xi32, #tpu.memory_space<hbm>>) target(%dma_start3A_901 : memref<8x128xi32, #tpu.memory_space<vmem>>) target_semaphore(%arg16 : memref<!tpu.dma_semaphore, #tpu.memory_space<semaphore_mem>>)
      } else {
      }
      %dma_start3A_279 = arith.constant 0 : i32
      %dma_start3A_280 = arith.constant 4 : i32
      %dma_start3A_281 = arith.constant 0 : i32
      %dma_start3A_282 = arith.constant 0 : i32
      %dma_start3A_283 = arith.constant 0 : i32
      %dma_start3A_284 = tpu.memref_slice %arg9[%dma_start3A_281, %dma_start3A_282, %dma_start3A_283] : memref<2x128x128xf32, #tpu.memory_space<vmem>> -> memref<1x128x128xf32, #tpu.memory_space<vmem>>
      %dma_start3A_285 = tpu.memref_squeeze %dma_start3A_284 : memref<1x128x128xf32, #tpu.memory_space<vmem>> -> memref<128x128xf32, #tpu.memory_space<vmem>>
      %dma_start3A_286 = arith.constant 0 : i32
      %dma_start3A_287 = tpu.memref_slice %arg7[%dma_start3A_279, %dma_start3A_280, %dma_start3A_286] : memref<2x8x128xi32, #tpu.memory_space<vmem>> -> memref<1x1x128xi32, #tpu.memory_space<vmem>>
      %dma_start3A_288 = tpu.memref_squeeze %dma_start3A_287 : memref<1x1x128xi32, #tpu.memory_space<vmem>> -> memref<128xi32, #tpu.memory_space<vmem>>
      %dma_start3A_289 = arith.constant 0 : i32
      %dma_start3A_290 = arith.constant 0 : i32
      %dma_start3A_291 = tpu.memref_slice %arg2[%dma_start3A_289, %dma_start3A_290] : memref<10000x128xf32, #tpu.memory_space<hbm>> -> memref<10000x128xf32, #tpu.memory_space<hbm>>
      tpu.enqueue_indirect_dma source(%dma_start3A_291 : memref<10000x128xf32, #tpu.memory_space<hbm>>) target(%dma_start3A_285 : memref<128x128xf32, #tpu.memory_space<vmem>>) offsets(%dma_start3A_288 : memref<128xi32, #tpu.memory_space<vmem>>) semaphore(%arg11 : memref<!tpu.dma_semaphore, #tpu.memory_space<semaphore_mem>>)
      %dma_wait3A_292 = arith.constant 0 : i32
      %dma_wait3A_293 = arith.constant 3 : i32
      %dma_wait3A_294 = arith.constant 1 : i32
      %dma_wait3A_295 = arith.constant 0 : i32
      %dma_wait3A_296 = arith.constant 0 : i32
      %dma_wait3A_297 = tpu.memref_slice %arg9[%dma_wait3A_294, %dma_wait3A_295, %dma_wait3A_296] : memref<2x128x128xf32, #tpu.memory_space<vmem>> -> memref<1x128x128xf32, #tpu.memory_space<vmem>>
      %dma_wait3A_298 = tpu.memref_squeeze %dma_wait3A_297 : memref<1x128x128xf32, #tpu.memory_space<vmem>> -> memref<128x128xf32, #tpu.memory_space<vmem>>
      %dma_wait3A_299 = arith.constant 0 : i32
      %dma_wait3A_300 = tpu.memref_slice %arg7[%dma_wait3A_292, %dma_wait3A_293, %dma_wait3A_299] : memref<2x8x128xi32, #tpu.memory_space<vmem>> -> memref<1x1x128xi32, #tpu.memory_space<vmem>>
      %dma_wait3A_301 = tpu.memref_squeeze %dma_wait3A_300 : memref<1x1x128xi32, #tpu.memory_space<vmem>> -> memref<128xi32, #tpu.memory_space<vmem>>
      %dma_wait3A_302 = arith.constant 0 : i32
      %dma_wait3A_303 = arith.constant 0 : i32
      %dma_wait3A_304 = tpu.memref_slice %arg2[%dma_wait3A_302, %dma_wait3A_303] : memref<10000x128xf32, #tpu.memory_space<hbm>> -> memref<10000x128xf32, #tpu.memory_space<hbm>>
      tpu.wait_indirect_dma semaphore(%arg12 : memref<!tpu.dma_semaphore, #tpu.memory_space<semaphore_mem>>) src(%dma_wait3A_304 : memref<10000x128xf32, #tpu.memory_space<hbm>>) dst(%dma_wait3A_298 : memref<128x128xf32, #tpu.memory_space<vmem>>)
      %dma_start3A_305 = arith.constant 1 : i32
      %dma_start3A_306 = arith.constant 0 : i32
      %dma_start3A_307 = arith.constant 3 : i32
      %dma_start3A_308 = arith.constant 0 : i32
      %dma_start3A_309 = arith.constant 0 : i32
      %dma_start3A_310 = tpu.memref_slice %arg9[%dma_start3A_305, %dma_start3A_308, %dma_start3A_309] : memref<2x128x128xf32, #tpu.memory_space<vmem>> -> memref<1x128x128xf32, #tpu.memory_space<vmem>>
      %dma_start3A_311 = tpu.memref_squeeze %dma_start3A_310 : memref<1x128x128xf32, #tpu.memory_space<vmem>> -> memref<128x128xf32, #tpu.memory_space<vmem>>
      %dma_start3A_312 = arith.constant 0 : i32
      %dma_start3A_313 = tpu.memref_slice %arg8[%dma_start3A_306, %dma_start3A_307, %dma_start3A_312] : memref<2x8x128xi32, #tpu.memory_space<vmem>> -> memref<1x1x128xi32, #tpu.memory_space<vmem>>
      %dma_start3A_314 = tpu.memref_squeeze %dma_start3A_313 : memref<1x1x128xi32, #tpu.memory_space<vmem>> -> memref<128xi32, #tpu.memory_space<vmem>>
      %dma_start3A_315 = arith.constant 0 : i32
      %dma_start3A_316 = arith.constant 0 : i32
      %dma_start3A_317 = tpu.memref_slice %arg10[%dma_start3A_315, %dma_start3A_316] : memref<10112x128xf32, #tpu.memory_space<vmem_shared>> -> memref<10112x128xf32, #tpu.memory_space<vmem_shared>>
      tpu.enqueue_indirect_dma source(%dma_start3A_311 : memref<128x128xf32, #tpu.memory_space<vmem>>) target(%dma_start3A_317 : memref<10112x128xf32, #tpu.memory_space<vmem_shared>>) offsets(%dma_start3A_314 : memref<128xi32, #tpu.memory_space<vmem>>) semaphore(%arg14 : memref<!tpu.dma_semaphore, #tpu.memory_space<semaphore_mem>>) {add = true}
      %dma_wait3A_318 = arith.constant 1 : i32
      %dma_wait3A_319 = arith.constant 0 : i32
      %dma_wait3A_320 = arith.constant 3 : i32
      %dma_wait3A_321 = arith.constant 0 : i32
      %dma_wait3A_322 = arith.constant 0 : i32
      %dma_wait3A_323 = tpu.memref_slice %arg9[%dma_wait3A_318, %dma_wait3A_321, %dma_wait3A_322] : memref<2x128x128xf32, #tpu.memory_space<vmem>> -> memref<1x128x128xf32, #tpu.memory_space<vmem>>
      %dma_wait3A_324 = tpu.memref_squeeze %dma_wait3A_323 : memref<1x128x128xf32, #tpu.memory_space<vmem>> -> memref<128x128xf32, #tpu.memory_space<vmem>>
      %dma_wait3A_325 = arith.constant 0 : i32
      %dma_wait3A_326 = tpu.memref_slice %arg8[%dma_wait3A_319, %dma_wait3A_320, %dma_wait3A_325] : memref<2x8x128xi32, #tpu.memory_space<vmem>> -> memref<1x1x128xi32, #tpu.memory_space<vmem>>
      %dma_wait3A_327 = tpu.memref_squeeze %dma_wait3A_326 : memref<1x1x128xi32, #tpu.memory_space<vmem>> -> memref<128xi32, #tpu.memory_space<vmem>>
      %dma_wait3A_328 = arith.constant 0 : i32
      %dma_wait3A_329 = arith.constant 0 : i32
      %dma_wait3A_330 = tpu.memref_slice %arg10[%dma_wait3A_328, %dma_wait3A_329] : memref<10112x128xf32, #tpu.memory_space<vmem_shared>> -> memref<10112x128xf32, #tpu.memory_space<vmem_shared>>
      tpu.wait_indirect_dma semaphore(%arg14 : memref<!tpu.dma_semaphore, #tpu.memory_space<semaphore_mem>>) src(%dma_wait3A_324 : memref<128x128xf32, #tpu.memory_space<vmem>>) dst(%dma_wait3A_330 : memref<10112x128xf32, #tpu.memory_space<vmem_shared>>)
      %dma_start3A_331 = arith.constant 0 : i32
      %dma_start3A_332 = arith.constant 5 : i32
      %dma_start3A_333 = arith.constant 1 : i32
      %dma_start3A_334 = arith.constant 0 : i32
      %dma_start3A_335 = arith.constant 0 : i32
      %dma_start3A_336 = tpu.memref_slice %arg9[%dma_start3A_333, %dma_start3A_334, %dma_start3A_335] : memref<2x128x128xf32, #tpu.memory_space<vmem>> -> memref<1x128x128xf32, #tpu.memory_space<vmem>>
      %dma_start3A_337 = tpu.memref_squeeze %dma_start3A_336 : memref<1x128x128xf32, #tpu.memory_space<vmem>> -> memref<128x128xf32, #tpu.memory_space<vmem>>
      %dma_start3A_338 = arith.constant 0 : i32
      %dma_start3A_339 = tpu.memref_slice %arg7[%dma_start3A_331, %dma_start3A_332, %dma_start3A_338] : memref<2x8x128xi32, #tpu.memory_space<vmem>> -> memref<1x1x128xi32, #tpu.memory_space<vmem>>
      %dma_start3A_340 = tpu.memref_squeeze %dma_start3A_339 : memref<1x1x128xi32, #tpu.memory_space<vmem>> -> memref<128xi32, #tpu.memory_space<vmem>>
      %dma_start3A_341 = arith.constant 0 : i32
      %dma_start3A_342 = arith.constant 0 : i32
      %dma_start3A_343 = tpu.memref_slice %arg2[%dma_start3A_341, %dma_start3A_342] : memref<10000x128xf32, #tpu.memory_space<hbm>> -> memref<10000x128xf32, #tpu.memory_space<hbm>>
      tpu.enqueue_indirect_dma source(%dma_start3A_343 : memref<10000x128xf32, #tpu.memory_space<hbm>>) target(%dma_start3A_337 : memref<128x128xf32, #tpu.memory_space<vmem>>) offsets(%dma_start3A_340 : memref<128xi32, #tpu.memory_space<vmem>>) semaphore(%arg12 : memref<!tpu.dma_semaphore, #tpu.memory_space<semaphore_mem>>)
      %dma_wait3A_344 = arith.constant 0 : i32
      %dma_wait3A_345 = arith.constant 4 : i32
      %dma_wait3A_346 = arith.constant 0 : i32
      %dma_wait3A_347 = arith.constant 0 : i32
      %dma_wait3A_348 = arith.constant 0 : i32
      %dma_wait3A_349 = tpu.memref_slice %arg9[%dma_wait3A_346, %dma_wait3A_347, %dma_wait3A_348] : memref<2x128x128xf32, #tpu.memory_space<vmem>> -> memref<1x128x128xf32, #tpu.memory_space<vmem>>
      %dma_wait3A_350 = tpu.memref_squeeze %dma_wait3A_349 : memref<1x128x128xf32, #tpu.memory_space<vmem>> -> memref<128x128xf32, #tpu.memory_space<vmem>>
      %dma_wait3A_351 = arith.constant 0 : i32
      %dma_wait3A_352 = tpu.memref_slice %arg7[%dma_wait3A_344, %dma_wait3A_345, %dma_wait3A_351] : memref<2x8x128xi32, #tpu.memory_space<vmem>> -> memref<1x1x128xi32, #tpu.memory_space<vmem>>
      %dma_wait3A_353 = tpu.memref_squeeze %dma_wait3A_352 : memref<1x1x128xi32, #tpu.memory_space<vmem>> -> memref<128xi32, #tpu.memory_space<vmem>>
      %dma_wait3A_354 = arith.constant 0 : i32
      %dma_wait3A_355 = arith.constant 0 : i32
      %dma_wait3A_356 = tpu.memref_slice %arg2[%dma_wait3A_354, %dma_wait3A_355] : memref<10000x128xf32, #tpu.memory_space<hbm>> -> memref<10000x128xf32, #tpu.memory_space<hbm>>
      tpu.wait_indirect_dma semaphore(%arg11 : memref<!tpu.dma_semaphore, #tpu.memory_space<semaphore_mem>>) src(%dma_wait3A_356 : memref<10000x128xf32, #tpu.memory_space<hbm>>) dst(%dma_wait3A_350 : memref<128x128xf32, #tpu.memory_space<vmem>>)
      %dma_start3A_357 = arith.constant 0 : i32
      %dma_start3A_358 = arith.constant 0 : i32
      %dma_start3A_359 = arith.constant 4 : i32
      %dma_start3A_360 = arith.constant 0 : i32
      %dma_start3A_361 = arith.constant 0 : i32
      %dma_start3A_362 = tpu.memref_slice %arg9[%dma_start3A_357, %dma_start3A_360, %dma_start3A_361] : memref<2x128x128xf32, #tpu.memory_space<vmem>> -> memref<1x128x128xf32, #tpu.memory_space<vmem>>
      %dma_start3A_363 = tpu.memref_squeeze %dma_start3A_362 : memref<1x128x128xf32, #tpu.memory_space<vmem>> -> memref<128x128xf32, #tpu.memory_space<vmem>>
      %dma_start3A_364 = arith.constant 0 : i32
      %dma_start3A_365 = tpu.memref_slice %arg8[%dma_start3A_358, %dma_start3A_359, %dma_start3A_364] : memref<2x8x128xi32, #tpu.memory_space<vmem>> -> memref<1x1x128xi32, #tpu.memory_space<vmem>>
      %dma_start3A_366 = tpu.memref_squeeze %dma_start3A_365 : memref<1x1x128xi32, #tpu.memory_space<vmem>> -> memref<128xi32, #tpu.memory_space<vmem>>
      %dma_start3A_367 = arith.constant 0 : i32
      %dma_start3A_368 = arith.constant 0 : i32
      %dma_start3A_369 = tpu.memref_slice %arg10[%dma_start3A_367, %dma_start3A_368] : memref<10112x128xf32, #tpu.memory_space<vmem_shared>> -> memref<10112x128xf32, #tpu.memory_space<vmem_shared>>
      tpu.enqueue_indirect_dma source(%dma_start3A_363 : memref<128x128xf32, #tpu.memory_space<vmem>>) target(%dma_start3A_369 : memref<10112x128xf32, #tpu.memory_space<vmem_shared>>) offsets(%dma_start3A_366 : memref<128xi32, #tpu.memory_space<vmem>>) semaphore(%arg13 : memref<!tpu.dma_semaphore, #tpu.memory_space<semaphore_mem>>) {add = true}
      %dma_wait3A_370 = arith.constant 0 : i32
      %dma_wait3A_371 = arith.constant 0 : i32
      %dma_wait3A_372 = arith.constant 4 : i32
      %dma_wait3A_373 = arith.constant 0 : i32
      %dma_wait3A_374 = arith.constant 0 : i32
      %dma_wait3A_375 = tpu.memref_slice %arg9[%dma_wait3A_370, %dma_wait3A_373, %dma_wait3A_374] : memref<2x128x128xf32, #tpu.memory_space<vmem>> -> memref<1x128x128xf32, #tpu.memory_space<vmem>>
      %dma_wait3A_376 = tpu.memref_squeeze %dma_wait3A_375 : memref<1x128x128xf32, #tpu.memory_space<vmem>> -> memref<128x128xf32, #tpu.memory_space<vmem>>
      %dma_wait3A_377 = arith.constant 0 : i32
      %dma_wait3A_378 = tpu.memref_slice %arg8[%dma_wait3A_371, %dma_wait3A_372, %dma_wait3A_377] : memref<2x8x128xi32, #tpu.memory_space<vmem>> -> memref<1x1x128xi32, #tpu.memory_space<vmem>>
      %dma_wait3A_379 = tpu.memref_squeeze %dma_wait3A_378 : memref<1x1x128xi32, #tpu.memory_space<vmem>> -> memref<128xi32, #tpu.memory_space<vmem>>
      %dma_wait3A_380 = arith.constant 0 : i32
      %dma_wait3A_381 = arith.constant 0 : i32
      %dma_wait3A_382 = tpu.memref_slice %arg10[%dma_wait3A_380, %dma_wait3A_381] : memref<10112x128xf32, #tpu.memory_space<vmem_shared>> -> memref<10112x128xf32, #tpu.memory_space<vmem_shared>>
      tpu.wait_indirect_dma semaphore(%arg13 : memref<!tpu.dma_semaphore, #tpu.memory_space<semaphore_mem>>) src(%dma_wait3A_376 : memref<128x128xf32, #tpu.memory_space<vmem>>) dst(%dma_wait3A_382 : memref<10112x128xf32, #tpu.memory_space<vmem_shared>>)
      %dma_start3A_383 = arith.constant 0 : i32
      %dma_start3A_384 = arith.constant 6 : i32
      %dma_start3A_385 = arith.constant 0 : i32
      %dma_start3A_386 = arith.constant 0 : i32
      %dma_start3A_387 = arith.constant 0 : i32
      %dma_start3A_388 = tpu.memref_slice %arg9[%dma_start3A_385, %dma_start3A_386, %dma_start3A_387] : memref<2x128x128xf32, #tpu.memory_space<vmem>> -> memref<1x128x128xf32, #tpu.memory_space<vmem>>
      %dma_start3A_389 = tpu.memref_squeeze %dma_start3A_388 : memref<1x128x128xf32, #tpu.memory_space<vmem>> -> memref<128x128xf32, #tpu.memory_space<vmem>>
      %dma_start3A_390 = arith.constant 0 : i32
      %dma_start3A_391 = tpu.memref_slice %arg7[%dma_start3A_383, %dma_start3A_384, %dma_start3A_390] : memref<2x8x128xi32, #tpu.memory_space<vmem>> -> memref<1x1x128xi32, #tpu.memory_space<vmem>>
      %dma_start3A_392 = tpu.memref_squeeze %dma_start3A_391 : memref<1x1x128xi32, #tpu.memory_space<vmem>> -> memref<128xi32, #tpu.memory_space<vmem>>
      %dma_start3A_393 = arith.constant 0 : i32
      %dma_start3A_394 = arith.constant 0 : i32
      %dma_start3A_395 = tpu.memref_slice %arg2[%dma_start3A_393, %dma_start3A_394] : memref<10000x128xf32, #tpu.memory_space<hbm>> -> memref<10000x128xf32, #tpu.memory_space<hbm>>
      tpu.enqueue_indirect_dma source(%dma_start3A_395 : memref<10000x128xf32, #tpu.memory_space<hbm>>) target(%dma_start3A_389 : memref<128x128xf32, #tpu.memory_space<vmem>>) offsets(%dma_start3A_392 : memref<128xi32, #tpu.memory_space<vmem>>) semaphore(%arg11 : memref<!tpu.dma_semaphore, #tpu.memory_space<semaphore_mem>>)
      %dma_wait3A_396 = arith.constant 0 : i32
      %dma_wait3A_397 = arith.constant 5 : i32
      %dma_wait3A_398 = arith.constant 1 : i32
      %dma_wait3A_399 = arith.constant 0 : i32
      %dma_wait3A_400 = arith.constant 0 : i32
      %dma_wait3A_401 = tpu.memref_slice %arg9[%dma_wait3A_398, %dma_wait3A_399, %dma_wait3A_400] : memref<2x128x128xf32, #tpu.memory_space<vmem>> -> memref<1x128x128xf32, #tpu.memory_space<vmem>>
      %dma_wait3A_402 = tpu.memref_squeeze %dma_wait3A_401 : memref<1x128x128xf32, #tpu.memory_space<vmem>> -> memref<128x128xf32, #tpu.memory_space<vmem>>
      %dma_wait3A_403 = arith.constant 0 : i32
      %dma_wait3A_404 = tpu.memref_slice %arg7[%dma_wait3A_396, %dma_wait3A_397, %dma_wait3A_403] : memref<2x8x128xi32, #tpu.memory_space<vmem>> -> memref<1x1x128xi32, #tpu.memory_space<vmem>>
      %dma_wait3A_405 = tpu.memref_squeeze %dma_wait3A_404 : memref<1x1x128xi32, #tpu.memory_space<vmem>> -> memref<128xi32, #tpu.memory_space<vmem>>
      %dma_wait3A_406 = arith.constant 0 : i32
      %dma_wait3A_407 = arith.constant 0 : i32
      %dma_wait3A_408 = tpu.memref_slice %arg2[%dma_wait3A_406, %dma_wait3A_407] : memref<10000x128xf32, #tpu.memory_space<hbm>> -> memref<10000x128xf32, #tpu.memory_space<hbm>>
      tpu.wait_indirect_dma semaphore(%arg12 : memref<!tpu.dma_semaphore, #tpu.memory_space<semaphore_mem>>) src(%dma_wait3A_408 : memref<10000x128xf32, #tpu.memory_space<hbm>>) dst(%dma_wait3A_402 : memref<128x128xf32, #tpu.memory_space<vmem>>)
      %dma_start3A_409 = arith.constant 1 : i32
      %dma_start3A_410 = arith.constant 0 : i32
      %dma_start3A_411 = arith.constant 5 : i32
      %dma_start3A_412 = arith.constant 0 : i32
      %dma_start3A_413 = arith.constant 0 : i32
      %dma_start3A_414 = tpu.memref_slice %arg9[%dma_start3A_409, %dma_start3A_412, %dma_start3A_413] : memref<2x128x128xf32, #tpu.memory_space<vmem>> -> memref<1x128x128xf32, #tpu.memory_space<vmem>>
      %dma_start3A_415 = tpu.memref_squeeze %dma_start3A_414 : memref<1x128x128xf32, #tpu.memory_space<vmem>> -> memref<128x128xf32, #tpu.memory_space<vmem>>
      %dma_start3A_416 = arith.constant 0 : i32
      %dma_start3A_417 = tpu.memref_slice %arg8[%dma_start3A_410, %dma_start3A_411, %dma_start3A_416] : memref<2x8x128xi32, #tpu.memory_space<vmem>> -> memref<1x1x128xi32, #tpu.memory_space<vmem>>
      %dma_start3A_418 = tpu.memref_squeeze %dma_start3A_417 : memref<1x1x128xi32, #tpu.memory_space<vmem>> -> memref<128xi32, #tpu.memory_space<vmem>>
      %dma_start3A_419 = arith.constant 0 : i32
      %dma_start3A_420 = arith.constant 0 : i32
      %dma_start3A_421 = tpu.memref_slice %arg10[%dma_start3A_419, %dma_start3A_420] : memref<10112x128xf32, #tpu.memory_space<vmem_shared>> -> memref<10112x128xf32, #tpu.memory_space<vmem_shared>>
      tpu.enqueue_indirect_dma source(%dma_start3A_415 : memref<128x128xf32, #tpu.memory_space<vmem>>) target(%dma_start3A_421 : memref<10112x128xf32, #tpu.memory_space<vmem_shared>>) offsets(%dma_start3A_418 : memref<128xi32, #tpu.memory_space<vmem>>) semaphore(%arg14 : memref<!tpu.dma_semaphore, #tpu.memory_space<semaphore_mem>>) {add = true}
      %dma_wait3A_422 = arith.constant 1 : i32
      %dma_wait3A_423 = arith.constant 0 : i32
      %dma_wait3A_424 = arith.constant 5 : i32
      %dma_wait3A_425 = arith.constant 0 : i32
      %dma_wait3A_426 = arith.constant 0 : i32
      %dma_wait3A_427 = tpu.memref_slice %arg9[%dma_wait3A_422, %dma_wait3A_425, %dma_wait3A_426] : memref<2x128x128xf32, #tpu.memory_space<vmem>> -> memref<1x128x128xf32, #tpu.memory_space<vmem>>
      %dma_wait3A_428 = tpu.memref_squeeze %dma_wait3A_427 : memref<1x128x128xf32, #tpu.memory_space<vmem>> -> memref<128x128xf32, #tpu.memory_space<vmem>>
      %dma_wait3A_429 = arith.constant 0 : i32
      %dma_wait3A_430 = tpu.memref_slice %arg8[%dma_wait3A_423, %dma_wait3A_424, %dma_wait3A_429] : memref<2x8x128xi32, #tpu.memory_space<vmem>> -> memref<1x1x128xi32, #tpu.memory_space<vmem>>
      %dma_wait3A_431 = tpu.memref_squeeze %dma_wait3A_430 : memref<1x1x128xi32, #tpu.memory_space<vmem>> -> memref<128xi32, #tpu.memory_space<vmem>>
      %dma_wait3A_432 = arith.constant 0 : i32
      %dma_wait3A_433 = arith.constant 0 : i32
      %dma_wait3A_434 = tpu.memref_slice %arg10[%dma_wait3A_432, %dma_wait3A_433] : memref<10112x128xf32, #tpu.memory_space<vmem_shared>> -> memref<10112x128xf32, #tpu.memory_space<vmem_shared>>
      tpu.wait_indirect_dma semaphore(%arg14 : memref<!tpu.dma_semaphore, #tpu.memory_space<semaphore_mem>>) src(%dma_wait3A_428 : memref<128x128xf32, #tpu.memory_space<vmem>>) dst(%dma_wait3A_434 : memref<10112x128xf32, #tpu.memory_space<vmem_shared>>)
      %dma_start3A_435 = arith.constant 0 : i32
      %dma_start3A_436 = arith.constant 7 : i32
      %dma_start3A_437 = arith.constant 1 : i32
      %dma_start3A_438 = arith.constant 0 : i32
      %dma_start3A_439 = arith.constant 0 : i32
      %dma_start3A_440 = tpu.memref_slice %arg9[%dma_start3A_437, %dma_start3A_438, %dma_start3A_439] : memref<2x128x128xf32, #tpu.memory_space<vmem>> -> memref<1x128x128xf32, #tpu.memory_space<vmem>>
      %dma_start3A_441 = tpu.memref_squeeze %dma_start3A_440 : memref<1x128x128xf32, #tpu.memory_space<vmem>> -> memref<128x128xf32, #tpu.memory_space<vmem>>
      %dma_start3A_442 = arith.constant 0 : i32
      %dma_start3A_443 = tpu.memref_slice %arg7[%dma_start3A_435, %dma_start3A_436, %dma_start3A_442] : memref<2x8x128xi32, #tpu.memory_space<vmem>> -> memref<1x1x128xi32, #tpu.memory_space<vmem>>
      %dma_start3A_444 = tpu.memref_squeeze %dma_start3A_443 : memref<1x1x128xi32, #tpu.memory_space<vmem>> -> memref<128xi32, #tpu.memory_space<vmem>>
      %dma_start3A_445 = arith.constant 0 : i32
      %dma_start3A_446 = arith.constant 0 : i32
      %dma_start3A_447 = tpu.memref_slice %arg2[%dma_start3A_445, %dma_start3A_446] : memref<10000x128xf32, #tpu.memory_space<hbm>> -> memref<10000x128xf32, #tpu.memory_space<hbm>>
      tpu.enqueue_indirect_dma source(%dma_start3A_447 : memref<10000x128xf32, #tpu.memory_space<hbm>>) target(%dma_start3A_441 : memref<128x128xf32, #tpu.memory_space<vmem>>) offsets(%dma_start3A_444 : memref<128xi32, #tpu.memory_space<vmem>>) semaphore(%arg12 : memref<!tpu.dma_semaphore, #tpu.memory_space<semaphore_mem>>)
      %dma_wait3A_448 = arith.constant 0 : i32
      %dma_wait3A_449 = arith.constant 6 : i32
      %dma_wait3A_450 = arith.constant 0 : i32
      %dma_wait3A_451 = arith.constant 0 : i32
      %dma_wait3A_452 = arith.constant 0 : i32
      %dma_wait3A_453 = tpu.memref_slice %arg9[%dma_wait3A_450, %dma_wait3A_451, %dma_wait3A_452] : memref<2x128x128xf32, #tpu.memory_space<vmem>> -> memref<1x128x128xf32, #tpu.memory_space<vmem>>
      %dma_wait3A_454 = tpu.memref_squeeze %dma_wait3A_453 : memref<1x128x128xf32, #tpu.memory_space<vmem>> -> memref<128x128xf32, #tpu.memory_space<vmem>>
      %dma_wait3A_455 = arith.constant 0 : i32
      %dma_wait3A_456 = tpu.memref_slice %arg7[%dma_wait3A_448, %dma_wait3A_449, %dma_wait3A_455] : memref<2x8x128xi32, #tpu.memory_space<vmem>> -> memref<1x1x128xi32, #tpu.memory_space<vmem>>
      %dma_wait3A_457 = tpu.memref_squeeze %dma_wait3A_456 : memref<1x1x128xi32, #tpu.memory_space<vmem>> -> memref<128xi32, #tpu.memory_space<vmem>>
      %dma_wait3A_458 = arith.constant 0 : i32
      %dma_wait3A_459 = arith.constant 0 : i32
      %dma_wait3A_460 = tpu.memref_slice %arg2[%dma_wait3A_458, %dma_wait3A_459] : memref<10000x128xf32, #tpu.memory_space<hbm>> -> memref<10000x128xf32, #tpu.memory_space<hbm>>
      tpu.wait_indirect_dma semaphore(%arg11 : memref<!tpu.dma_semaphore, #tpu.memory_space<semaphore_mem>>) src(%dma_wait3A_460 : memref<10000x128xf32, #tpu.memory_space<hbm>>) dst(%dma_wait3A_454 : memref<128x128xf32, #tpu.memory_space<vmem>>)
      %dma_start3A_461 = arith.constant 0 : i32
      %dma_start3A_462 = arith.constant 0 : i32
      %dma_start3A_463 = arith.constant 6 : i32
      %dma_start3A_464 = arith.constant 0 : i32
      %dma_start3A_465 = arith.constant 0 : i32
      %dma_start3A_466 = tpu.memref_slice %arg9[%dma_start3A_461, %dma_start3A_464, %dma_start3A_465] : memref<2x128x128xf32, #tpu.memory_space<vmem>> -> memref<1x128x128xf32, #tpu.memory_space<vmem>>
      %dma_start3A_467 = tpu.memref_squeeze %dma_start3A_466 : memref<1x128x128xf32, #tpu.memory_space<vmem>> -> memref<128x128xf32, #tpu.memory_space<vmem>>
      %dma_start3A_468 = arith.constant 0 : i32
      %dma_start3A_469 = tpu.memref_slice %arg8[%dma_start3A_462, %dma_start3A_463, %dma_start3A_468] : memref<2x8x128xi32, #tpu.memory_space<vmem>> -> memref<1x1x128xi32, #tpu.memory_space<vmem>>
      %dma_start3A_470 = tpu.memref_squeeze %dma_start3A_469 : memref<1x1x128xi32, #tpu.memory_space<vmem>> -> memref<128xi32, #tpu.memory_space<vmem>>
      %dma_start3A_471 = arith.constant 0 : i32
      %dma_start3A_472 = arith.constant 0 : i32
      %dma_start3A_473 = tpu.memref_slice %arg10[%dma_start3A_471, %dma_start3A_472] : memref<10112x128xf32, #tpu.memory_space<vmem_shared>> -> memref<10112x128xf32, #tpu.memory_space<vmem_shared>>
      tpu.enqueue_indirect_dma source(%dma_start3A_467 : memref<128x128xf32, #tpu.memory_space<vmem>>) target(%dma_start3A_473 : memref<10112x128xf32, #tpu.memory_space<vmem_shared>>) offsets(%dma_start3A_470 : memref<128xi32, #tpu.memory_space<vmem>>) semaphore(%arg13 : memref<!tpu.dma_semaphore, #tpu.memory_space<semaphore_mem>>) {add = true}
      %mul3A_474 = arith.constant 2 : i32
      %mul3A_475 = arith.muli %mul3A_474, %scan3A_83 : i32
      %add3A_476 = arith.constant 1 : i32
      %add3A_477 = arith.addi %mul3A_475, %add3A_476 : i32
      %gt3A_478 = arith.constant 0 : i32
      %gt3A_479 = arith.cmpi sgt, %add3A_477, %gt3A_478 : i32
      %convert_element_type3A_480 = arith.extui %gt3A_479 : i1 to i32
      %cond3A_481 = arith.constant 0 : i32
      %cond3A_482 = arith.cmpi ne, %convert_element_type3A_480, %cond3A_481 : i32
      scf.if %cond3A_482 {
        %dma_wait3A_868 = arith.constant 0 : i32
        %dma_wait3A_869 = arith.constant 0 : i32
        %dma_wait3A_870 = arith.constant 6 : i32
        %dma_wait3A_871 = arith.constant 0 : i32
        %dma_wait3A_872 = arith.constant 0 : i32
        %dma_wait3A_873 = tpu.memref_slice %arg9[%dma_wait3A_868, %dma_wait3A_871, %dma_wait3A_872] : memref<2x128x128xf32, #tpu.memory_space<vmem>> -> memref<1x128x128xf32, #tpu.memory_space<vmem>>
        %dma_wait3A_874 = tpu.memref_squeeze %dma_wait3A_873 : memref<1x128x128xf32, #tpu.memory_space<vmem>> -> memref<128x128xf32, #tpu.memory_space<vmem>>
        %dma_wait3A_875 = arith.constant 0 : i32
        %dma_wait3A_876 = tpu.memref_slice %arg8[%dma_wait3A_869, %dma_wait3A_870, %dma_wait3A_875] : memref<2x8x128xi32, #tpu.memory_space<vmem>> -> memref<1x1x128xi32, #tpu.memory_space<vmem>>
        %dma_wait3A_877 = tpu.memref_squeeze %dma_wait3A_876 : memref<1x1x128xi32, #tpu.memory_space<vmem>> -> memref<128xi32, #tpu.memory_space<vmem>>
        %dma_wait3A_878 = arith.constant 0 : i32
        %dma_wait3A_879 = arith.constant 0 : i32
        %dma_wait3A_880 = tpu.memref_slice %arg10[%dma_wait3A_878, %dma_wait3A_879] : memref<10112x128xf32, #tpu.memory_space<vmem_shared>> -> memref<10112x128xf32, #tpu.memory_space<vmem_shared>>
        tpu.wait_indirect_dma semaphore(%arg13 : memref<!tpu.dma_semaphore, #tpu.memory_space<semaphore_mem>>) src(%dma_wait3A_874 : memref<128x128xf32, #tpu.memory_space<vmem>>) dst(%dma_wait3A_880 : memref<10112x128xf32, #tpu.memory_space<vmem_shared>>)
      } else {
      }
      %gt3A_483 = arith.constant 0 : i32
      %gt3A_484 = arith.cmpi sgt, %add3A_477, %gt3A_483 : i32
      %convert_element_type3A_485 = arith.extui %gt3A_484 : i1 to i32
      %cond3A_486 = arith.constant 0 : i32
      %cond3A_487 = arith.cmpi ne, %convert_element_type3A_485, %cond3A_486 : i32
      scf.if %cond3A_487 {
        %dma_wait3A_868 = arith.constant 1 : i32
        %dma_wait3A_869 = arith.constant 0 : i32
        %dma_wait3A_870 = arith.constant 0 : i32
        %dma_wait3A_871 = tpu.memref_slice %arg7[%dma_wait3A_868, %dma_wait3A_869, %dma_wait3A_870] : memref<2x8x128xi32, #tpu.memory_space<vmem>> -> memref<1x8x128xi32, #tpu.memory_space<vmem>>
        %dma_wait3A_872 = tpu.memref_squeeze %dma_wait3A_871 : memref<1x8x128xi32, #tpu.memory_space<vmem>> -> memref<8x128xi32, #tpu.memory_space<vmem>>
        %dma_wait3A_873 = arith.constant 0 : i32
        %dma_wait3A_874 = arith.constant 0 : i32
        %dma_wait3A_875 = tpu.memref_slice %arg3[%add3A, %add3A_477, %dma_wait3A_873, %dma_wait3A_874] : memref<32x10x8x128xi32, #tpu.memory_space<hbm>> -> memref<1x1x8x128xi32, #tpu.memory_space<hbm>>
        %dma_wait3A_876 = tpu.memref_squeeze %dma_wait3A_875 : memref<1x1x8x128xi32, #tpu.memory_space<hbm>> -> memref<8x128xi32, #tpu.memory_space<hbm>>
        %dma_wait3A_877 = arith.constant 0 : i32
        %dma_wait3A_878 = arith.constant 0 : i32
        %dma_wait3A_879 = tpu.memref_slice %arg7[%dma_wait3A_868, %dma_wait3A_877, %dma_wait3A_878] : memref<2x8x128xi32, #tpu.memory_space<vmem>> -> memref<1x8x128xi32, #tpu.memory_space<vmem>>
        %dma_wait3A_880 = tpu.memref_squeeze %dma_wait3A_879 : memref<1x8x128xi32, #tpu.memory_space<vmem>> -> memref<8x128xi32, #tpu.memory_space<vmem>>
        %dma_wait3A_881 = arith.constant 0 : i32
        %dma_wait3A_882 = arith.constant 0 : i32
        %dma_wait3A_883 = tpu.memref_slice %arg3[%add3A, %add3A_477, %dma_wait3A_881, %dma_wait3A_882] : memref<32x10x8x128xi32, #tpu.memory_space<hbm>> -> memref<1x1x8x128xi32, #tpu.memory_space<hbm>>
        %dma_wait3A_884 = tpu.memref_squeeze %dma_wait3A_883 : memref<1x1x8x128xi32, #tpu.memory_space<hbm>> -> memref<8x128xi32, #tpu.memory_space<hbm>>
        tpu.wait_dma2 semaphore(%arg16 : memref<!tpu.dma_semaphore, #tpu.memory_space<semaphore_mem>>) src(%dma_wait3A_884 : memref<8x128xi32, #tpu.memory_space<hbm>>) dst(%dma_wait3A_880 : memref<8x128xi32, #tpu.memory_space<vmem>>)
        %dma_wait3A_885 = arith.constant 1 : i32
        %dma_wait3A_886 = arith.constant 0 : i32
        %dma_wait3A_887 = arith.constant 0 : i32
        %dma_wait3A_888 = tpu.memref_slice %arg8[%dma_wait3A_885, %dma_wait3A_886, %dma_wait3A_887] : memref<2x8x128xi32, #tpu.memory_space<vmem>> -> memref<1x8x128xi32, #tpu.memory_space<vmem>>
        %dma_wait3A_889 = tpu.memref_squeeze %dma_wait3A_888 : memref<1x8x128xi32, #tpu.memory_space<vmem>> -> memref<8x128xi32, #tpu.memory_space<vmem>>
        %dma_wait3A_890 = arith.constant 0 : i32
        %dma_wait3A_891 = arith.constant 0 : i32
        %dma_wait3A_892 = tpu.memref_slice %arg4[%add3A, %add3A_477, %dma_wait3A_890, %dma_wait3A_891] : memref<32x10x8x128xi32, #tpu.memory_space<hbm>> -> memref<1x1x8x128xi32, #tpu.memory_space<hbm>>
        %dma_wait3A_893 = tpu.memref_squeeze %dma_wait3A_892 : memref<1x1x8x128xi32, #tpu.memory_space<hbm>> -> memref<8x128xi32, #tpu.memory_space<hbm>>
        %dma_wait3A_894 = arith.constant 0 : i32
        %dma_wait3A_895 = arith.constant 0 : i32
        %dma_wait3A_896 = tpu.memref_slice %arg8[%dma_wait3A_885, %dma_wait3A_894, %dma_wait3A_895] : memref<2x8x128xi32, #tpu.memory_space<vmem>> -> memref<1x8x128xi32, #tpu.memory_space<vmem>>
        %dma_wait3A_897 = tpu.memref_squeeze %dma_wait3A_896 : memref<1x8x128xi32, #tpu.memory_space<vmem>> -> memref<8x128xi32, #tpu.memory_space<vmem>>
        %dma_wait3A_898 = arith.constant 0 : i32
        %dma_wait3A_899 = arith.constant 0 : i32
        %dma_wait3A_900 = tpu.memref_slice %arg4[%add3A, %add3A_477, %dma_wait3A_898, %dma_wait3A_899] : memref<32x10x8x128xi32, #tpu.memory_space<hbm>> -> memref<1x1x8x128xi32, #tpu.memory_space<hbm>>
        %dma_wait3A_901 = tpu.memref_squeeze %dma_wait3A_900 : memref<1x1x8x128xi32, #tpu.memory_space<hbm>> -> memref<8x128xi32, #tpu.memory_space<hbm>>
        tpu.wait_dma2 semaphore(%arg16 : memref<!tpu.dma_semaphore, #tpu.memory_space<semaphore_mem>>) src(%dma_wait3A_901 : memref<8x128xi32, #tpu.memory_space<hbm>>) dst(%dma_wait3A_897 : memref<8x128xi32, #tpu.memory_space<vmem>>)
      } else {
      }
      %dma_start3A_488 = arith.constant 1 : i32
      %dma_start3A_489 = arith.constant 0 : i32
      %dma_start3A_490 = arith.constant 0 : i32
      %dma_start3A_491 = arith.constant 0 : i32
      %dma_start3A_492 = arith.constant 0 : i32
      %dma_start3A_493 = tpu.memref_slice %arg9[%dma_start3A_490, %dma_start3A_491, %dma_start3A_492] : memref<2x128x128xf32, #tpu.memory_space<vmem>> -> memref<1x128x128xf32, #tpu.memory_space<vmem>>
      %dma_start3A_494 = tpu.memref_squeeze %dma_start3A_493 : memref<1x128x128xf32, #tpu.memory_space<vmem>> -> memref<128x128xf32, #tpu.memory_space<vmem>>
      %dma_start3A_495 = arith.constant 0 : i32
      %dma_start3A_496 = tpu.memref_slice %arg7[%dma_start3A_488, %dma_start3A_489, %dma_start3A_495] : memref<2x8x128xi32, #tpu.memory_space<vmem>> -> memref<1x1x128xi32, #tpu.memory_space<vmem>>
      %dma_start3A_497 = tpu.memref_squeeze %dma_start3A_496 : memref<1x1x128xi32, #tpu.memory_space<vmem>> -> memref<128xi32, #tpu.memory_space<vmem>>
      %dma_start3A_498 = arith.constant 0 : i32
      %dma_start3A_499 = arith.constant 0 : i32
      %dma_start3A_500 = tpu.memref_slice %arg2[%dma_start3A_498, %dma_start3A_499] : memref<10000x128xf32, #tpu.memory_space<hbm>> -> memref<10000x128xf32, #tpu.memory_space<hbm>>
      tpu.enqueue_indirect_dma source(%dma_start3A_500 : memref<10000x128xf32, #tpu.memory_space<hbm>>) target(%dma_start3A_494 : memref<128x128xf32, #tpu.memory_space<vmem>>) offsets(%dma_start3A_497 : memref<128xi32, #tpu.memory_space<vmem>>) semaphore(%arg11 : memref<!tpu.dma_semaphore, #tpu.memory_space<semaphore_mem>>)
      %gt3A_501 = arith.constant 0 : i32
      %gt3A_502 = arith.cmpi sgt, %add3A_477, %gt3A_501 : i32
      %convert_element_type3A_503 = arith.extui %gt3A_502 : i1 to i32
      %cond3A_504 = arith.constant 0 : i32
      %cond3A_505 = arith.cmpi ne, %convert_element_type3A_503, %cond3A_504 : i32
      scf.if %cond3A_505 {
        %dma_wait3A_868 = arith.constant 0 : i32
        %dma_wait3A_869 = arith.constant 7 : i32
        %dma_wait3A_870 = arith.constant 1 : i32
        %dma_wait3A_871 = arith.constant 0 : i32
        %dma_wait3A_872 = arith.constant 0 : i32
        %dma_wait3A_873 = tpu.memref_slice %arg9[%dma_wait3A_870, %dma_wait3A_871, %dma_wait3A_872] : memref<2x128x128xf32, #tpu.memory_space<vmem>> -> memref<1x128x128xf32, #tpu.memory_space<vmem>>
        %dma_wait3A_874 = tpu.memref_squeeze %dma_wait3A_873 : memref<1x128x128xf32, #tpu.memory_space<vmem>> -> memref<128x128xf32, #tpu.memory_space<vmem>>
        %dma_wait3A_875 = arith.constant 0 : i32
        %dma_wait3A_876 = tpu.memref_slice %arg7[%dma_wait3A_868, %dma_wait3A_869, %dma_wait3A_875] : memref<2x8x128xi32, #tpu.memory_space<vmem>> -> memref<1x1x128xi32, #tpu.memory_space<vmem>>
        %dma_wait3A_877 = tpu.memref_squeeze %dma_wait3A_876 : memref<1x1x128xi32, #tpu.memory_space<vmem>> -> memref<128xi32, #tpu.memory_space<vmem>>
        %dma_wait3A_878 = arith.constant 0 : i32
        %dma_wait3A_879 = arith.constant 0 : i32
        %dma_wait3A_880 = tpu.memref_slice %arg2[%dma_wait3A_878, %dma_wait3A_879] : memref<10000x128xf32, #tpu.memory_space<hbm>> -> memref<10000x128xf32, #tpu.memory_space<hbm>>
        tpu.wait_indirect_dma semaphore(%arg12 : memref<!tpu.dma_semaphore, #tpu.memory_space<semaphore_mem>>) src(%dma_wait3A_880 : memref<10000x128xf32, #tpu.memory_space<hbm>>) dst(%dma_wait3A_874 : memref<128x128xf32, #tpu.memory_space<vmem>>)
        %dma_start3A_881 = arith.constant 1 : i32
        %dma_start3A_882 = arith.constant 0 : i32
        %dma_start3A_883 = arith.constant 7 : i32
        %dma_start3A_884 = arith.constant 0 : i32
        %dma_start3A_885 = arith.constant 0 : i32
        %dma_start3A_886 = tpu.memref_slice %arg9[%dma_start3A_881, %dma_start3A_884, %dma_start3A_885] : memref<2x128x128xf32, #tpu.memory_space<vmem>> -> memref<1x128x128xf32, #tpu.memory_space<vmem>>
        %dma_start3A_887 = tpu.memref_squeeze %dma_start3A_886 : memref<1x128x128xf32, #tpu.memory_space<vmem>> -> memref<128x128xf32, #tpu.memory_space<vmem>>
        %dma_start3A_888 = arith.constant 0 : i32
        %dma_start3A_889 = tpu.memref_slice %arg8[%dma_start3A_882, %dma_start3A_883, %dma_start3A_888] : memref<2x8x128xi32, #tpu.memory_space<vmem>> -> memref<1x1x128xi32, #tpu.memory_space<vmem>>
        %dma_start3A_890 = tpu.memref_squeeze %dma_start3A_889 : memref<1x1x128xi32, #tpu.memory_space<vmem>> -> memref<128xi32, #tpu.memory_space<vmem>>
        %dma_start3A_891 = arith.constant 0 : i32
        %dma_start3A_892 = arith.constant 0 : i32
        %dma_start3A_893 = tpu.memref_slice %arg10[%dma_start3A_891, %dma_start3A_892] : memref<10112x128xf32, #tpu.memory_space<vmem_shared>> -> memref<10112x128xf32, #tpu.memory_space<vmem_shared>>
        tpu.enqueue_indirect_dma source(%dma_start3A_887 : memref<128x128xf32, #tpu.memory_space<vmem>>) target(%dma_start3A_893 : memref<10112x128xf32, #tpu.memory_space<vmem_shared>>) offsets(%dma_start3A_890 : memref<128xi32, #tpu.memory_space<vmem>>) semaphore(%arg14 : memref<!tpu.dma_semaphore, #tpu.memory_space<semaphore_mem>>) {add = true}
      } else {
      }
      %gt3A_506 = arith.constant 0 : i32
      %gt3A_507 = arith.cmpi sgt, %add3A_477, %gt3A_506 : i32
      %convert_element_type3A_508 = arith.extui %gt3A_507 : i1 to i32
      %cond3A_509 = arith.constant 0 : i32
      %cond3A_510 = arith.cmpi ne, %convert_element_type3A_508, %cond3A_509 : i32
      scf.if %cond3A_510 {
        %dma_wait3A_868 = arith.constant 1 : i32
        %dma_wait3A_869 = arith.constant 0 : i32
        %dma_wait3A_870 = arith.constant 7 : i32
        %dma_wait3A_871 = arith.constant 0 : i32
        %dma_wait3A_872 = arith.constant 0 : i32
        %dma_wait3A_873 = tpu.memref_slice %arg9[%dma_wait3A_868, %dma_wait3A_871, %dma_wait3A_872] : memref<2x128x128xf32, #tpu.memory_space<vmem>> -> memref<1x128x128xf32, #tpu.memory_space<vmem>>
        %dma_wait3A_874 = tpu.memref_squeeze %dma_wait3A_873 : memref<1x128x128xf32, #tpu.memory_space<vmem>> -> memref<128x128xf32, #tpu.memory_space<vmem>>
        %dma_wait3A_875 = arith.constant 0 : i32
        %dma_wait3A_876 = tpu.memref_slice %arg8[%dma_wait3A_869, %dma_wait3A_870, %dma_wait3A_875] : memref<2x8x128xi32, #tpu.memory_space<vmem>> -> memref<1x1x128xi32, #tpu.memory_space<vmem>>
        %dma_wait3A_877 = tpu.memref_squeeze %dma_wait3A_876 : memref<1x1x128xi32, #tpu.memory_space<vmem>> -> memref<128xi32, #tpu.memory_space<vmem>>
        %dma_wait3A_878 = arith.constant 0 : i32
        %dma_wait3A_879 = arith.constant 0 : i32
        %dma_wait3A_880 = tpu.memref_slice %arg10[%dma_wait3A_878, %dma_wait3A_879] : memref<10112x128xf32, #tpu.memory_space<vmem_shared>> -> memref<10112x128xf32, #tpu.memory_space<vmem_shared>>
        tpu.wait_indirect_dma semaphore(%arg14 : memref<!tpu.dma_semaphore, #tpu.memory_space<semaphore_mem>>) src(%dma_wait3A_874 : memref<128x128xf32, #tpu.memory_space<vmem>>) dst(%dma_wait3A_880 : memref<10112x128xf32, #tpu.memory_space<vmem_shared>>)
      } else {
      }
      %dma_start3A_511 = arith.constant 1 : i32
      %dma_start3A_512 = arith.constant 1 : i32
      %dma_start3A_513 = arith.constant 1 : i32
      %dma_start3A_514 = arith.constant 0 : i32
      %dma_start3A_515 = arith.constant 0 : i32
      %dma_start3A_516 = tpu.memref_slice %arg9[%dma_start3A_513, %dma_start3A_514, %dma_start3A_515] : memref<2x128x128xf32, #tpu.memory_space<vmem>> -> memref<1x128x128xf32, #tpu.memory_space<vmem>>
      %dma_start3A_517 = tpu.memref_squeeze %dma_start3A_516 : memref<1x128x128xf32, #tpu.memory_space<vmem>> -> memref<128x128xf32, #tpu.memory_space<vmem>>
      %dma_start3A_518 = arith.constant 0 : i32
      %dma_start3A_519 = tpu.memref_slice %arg7[%dma_start3A_511, %dma_start3A_512, %dma_start3A_518] : memref<2x8x128xi32, #tpu.memory_space<vmem>> -> memref<1x1x128xi32, #tpu.memory_space<vmem>>
      %dma_start3A_520 = tpu.memref_squeeze %dma_start3A_519 : memref<1x1x128xi32, #tpu.memory_space<vmem>> -> memref<128xi32, #tpu.memory_space<vmem>>
      %dma_start3A_521 = arith.constant 0 : i32
      %dma_start3A_522 = arith.constant 0 : i32
      %dma_start3A_523 = tpu.memref_slice %arg2[%dma_start3A_521, %dma_start3A_522] : memref<10000x128xf32, #tpu.memory_space<hbm>> -> memref<10000x128xf32, #tpu.memory_space<hbm>>
      tpu.enqueue_indirect_dma source(%dma_start3A_523 : memref<10000x128xf32, #tpu.memory_space<hbm>>) target(%dma_start3A_517 : memref<128x128xf32, #tpu.memory_space<vmem>>) offsets(%dma_start3A_520 : memref<128xi32, #tpu.memory_space<vmem>>) semaphore(%arg12 : memref<!tpu.dma_semaphore, #tpu.memory_space<semaphore_mem>>)
      %dma_wait3A_524 = arith.constant 1 : i32
      %dma_wait3A_525 = arith.constant 0 : i32
      %dma_wait3A_526 = arith.constant 0 : i32
      %dma_wait3A_527 = arith.constant 0 : i32
      %dma_wait3A_528 = arith.constant 0 : i32
      %dma_wait3A_529 = tpu.memref_slice %arg9[%dma_wait3A_526, %dma_wait3A_527, %dma_wait3A_528] : memref<2x128x128xf32, #tpu.memory_space<vmem>> -> memref<1x128x128xf32, #tpu.memory_space<vmem>>
      %dma_wait3A_530 = tpu.memref_squeeze %dma_wait3A_529 : memref<1x128x128xf32, #tpu.memory_space<vmem>> -> memref<128x128xf32, #tpu.memory_space<vmem>>
      %dma_wait3A_531 = arith.constant 0 : i32
      %dma_wait3A_532 = tpu.memref_slice %arg7[%dma_wait3A_524, %dma_wait3A_525, %dma_wait3A_531] : memref<2x8x128xi32, #tpu.memory_space<vmem>> -> memref<1x1x128xi32, #tpu.memory_space<vmem>>
      %dma_wait3A_533 = tpu.memref_squeeze %dma_wait3A_532 : memref<1x1x128xi32, #tpu.memory_space<vmem>> -> memref<128xi32, #tpu.memory_space<vmem>>
      %dma_wait3A_534 = arith.constant 0 : i32
      %dma_wait3A_535 = arith.constant 0 : i32
      %dma_wait3A_536 = tpu.memref_slice %arg2[%dma_wait3A_534, %dma_wait3A_535] : memref<10000x128xf32, #tpu.memory_space<hbm>> -> memref<10000x128xf32, #tpu.memory_space<hbm>>
      tpu.wait_indirect_dma semaphore(%arg11 : memref<!tpu.dma_semaphore, #tpu.memory_space<semaphore_mem>>) src(%dma_wait3A_536 : memref<10000x128xf32, #tpu.memory_space<hbm>>) dst(%dma_wait3A_530 : memref<128x128xf32, #tpu.memory_space<vmem>>)
      %dma_start3A_537 = arith.constant 0 : i32
      %dma_start3A_538 = arith.constant 1 : i32
      %dma_start3A_539 = arith.constant 0 : i32
      %dma_start3A_540 = arith.constant 0 : i32
      %dma_start3A_541 = arith.constant 0 : i32
      %dma_start3A_542 = tpu.memref_slice %arg9[%dma_start3A_537, %dma_start3A_540, %dma_start3A_541] : memref<2x128x128xf32, #tpu.memory_space<vmem>> -> memref<1x128x128xf32, #tpu.memory_space<vmem>>
      %dma_start3A_543 = tpu.memref_squeeze %dma_start3A_542 : memref<1x128x128xf32, #tpu.memory_space<vmem>> -> memref<128x128xf32, #tpu.memory_space<vmem>>
      %dma_start3A_544 = arith.constant 0 : i32
      %dma_start3A_545 = tpu.memref_slice %arg8[%dma_start3A_538, %dma_start3A_539, %dma_start3A_544] : memref<2x8x128xi32, #tpu.memory_space<vmem>> -> memref<1x1x128xi32, #tpu.memory_space<vmem>>
      %dma_start3A_546 = tpu.memref_squeeze %dma_start3A_545 : memref<1x1x128xi32, #tpu.memory_space<vmem>> -> memref<128xi32, #tpu.memory_space<vmem>>
      %dma_start3A_547 = arith.constant 0 : i32
      %dma_start3A_548 = arith.constant 0 : i32
      %dma_start3A_549 = tpu.memref_slice %arg10[%dma_start3A_547, %dma_start3A_548] : memref<10112x128xf32, #tpu.memory_space<vmem_shared>> -> memref<10112x128xf32, #tpu.memory_space<vmem_shared>>
      tpu.enqueue_indirect_dma source(%dma_start3A_543 : memref<128x128xf32, #tpu.memory_space<vmem>>) target(%dma_start3A_549 : memref<10112x128xf32, #tpu.memory_space<vmem_shared>>) offsets(%dma_start3A_546 : memref<128xi32, #tpu.memory_space<vmem>>) semaphore(%arg13 : memref<!tpu.dma_semaphore, #tpu.memory_space<semaphore_mem>>) {add = true}
      %dma_wait3A_550 = arith.constant 0 : i32
      %dma_wait3A_551 = arith.constant 1 : i32
      %dma_wait3A_552 = arith.constant 0 : i32
      %dma_wait3A_553 = arith.constant 0 : i32
      %dma_wait3A_554 = arith.constant 0 : i32
      %dma_wait3A_555 = tpu.memref_slice %arg9[%dma_wait3A_550, %dma_wait3A_553, %dma_wait3A_554] : memref<2x128x128xf32, #tpu.memory_space<vmem>> -> memref<1x128x128xf32, #tpu.memory_space<vmem>>
      %dma_wait3A_556 = tpu.memref_squeeze %dma_wait3A_555 : memref<1x128x128xf32, #tpu.memory_space<vmem>> -> memref<128x128xf32, #tpu.memory_space<vmem>>
      %dma_wait3A_557 = arith.constant 0 : i32
      %dma_wait3A_558 = tpu.memref_slice %arg8[%dma_wait3A_551, %dma_wait3A_552, %dma_wait3A_557] : memref<2x8x128xi32, #tpu.memory_space<vmem>> -> memref<1x1x128xi32, #tpu.memory_space<vmem>>
      %dma_wait3A_559 = tpu.memref_squeeze %dma_wait3A_558 : memref<1x1x128xi32, #tpu.memory_space<vmem>> -> memref<128xi32, #tpu.memory_space<vmem>>
      %dma_wait3A_560 = arith.constant 0 : i32
      %dma_wait3A_561 = arith.constant 0 : i32
      %dma_wait3A_562 = tpu.memref_slice %arg10[%dma_wait3A_560, %dma_wait3A_561] : memref<10112x128xf32, #tpu.memory_space<vmem_shared>> -> memref<10112x128xf32, #tpu.memory_space<vmem_shared>>
      tpu.wait_indirect_dma semaphore(%arg13 : memref<!tpu.dma_semaphore, #tpu.memory_space<semaphore_mem>>) src(%dma_wait3A_556 : memref<128x128xf32, #tpu.memory_space<vmem>>) dst(%dma_wait3A_562 : memref<10112x128xf32, #tpu.memory_space<vmem_shared>>)
      %dma_start3A_563 = arith.constant 1 : i32
      %dma_start3A_564 = arith.constant 2 : i32
      %dma_start3A_565 = arith.constant 0 : i32
      %dma_start3A_566 = arith.constant 0 : i32
      %dma_start3A_567 = arith.constant 0 : i32
      %dma_start3A_568 = tpu.memref_slice %arg9[%dma_start3A_565, %dma_start3A_566, %dma_start3A_567] : memref<2x128x128xf32, #tpu.memory_space<vmem>> -> memref<1x128x128xf32, #tpu.memory_space<vmem>>
      %dma_start3A_569 = tpu.memref_squeeze %dma_start3A_568 : memref<1x128x128xf32, #tpu.memory_space<vmem>> -> memref<128x128xf32, #tpu.memory_space<vmem>>
      %dma_start3A_570 = arith.constant 0 : i32
      %dma_start3A_571 = tpu.memref_slice %arg7[%dma_start3A_563, %dma_start3A_564, %dma_start3A_570] : memref<2x8x128xi32, #tpu.memory_space<vmem>> -> memref<1x1x128xi32, #tpu.memory_space<vmem>>
      %dma_start3A_572 = tpu.memref_squeeze %dma_start3A_571 : memref<1x1x128xi32, #tpu.memory_space<vmem>> -> memref<128xi32, #tpu.memory_space<vmem>>
      %dma_start3A_573 = arith.constant 0 : i32
      %dma_start3A_574 = arith.constant 0 : i32
      %dma_start3A_575 = tpu.memref_slice %arg2[%dma_start3A_573, %dma_start3A_574] : memref<10000x128xf32, #tpu.memory_space<hbm>> -> memref<10000x128xf32, #tpu.memory_space<hbm>>
      tpu.enqueue_indirect_dma source(%dma_start3A_575 : memref<10000x128xf32, #tpu.memory_space<hbm>>) target(%dma_start3A_569 : memref<128x128xf32, #tpu.memory_space<vmem>>) offsets(%dma_start3A_572 : memref<128xi32, #tpu.memory_space<vmem>>) semaphore(%arg11 : memref<!tpu.dma_semaphore, #tpu.memory_space<semaphore_mem>>)
      %dma_wait3A_576 = arith.constant 1 : i32
      %dma_wait3A_577 = arith.constant 1 : i32
      %dma_wait3A_578 = arith.constant 1 : i32
      %dma_wait3A_579 = arith.constant 0 : i32
      %dma_wait3A_580 = arith.constant 0 : i32
      %dma_wait3A_581 = tpu.memref_slice %arg9[%dma_wait3A_578, %dma_wait3A_579, %dma_wait3A_580] : memref<2x128x128xf32, #tpu.memory_space<vmem>> -> memref<1x128x128xf32, #tpu.memory_space<vmem>>
      %dma_wait3A_582 = tpu.memref_squeeze %dma_wait3A_581 : memref<1x128x128xf32, #tpu.memory_space<vmem>> -> memref<128x128xf32, #tpu.memory_space<vmem>>
      %dma_wait3A_583 = arith.constant 0 : i32
      %dma_wait3A_584 = tpu.memref_slice %arg7[%dma_wait3A_576, %dma_wait3A_577, %dma_wait3A_583] : memref<2x8x128xi32, #tpu.memory_space<vmem>> -> memref<1x1x128xi32, #tpu.memory_space<vmem>>
      %dma_wait3A_585 = tpu.memref_squeeze %dma_wait3A_584 : memref<1x1x128xi32, #tpu.memory_space<vmem>> -> memref<128xi32, #tpu.memory_space<vmem>>
      %dma_wait3A_586 = arith.constant 0 : i32
      %dma_wait3A_587 = arith.constant 0 : i32
      %dma_wait3A_588 = tpu.memref_slice %arg2[%dma_wait3A_586, %dma_wait3A_587] : memref<10000x128xf32, #tpu.memory_space<hbm>> -> memref<10000x128xf32, #tpu.memory_space<hbm>>
      tpu.wait_indirect_dma semaphore(%arg12 : memref<!tpu.dma_semaphore, #tpu.memory_space<semaphore_mem>>) src(%dma_wait3A_588 : memref<10000x128xf32, #tpu.memory_space<hbm>>) dst(%dma_wait3A_582 : memref<128x128xf32, #tpu.memory_space<vmem>>)
      %dma_start3A_589 = arith.constant 1 : i32
      %dma_start3A_590 = arith.constant 1 : i32
      %dma_start3A_591 = arith.constant 1 : i32
      %dma_start3A_592 = arith.constant 0 : i32
      %dma_start3A_593 = arith.constant 0 : i32
      %dma_start3A_594 = tpu.memref_slice %arg9[%dma_start3A_589, %dma_start3A_592, %dma_start3A_593] : memref<2x128x128xf32, #tpu.memory_space<vmem>> -> memref<1x128x128xf32, #tpu.memory_space<vmem>>
      %dma_start3A_595 = tpu.memref_squeeze %dma_start3A_594 : memref<1x128x128xf32, #tpu.memory_space<vmem>> -> memref<128x128xf32, #tpu.memory_space<vmem>>
      %dma_start3A_596 = arith.constant 0 : i32
      %dma_start3A_597 = tpu.memref_slice %arg8[%dma_start3A_590, %dma_start3A_591, %dma_start3A_596] : memref<2x8x128xi32, #tpu.memory_space<vmem>> -> memref<1x1x128xi32, #tpu.memory_space<vmem>>
      %dma_start3A_598 = tpu.memref_squeeze %dma_start3A_597 : memref<1x1x128xi32, #tpu.memory_space<vmem>> -> memref<128xi32, #tpu.memory_space<vmem>>
      %dma_start3A_599 = arith.constant 0 : i32
      %dma_start3A_600 = arith.constant 0 : i32
      %dma_start3A_601 = tpu.memref_slice %arg10[%dma_start3A_599, %dma_start3A_600] : memref<10112x128xf32, #tpu.memory_space<vmem_shared>> -> memref<10112x128xf32, #tpu.memory_space<vmem_shared>>
      tpu.enqueue_indirect_dma source(%dma_start3A_595 : memref<128x128xf32, #tpu.memory_space<vmem>>) target(%dma_start3A_601 : memref<10112x128xf32, #tpu.memory_space<vmem_shared>>) offsets(%dma_start3A_598 : memref<128xi32, #tpu.memory_space<vmem>>) semaphore(%arg14 : memref<!tpu.dma_semaphore, #tpu.memory_space<semaphore_mem>>) {add = true}
      %dma_wait3A_602 = arith.constant 1 : i32
      %dma_wait3A_603 = arith.constant 1 : i32
      %dma_wait3A_604 = arith.constant 1 : i32
      %dma_wait3A_605 = arith.constant 0 : i32
      %dma_wait3A_606 = arith.constant 0 : i32
      %dma_wait3A_607 = tpu.memref_slice %arg9[%dma_wait3A_602, %dma_wait3A_605, %dma_wait3A_606] : memref<2x128x128xf32, #tpu.memory_space<vmem>> -> memref<1x128x128xf32, #tpu.memory_space<vmem>>
      %dma_wait3A_608 = tpu.memref_squeeze %dma_wait3A_607 : memref<1x128x128xf32, #tpu.memory_space<vmem>> -> memref<128x128xf32, #tpu.memory_space<vmem>>
      %dma_wait3A_609 = arith.constant 0 : i32
      %dma_wait3A_610 = tpu.memref_slice %arg8[%dma_wait3A_603, %dma_wait3A_604, %dma_wait3A_609] : memref<2x8x128xi32, #tpu.memory_space<vmem>> -> memref<1x1x128xi32, #tpu.memory_space<vmem>>
      %dma_wait3A_611 = tpu.memref_squeeze %dma_wait3A_610 : memref<1x1x128xi32, #tpu.memory_space<vmem>> -> memref<128xi32, #tpu.memory_space<vmem>>
      %dma_wait3A_612 = arith.constant 0 : i32
      %dma_wait3A_613 = arith.constant 0 : i32
      %dma_wait3A_614 = tpu.memref_slice %arg10[%dma_wait3A_612, %dma_wait3A_613] : memref<10112x128xf32, #tpu.memory_space<vmem_shared>> -> memref<10112x128xf32, #tpu.memory_space<vmem_shared>>
      tpu.wait_indirect_dma semaphore(%arg14 : memref<!tpu.dma_semaphore, #tpu.memory_space<semaphore_mem>>) src(%dma_wait3A_608 : memref<128x128xf32, #tpu.memory_space<vmem>>) dst(%dma_wait3A_614 : memref<10112x128xf32, #tpu.memory_space<vmem_shared>>)
      %dma_start3A_615 = arith.constant 1 : i32
      %dma_start3A_616 = arith.constant 3 : i32
      %dma_start3A_617 = arith.constant 1 : i32
      %dma_start3A_618 = arith.constant 0 : i32
      %dma_start3A_619 = arith.constant 0 : i32
      %dma_start3A_620 = tpu.memref_slice %arg9[%dma_start3A_617, %dma_start3A_618, %dma_start3A_619] : memref<2x128x128xf32, #tpu.memory_space<vmem>> -> memref<1x128x128xf32, #tpu.memory_space<vmem>>
      %dma_start3A_621 = tpu.memref_squeeze %dma_start3A_620 : memref<1x128x128xf32, #tpu.memory_space<vmem>> -> memref<128x128xf32, #tpu.memory_space<vmem>>
      %dma_start3A_622 = arith.constant 0 : i32
      %dma_start3A_623 = tpu.memref_slice %arg7[%dma_start3A_615, %dma_start3A_616, %dma_start3A_622] : memref<2x8x128xi32, #tpu.memory_space<vmem>> -> memref<1x1x128xi32, #tpu.memory_space<vmem>>
      %dma_start3A_624 = tpu.memref_squeeze %dma_start3A_623 : memref<1x1x128xi32, #tpu.memory_space<vmem>> -> memref<128xi32, #tpu.memory_space<vmem>>
      %dma_start3A_625 = arith.constant 0 : i32
      %dma_start3A_626 = arith.constant 0 : i32
      %dma_start3A_627 = tpu.memref_slice %arg2[%dma_start3A_625, %dma_start3A_626] : memref<10000x128xf32, #tpu.memory_space<hbm>> -> memref<10000x128xf32, #tpu.memory_space<hbm>>
      tpu.enqueue_indirect_dma source(%dma_start3A_627 : memref<10000x128xf32, #tpu.memory_space<hbm>>) target(%dma_start3A_621 : memref<128x128xf32, #tpu.memory_space<vmem>>) offsets(%dma_start3A_624 : memref<128xi32, #tpu.memory_space<vmem>>) semaphore(%arg12 : memref<!tpu.dma_semaphore, #tpu.memory_space<semaphore_mem>>)
      %dma_wait3A_628 = arith.constant 1 : i32
      %dma_wait3A_629 = arith.constant 2 : i32
      %dma_wait3A_630 = arith.constant 0 : i32
      %dma_wait3A_631 = arith.constant 0 : i32
      %dma_wait3A_632 = arith.constant 0 : i32
      %dma_wait3A_633 = tpu.memref_slice %arg9[%dma_wait3A_630, %dma_wait3A_631, %dma_wait3A_632] : memref<2x128x128xf32, #tpu.memory_space<vmem>> -> memref<1x128x128xf32, #tpu.memory_space<vmem>>
      %dma_wait3A_634 = tpu.memref_squeeze %dma_wait3A_633 : memref<1x128x128xf32, #tpu.memory_space<vmem>> -> memref<128x128xf32, #tpu.memory_space<vmem>>
      %dma_wait3A_635 = arith.constant 0 : i32
      %dma_wait3A_636 = tpu.memref_slice %arg7[%dma_wait3A_628, %dma_wait3A_629, %dma_wait3A_635] : memref<2x8x128xi32, #tpu.memory_space<vmem>> -> memref<1x1x128xi32, #tpu.memory_space<vmem>>
      %dma_wait3A_637 = tpu.memref_squeeze %dma_wait3A_636 : memref<1x1x128xi32, #tpu.memory_space<vmem>> -> memref<128xi32, #tpu.memory_space<vmem>>
      %dma_wait3A_638 = arith.constant 0 : i32
      %dma_wait3A_639 = arith.constant 0 : i32
      %dma_wait3A_640 = tpu.memref_slice %arg2[%dma_wait3A_638, %dma_wait3A_639] : memref<10000x128xf32, #tpu.memory_space<hbm>> -> memref<10000x128xf32, #tpu.memory_space<hbm>>
      tpu.wait_indirect_dma semaphore(%arg11 : memref<!tpu.dma_semaphore, #tpu.memory_space<semaphore_mem>>) src(%dma_wait3A_640 : memref<10000x128xf32, #tpu.memory_space<hbm>>) dst(%dma_wait3A_634 : memref<128x128xf32, #tpu.memory_space<vmem>>)
      %dma_start3A_641 = arith.constant 0 : i32
      %dma_start3A_642 = arith.constant 1 : i32
      %dma_start3A_643 = arith.constant 2 : i32
      %dma_start3A_644 = arith.constant 0 : i32
      %dma_start3A_645 = arith.constant 0 : i32
      %dma_start3A_646 = tpu.memref_slice %arg9[%dma_start3A_641, %dma_start3A_644, %dma_start3A_645] : memref<2x128x128xf32, #tpu.memory_space<vmem>> -> memref<1x128x128xf32, #tpu.memory_space<vmem>>
      %dma_start3A_647 = tpu.memref_squeeze %dma_start3A_646 : memref<1x128x128xf32, #tpu.memory_space<vmem>> -> memref<128x128xf32, #tpu.memory_space<vmem>>
      %dma_start3A_648 = arith.constant 0 : i32
      %dma_start3A_649 = tpu.memref_slice %arg8[%dma_start3A_642, %dma_start3A_643, %dma_start3A_648] : memref<2x8x128xi32, #tpu.memory_space<vmem>> -> memref<1x1x128xi32, #tpu.memory_space<vmem>>
      %dma_start3A_650 = tpu.memref_squeeze %dma_start3A_649 : memref<1x1x128xi32, #tpu.memory_space<vmem>> -> memref<128xi32, #tpu.memory_space<vmem>>
      %dma_start3A_651 = arith.constant 0 : i32
      %dma_start3A_652 = arith.constant 0 : i32
      %dma_start3A_653 = tpu.memref_slice %arg10[%dma_start3A_651, %dma_start3A_652] : memref<10112x128xf32, #tpu.memory_space<vmem_shared>> -> memref<10112x128xf32, #tpu.memory_space<vmem_shared>>
      tpu.enqueue_indirect_dma source(%dma_start3A_647 : memref<128x128xf32, #tpu.memory_space<vmem>>) target(%dma_start3A_653 : memref<10112x128xf32, #tpu.memory_space<vmem_shared>>) offsets(%dma_start3A_650 : memref<128xi32, #tpu.memory_space<vmem>>) semaphore(%arg13 : memref<!tpu.dma_semaphore, #tpu.memory_space<semaphore_mem>>) {add = true}
      %dma_wait3A_654 = arith.constant 0 : i32
      %dma_wait3A_655 = arith.constant 1 : i32
      %dma_wait3A_656 = arith.constant 2 : i32
      %dma_wait3A_657 = arith.constant 0 : i32
      %dma_wait3A_658 = arith.constant 0 : i32
      %dma_wait3A_659 = tpu.memref_slice %arg9[%dma_wait3A_654, %dma_wait3A_657, %dma_wait3A_658] : memref<2x128x128xf32, #tpu.memory_space<vmem>> -> memref<1x128x128xf32, #tpu.memory_space<vmem>>
      %dma_wait3A_660 = tpu.memref_squeeze %dma_wait3A_659 : memref<1x128x128xf32, #tpu.memory_space<vmem>> -> memref<128x128xf32, #tpu.memory_space<vmem>>
      %dma_wait3A_661 = arith.constant 0 : i32
      %dma_wait3A_662 = tpu.memref_slice %arg8[%dma_wait3A_655, %dma_wait3A_656, %dma_wait3A_661] : memref<2x8x128xi32, #tpu.memory_space<vmem>> -> memref<1x1x128xi32, #tpu.memory_space<vmem>>
      %dma_wait3A_663 = tpu.memref_squeeze %dma_wait3A_662 : memref<1x1x128xi32, #tpu.memory_space<vmem>> -> memref<128xi32, #tpu.memory_space<vmem>>
      %dma_wait3A_664 = arith.constant 0 : i32
      %dma_wait3A_665 = arith.constant 0 : i32
      %dma_wait3A_666 = tpu.memref_slice %arg10[%dma_wait3A_664, %dma_wait3A_665] : memref<10112x128xf32, #tpu.memory_space<vmem_shared>> -> memref<10112x128xf32, #tpu.memory_space<vmem_shared>>
      tpu.wait_indirect_dma semaphore(%arg13 : memref<!tpu.dma_semaphore, #tpu.memory_space<semaphore_mem>>) src(%dma_wait3A_660 : memref<128x128xf32, #tpu.memory_space<vmem>>) dst(%dma_wait3A_666 : memref<10112x128xf32, #tpu.memory_space<vmem_shared>>)
      %lt3A_667 = arith.constant 9 : i32
      %lt3A_668 = arith.cmpi slt, %add3A_477, %lt3A_667 : i32
      %convert_element_type3A_669 = arith.extui %lt3A_668 : i1 to i32
      %cond3A_670 = arith.constant 0 : i32
      %cond3A_671 = arith.cmpi ne, %convert_element_type3A_669, %cond3A_670 : i32
      scf.if %cond3A_671 {
        %add3A_868 = arith.constant 1 : i32
        %add3A_869 = arith.addi %add3A_477, %add3A_868 : i32
        %dma_start3A_870 = arith.constant 0 : i32
        %dma_start3A_871 = arith.constant 0 : i32
        %dma_start3A_872 = arith.constant 0 : i32
        %dma_start3A_873 = tpu.memref_slice %arg7[%dma_start3A_870, %dma_start3A_871, %dma_start3A_872] : memref<2x8x128xi32, #tpu.memory_space<vmem>> -> memref<1x8x128xi32, #tpu.memory_space<vmem>>
        %dma_start3A_874 = tpu.memref_squeeze %dma_start3A_873 : memref<1x8x128xi32, #tpu.memory_space<vmem>> -> memref<8x128xi32, #tpu.memory_space<vmem>>
        %dma_start3A_875 = arith.constant 0 : i32
        %dma_start3A_876 = arith.constant 0 : i32
        %dma_start3A_877 = tpu.memref_slice %arg3[%add3A, %add3A_869, %dma_start3A_875, %dma_start3A_876] : memref<32x10x8x128xi32, #tpu.memory_space<hbm>> -> memref<1x1x8x128xi32, #tpu.memory_space<hbm>>
        %dma_start3A_878 = tpu.memref_squeeze %dma_start3A_877 : memref<1x1x8x128xi32, #tpu.memory_space<hbm>> -> memref<8x128xi32, #tpu.memory_space<hbm>>
        %dma_start3A_879 = arith.constant 0 : i32
        %dma_start3A_880 = arith.constant 0 : i32
        %dma_start3A_881 = tpu.memref_slice %arg7[%dma_start3A_870, %dma_start3A_879, %dma_start3A_880] : memref<2x8x128xi32, #tpu.memory_space<vmem>> -> memref<1x8x128xi32, #tpu.memory_space<vmem>>
        %dma_start3A_882 = tpu.memref_squeeze %dma_start3A_881 : memref<1x8x128xi32, #tpu.memory_space<vmem>> -> memref<8x128xi32, #tpu.memory_space<vmem>>
        %dma_start3A_883 = arith.constant 0 : i32
        %dma_start3A_884 = arith.constant 0 : i32
        %dma_start3A_885 = tpu.memref_slice %arg3[%add3A, %add3A_869, %dma_start3A_883, %dma_start3A_884] : memref<32x10x8x128xi32, #tpu.memory_space<hbm>> -> memref<1x1x8x128xi32, #tpu.memory_space<hbm>>
        %dma_start3A_886 = tpu.memref_squeeze %dma_start3A_885 : memref<1x1x8x128xi32, #tpu.memory_space<hbm>> -> memref<8x128xi32, #tpu.memory_space<hbm>>
        tpu.enqueue_dma source(%dma_start3A_886 : memref<8x128xi32, #tpu.memory_space<hbm>>) target(%dma_start3A_882 : memref<8x128xi32, #tpu.memory_space<vmem>>) target_semaphore(%arg15 : memref<!tpu.dma_semaphore, #tpu.memory_space<semaphore_mem>>)
        %add3A_887 = arith.constant 1 : i32
        %add3A_888 = arith.addi %add3A_477, %add3A_887 : i32
        %dma_start3A_889 = arith.constant 0 : i32
        %dma_start3A_890 = arith.constant 0 : i32
        %dma_start3A_891 = arith.constant 0 : i32
        %dma_start3A_892 = tpu.memref_slice %arg8[%dma_start3A_889, %dma_start3A_890, %dma_start3A_891] : memref<2x8x128xi32, #tpu.memory_space<vmem>> -> memref<1x8x128xi32, #tpu.memory_space<vmem>>
        %dma_start3A_893 = tpu.memref_squeeze %dma_start3A_892 : memref<1x8x128xi32, #tpu.memory_space<vmem>> -> memref<8x128xi32, #tpu.memory_space<vmem>>
        %dma_start3A_894 = arith.constant 0 : i32
        %dma_start3A_895 = arith.constant 0 : i32
        %dma_start3A_896 = tpu.memref_slice %arg4[%add3A, %add3A_888, %dma_start3A_894, %dma_start3A_895] : memref<32x10x8x128xi32, #tpu.memory_space<hbm>> -> memref<1x1x8x128xi32, #tpu.memory_space<hbm>>
        %dma_start3A_897 = tpu.memref_squeeze %dma_start3A_896 : memref<1x1x8x128xi32, #tpu.memory_space<hbm>> -> memref<8x128xi32, #tpu.memory_space<hbm>>
        %dma_start3A_898 = arith.constant 0 : i32
        %dma_start3A_899 = arith.constant 0 : i32
        %dma_start3A_900 = tpu.memref_slice %arg8[%dma_start3A_889, %dma_start3A_898, %dma_start3A_899] : memref<2x8x128xi32, #tpu.memory_space<vmem>> -> memref<1x8x128xi32, #tpu.memory_space<vmem>>
        %dma_start3A_901 = tpu.memref_squeeze %dma_start3A_900 : memref<1x8x128xi32, #tpu.memory_space<vmem>> -> memref<8x128xi32, #tpu.memory_space<vmem>>
        %dma_start3A_902 = arith.constant 0 : i32
        %dma_start3A_903 = arith.constant 0 : i32
        %dma_start3A_904 = tpu.memref_slice %arg4[%add3A, %add3A_888, %dma_start3A_902, %dma_start3A_903] : memref<32x10x8x128xi32, #tpu.memory_space<hbm>> -> memref<1x1x8x128xi32, #tpu.memory_space<hbm>>
        %dma_start3A_905 = tpu.memref_squeeze %dma_start3A_904 : memref<1x1x8x128xi32, #tpu.memory_space<hbm>> -> memref<8x128xi32, #tpu.memory_space<hbm>>
        tpu.enqueue_dma source(%dma_start3A_905 : memref<8x128xi32, #tpu.memory_space<hbm>>) target(%dma_start3A_901 : memref<8x128xi32, #tpu.memory_space<vmem>>) target_semaphore(%arg15 : memref<!tpu.dma_semaphore, #tpu.memory_space<semaphore_mem>>)
      } else {
      }
      %dma_start3A_672 = arith.constant 1 : i32
      %dma_start3A_673 = arith.constant 4 : i32
      %dma_start3A_674 = arith.constant 0 : i32
      %dma_start3A_675 = arith.constant 0 : i32
      %dma_start3A_676 = arith.constant 0 : i32
      %dma_start3A_677 = tpu.memref_slice %arg9[%dma_start3A_674, %dma_start3A_675, %dma_start3A_676] : memref<2x128x128xf32, #tpu.memory_space<vmem>> -> memref<1x128x128xf32, #tpu.memory_space<vmem>>
      %dma_start3A_678 = tpu.memref_squeeze %dma_start3A_677 : memref<1x128x128xf32, #tpu.memory_space<vmem>> -> memref<128x128xf32, #tpu.memory_space<vmem>>
      %dma_start3A_679 = arith.constant 0 : i32
      %dma_start3A_680 = tpu.memref_slice %arg7[%dma_start3A_672, %dma_start3A_673, %dma_start3A_679] : memref<2x8x128xi32, #tpu.memory_space<vmem>> -> memref<1x1x128xi32, #tpu.memory_space<vmem>>
      %dma_start3A_681 = tpu.memref_squeeze %dma_start3A_680 : memref<1x1x128xi32, #tpu.memory_space<vmem>> -> memref<128xi32, #tpu.memory_space<vmem>>
      %dma_start3A_682 = arith.constant 0 : i32
      %dma_start3A_683 = arith.constant 0 : i32
      %dma_start3A_684 = tpu.memref_slice %arg2[%dma_start3A_682, %dma_start3A_683] : memref<10000x128xf32, #tpu.memory_space<hbm>> -> memref<10000x128xf32, #tpu.memory_space<hbm>>
      tpu.enqueue_indirect_dma source(%dma_start3A_684 : memref<10000x128xf32, #tpu.memory_space<hbm>>) target(%dma_start3A_678 : memref<128x128xf32, #tpu.memory_space<vmem>>) offsets(%dma_start3A_681 : memref<128xi32, #tpu.memory_space<vmem>>) semaphore(%arg11 : memref<!tpu.dma_semaphore, #tpu.memory_space<semaphore_mem>>)
      %dma_wait3A_685 = arith.constant 1 : i32
      %dma_wait3A_686 = arith.constant 3 : i32
      %dma_wait3A_687 = arith.constant 1 : i32
      %dma_wait3A_688 = arith.constant 0 : i32
      %dma_wait3A_689 = arith.constant 0 : i32
      %dma_wait3A_690 = tpu.memref_slice %arg9[%dma_wait3A_687, %dma_wait3A_688, %dma_wait3A_689] : memref<2x128x128xf32, #tpu.memory_space<vmem>> -> memref<1x128x128xf32, #tpu.memory_space<vmem>>
      %dma_wait3A_691 = tpu.memref_squeeze %dma_wait3A_690 : memref<1x128x128xf32, #tpu.memory_space<vmem>> -> memref<128x128xf32, #tpu.memory_space<vmem>>
      %dma_wait3A_692 = arith.constant 0 : i32
      %dma_wait3A_693 = tpu.memref_slice %arg7[%dma_wait3A_685, %dma_wait3A_686, %dma_wait3A_692] : memref<2x8x128xi32, #tpu.memory_space<vmem>> -> memref<1x1x128xi32, #tpu.memory_space<vmem>>
      %dma_wait3A_694 = tpu.memref_squeeze %dma_wait3A_693 : memref<1x1x128xi32, #tpu.memory_space<vmem>> -> memref<128xi32, #tpu.memory_space<vmem>>
      %dma_wait3A_695 = arith.constant 0 : i32
      %dma_wait3A_696 = arith.constant 0 : i32
      %dma_wait3A_697 = tpu.memref_slice %arg2[%dma_wait3A_695, %dma_wait3A_696] : memref<10000x128xf32, #tpu.memory_space<hbm>> -> memref<10000x128xf32, #tpu.memory_space<hbm>>
      tpu.wait_indirect_dma semaphore(%arg12 : memref<!tpu.dma_semaphore, #tpu.memory_space<semaphore_mem>>) src(%dma_wait3A_697 : memref<10000x128xf32, #tpu.memory_space<hbm>>) dst(%dma_wait3A_691 : memref<128x128xf32, #tpu.memory_space<vmem>>)
      %dma_start3A_698 = arith.constant 1 : i32
      %dma_start3A_699 = arith.constant 1 : i32
      %dma_start3A_700 = arith.constant 3 : i32
      %dma_start3A_701 = arith.constant 0 : i32
      %dma_start3A_702 = arith.constant 0 : i32
      %dma_start3A_703 = tpu.memref_slice %arg9[%dma_start3A_698, %dma_start3A_701, %dma_start3A_702] : memref<2x128x128xf32, #tpu.memory_space<vmem>> -> memref<1x128x128xf32, #tpu.memory_space<vmem>>
      %dma_start3A_704 = tpu.memref_squeeze %dma_start3A_703 : memref<1x128x128xf32, #tpu.memory_space<vmem>> -> memref<128x128xf32, #tpu.memory_space<vmem>>
      %dma_start3A_705 = arith.constant 0 : i32
      %dma_start3A_706 = tpu.memref_slice %arg8[%dma_start3A_699, %dma_start3A_700, %dma_start3A_705] : memref<2x8x128xi32, #tpu.memory_space<vmem>> -> memref<1x1x128xi32, #tpu.memory_space<vmem>>
      %dma_start3A_707 = tpu.memref_squeeze %dma_start3A_706 : memref<1x1x128xi32, #tpu.memory_space<vmem>> -> memref<128xi32, #tpu.memory_space<vmem>>
      %dma_start3A_708 = arith.constant 0 : i32
      %dma_start3A_709 = arith.constant 0 : i32
      %dma_start3A_710 = tpu.memref_slice %arg10[%dma_start3A_708, %dma_start3A_709] : memref<10112x128xf32, #tpu.memory_space<vmem_shared>> -> memref<10112x128xf32, #tpu.memory_space<vmem_shared>>
      tpu.enqueue_indirect_dma source(%dma_start3A_704 : memref<128x128xf32, #tpu.memory_space<vmem>>) target(%dma_start3A_710 : memref<10112x128xf32, #tpu.memory_space<vmem_shared>>) offsets(%dma_start3A_707 : memref<128xi32, #tpu.memory_space<vmem>>) semaphore(%arg14 : memref<!tpu.dma_semaphore, #tpu.memory_space<semaphore_mem>>) {add = true}
      %dma_wait3A_711 = arith.constant 1 : i32
      %dma_wait3A_712 = arith.constant 1 : i32
      %dma_wait3A_713 = arith.constant 3 : i32
      %dma_wait3A_714 = arith.constant 0 : i32
      %dma_wait3A_715 = arith.constant 0 : i32
      %dma_wait3A_716 = tpu.memref_slice %arg9[%dma_wait3A_711, %dma_wait3A_714, %dma_wait3A_715] : memref<2x128x128xf32, #tpu.memory_space<vmem>> -> memref<1x128x128xf32, #tpu.memory_space<vmem>>
      %dma_wait3A_717 = tpu.memref_squeeze %dma_wait3A_716 : memref<1x128x128xf32, #tpu.memory_space<vmem>> -> memref<128x128xf32, #tpu.memory_space<vmem>>
      %dma_wait3A_718 = arith.constant 0 : i32
      %dma_wait3A_719 = tpu.memref_slice %arg8[%dma_wait3A_712, %dma_wait3A_713, %dma_wait3A_718] : memref<2x8x128xi32, #tpu.memory_space<vmem>> -> memref<1x1x128xi32, #tpu.memory_space<vmem>>
      %dma_wait3A_720 = tpu.memref_squeeze %dma_wait3A_719 : memref<1x1x128xi32, #tpu.memory_space<vmem>> -> memref<128xi32, #tpu.memory_space<vmem>>
      %dma_wait3A_721 = arith.constant 0 : i32
      %dma_wait3A_722 = arith.constant 0 : i32
      %dma_wait3A_723 = tpu.memref_slice %arg10[%dma_wait3A_721, %dma_wait3A_722] : memref<10112x128xf32, #tpu.memory_space<vmem_shared>> -> memref<10112x128xf32, #tpu.memory_space<vmem_shared>>
      tpu.wait_indirect_dma semaphore(%arg14 : memref<!tpu.dma_semaphore, #tpu.memory_space<semaphore_mem>>) src(%dma_wait3A_717 : memref<128x128xf32, #tpu.memory_space<vmem>>) dst(%dma_wait3A_723 : memref<10112x128xf32, #tpu.memory_space<vmem_shared>>)
      %dma_start3A_724 = arith.constant 1 : i32
      %dma_start3A_725 = arith.constant 5 : i32
      %dma_start3A_726 = arith.constant 1 : i32
      %dma_start3A_727 = arith.constant 0 : i32
      %dma_start3A_728 = arith.constant 0 : i32
      %dma_start3A_729 = tpu.memref_slice %arg9[%dma_start3A_726, %dma_start3A_727, %dma_start3A_728] : memref<2x128x128xf32, #tpu.memory_space<vmem>> -> memref<1x128x128xf32, #tpu.memory_space<vmem>>
      %dma_start3A_730 = tpu.memref_squeeze %dma_start3A_729 : memref<1x128x128xf32, #tpu.memory_space<vmem>> -> memref<128x128xf32, #tpu.memory_space<vmem>>
      %dma_start3A_731 = arith.constant 0 : i32
      %dma_start3A_732 = tpu.memref_slice %arg7[%dma_start3A_724, %dma_start3A_725, %dma_start3A_731] : memref<2x8x128xi32, #tpu.memory_space<vmem>> -> memref<1x1x128xi32, #tpu.memory_space<vmem>>
      %dma_start3A_733 = tpu.memref_squeeze %dma_start3A_732 : memref<1x1x128xi32, #tpu.memory_space<vmem>> -> memref<128xi32, #tpu.memory_space<vmem>>
      %dma_start3A_734 = arith.constant 0 : i32
      %dma_start3A_735 = arith.constant 0 : i32
      %dma_start3A_736 = tpu.memref_slice %arg2[%dma_start3A_734, %dma_start3A_735] : memref<10000x128xf32, #tpu.memory_space<hbm>> -> memref<10000x128xf32, #tpu.memory_space<hbm>>
      tpu.enqueue_indirect_dma source(%dma_start3A_736 : memref<10000x128xf32, #tpu.memory_space<hbm>>) target(%dma_start3A_730 : memref<128x128xf32, #tpu.memory_space<vmem>>) offsets(%dma_start3A_733 : memref<128xi32, #tpu.memory_space<vmem>>) semaphore(%arg12 : memref<!tpu.dma_semaphore, #tpu.memory_space<semaphore_mem>>)
      %dma_wait3A_737 = arith.constant 1 : i32
      %dma_wait3A_738 = arith.constant 4 : i32
      %dma_wait3A_739 = arith.constant 0 : i32
      %dma_wait3A_740 = arith.constant 0 : i32
      %dma_wait3A_741 = arith.constant 0 : i32
      %dma_wait3A_742 = tpu.memref_slice %arg9[%dma_wait3A_739, %dma_wait3A_740, %dma_wait3A_741] : memref<2x128x128xf32, #tpu.memory_space<vmem>> -> memref<1x128x128xf32, #tpu.memory_space<vmem>>
      %dma_wait3A_743 = tpu.memref_squeeze %dma_wait3A_742 : memref<1x128x128xf32, #tpu.memory_space<vmem>> -> memref<128x128xf32, #tpu.memory_space<vmem>>
      %dma_wait3A_744 = arith.constant 0 : i32
      %dma_wait3A_745 = tpu.memref_slice %arg7[%dma_wait3A_737, %dma_wait3A_738, %dma_wait3A_744] : memref<2x8x128xi32, #tpu.memory_space<vmem>> -> memref<1x1x128xi32, #tpu.memory_space<vmem>>
      %dma_wait3A_746 = tpu.memref_squeeze %dma_wait3A_745 : memref<1x1x128xi32, #tpu.memory_space<vmem>> -> memref<128xi32, #tpu.memory_space<vmem>>
      %dma_wait3A_747 = arith.constant 0 : i32
      %dma_wait3A_748 = arith.constant 0 : i32
      %dma_wait3A_749 = tpu.memref_slice %arg2[%dma_wait3A_747, %dma_wait3A_748] : memref<10000x128xf32, #tpu.memory_space<hbm>> -> memref<10000x128xf32, #tpu.memory_space<hbm>>
      tpu.wait_indirect_dma semaphore(%arg11 : memref<!tpu.dma_semaphore, #tpu.memory_space<semaphore_mem>>) src(%dma_wait3A_749 : memref<10000x128xf32, #tpu.memory_space<hbm>>) dst(%dma_wait3A_743 : memref<128x128xf32, #tpu.memory_space<vmem>>)
      %dma_start3A_750 = arith.constant 0 : i32
      %dma_start3A_751 = arith.constant 1 : i32
      %dma_start3A_752 = arith.constant 4 : i32
      %dma_start3A_753 = arith.constant 0 : i32
      %dma_start3A_754 = arith.constant 0 : i32
      %dma_start3A_755 = tpu.memref_slice %arg9[%dma_start3A_750, %dma_start3A_753, %dma_start3A_754] : memref<2x128x128xf32, #tpu.memory_space<vmem>> -> memref<1x128x128xf32, #tpu.memory_space<vmem>>
      %dma_start3A_756 = tpu.memref_squeeze %dma_start3A_755 : memref<1x128x128xf32, #tpu.memory_space<vmem>> -> memref<128x128xf32, #tpu.memory_space<vmem>>
      %dma_start3A_757 = arith.constant 0 : i32
      %dma_start3A_758 = tpu.memref_slice %arg8[%dma_start3A_751, %dma_start3A_752, %dma_start3A_757] : memref<2x8x128xi32, #tpu.memory_space<vmem>> -> memref<1x1x128xi32, #tpu.memory_space<vmem>>
      %dma_start3A_759 = tpu.memref_squeeze %dma_start3A_758 : memref<1x1x128xi32, #tpu.memory_space<vmem>> -> memref<128xi32, #tpu.memory_space<vmem>>
      %dma_start3A_760 = arith.constant 0 : i32
      %dma_start3A_761 = arith.constant 0 : i32
      %dma_start3A_762 = tpu.memref_slice %arg10[%dma_start3A_760, %dma_start3A_761] : memref<10112x128xf32, #tpu.memory_space<vmem_shared>> -> memref<10112x128xf32, #tpu.memory_space<vmem_shared>>
      tpu.enqueue_indirect_dma source(%dma_start3A_756 : memref<128x128xf32, #tpu.memory_space<vmem>>) target(%dma_start3A_762 : memref<10112x128xf32, #tpu.memory_space<vmem_shared>>) offsets(%dma_start3A_759 : memref<128xi32, #tpu.memory_space<vmem>>) semaphore(%arg13 : memref<!tpu.dma_semaphore, #tpu.memory_space<semaphore_mem>>) {add = true}
      %dma_wait3A_763 = arith.constant 0 : i32
      %dma_wait3A_764 = arith.constant 1 : i32
      %dma_wait3A_765 = arith.constant 4 : i32
      %dma_wait3A_766 = arith.constant 0 : i32
      %dma_wait3A_767 = arith.constant 0 : i32
      %dma_wait3A_768 = tpu.memref_slice %arg9[%dma_wait3A_763, %dma_wait3A_766, %dma_wait3A_767] : memref<2x128x128xf32, #tpu.memory_space<vmem>> -> memref<1x128x128xf32, #tpu.memory_space<vmem>>
      %dma_wait3A_769 = tpu.memref_squeeze %dma_wait3A_768 : memref<1x128x128xf32, #tpu.memory_space<vmem>> -> memref<128x128xf32, #tpu.memory_space<vmem>>
      %dma_wait3A_770 = arith.constant 0 : i32
      %dma_wait3A_771 = tpu.memref_slice %arg8[%dma_wait3A_764, %dma_wait3A_765, %dma_wait3A_770] : memref<2x8x128xi32, #tpu.memory_space<vmem>> -> memref<1x1x128xi32, #tpu.memory_space<vmem>>
      %dma_wait3A_772 = tpu.memref_squeeze %dma_wait3A_771 : memref<1x1x128xi32, #tpu.memory_space<vmem>> -> memref<128xi32, #tpu.memory_space<vmem>>
      %dma_wait3A_773 = arith.constant 0 : i32
      %dma_wait3A_774 = arith.constant 0 : i32
      %dma_wait3A_775 = tpu.memref_slice %arg10[%dma_wait3A_773, %dma_wait3A_774] : memref<10112x128xf32, #tpu.memory_space<vmem_shared>> -> memref<10112x128xf32, #tpu.memory_space<vmem_shared>>
      tpu.wait_indirect_dma semaphore(%arg13 : memref<!tpu.dma_semaphore, #tpu.memory_space<semaphore_mem>>) src(%dma_wait3A_769 : memref<128x128xf32, #tpu.memory_space<vmem>>) dst(%dma_wait3A_775 : memref<10112x128xf32, #tpu.memory_space<vmem_shared>>)
      %dma_start3A_776 = arith.constant 1 : i32
      %dma_start3A_777 = arith.constant 6 : i32
      %dma_start3A_778 = arith.constant 0 : i32
      %dma_start3A_779 = arith.constant 0 : i32
      %dma_start3A_780 = arith.constant 0 : i32
      %dma_start3A_781 = tpu.memref_slice %arg9[%dma_start3A_778, %dma_start3A_779, %dma_start3A_780] : memref<2x128x128xf32, #tpu.memory_space<vmem>> -> memref<1x128x128xf32, #tpu.memory_space<vmem>>
      %dma_start3A_782 = tpu.memref_squeeze %dma_start3A_781 : memref<1x128x128xf32, #tpu.memory_space<vmem>> -> memref<128x128xf32, #tpu.memory_space<vmem>>
      %dma_start3A_783 = arith.constant 0 : i32
      %dma_start3A_784 = tpu.memref_slice %arg7[%dma_start3A_776, %dma_start3A_777, %dma_start3A_783] : memref<2x8x128xi32, #tpu.memory_space<vmem>> -> memref<1x1x128xi32, #tpu.memory_space<vmem>>
      %dma_start3A_785 = tpu.memref_squeeze %dma_start3A_784 : memref<1x1x128xi32, #tpu.memory_space<vmem>> -> memref<128xi32, #tpu.memory_space<vmem>>
      %dma_start3A_786 = arith.constant 0 : i32
      %dma_start3A_787 = arith.constant 0 : i32
      %dma_start3A_788 = tpu.memref_slice %arg2[%dma_start3A_786, %dma_start3A_787] : memref<10000x128xf32, #tpu.memory_space<hbm>> -> memref<10000x128xf32, #tpu.memory_space<hbm>>
      tpu.enqueue_indirect_dma source(%dma_start3A_788 : memref<10000x128xf32, #tpu.memory_space<hbm>>) target(%dma_start3A_782 : memref<128x128xf32, #tpu.memory_space<vmem>>) offsets(%dma_start3A_785 : memref<128xi32, #tpu.memory_space<vmem>>) semaphore(%arg11 : memref<!tpu.dma_semaphore, #tpu.memory_space<semaphore_mem>>)
      %dma_wait3A_789 = arith.constant 1 : i32
      %dma_wait3A_790 = arith.constant 5 : i32
      %dma_wait3A_791 = arith.constant 1 : i32
      %dma_wait3A_792 = arith.constant 0 : i32
      %dma_wait3A_793 = arith.constant 0 : i32
      %dma_wait3A_794 = tpu.memref_slice %arg9[%dma_wait3A_791, %dma_wait3A_792, %dma_wait3A_793] : memref<2x128x128xf32, #tpu.memory_space<vmem>> -> memref<1x128x128xf32, #tpu.memory_space<vmem>>
      %dma_wait3A_795 = tpu.memref_squeeze %dma_wait3A_794 : memref<1x128x128xf32, #tpu.memory_space<vmem>> -> memref<128x128xf32, #tpu.memory_space<vmem>>
      %dma_wait3A_796 = arith.constant 0 : i32
      %dma_wait3A_797 = tpu.memref_slice %arg7[%dma_wait3A_789, %dma_wait3A_790, %dma_wait3A_796] : memref<2x8x128xi32, #tpu.memory_space<vmem>> -> memref<1x1x128xi32, #tpu.memory_space<vmem>>
      %dma_wait3A_798 = tpu.memref_squeeze %dma_wait3A_797 : memref<1x1x128xi32, #tpu.memory_space<vmem>> -> memref<128xi32, #tpu.memory_space<vmem>>
      %dma_wait3A_799 = arith.constant 0 : i32
      %dma_wait3A_800 = arith.constant 0 : i32
      %dma_wait3A_801 = tpu.memref_slice %arg2[%dma_wait3A_799, %dma_wait3A_800] : memref<10000x128xf32, #tpu.memory_space<hbm>> -> memref<10000x128xf32, #tpu.memory_space<hbm>>
      tpu.wait_indirect_dma semaphore(%arg12 : memref<!tpu.dma_semaphore, #tpu.memory_space<semaphore_mem>>) src(%dma_wait3A_801 : memref<10000x128xf32, #tpu.memory_space<hbm>>) dst(%dma_wait3A_795 : memref<128x128xf32, #tpu.memory_space<vmem>>)
      %dma_start3A_802 = arith.constant 1 : i32
      %dma_start3A_803 = arith.constant 1 : i32
      %dma_start3A_804 = arith.constant 5 : i32
      %dma_start3A_805 = arith.constant 0 : i32
      %dma_start3A_806 = arith.constant 0 : i32
      %dma_start3A_807 = tpu.memref_slice %arg9[%dma_start3A_802, %dma_start3A_805, %dma_start3A_806] : memref<2x128x128xf32, #tpu.memory_space<vmem>> -> memref<1x128x128xf32, #tpu.memory_space<vmem>>
      %dma_start3A_808 = tpu.memref_squeeze %dma_start3A_807 : memref<1x128x128xf32, #tpu.memory_space<vmem>> -> memref<128x128xf32, #tpu.memory_space<vmem>>
      %dma_start3A_809 = arith.constant 0 : i32
      %dma_start3A_810 = tpu.memref_slice %arg8[%dma_start3A_803, %dma_start3A_804, %dma_start3A_809] : memref<2x8x128xi32, #tpu.memory_space<vmem>> -> memref<1x1x128xi32, #tpu.memory_space<vmem>>
      %dma_start3A_811 = tpu.memref_squeeze %dma_start3A_810 : memref<1x1x128xi32, #tpu.memory_space<vmem>> -> memref<128xi32, #tpu.memory_space<vmem>>
      %dma_start3A_812 = arith.constant 0 : i32
      %dma_start3A_813 = arith.constant 0 : i32
      %dma_start3A_814 = tpu.memref_slice %arg10[%dma_start3A_812, %dma_start3A_813] : memref<10112x128xf32, #tpu.memory_space<vmem_shared>> -> memref<10112x128xf32, #tpu.memory_space<vmem_shared>>
      tpu.enqueue_indirect_dma source(%dma_start3A_808 : memref<128x128xf32, #tpu.memory_space<vmem>>) target(%dma_start3A_814 : memref<10112x128xf32, #tpu.memory_space<vmem_shared>>) offsets(%dma_start3A_811 : memref<128xi32, #tpu.memory_space<vmem>>) semaphore(%arg14 : memref<!tpu.dma_semaphore, #tpu.memory_space<semaphore_mem>>) {add = true}
      %dma_wait3A_815 = arith.constant 1 : i32
      %dma_wait3A_816 = arith.constant 1 : i32
      %dma_wait3A_817 = arith.constant 5 : i32
      %dma_wait3A_818 = arith.constant 0 : i32
      %dma_wait3A_819 = arith.constant 0 : i32
      %dma_wait3A_820 = tpu.memref_slice %arg9[%dma_wait3A_815, %dma_wait3A_818, %dma_wait3A_819] : memref<2x128x128xf32, #tpu.memory_space<vmem>> -> memref<1x128x128xf32, #tpu.memory_space<vmem>>
      %dma_wait3A_821 = tpu.memref_squeeze %dma_wait3A_820 : memref<1x128x128xf32, #tpu.memory_space<vmem>> -> memref<128x128xf32, #tpu.memory_space<vmem>>
      %dma_wait3A_822 = arith.constant 0 : i32
      %dma_wait3A_823 = tpu.memref_slice %arg8[%dma_wait3A_816, %dma_wait3A_817, %dma_wait3A_822] : memref<2x8x128xi32, #tpu.memory_space<vmem>> -> memref<1x1x128xi32, #tpu.memory_space<vmem>>
      %dma_wait3A_824 = tpu.memref_squeeze %dma_wait3A_823 : memref<1x1x128xi32, #tpu.memory_space<vmem>> -> memref<128xi32, #tpu.memory_space<vmem>>
      %dma_wait3A_825 = arith.constant 0 : i32
      %dma_wait3A_826 = arith.constant 0 : i32
      %dma_wait3A_827 = tpu.memref_slice %arg10[%dma_wait3A_825, %dma_wait3A_826] : memref<10112x128xf32, #tpu.memory_space<vmem_shared>> -> memref<10112x128xf32, #tpu.memory_space<vmem_shared>>
      tpu.wait_indirect_dma semaphore(%arg14 : memref<!tpu.dma_semaphore, #tpu.memory_space<semaphore_mem>>) src(%dma_wait3A_821 : memref<128x128xf32, #tpu.memory_space<vmem>>) dst(%dma_wait3A_827 : memref<10112x128xf32, #tpu.memory_space<vmem_shared>>)
      %dma_start3A_828 = arith.constant 1 : i32
      %dma_start3A_829 = arith.constant 7 : i32
      %dma_start3A_830 = arith.constant 1 : i32
      %dma_start3A_831 = arith.constant 0 : i32
      %dma_start3A_832 = arith.constant 0 : i32
      %dma_start3A_833 = tpu.memref_slice %arg9[%dma_start3A_830, %dma_start3A_831, %dma_start3A_832] : memref<2x128x128xf32, #tpu.memory_space<vmem>> -> memref<1x128x128xf32, #tpu.memory_space<vmem>>
      %dma_start3A_834 = tpu.memref_squeeze %dma_start3A_833 : memref<1x128x128xf32, #tpu.memory_space<vmem>> -> memref<128x128xf32, #tpu.memory_space<vmem>>
      %dma_start3A_835 = arith.constant 0 : i32
      %dma_start3A_836 = tpu.memref_slice %arg7[%dma_start3A_828, %dma_start3A_829, %dma_start3A_835] : memref<2x8x128xi32, #tpu.memory_space<vmem>> -> memref<1x1x128xi32, #tpu.memory_space<vmem>>
      %dma_start3A_837 = tpu.memref_squeeze %dma_start3A_836 : memref<1x1x128xi32, #tpu.memory_space<vmem>> -> memref<128xi32, #tpu.memory_space<vmem>>
      %dma_start3A_838 = arith.constant 0 : i32
      %dma_start3A_839 = arith.constant 0 : i32
      %dma_start3A_840 = tpu.memref_slice %arg2[%dma_start3A_838, %dma_start3A_839] : memref<10000x128xf32, #tpu.memory_space<hbm>> -> memref<10000x128xf32, #tpu.memory_space<hbm>>
      tpu.enqueue_indirect_dma source(%dma_start3A_840 : memref<10000x128xf32, #tpu.memory_space<hbm>>) target(%dma_start3A_834 : memref<128x128xf32, #tpu.memory_space<vmem>>) offsets(%dma_start3A_837 : memref<128xi32, #tpu.memory_space<vmem>>) semaphore(%arg12 : memref<!tpu.dma_semaphore, #tpu.memory_space<semaphore_mem>>)
      %dma_wait3A_841 = arith.constant 1 : i32
      %dma_wait3A_842 = arith.constant 6 : i32
      %dma_wait3A_843 = arith.constant 0 : i32
      %dma_wait3A_844 = arith.constant 0 : i32
      %dma_wait3A_845 = arith.constant 0 : i32
      %dma_wait3A_846 = tpu.memref_slice %arg9[%dma_wait3A_843, %dma_wait3A_844, %dma_wait3A_845] : memref<2x128x128xf32, #tpu.memory_space<vmem>> -> memref<1x128x128xf32, #tpu.memory_space<vmem>>
      %dma_wait3A_847 = tpu.memref_squeeze %dma_wait3A_846 : memref<1x128x128xf32, #tpu.memory_space<vmem>> -> memref<128x128xf32, #tpu.memory_space<vmem>>
      %dma_wait3A_848 = arith.constant 0 : i32
      %dma_wait3A_849 = tpu.memref_slice %arg7[%dma_wait3A_841, %dma_wait3A_842, %dma_wait3A_848] : memref<2x8x128xi32, #tpu.memory_space<vmem>> -> memref<1x1x128xi32, #tpu.memory_space<vmem>>
      %dma_wait3A_850 = tpu.memref_squeeze %dma_wait3A_849 : memref<1x1x128xi32, #tpu.memory_space<vmem>> -> memref<128xi32, #tpu.memory_space<vmem>>
      %dma_wait3A_851 = arith.constant 0 : i32
      %dma_wait3A_852 = arith.constant 0 : i32
      %dma_wait3A_853 = tpu.memref_slice %arg2[%dma_wait3A_851, %dma_wait3A_852] : memref<10000x128xf32, #tpu.memory_space<hbm>> -> memref<10000x128xf32, #tpu.memory_space<hbm>>
      tpu.wait_indirect_dma semaphore(%arg11 : memref<!tpu.dma_semaphore, #tpu.memory_space<semaphore_mem>>) src(%dma_wait3A_853 : memref<10000x128xf32, #tpu.memory_space<hbm>>) dst(%dma_wait3A_847 : memref<128x128xf32, #tpu.memory_space<vmem>>)
      %dma_start3A_854 = arith.constant 0 : i32
      %dma_start3A_855 = arith.constant 1 : i32
      %dma_start3A_856 = arith.constant 6 : i32
      %dma_start3A_857 = arith.constant 0 : i32
      %dma_start3A_858 = arith.constant 0 : i32
      %dma_start3A_859 = tpu.memref_slice %arg9[%dma_start3A_854, %dma_start3A_857, %dma_start3A_858] : memref<2x128x128xf32, #tpu.memory_space<vmem>> -> memref<1x128x128xf32, #tpu.memory_space<vmem>>
      %dma_start3A_860 = tpu.memref_squeeze %dma_start3A_859 : memref<1x128x128xf32, #tpu.memory_space<vmem>> -> memref<128x128xf32, #tpu.memory_space<vmem>>
      %dma_start3A_861 = arith.constant 0 : i32
      %dma_start3A_862 = tpu.memref_slice %arg8[%dma_start3A_855, %dma_start3A_856, %dma_start3A_861] : memref<2x8x128xi32, #tpu.memory_space<vmem>> -> memref<1x1x128xi32, #tpu.memory_space<vmem>>
      %dma_start3A_863 = tpu.memref_squeeze %dma_start3A_862 : memref<1x1x128xi32, #tpu.memory_space<vmem>> -> memref<128xi32, #tpu.memory_space<vmem>>
      %dma_start3A_864 = arith.constant 0 : i32
      %dma_start3A_865 = arith.constant 0 : i32
      %dma_start3A_866 = tpu.memref_slice %arg10[%dma_start3A_864, %dma_start3A_865] : memref<10112x128xf32, #tpu.memory_space<vmem_shared>> -> memref<10112x128xf32, #tpu.memory_space<vmem_shared>>
      tpu.enqueue_indirect_dma source(%dma_start3A_860 : memref<128x128xf32, #tpu.memory_space<vmem>>) target(%dma_start3A_866 : memref<10112x128xf32, #tpu.memory_space<vmem_shared>>) offsets(%dma_start3A_863 : memref<128xi32, #tpu.memory_space<vmem>>) semaphore(%arg13 : memref<!tpu.dma_semaphore, #tpu.memory_space<semaphore_mem>>) {add = true}
      %scan3A_867 = arith.constant 0 : i32
      scf.yield %scan3A_867 : i32
    }
    %scan3A_28 = arith.constant 5 : i32
    %dma_wait3A = arith.constant 1 : i32
    %dma_wait3A_29 = arith.constant 7 : i32
    %dma_wait3A_30 = arith.constant 1 : i32
    %dma_wait3A_31 = arith.constant 0 : i32
    %dma_wait3A_32 = arith.constant 0 : i32
    %dma_wait3A_33 = tpu.memref_slice %arg9[%dma_wait3A_30, %dma_wait3A_31, %dma_wait3A_32] : memref<2x128x128xf32, #tpu.memory_space<vmem>> -> memref<1x128x128xf32, #tpu.memory_space<vmem>>
    %dma_wait3A_34 = tpu.memref_squeeze %dma_wait3A_33 : memref<1x128x128xf32, #tpu.memory_space<vmem>> -> memref<128x128xf32, #tpu.memory_space<vmem>>
    %dma_wait3A_35 = arith.constant 0 : i32
    %dma_wait3A_36 = tpu.memref_slice %arg7[%dma_wait3A, %dma_wait3A_29, %dma_wait3A_35] : memref<2x8x128xi32, #tpu.memory_space<vmem>> -> memref<1x1x128xi32, #tpu.memory_space<vmem>>
    %dma_wait3A_37 = tpu.memref_squeeze %dma_wait3A_36 : memref<1x1x128xi32, #tpu.memory_space<vmem>> -> memref<128xi32, #tpu.memory_space<vmem>>
    %dma_wait3A_38 = arith.constant 0 : i32
    %dma_wait3A_39 = arith.constant 0 : i32
    %dma_wait3A_40 = tpu.memref_slice %arg2[%dma_wait3A_38, %dma_wait3A_39] : memref<10000x128xf32, #tpu.memory_space<hbm>> -> memref<10000x128xf32, #tpu.memory_space<hbm>>
    tpu.wait_indirect_dma semaphore(%arg12 : memref<!tpu.dma_semaphore, #tpu.memory_space<semaphore_mem>>) src(%dma_wait3A_40 : memref<10000x128xf32, #tpu.memory_space<hbm>>) dst(%dma_wait3A_34 : memref<128x128xf32, #tpu.memory_space<vmem>>)
    %dma_start3A = arith.constant 1 : i32
    %dma_start3A_41 = arith.constant 1 : i32
    %dma_start3A_42 = arith.constant 7 : i32
    %dma_start3A_43 = arith.constant 0 : i32
    %dma_start3A_44 = arith.constant 0 : i32
    %dma_start3A_45 = tpu.memref_slice %arg9[%dma_start3A, %dma_start3A_43, %dma_start3A_44] : memref<2x128x128xf32, #tpu.memory_space<vmem>> -> memref<1x128x128xf32, #tpu.memory_space<vmem>>
    %dma_start3A_46 = tpu.memref_squeeze %dma_start3A_45 : memref<1x128x128xf32, #tpu.memory_space<vmem>> -> memref<128x128xf32, #tpu.memory_space<vmem>>
    %dma_start3A_47 = arith.constant 0 : i32
    %dma_start3A_48 = tpu.memref_slice %arg8[%dma_start3A_41, %dma_start3A_42, %dma_start3A_47] : memref<2x8x128xi32, #tpu.memory_space<vmem>> -> memref<1x1x128xi32, #tpu.memory_space<vmem>>
    %dma_start3A_49 = tpu.memref_squeeze %dma_start3A_48 : memref<1x1x128xi32, #tpu.memory_space<vmem>> -> memref<128xi32, #tpu.memory_space<vmem>>
    %dma_start3A_50 = arith.constant 0 : i32
    %dma_start3A_51 = arith.constant 0 : i32
    %dma_start3A_52 = tpu.memref_slice %arg10[%dma_start3A_50, %dma_start3A_51] : memref<10112x128xf32, #tpu.memory_space<vmem_shared>> -> memref<10112x128xf32, #tpu.memory_space<vmem_shared>>
    tpu.enqueue_indirect_dma source(%dma_start3A_46 : memref<128x128xf32, #tpu.memory_space<vmem>>) target(%dma_start3A_52 : memref<10112x128xf32, #tpu.memory_space<vmem_shared>>) offsets(%dma_start3A_49 : memref<128xi32, #tpu.memory_space<vmem>>) semaphore(%arg14 : memref<!tpu.dma_semaphore, #tpu.memory_space<semaphore_mem>>) {add = true}
    %dma_wait3A_53 = arith.constant 0 : i32
    %dma_wait3A_54 = arith.constant 1 : i32
    %dma_wait3A_55 = arith.constant 6 : i32
    %dma_wait3A_56 = arith.constant 0 : i32
    %dma_wait3A_57 = arith.constant 0 : i32
    %dma_wait3A_58 = tpu.memref_slice %arg9[%dma_wait3A_53, %dma_wait3A_56, %dma_wait3A_57] : memref<2x128x128xf32, #tpu.memory_space<vmem>> -> memref<1x128x128xf32, #tpu.memory_space<vmem>>
    %dma_wait3A_59 = tpu.memref_squeeze %dma_wait3A_58 : memref<1x128x128xf32, #tpu.memory_space<vmem>> -> memref<128x128xf32, #tpu.memory_space<vmem>>
    %dma_wait3A_60 = arith.constant 0 : i32
    %dma_wait3A_61 = tpu.memref_slice %arg8[%dma_wait3A_54, %dma_wait3A_55, %dma_wait3A_60] : memref<2x8x128xi32, #tpu.memory_space<vmem>> -> memref<1x1x128xi32, #tpu.memory_space<vmem>>
    %dma_wait3A_62 = tpu.memref_squeeze %dma_wait3A_61 : memref<1x1x128xi32, #tpu.memory_space<vmem>> -> memref<128xi32, #tpu.memory_space<vmem>>
    %dma_wait3A_63 = arith.constant 0 : i32
    %dma_wait3A_64 = arith.constant 0 : i32
    %dma_wait3A_65 = tpu.memref_slice %arg10[%dma_wait3A_63, %dma_wait3A_64] : memref<10112x128xf32, #tpu.memory_space<vmem_shared>> -> memref<10112x128xf32, #tpu.memory_space<vmem_shared>>
    tpu.wait_indirect_dma semaphore(%arg13 : memref<!tpu.dma_semaphore, #tpu.memory_space<semaphore_mem>>) src(%dma_wait3A_59 : memref<128x128xf32, #tpu.memory_space<vmem>>) dst(%dma_wait3A_65 : memref<10112x128xf32, #tpu.memory_space<vmem_shared>>)
    %dma_wait3A_66 = arith.constant 1 : i32
    %dma_wait3A_67 = arith.constant 1 : i32
    %dma_wait3A_68 = arith.constant 7 : i32
    %dma_wait3A_69 = arith.constant 0 : i32
    %dma_wait3A_70 = arith.constant 0 : i32
    %dma_wait3A_71 = tpu.memref_slice %arg9[%dma_wait3A_66, %dma_wait3A_69, %dma_wait3A_70] : memref<2x128x128xf32, #tpu.memory_space<vmem>> -> memref<1x128x128xf32, #tpu.memory_space<vmem>>
    %dma_wait3A_72 = tpu.memref_squeeze %dma_wait3A_71 : memref<1x128x128xf32, #tpu.memory_space<vmem>> -> memref<128x128xf32, #tpu.memory_space<vmem>>
    %dma_wait3A_73 = arith.constant 0 : i32
    %dma_wait3A_74 = tpu.memref_slice %arg8[%dma_wait3A_67, %dma_wait3A_68, %dma_wait3A_73] : memref<2x8x128xi32, #tpu.memory_space<vmem>> -> memref<1x1x128xi32, #tpu.memory_space<vmem>>
    %dma_wait3A_75 = tpu.memref_squeeze %dma_wait3A_74 : memref<1x1x128xi32, #tpu.memory_space<vmem>> -> memref<128xi32, #tpu.memory_space<vmem>>
    %dma_wait3A_76 = arith.constant 0 : i32
    %dma_wait3A_77 = arith.constant 0 : i32
    %dma_wait3A_78 = tpu.memref_slice %arg10[%dma_wait3A_76, %dma_wait3A_77] : memref<10112x128xf32, #tpu.memory_space<vmem_shared>> -> memref<10112x128xf32, #tpu.memory_space<vmem_shared>>
    tpu.wait_indirect_dma semaphore(%arg14 : memref<!tpu.dma_semaphore, #tpu.memory_space<semaphore_mem>>) src(%dma_wait3A_72 : memref<128x128xf32, #tpu.memory_space<vmem>>) dst(%dma_wait3A_78 : memref<10112x128xf32, #tpu.memory_space<vmem_shared>>)
    %barrier3A_79 = arith.constant 0 : index
    tpu.barrier barrier_id(%barrier3A_79)
    %mul3A_80 = arith.constant 10112 : i32
    %mul3A_81 = arith.muli %arg0, %mul3A_80 : i32
    %add3A_82 = arith.addi %mul3A_81, %mul3A_2 : i32
    "tpu.region"() ({
      %run_scoped3A_83 = tpu.sem_alloc : memref<!tpu.dma_semaphore, #tpu.memory_space<semaphore_mem>>
      %dma_start3A_84 = arith.constant 0 : i32
      %dma_start3A_85 = tpu.memref_slice %arg6[%add3A_82, %dma_start3A_84] : memref<20224x128xf32, #tpu.memory_space<hbm>> -> memref<632x128xf32, #tpu.memory_space<hbm>>
      %dma_start3A_86 = arith.constant 0 : i32
      %dma_start3A_87 = tpu.memref_slice %arg10[%mul3A_2, %dma_start3A_86] : memref<10112x128xf32, #tpu.memory_space<vmem_shared>> -> memref<632x128xf32, #tpu.memory_space<vmem_shared>>
      tpu.enqueue_dma source(%dma_start3A_87 : memref<632x128xf32, #tpu.memory_space<vmem_shared>>) target(%dma_start3A_85 : memref<632x128xf32, #tpu.memory_space<hbm>>) target_semaphore(%run_scoped3A_83 : memref<!tpu.dma_semaphore, #tpu.memory_space<semaphore_mem>>)
      %dma_wait3A_88 = arith.constant 0 : i32
      %dma_wait3A_89 = tpu.memref_slice %arg6[%add3A_82, %dma_wait3A_88] : memref<20224x128xf32, #tpu.memory_space<hbm>> -> memref<632x128xf32, #tpu.memory_space<hbm>>
      %dma_wait3A_90 = arith.constant 0 : i32
      %dma_wait3A_91 = tpu.memref_slice %arg10[%mul3A_2, %dma_wait3A_90] : memref<10112x128xf32, #tpu.memory_space<vmem_shared>> -> memref<632x128xf32, #tpu.memory_space<vmem_shared>>
      tpu.wait_dma2 semaphore(%run_scoped3A_83 : memref<!tpu.dma_semaphore, #tpu.memory_space<semaphore_mem>>) src(%dma_wait3A_91 : memref<632x128xf32, #tpu.memory_space<vmem_shared>>) dst(%dma_wait3A_89 : memref<632x128xf32, #tpu.memory_space<hbm>>)
      tpu.yield
    }) : () -> ()
    return
  }
}

module attributes {stable_mosaic.version = 14 : i64} {
  func.func @_tc1a_body(%arg0: i32, %arg1: memref<1000x128xf32, #tpu.memory_space<vmem>>, %arg2: memref<128x128xf32, #tpu.memory_space<vmem>>, %arg3: memref<1000x128xf32, #tpu.memory_space<vmem>>) attributes {dimension_semantics = [#tpu.dimension_semantics<arbitrary>], iteration_bounds = array<i64: 10>, scalar_prefetch = 0 : i64, scratch_operands = 0 : i64, tpu.core_type = #tpu.core_type<tc>, window_params = [{transform_indices = @transform_0, window_bounds = array<i64: 1000, 128>}, {pipeline_mode = #tpu.pipeline_mode<synchronous>, transform_indices = @transform_1, window_bounds = array<i64: 128, 128>}, {transform_indices = @transform_2, window_bounds = array<i64: 1000, 128>}]} {
    %get3A = arith.constant 0 : index
    %get3A_0 = arith.constant 0 : index
    %get3A_1 = vector.load %arg1[%get3A, %get3A_0] : memref<1000x128xf32, #tpu.memory_space<vmem>>, vector<1000x128xf32>
    %get3A_2 = arith.constant 0 : index
    %get3A_3 = arith.constant 0 : index
    %get3A_4 = vector.load %arg2[%get3A_2, %get3A_3] : memref<128x128xf32, #tpu.memory_space<vmem>>, vector<128x128xf32>
    %dot_general3A = arith.constant dense<0.000000e+00> : vector<1000x128xf32>
    %dot_general3A_5 = tpu.matmul %get3A_1, %get3A_4, %dot_general3A {dimension_numbers = #tpu.dot_dimension_numbers<[1], [0], [0], [1], [0, 0, 1, 1], [], []>, transpose_lhs_hint = false} : vector<1000x128xf32>, vector<128x128xf32>, vector<1000x128xf32> -> vector<1000x128xf32>
    %swap3A = arith.constant 0 : index
    %swap3A_6 = arith.constant 0 : index
    %swap3A_7 = vector.load %arg3[%swap3A, %swap3A_6] : memref<1000x128xf32, #tpu.memory_space<vmem>>, vector<1000x128xf32>
    tpu.vector_store %arg3[%swap3A, %swap3A_6], %dot_general3A_5 {strides = array<i32>} : memref<1000x128xf32, #tpu.memory_space<vmem>>, vector<1000x128xf32>,
    return
  }
  func.func @transform_0(%arg0: i32) -> (i32, i32) {
    %c0_i32 = arith.constant 0 : i32
    %c0_i32_0 = arith.constant 0 : i32
    return %arg0, %c0_i32 : i32, i32
  }
  func.func @transform_1(%arg0: i32) -> (i32, i32) {
    %c0_i32 = arith.constant 0 : i32
    %c0_i32_0 = arith.constant 0 : i32
    %c0_i32_1 = arith.constant 0 : i32
    return %c0_i32, %c0_i32_0 : i32, i32
  }
  func.func @transform_2(%arg0: i32) -> (i32, i32) {
    %c0_i32 = arith.constant 0 : i32
    %c0_i32_0 = arith.constant 0 : i32
    return %arg0, %c0_i32 : i32, i32
  }
}

module attributes {stable_mosaic.version = 14 : i64} {
  func.func @_tc1b_body(%arg0: i32, %arg1: memref<1000x128xf32, #tpu.memory_space<vmem>>, %arg2: memref<1000x1xf32, #tpu.memory_space<vmem>>, %arg3: memref<1000x128xf32, #tpu.memory_space<vmem>>) attributes {dimension_semantics = [#tpu.dimension_semantics<arbitrary>], iteration_bounds = array<i64: 10>, scalar_prefetch = 0 : i64, scratch_operands = 0 : i64, tpu.core_type = #tpu.core_type<tc>, window_params = [{transform_indices = @transform_0, window_bounds = array<i64: 1000, 128>}, {transform_indices = @transform_1, window_bounds = array<i64: 1000, 1>}, {transform_indices = @transform_2, window_bounds = array<i64: 1000, 128>}]} {
    %get3A = arith.constant 0 : index
    %get3A_0 = arith.constant 0 : index
    %get3A_1 = vector.load %arg1[%get3A, %get3A_0] : memref<1000x128xf32, #tpu.memory_space<vmem>>, vector<1000x128xf32>
    %get3A_2 = arith.constant 0 : index
    %get3A_3 = arith.constant 0 : index
    %get3A_4 = vector.load %arg2[%get3A_2, %get3A_3] : memref<1000x1xf32, #tpu.memory_space<vmem>>, vector<1000x1xf32>
    %add3A = arith.constant 1.000000e+00 : f32
    %add3A_5 = vector.broadcast %add3A : f32 to vector<1000x1xf32>
    %add3A_6 = arith.addf %get3A_4, %add3A_5 : vector<1000x1xf32>
    %rsqrt3A = math.rsqrt %add3A_6 : vector<1000x1xf32>
    %mul3A = vector.broadcast %rsqrt3A : vector<1000x1xf32> to vector<1000x128xf32>
    %mul3A_7 = arith.mulf %get3A_1, %mul3A : vector<1000x128xf32>
    %swap3A = arith.constant 0 : index
    %swap3A_8 = arith.constant 0 : index
    %swap3A_9 = vector.load %arg3[%swap3A, %swap3A_8] : memref<1000x128xf32, #tpu.memory_space<vmem>>, vector<1000x128xf32>
    tpu.vector_store %arg3[%swap3A, %swap3A_8], %mul3A_7 {strides = array<i32>} : memref<1000x128xf32, #tpu.memory_space<vmem>>, vector<1000x128xf32>,
    return
  }
  func.func @transform_0(%arg0: i32) -> (i32, i32) {
    %c0_i32 = arith.constant 0 : i32
    %c0_i32_0 = arith.constant 0 : i32
    return %arg0, %c0_i32 : i32, i32
  }
  func.func @transform_1(%arg0: i32) -> (i32, i32) {
    %c0_i32 = arith.constant 0 : i32
    %c0_i32_0 = arith.constant 0 : i32
    return %arg0, %c0_i32 : i32, i32
  }
  func.func @transform_2(%arg0: i32) -> (i32, i32) {
    %c0_i32 = arith.constant 0 : i32
    %c0_i32_0 = arith.constant 0 : i32
    return %arg0, %c0_i32 : i32, i32
  }
}

module attributes {stable_mosaic.version = 14 : i64} {
  func.func @_tc2_body(%arg0: i32, %arg1: memref<2x1000x128xf32, #tpu.memory_space<vmem>>, %arg2: memref<1000x128xf32, #tpu.memory_space<vmem>>, %arg3: memref<1000x1xf32, #tpu.memory_space<vmem>>, %arg4: memref<1x128xf32, #tpu.memory_space<vmem>>, %arg5: memref<128x128xf32, #tpu.memory_space<vmem>>, %arg6: memref<1000x128xf32, #tpu.memory_space<vmem>>) attributes {dimension_semantics = [#tpu.dimension_semantics<arbitrary>], iteration_bounds = array<i64: 10>, scalar_prefetch = 0 : i64, scratch_operands = 0 : i64, tpu.core_type = #tpu.core_type<tc>, window_params = [{transform_indices = @transform_0, window_bounds = array<i64: 2, 1000, 128>}, {transform_indices = @transform_1, window_bounds = array<i64: 1000, 128>}, {transform_indices = @transform_2, window_bounds = array<i64: 1000, 1>}, {pipeline_mode = #tpu.pipeline_mode<synchronous>, transform_indices = @transform_3, window_bounds = array<i64: 1, 128>}, {pipeline_mode = #tpu.pipeline_mode<synchronous>, transform_indices = @transform_4, window_bounds = array<i64: 128, 128>}, {transform_indices = @transform_5, window_bounds = array<i64: 1000, 128>}]} {
    %get3A = arith.constant 0 : index
    %get3A_0 = arith.constant 0 : index
    %get3A_1 = vector.load %arg3[%get3A, %get3A_0] : memref<1000x1xf32, #tpu.memory_space<vmem>>, vector<1000x1xf32>
    %add3A = arith.constant 1.000000e+00 : f32
    %add3A_2 = vector.broadcast %add3A : f32 to vector<1000x1xf32>
    %add3A_3 = arith.addf %get3A_1, %add3A_2 : vector<1000x1xf32>
    %rsqrt3A = math.rsqrt %add3A_3 : vector<1000x1xf32>
    %get3A_4 = arith.constant 0 : index
    %get3A_5 = arith.constant 0 : index
    %get3A_6 = arith.constant 0 : index
    %get3A_7 = vector.load %arg1[%get3A_4, %get3A_5, %get3A_6] : memref<2x1000x128xf32, #tpu.memory_space<vmem>>, vector<1x1000x128xf32>
    %get3A_8 = vector.shape_cast %get3A_7 : vector<1x1000x128xf32> to vector<1000x128xf32>
    %get3A_9 = arith.constant 1 : index
    %get3A_10 = arith.constant 0 : index
    %get3A_11 = arith.constant 0 : index
    %get3A_12 = vector.load %arg1[%get3A_9, %get3A_10, %get3A_11] : memref<2x1000x128xf32, #tpu.memory_space<vmem>>, vector<1x1000x128xf32>
    %get3A_13 = vector.shape_cast %get3A_12 : vector<1x1000x128xf32> to vector<1000x128xf32>
    %add3A_14 = arith.addf %get3A_8, %get3A_13 : vector<1000x128xf32>
    %get3A_15 = arith.constant 0 : index
    %get3A_16 = arith.constant 0 : index
    %get3A_17 = vector.load %arg2[%get3A_15, %get3A_16] : memref<1000x128xf32, #tpu.memory_space<vmem>>, vector<1000x128xf32>
    %add3A_18 = arith.addf %add3A_14, %get3A_17 : vector<1000x128xf32>
    %mul3A = vector.broadcast %rsqrt3A : vector<1000x1xf32> to vector<1000x128xf32>
    %mul3A_19 = arith.mulf %add3A_18, %mul3A : vector<1000x128xf32>
    %get3A_20 = arith.constant 0 : index
    %get3A_21 = arith.constant 0 : index
    %get3A_22 = vector.load %arg4[%get3A_20, %get3A_21] : memref<1x128xf32, #tpu.memory_space<vmem>>, vector<1x128xf32>
    %add3A_23 = vector.broadcast %get3A_22 : vector<1x128xf32> to vector<1000x128xf32>
    %add3A_24 = arith.addf %mul3A_19, %add3A_23 : vector<1000x128xf32>
    %max3A = arith.constant 0.000000e+00 : f32
    %max3A_25 = vector.broadcast %max3A : f32 to vector<1000x128xf32>
    %max3A_26 = arith.maximumf %add3A_24, %max3A_25 : vector<1000x128xf32>
    %get3A_27 = arith.constant 0 : index
    %get3A_28 = arith.constant 0 : index
    %get3A_29 = vector.load %arg5[%get3A_27, %get3A_28] : memref<128x128xf32, #tpu.memory_space<vmem>>, vector<128x128xf32>
    %dot_general3A = arith.constant dense<0.000000e+00> : vector<1000x128xf32>
    %dot_general3A_30 = tpu.matmul %max3A_26, %get3A_29, %dot_general3A {dimension_numbers = #tpu.dot_dimension_numbers<[1], [0], [0], [1], [0, 0, 1, 1], [], []>, transpose_lhs_hint = false} : vector<1000x128xf32>, vector<128x128xf32>, vector<1000x128xf32> -> vector<1000x128xf32>
    %mul3A_31 = vector.broadcast %rsqrt3A : vector<1000x1xf32> to vector<1000x128xf32>
    %mul3A_32 = arith.mulf %dot_general3A_30, %mul3A_31 : vector<1000x128xf32>
    %swap3A = arith.constant 0 : index
    %swap3A_33 = arith.constant 0 : index
    %swap3A_34 = vector.load %arg6[%swap3A, %swap3A_33] : memref<1000x128xf32, #tpu.memory_space<vmem>>, vector<1000x128xf32>
    tpu.vector_store %arg6[%swap3A, %swap3A_33], %mul3A_32 {strides = array<i32>} : memref<1000x128xf32, #tpu.memory_space<vmem>>, vector<1000x128xf32>,
    return
  }
  func.func @transform_0(%arg0: i32) -> (i32, i32, i32) {
    %c0_i32 = arith.constant 0 : i32
    %c0_i32_0 = arith.constant 0 : i32
    %c0_i32_1 = arith.constant 0 : i32
    return %c0_i32, %arg0, %c0_i32_0 : i32, i32, i32
  }
  func.func @transform_1(%arg0: i32) -> (i32, i32) {
    %c0_i32 = arith.constant 0 : i32
    %c0_i32_0 = arith.constant 0 : i32
    return %arg0, %c0_i32 : i32, i32
  }
  func.func @transform_2(%arg0: i32) -> (i32, i32) {
    %c0_i32 = arith.constant 0 : i32
    %c0_i32_0 = arith.constant 0 : i32
    return %arg0, %c0_i32 : i32, i32
  }
  func.func @transform_3(%arg0: i32) -> (i32, i32) {
    %c0_i32 = arith.constant 0 : i32
    %c0_i32_0 = arith.constant 0 : i32
    %c0_i32_1 = arith.constant 0 : i32
    return %c0_i32, %c0_i32_0 : i32, i32
  }
  func.func @transform_4(%arg0: i32) -> (i32, i32) {
    %c0_i32 = arith.constant 0 : i32
    %c0_i32_0 = arith.constant 0 : i32
    %c0_i32_1 = arith.constant 0 : i32
    return %c0_i32, %c0_i32_0 : i32, i32
  }
  func.func @transform_5(%arg0: i32) -> (i32, i32) {
    %c0_i32 = arith.constant 0 : i32
    %c0_i32_0 = arith.constant 0 : i32
    return %arg0, %c0_i32 : i32, i32
  }
}

module attributes {stable_mosaic.version = 14 : i64} {
  func.func @_tc3_body(%arg0: i32, %arg1: memref<2x1000x128xf32, #tpu.memory_space<vmem>>, %arg2: memref<1000x128xf32, #tpu.memory_space<vmem>>, %arg3: memref<1000x1xf32, #tpu.memory_space<vmem>>, %arg4: memref<1x128xf32, #tpu.memory_space<vmem>>, %arg5: memref<1x1x1000xi32, #tpu.memory_space<vmem>>, %arg6: memref<128x128xf32, #tpu.memory_space<vmem>>, %arg7: memref<1x128xf32, #tpu.memory_space<vmem>>, %arg8: memref<128x128xf32, #tpu.memory_space<vmem>>, %arg9: memref<128x128xf32, #tpu.memory_space<vmem>>, %arg10: memref<128x1xf32, #tpu.memory_space<vmem>>) attributes {dimension_semantics = [#tpu.dimension_semantics<arbitrary>], iteration_bounds = array<i64: 10>, scalar_prefetch = 0 : i64, scratch_operands = 2 : i64, tpu.core_type = #tpu.core_type<tc>, window_params = [{transform_indices = @transform_0, window_bounds = array<i64: 2, 1000, 128>}, {transform_indices = @transform_1, window_bounds = array<i64: 1000, 128>}, {transform_indices = @transform_2, window_bounds = array<i64: 1000, 1>}, {pipeline_mode = #tpu.pipeline_mode<synchronous>, transform_indices = @transform_3, window_bounds = array<i64: 1, 128>}, {transform_indices = @transform_4, window_bounds = array<i64: 1, 1, 1000>}, {pipeline_mode = #tpu.pipeline_mode<synchronous>, transform_indices = @transform_5, window_bounds = array<i64: 128, 128>}, {pipeline_mode = #tpu.pipeline_mode<synchronous>, transform_indices = @transform_6, window_bounds = array<i64: 1, 128>}, {pipeline_mode = #tpu.pipeline_mode<synchronous>, transform_indices = @transform_7, window_bounds = array<i64: 128, 128>}]} {
    %eq3A = arith.constant 0 : i32
    %eq3A_0 = arith.cmpi eq, %arg0, %eq3A : i32
    %convert_element_type3A = arith.extui %eq3A_0 : i1 to i32
    %cond3A = arith.constant 0 : i32
    %cond3A_1 = arith.cmpi ne, %convert_element_type3A, %cond3A : i32
    scf.if %cond3A_1 {
      %broadcast_in_dim3A_58 = arith.constant 0.000000e+00 : f32
      %broadcast_in_dim3A_59 = vector.broadcast %broadcast_in_dim3A_58 : f32 to vector<128x128xf32>
      %swap3A_60 = arith.constant 0 : index
      %swap3A_61 = arith.constant 0 : index
      %swap3A_62 = vector.load %arg9[%swap3A_60, %swap3A_61] : memref<128x128xf32, #tpu.memory_space<vmem>>, vector<128x128xf32>
      tpu.vector_store %arg9[%swap3A_60, %swap3A_61], %broadcast_in_dim3A_59 {strides = array<i32>} : memref<128x128xf32, #tpu.memory_space<vmem>>, vector<128x128xf32>,
      %broadcast_in_dim3A_63 = arith.constant 0.000000e+00 : f32
      %broadcast_in_dim3A_64 = vector.broadcast %broadcast_in_dim3A_63 : f32 to vector<128x1xf32>
      %swap3A_65 = arith.constant 0 : index
      %swap3A_66 = arith.constant 0 : index
      %swap3A_67 = vector.load %arg10[%swap3A_65, %swap3A_66] : memref<128x1xf32, #tpu.memory_space<vmem>>, vector<128x1xf32>
      tpu.vector_store %arg10[%swap3A_65, %swap3A_66], %broadcast_in_dim3A_64 {strides = array<i32>} : memref<128x1xf32, #tpu.memory_space<vmem>>, vector<128x1xf32>,
    } else {
    }
    %get3A = arith.constant 0 : index
    %get3A_2 = arith.constant 0 : index
    %get3A_3 = vector.load %arg3[%get3A, %get3A_2] : memref<1000x1xf32, #tpu.memory_space<vmem>>, vector<1000x1xf32>
    %add3A = arith.constant 1.000000e+00 : f32
    %add3A_4 = vector.broadcast %add3A : f32 to vector<1000x1xf32>
    %add3A_5 = arith.addf %get3A_3, %add3A_4 : vector<1000x1xf32>
    %rsqrt3A = math.rsqrt %add3A_5 : vector<1000x1xf32>
    %get3A_6 = arith.constant 0 : index
    %get3A_7 = arith.constant 0 : index
    %get3A_8 = arith.constant 0 : index
    %get3A_9 = vector.load %arg1[%get3A_6, %get3A_7, %get3A_8] : memref<2x1000x128xf32, #tpu.memory_space<vmem>>, vector<1x1000x128xf32>
    %get3A_10 = vector.shape_cast %get3A_9 : vector<1x1000x128xf32> to vector<1000x128xf32>
    %get3A_11 = arith.constant 1 : index
    %get3A_12 = arith.constant 0 : index
    %get3A_13 = arith.constant 0 : index
    %get3A_14 = vector.load %arg1[%get3A_11, %get3A_12, %get3A_13] : memref<2x1000x128xf32, #tpu.memory_space<vmem>>, vector<1x1000x128xf32>
    %get3A_15 = vector.shape_cast %get3A_14 : vector<1x1000x128xf32> to vector<1000x128xf32>
    %add3A_16 = arith.addf %get3A_10, %get3A_15 : vector<1000x128xf32>
    %get3A_17 = arith.constant 0 : index
    %get3A_18 = arith.constant 0 : index
    %get3A_19 = vector.load %arg2[%get3A_17, %get3A_18] : memref<1000x128xf32, #tpu.memory_space<vmem>>, vector<1000x128xf32>
    %add3A_20 = arith.addf %add3A_16, %get3A_19 : vector<1000x128xf32>
    %mul3A = vector.broadcast %rsqrt3A : vector<1000x1xf32> to vector<1000x128xf32>
    %mul3A_21 = arith.mulf %add3A_20, %mul3A : vector<1000x128xf32>
    %get3A_22 = arith.constant 0 : index
    %get3A_23 = arith.constant 0 : index
    %get3A_24 = vector.load %arg4[%get3A_22, %get3A_23] : memref<1x128xf32, #tpu.memory_space<vmem>>, vector<1x128xf32>
    %add3A_25 = vector.broadcast %get3A_24 : vector<1x128xf32> to vector<1000x128xf32>
    %add3A_26 = arith.addf %mul3A_21, %add3A_25 : vector<1000x128xf32>
    %max3A = arith.constant 0.000000e+00 : f32
    %max3A_27 = vector.broadcast %max3A : f32 to vector<1000x128xf32>
    %max3A_28 = arith.maximumf %add3A_26, %max3A_27 : vector<1000x128xf32>
    %iota3A = tpu.iota {dimensions = array<i32: 0>} : vector<128x1000xi32>
    %get3A_29 = arith.constant 0 : index
    %get3A_30 = arith.constant 0 : index
    %get3A_31 = arith.constant 0 : index
    %get3A_32 = vector.load %arg5[%get3A_29, %get3A_30, %get3A_31] : memref<1x1x1000xi32, #tpu.memory_space<vmem>>, vector<1x1x1000xi32>
    %get3A_33 = vector.shape_cast %get3A_32 : vector<1x1x1000xi32> to vector<1x1000xi32>
    %eq3A_34 = vector.broadcast %get3A_33 : vector<1x1000xi32> to vector<128x1000xi32>
    %eq3A_35 = arith.cmpi eq, %iota3A, %eq3A_34 : vector<128x1000xi32>
    %convert_element_type3A_36 = arith.extui %eq3A_35 : vector<128x1000xi1> to vector<128x1000xi32>
    %convert_element_type3A_37 = arith.sitofp %convert_element_type3A_36 : vector<128x1000xi32> to vector<128x1000xf32>
    %get3A_38 = arith.constant 0 : index
    %get3A_39 = arith.constant 0 : index
    %get3A_40 = vector.load %arg9[%get3A_38, %get3A_39] : memref<128x128xf32, #tpu.memory_space<vmem>>, vector<128x128xf32>
    %dot_general3A = arith.constant dense<0.000000e+00> : vector<128x128xf32>
    %dot_general3A_41 = tpu.matmul %convert_element_type3A_37, %max3A_28, %dot_general3A {dimension_numbers = #tpu.dot_dimension_numbers<[1], [0], [0], [1], [0, 0, 1, 1], [], []>, transpose_lhs_hint = false} : vector<128x1000xf32>, vector<1000x128xf32>, vector<128x128xf32> -> vector<128x128xf32>
    %add3A_42 = arith.addf %get3A_40, %dot_general3A_41 : vector<128x128xf32>
    %swap3A = arith.constant 0 : index
    %swap3A_43 = arith.constant 0 : index
    %swap3A_44 = vector.load %arg9[%swap3A, %swap3A_43] : memref<128x128xf32, #tpu.memory_space<vmem>>, vector<128x128xf32>
    tpu.vector_store %arg9[%swap3A, %swap3A_43], %add3A_42 {strides = array<i32>} : memref<128x128xf32, #tpu.memory_space<vmem>>, vector<128x128xf32>,
    %get3A_45 = arith.constant 0 : index
    %get3A_46 = arith.constant 0 : index
    %get3A_47 = vector.load %arg10[%get3A_45, %get3A_46] : memref<128x1xf32, #tpu.memory_space<vmem>>, vector<128x1xf32>
    %reduce_sum3A = arith.constant dense<0.000000e+00> : vector<128xf32>
    %reduce_sum3A_48 = vector.multi_reduction <add>, %convert_element_type3A_37, %reduce_sum3A [1] : vector<128x1000xf32> to vector<128xf32>
    %broadcast_in_dim3A = vector.shape_cast %reduce_sum3A_48 : vector<128xf32> to vector<128x1xf32>
    %add3A_49 = arith.addf %get3A_47, %broadcast_in_dim3A : vector<128x1xf32>
    %swap3A_50 = arith.constant 0 : index
    %swap3A_51 = arith.constant 0 : index
    %swap3A_52 = vector.load %arg10[%swap3A_50, %swap3A_51] : memref<128x1xf32, #tpu.memory_space<vmem>>, vector<128x1xf32>
    tpu.vector_store %arg10[%swap3A_50, %swap3A_51], %add3A_49 {strides = array<i32>} : memref<128x1xf32, #tpu.memory_space<vmem>>, vector<128x1xf32>,
    %eq3A_53 = arith.constant 9 : i32
    %eq3A_54 = arith.cmpi eq, %arg0, %eq3A_53 : i32
    %convert_element_type3A_55 = arith.extui %eq3A_54 : i1 to i32
    %cond3A_56 = arith.constant 0 : i32
    %cond3A_57 = arith.cmpi ne, %convert_element_type3A_55, %cond3A_56 : i32
    scf.if %cond3A_57 {
      %get3A_58 = arith.constant 0 : index
      %get3A_59 = arith.constant 0 : index
      %get3A_60 = vector.load %arg9[%get3A_58, %get3A_59] : memref<128x128xf32, #tpu.memory_space<vmem>>, vector<128x128xf32>
      %get3A_61 = arith.constant 0 : index
      %get3A_62 = arith.constant 0 : index
      %get3A_63 = vector.load %arg10[%get3A_61, %get3A_62] : memref<128x1xf32, #tpu.memory_space<vmem>>, vector<128x1xf32>
      %max3A_64 = arith.constant 1.000000e+00 : f32
      %max3A_65 = vector.broadcast %max3A_64 : f32 to vector<128x1xf32>
      %max3A_66 = arith.maximumf %get3A_63, %max3A_65 : vector<128x1xf32>
      %div3A = vector.broadcast %max3A_66 : vector<128x1xf32> to vector<128x128xf32>
      %div3A_67 = arith.divf %get3A_60, %div3A : vector<128x128xf32>
      %get3A_68 = arith.constant 0 : index
      %get3A_69 = arith.constant 0 : index
      %get3A_70 = vector.load %arg6[%get3A_68, %get3A_69] : memref<128x128xf32, #tpu.memory_space<vmem>>, vector<128x128xf32>
      %dot_general3A_71 = arith.constant dense<0.000000e+00> : vector<128x128xf32>
      %dot_general3A_72 = tpu.matmul %div3A_67, %get3A_70, %dot_general3A_71 {dimension_numbers = #tpu.dot_dimension_numbers<[1], [0], [0], [1], [0, 0, 1, 1], [], []>, transpose_lhs_hint = false} : vector<128x128xf32>, vector<128x128xf32>, vector<128x128xf32> -> vector<128x128xf32>
      %get3A_73 = arith.constant 0 : index
      %get3A_74 = arith.constant 0 : index
      %get3A_75 = vector.load %arg7[%get3A_73, %get3A_74] : memref<1x128xf32, #tpu.memory_space<vmem>>, vector<1x128xf32>
      %add3A_76 = vector.broadcast %get3A_75 : vector<1x128xf32> to vector<128x128xf32>
      %add3A_77 = arith.addf %dot_general3A_72, %add3A_76 : vector<128x128xf32>
      %swap3A_78 = arith.constant 0 : index
      %swap3A_79 = arith.constant 0 : index
      %swap3A_80 = vector.load %arg8[%swap3A_78, %swap3A_79] : memref<128x128xf32, #tpu.memory_space<vmem>>, vector<128x128xf32>
      tpu.vector_store %arg8[%swap3A_78, %swap3A_79], %add3A_77 {strides = array<i32>} : memref<128x128xf32, #tpu.memory_space<vmem>>, vector<128x128xf32>,
    } else {
    }
    return
  }
  func.func @transform_0(%arg0: i32) -> (i32, i32, i32) {
    %c0_i32 = arith.constant 0 : i32
    %c0_i32_0 = arith.constant 0 : i32
    %c0_i32_1 = arith.constant 0 : i32
    return %c0_i32, %arg0, %c0_i32_0 : i32, i32, i32
  }
  func.func @transform_1(%arg0: i32) -> (i32, i32) {
    %c0_i32 = arith.constant 0 : i32
    %c0_i32_0 = arith.constant 0 : i32
    return %arg0, %c0_i32 : i32, i32
  }
  func.func @transform_2(%arg0: i32) -> (i32, i32) {
    %c0_i32 = arith.constant 0 : i32
    %c0_i32_0 = arith.constant 0 : i32
    return %arg0, %c0_i32 : i32, i32
  }
  func.func @transform_3(%arg0: i32) -> (i32, i32) {
    %c0_i32 = arith.constant 0 : i32
    %c0_i32_0 = arith.constant 0 : i32
    %c0_i32_1 = arith.constant 0 : i32
    return %c0_i32, %c0_i32_0 : i32, i32
  }
  func.func @transform_4(%arg0: i32) -> (i32, i32, i32) {
    %c0_i32 = arith.constant 0 : i32
    %c0_i32_0 = arith.constant 0 : i32
    %c0_i32_1 = arith.constant 0 : i32
    return %arg0, %c0_i32, %c0_i32_0 : i32, i32, i32
  }
  func.func @transform_5(%arg0: i32) -> (i32, i32) {
    %c0_i32 = arith.constant 0 : i32
    %c0_i32_0 = arith.constant 0 : i32
    %c0_i32_1 = arith.constant 0 : i32
    return %c0_i32, %c0_i32_0 : i32, i32
  }
  func.func @transform_6(%arg0: i32) -> (i32, i32) {
    %c0_i32 = arith.constant 0 : i32
    %c0_i32_0 = arith.constant 0 : i32
    %c0_i32_1 = arith.constant 0 : i32
    return %c0_i32, %c0_i32_0 : i32, i32
  }
  func.func @transform_7(%arg0: i32) -> (i32, i32) {
    %c0_i32 = arith.constant 0 : i32
    %c0_i32_0 = arith.constant 0 : i32
    %c0_i32_1 = arith.constant 0 : i32
    return %c0_i32, %c0_i32_0 : i32, i32
  }
}

</mosaic_0001>

<sc_bundles>
// kernel: kernel.12.cloned.1.call-start
scs
__scs_entry_jumppad:
0x0: {  	(pc) =	sbr.rel $0x88, $3  }
0x1: {  	(tag) =	ssettag $0x0;
	lr =	simm.s32 $0x1  }
0x2: {  	[smem:$0x3F98] =	sst lr;
	_ =	strace $0xD0000000  }
0x3: {  	_ = 	snop  }
0x4: {  	_ = 	snop  }
0x5: {  	_ = 	snop  }
0x6: {  	_ = 	snop  }
0x7: {  	_ = 	snop  }
__scs_overlays_trampoline_lowered:
0x8: {  	[smem:$0x3FA7] =	sst s0  }
0x9: {  	[smem:$0x3FA8] =	sst s1  }
0xa: {  	[smem:$0x3FA9] =	sst s2  }
0xb: {  	[smem:$0x3FAA] =	sst s3  }
0xc: {  	[smem:$0x3FAB] =	sst s4  }
0xd: {  	[smem:$0x3FAC] =	sst s5  }
0xe: {  	[smem:$0x3FAD] =	sst s6  }
0xf: {  	[smem:$0x3FAE] =	sst s7  }
0x10: {  	[smem:$0x3FAF] =	sst s8  }
0x11: {  	[smem:$0x3FB0] =	sst s9;
	s0 =	simm.s32 @!p0 $0x0  }
0x12: {  	s1 =	sld [smem:$0x3F96];
	s0 =	simm.s32 @p0 $0x1  }
0x13: {  	[smem:$0x3FB1] =	sst s0;
	s0 =	simm.s32 @!p1 $0x0  }
0x14: {  	s2 =	sld [smem:$0x3F95];
	s0 =	simm.s32 @p1 $0x1  }
0x15: {  	[smem:$0x3FB2] =	sst s0;
	s0 =	simm.s32 @!p2 $0x0  }
0x16: {  	s3 =	sld [smem:$0x3FDB];
	s0 =	simm.s32 @p2 $0x1  }
0x17: {  	s4 =	simm.s32 $0x1BF5;
	[smem:$0x3FB4] =	sst s0  }
0x18: {  	s0 =	sld [smem:$0x3F97];
	_ =	swait.ge [sflag:s4], $0x0  }
0x19: {  	s7 =	sld [smem:$0x3F98]  }
0x1a: {  	s8 =	sadd.s32 $0xFFFFE003, lr  }
0x1b: {  	s9 =	sadd.s32 $0xFFFFFEF7, lr;
	s5 =	simm.s32 $0xFFFFFFFF;
	p2 =	slt.u32 s8, $0xFFFFF086  }
0x1c: {  	p1 =	slt.u32 s9, $0xF7A;
	s5 =	simm.s32 @!p2 $0x0  }
0x1d: {  	s5 =	simm.s32 @p1 $0x1;
	p0 =	seq.s32 s7, s2  }
0x1e: {  	s7 =	smul.u32 @!p0 $0xF7A, s2;
	p2 =	seq.s32 @!p0 s5, $0x0  }
0x1f: {  	s9 =	smul.u32 $0xF7A, s1;
	s8 =	simm.s32 @!p0 $0x1BF5;
	p2 =	por !p2, p0  }
0x20: {  	[sflag:s8] =	ssyncset.s32 @!p0 $0xFFFFF086;
	s6 =	sadd.s32 @!p0 s3, s7;
	s7 =	simm.s32 @!p0 $0x108  }
0x21: {  	s3 =	sadd.s32 s3, s9;
	s6 =	sadd.s32 @!p0 $0x88, s6;
	s7 =	simm.s32 @p2 $0x1082  }
0x22: {  	[simem:s7], [sflag:s8] =	dma.local @!p0 [hbm:s6], $0xF7A  }
0x23: {  	s9 =	sor.u32 $0xD0000000, s2;
	s6 =	simm.s32 $0x108;
	_ =	swait.ge @!p0 [sflag:s8], $0x0  }
0x24: {  	s3 =	sadd.s32 $0x88, s3;
	s6 =	simm.s32 @!p1 $0x1082;
	[sflag:s4] =	ssyncset.s32 $0xFFFFF086  }
0x25: {  	[simem:s6], [sflag:s4] =	dma.local [hbm:s3], $0xF7A  }
0x26: {  	[smem:$0x3F98] =	sst s1;
	(tag) =	ssettag s2;
	_ =	strace s9  }
0x27: {  	s1 =	sld [smem:$0x3FA8]  }
0x28: {  	s2 =	sld [smem:$0x3FA9]  }
0x29: {  	s4 =	sld [smem:$0x3FAB]  }
0x2a: {  	p0 =	seq.s32 s5, $0x0;
	s5 =	sld [smem:$0x3FAC]  }
0x2b: {  	s6 =	sld [smem:$0x3FAD]  }
0x2c: {  	s7 =	sld [smem:$0x3FAE]  }
0x2d: {  	s3 =	simm.s32 $0x108;
	s8 =	sld [smem:$0x3FAF]  }
0x2e: {  	s3 =	simm.s32 @!p0 $0x1082;
	s9 =	sld [smem:$0x3FB0]  }
0x2f: {  	lr =	sadd.s32 s0, s3;
	s0 =	sld [smem:$0x3FA7]  }
0x30: {  	s3 =	sld [smem:$0x3FAA]  }
0x31: {  	[smem:$0x3FB3] =	sst s10  }
0x32: {  	s10 =	sld [smem:$0x3FB1];
	_ =	sdelay $0x3  }
0x33: {  	p0 =	seq.s32 s10, $0x1;
	s10 =	sld [smem:$0x3FB3];
	_ =	sdelay $0x3  }
0x34: {  	[smem:$0x3FB3] =	sst s10  }
0x35: {  	s10 =	sld [smem:$0x3FB2];
	_ =	sdelay $0x3  }
0x36: {  	p1 =	seq.s32 s10, $0x1;
	s10 =	sld [smem:$0x3FB3];
	_ =	sdelay $0x3  }
0x37: {  	[smem:$0x3FB3] =	sst s10  }
0x38: {  	s10 =	sld [smem:$0x3FB4]  }
0x39: {  	_ = 	snop;
	(pc) =	sbr.ind lr, $3  }
0x3a: {  	_ = 	snop  }
0x3b: {  	_ = 	snop  }
0x3c: {  	p2 =	seq.s32 s10, $0x1;
	s10 =	sld [smem:$0x3FB3]  }
0x3d: {  	_ =	shalt  }
0x3e: {  	_ =	shalt  }
0x3f: {  	_ =	shalt  }
0x40: {  	_ =	shalt  }
0x41: {  	_ =	shalt  }
0x42: {  	_ =	shalt  }
0x43: {  	_ =	shalt  }
0x44: {  	_ =	shalt  }
0x45: {  	_ =	shalt  }
0x46: {  	_ =	shalt  }
0x47: {  	_ =	shalt  }
0x48: {  	_ =	shalt  }
0x49: {  	_ =	shalt  }
0x4a: {  	_ =	shalt  }
0x4b: {  	_ =	shalt  }
0x4c: {  	_ =	shalt  }
0x4d: {  	_ =	shalt  }
0x4e: {  	_ =	shalt  }
0x4f: {  	_ =	shalt  }
0x50: {  	_ =	shalt  }
0x51: {  	_ =	shalt  }
0x52: {  	_ =	shalt  }
0x53: {  	_ =	shalt  }
0x54: {  	_ =	shalt  }
0x55: {  	_ =	shalt  }
0x56: {  	_ =	shalt  }
0x57: {  	_ =	shalt  }
0x58: {  	_ =	shalt  }
0x59: {  	_ =	shalt  }
0x5a: {  	_ =	shalt  }
0x5b: {  	_ =	shalt  }
0x5c: {  	_ =	shalt  }
0x5d: {  	_ =	shalt  }
0x5e: {  	_ =	shalt  }
0x5f: {  	_ =	shalt  }
0x60: {  	_ =	shalt  }
0x61: {  	_ =	shalt  }
0x62: {  	_ =	shalt  }
0x63: {  	_ =	shalt  }
0x64: {  	_ =	shalt  }
0x65: {  	_ =	shalt  }
0x66: {  	_ =	shalt  }
0x67: {  	_ =	shalt  }
0x68: {  	_ =	shalt  }
0x69: {  	_ =	shalt  }
0x6a: {  	_ =	shalt  }
0x6b: {  	_ =	shalt  }
0x6c: {  	_ =	shalt  }
0x6d: {  	_ =	shalt  }
0x6e: {  	_ =	shalt  }
0x6f: {  	_ =	shalt  }
0x70: {  	_ =	shalt  }
0x71: {  	_ =	shalt  }
0x72: {  	_ =	shalt  }
0x73: {  	_ =	shalt  }
0x74: {  	_ =	shalt  }
0x75: {  	_ =	shalt  }
0x76: {  	_ =	shalt  }
0x77: {  	_ =	shalt  }
0x78: {  	_ =	shalt  }
0x79: {  	_ =	shalt  }
0x7a: {  	_ =	shalt  }
0x7b: {  	_ =	shalt  }
0x7c: {  	_ =	shalt  }
0x7d: {  	_ =	shalt  }
0x7e: {  	_ =	shalt  }
0x7f: {  	_ =	shalt  }
0x80: {  	_ =	shalt  }
0x81: {  	_ =	shalt  }
0x82: {  	_ =	shalt  }
0x83: {  	_ =	shalt  }
0x84: {  	_ =	shalt  }
0x85: {  	_ =	shalt  }
0x86: {  	_ =	shalt  }
0x87: {  	_ =	shalt  }
.Lfunc_end0:
.L_simem_size_0:
called_computation.1_lowered:
.L_overlay_start_0:
0x88: {  	s2 =	sld [smem:$0x3FD9]  }
0x89: {  	s3 =	sld [smem:$0x3FFE];
	_ =	sdelay $0x1  }
0x8a: {  	s1 =	srdreg.scid  }
0x8b: {  	s0 =	sand.u32 $0x1, s1  }
0x8c: {  	s17 =	sshll.u32 s0, $0xA;
	s2 =	sadd.s32 s3, s2  }
0x8d: {  	s2 =	sadd.s32 s2, s17  }
0x8e: {  	[smem:$0x3FBF] =	sst s2  }
0x8f: {  	_ = 	snop  }
0x90: {  	s2 =	sld [smem:$0x3FD0];
	(tm) =	ssettm $0x1  }
0x91: {  	s18 =	sld [smem:$0x3FFB];
	_ =	sdelay $0x3  }
0x92: {  	_ =	strace s18  }
0x93: {  	s3 =	sld [smem:$0x3FFC];
	_ =	sdelay $0x3  }
0x94: {  	_ =	strace s3  }
0x95: {  	s3 =	sld [smem:$0x3FFD];
	_ =	sdelay $0x3  }
0x96: {  	_ =	strace s3  }
0x97: {  	_ =	strace $0x8FFFFFFF  }
0x98: {  	s19 =	sld [smem:$0x3FDB];
	_ =	sdelay $0x1  }
0x99: {  	s4 =	simm.s32 $_scs_section_size  }
0x9a: {  	s5 =	simm.s32 $_size__tile_overlayer_lowered;
	s6 =	simm.s32 $_tile_overlayer_lowered  }
0x9b: {  	s22 =	simm.s32 $0x1BFF;
	s21 =	sshll.u32 s6, $0x1;
	s3 =	sadd.s32 s4, s19  }
0x9c: {  	s7 =	simm.s32 $0x0;
	s20 =	sshll.u32 s5, $0x1;
	s5 =	sadd.s32 s21, s3  }
0x9d: {  	[timem:s7], [sflag:s22] =	dma.local [hbm:s5], s20  }
0x9e: {  	_ =	swait.ge [sflag:s22], s20  }
0x9f: {  	s4 =	ssub.s32 $0x0, s20;
	[sflag:s22] =	ssyncset.done $0x0  }
0xa0: {  	[sflag:s22] =	ssyncadd.s32 s4;
	_ =	sdelay $0x1  }
0xa1: {  	s23 =	simm.s32 $0x1B8B  }
0xa2: {  	_ =	swait.ge [sflag:s23], $0x1  }
0xa3: {  	[sflag:s23] =	ssyncset.done $0x0  }
0xa4: {  	s25 =	simm.s32 $0x1B8E;
	s24 =	sld [smem:$0x3FFE];
	[sflag:s23] =	ssyncadd.s32 $0xFFFFFFFF  }
0xa5: {  	s26 =	simm.s32 $execute0_lowered;
	[smem:$0x3FD2] =	sst s25  }
0xa6: {  	s5 =	sshll.u32 s26, $0x1;
	_ =	strace $0x80000049;
	[dreg:$0x1] =	wrdreg $0xFFFFFFFF  }
0xa7: {  	s28 =	simm.s32 $_size_execute0_lowered;
	s3 =	sadd.s32 s3, s5;
	[dreg:$0x0] =	wrdreg $0x0  }
0xa8: {  	s5 =	sshll.u32 s28, $0x1;
	[dreg:$0x2] =	wrdreg s3  }
0xa9: {  	[dreg:$0x3] =	wrdreg s5  }
0xaa: {  	[dreg:$0x4] =	wrdreg $0xC0  }
0xab: {  	_ =	task [dreg:s7], $0x5FFFF  }
0xac: {  	[dreg:$0x1] =	wrdreg $0xFFFFFFFF  }
0xad: {  	[dreg:$0x0] =	wrdreg $0x60  }
0xae: {  	[dreg:$0x2] =	wrdreg s24  }
0xaf: {  	[dreg:$0x3] =	wrdreg s2  }
0xb0: {  	[dreg:$0x4] =	wrdreg $0x90000  }
0xb1: {  	[dreg:$0x5] =	wrdreg $0x9  }
0xb2: {  	_ =	task.clear_ibuf [dreg:s7], $0x6FFFF;
	_ =	strace $0x90000049  }
0xb3: {  	s29 =	simm.s32 $0x9;
	_ =	strace $0x8000004B  }
0xb4: {  	_ =	swait.ge [sflag:s29], $0x1  }
0xb5: {  	[sflag:s29] =	ssyncadd.s32 $0xFFFFFFFF  }
0xb6: {  	_ =	strace $0x9000004B  }
0xb7: {  	_ =	sfence  }
0xb8: {  	s30 =	sld [smem:$0x0];
	_ =	sdelay $0x2  }
0xb9: {  	s31 =	sshll.u32 s1, $0xD;
	s1 =	sshrl.u32 s1, $0x2  }
0xba: {  	s3 =	sand.u32 $0x4000, s31;
	s1 =	sadd.s32 s1, s30  }
0xbb: {  	s0 =	sor.u32 s3, s0;
	s1 =	sshll.u32 s1, $0x11  }
0xbc: {  	s0 =	sor.u32 s1, s0  }
0xbd: {  	s0 =	sadd.s32 $0x8F2B, s0  }
0xbe: {  	[sflag:s0] =	ssyncadd.remote.s32 $0x1  }
0xbf: {  	_ =	sfence.sel $0xFFFF  }
0xc0: {  	[dreg:$0x0] =	wrdreg $0xFFFFFFFF;
	(pc) =	sbr.abs _section_cstart, $3  }
0xc1: {  	[dreg:$0x1] =	wrdreg $0xFFFFFFFF  }
0xc2: {  	_ =	task.clear_ibuf [dreg:s7], $0x2FFFF;
	_ =	strace $0x9FFFFFFF  }
0xc3: {  	(tm) =	ssettm $0x7FFFFFFF  }
tec
execute0_lowered:
.L_overlay_start_1:
0x0: {  	(tag) =	ssettag $0x1  }
0x1: {  	s0 =	rddreg [dreg:$0x0]  }
0x2: {  	s3 =	rddreg [dreg:$0x2];
	s1 =	srdreg.scid  }
0x3: {  	s12 =	stileid.u32;
	s4 =	simm.s32 $0x0;
	s9 =	simm.s32 $0x100  }
0x4: {  	s23 =	simm.s32 $0x880;
	s24 =	simm.s32 $0x180;
	[smem:$0x7FF] =	sst s4  }
0x5: {  	s26 =	simm.s32 $0x900;
	_ =	strace $0x8000004A;
	[dreg:$0x4] =	wrdreg s9  }
0x6: {  	s13 =	simm.s32 $0x200;
	s15 =	simm.s32 $0x980;
	[dreg:$0x5] =	wrdreg s23  }
0x7: {  	s17 =	simm.s32 $0x280;
	s19 =	simm.s32 $0xA00;
	[dreg:$0x6] =	wrdreg s24  }
0x8: {  	s28 =	simm.s32 $0x2;
	s29 =	simm.s32 $0x4;
	[dreg:$0x7] =	wrdreg s26  }
0x9: {  	s30 =	simm.s32 $0x400;
	s1 =	sand.u32 $0x1, s1;
	[dreg:$0x8] =	wrdreg s13  }
0xa: {  	s2 =	smul.u32 $0x2780, s12;
	s5 =	sadd.s32 $0x16C00, s0;
	[dreg:$0x9] =	wrdreg s15  }
0xb: {  	s6 =	sadd.s32 $0xCC00, s0;
	s10 =	smul.u32 $0x4F000, s12;
	[dreg:$0xa] =	wrdreg s17  }
0xc: {  	s7 =	smul.u32 $0x27800, s1;
	[dreg:$0xb] =	wrdreg s19;
	s23 =	simm.s32 $0xA80  }
0xd: {  	s8 =	ssub.s32 $0x2, s1;
	s24 =	simm.s32 $0x380;
	[dreg:$0xd] =	wrdreg s23  }
0xe: {  	s22 =	sshll.u32 s1, $0x4;
	s26 =	simm.s32 $0xB00;
	[dreg:$0xe] =	wrdreg s24  }
0xf: {  	s13 =	simm.s32 $0x480;
	s1 =	smul.u32 $0x28000, s1;
	[dreg:$0xf] =	wrdreg s26  }
0x10: {  	s15 =	smul.u32 $0x2800, s12;
	s17 =	simm.s32 $0x580;
	[dreg:$0x11] =	wrdreg s13  }
0x11: {  	s19 =	simm.s32 $0x600;
	s21 =	sshrl.u32 s8, $0x1;
	[dreg:$0x14] =	wrdreg s17  }
0x12: {  	s11 =	sor.u32 s12, s22;
	s25 =	sshrl.u32 s10, $0x2;
	[dreg:$0x16] =	wrdreg s19  }
0x13: {  	s23 =	simm.s32 $0x700;
	s24 =	simm.s32 $0xE80;
	s26 =	simm.s32 $0xF00  }
0x14: {  	s2 =	sadd.s32 s2, s7;
	s7 =	sadd.s32 $0x2C00, s0;
	[dreg:$0x1a] =	wrdreg s23  }
0x15: {  	s20 =	smul.u32 $0x2800, s11;
	s11 =	simm.s32 $0xB80;
	[dreg:$0x1b] =	wrdreg s24  }
0x16: {  	[dreg:$0x1d] =	wrdreg s26;
	s0 =	sadd.s32 s2, s0;
	s2 =	ssub.s32 s8, s21  }
0x17: {  	s8 =	sadd.s32 s25, s3;
	s21 =	simm.s32 $0x300;
	[dreg:$0x10] =	wrdreg s11  }
0x18: {  	s31 =	simm.s32 $0xC00;
	s14 =	sadd.s32 $0x4000, s8;
	[dreg:$0xc] =	wrdreg s21  }
0x19: {  	s1 =	sadd.s32 s15, s1;
	s16 =	sadd.s32 $0x8000, s8;
	[dreg:$0x1e] =	wrdreg s14  }
0x1a: {  	s23 =	simm.s32 $0x80;
	s18 =	sadd.s32 $0xC000, s8;
	[dreg:$0x1f] =	wrdreg s16  }
0x1b: {  	s24 =	simm.s32 $0x5000;
	s22 =	sadd.s32 $0x10000, s8;
	[smem:$0x7F8] =	sst s18  }
0x1c: {  	s26 =	simm.s32 $0x3;
	s0 =	sadd.s32 $0x3DE00, s0;
	[smem:$0x7F9] =	sst s22  }
0x1d: {  	s11 =	sadd.s32 $0x800, s1;
	s2 =	smax.u32 s2, $0x1;
	[smem:$0x7FC] =	sst s0  }
0x1e: {  	s10 =	sshrl.u32 s20, $0x3;
	s20 =	simm.s32 $0xD80;
	[smem:$0x7FD] =	sst s2  }
0x1f: {  	s1 =	sor.u32 $0x400, s1;
	s21 =	simm.s32 $0x680;
	[dreg:$0x17] =	wrdreg s20  }
0x20: {  	s1 =	sshrl.u32 s1, $0x3;
	s25 =	sadd.s32 s6, s10;
	[dreg:$0x18] =	wrdreg s21  }
0x21: {  	s10 =	sadd.s32 s7, s10;
	s14 =	simm.s32 $0x500;
	[smem:$0x7FA] =	sst s25  }
0x22: {  	s16 =	simm.s32 $0xC80;
	s18 =	simm.s32 $0xD00;
	[smem:$0x7FB] =	sst s10  }
0x23: {  	s22 =	simm.s32 $0xE00;
	s19 =	sadd.s32 s1, s6;
	[dreg:$0x12] =	wrdreg s14  }
0x24: {  	s20 =	simm.s32 $0x1000;
	s21 =	simm.s32 $0x7;
	[dreg:$0x13] =	wrdreg s16  }
0x25: {  	s0 =	simm.s32 $0x6;
	[dreg:$0x15] =	wrdreg s18;
	s18 =	sadd.s32 s1, s7  }
0x26: {  	[dreg:$0x19] =	wrdreg s22;
	s25 =	simm.s32 $0x780;
	s22 =	simm.s32 $0x800  }
0x27: {  	s1 =	simm.s32 $0x0;
	[dreg:$0x1c] =	wrdreg s25;
	s25 =	simm.s32 $0x1  }
.LBB2_1:
0x28: {  	s2 =	rddreg [dreg:$0x1]  }
0x29: {  	[tilespmem:s20], [sflag:$0x7] =	stream.linear.gather [hbm4b:s2+s4], $0x4000, $0x38;
	[tilespmem:$0x1CC00] =	vst v63  }
0x2a: {  	_ =	swait.ge [sflag:s21], $0x4000  }
0x2b: {  	[sflag:s21] =	ssyncset.done $0x0  }
0x2c: {  	[sflag:s21] =	ssyncadd.s32 $0xFFFFC000  }
0x2d: {  	[spmem:s8] =	stream.linear.scatter [tilespmem:s20], [sflag:$0x7], $0x4000, $0x38;
	[tilespmem:$0x1CC00] =	vst v63  }
0x2e: {  	_ =	swait.ge [sflag:s21], $0x4000  }
0x2f: {  	[sflag:s21] =	ssyncset.done $0x0  }
0x30: {  	s17 =	rddreg [dreg:$0x1e];
	[sflag:s21] =	ssyncadd.s32 $0xFFFFC000  }
0x31: {  	[spmem:s17] =	stream.linear.scatter [tilespmem:s20], [sflag:$0x7], $0x4000, $0x38;
	[tilespmem:$0x1CC00] =	vst v63  }
0x32: {  	_ =	swait.ge [sflag:s21], $0x4000  }
0x33: {  	[sflag:s21] =	ssyncset.done $0x0  }
0x34: {  	s9 =	rddreg [dreg:$0x1f];
	[sflag:s21] =	ssyncadd.s32 $0xFFFFC000  }
0x35: {  	[spmem:s9] =	stream.linear.scatter [tilespmem:s20], [sflag:$0x7], $0x4000, $0x38;
	[tilespmem:$0x1CC00] =	vst v63  }
0x36: {  	_ =	swait.ge [sflag:s21], $0x4000  }
0x37: {  	s10 =	sld [smem:$0x7F8]  }
0x38: {  	[sflag:s21] =	ssyncset.done $0x0  }
0x39: {  	[sflag:s21] =	ssyncadd.s32 $0xFFFFC000  }
0x3a: {  	[spmem:s10] =	stream.linear.scatter [tilespmem:s20], [sflag:$0x7], $0x4000, $0x38;
	[tilespmem:$0x1CC00] =	vst v63  }
0x3b: {  	_ =	swait.ge [sflag:s21], $0x4000  }
0x3c: {  	s12 =	sld [smem:$0x7F9]  }
0x3d: {  	[sflag:s21] =	ssyncset.done $0x0  }
0x3e: {  	[sflag:s21] =	ssyncadd.s32 $0xFFFFC000  }
0x3f: {  	[spmem:s12] =	stream.linear.scatter [tilespmem:s20], [sflag:$0x7], $0x3C00, $0x38;
	[tilespmem:$0x1CC00] =	vst v63  }
0x40: {  	_ =	swait.ge [sflag:s21], $0x3C00  }
0x41: {  	s13 =	sld [smem:$0x7FA]  }
0x42: {  	[sflag:s21] =	ssyncset.done $0x0  }
0x43: {  	[sflag:s21] =	ssyncadd.s32 $0xFFFFC400  }
0x44: {  	[tilespmem:s4], [sflag:$0x7] =	stream.linear.gather [hbm4b:s13+s4], $0x400, $0x38;
	[tilespmem:$0x1CC00] =	vst v63  }
0x45: {  	_ =	swait.ge [sflag:s21], $0x400  }
0x46: {  	s14 =	sld [smem:$0x7FB]  }
0x47: {  	[sflag:s21] =	ssyncset.done $0x0  }
0x48: {  	[sflag:s21] =	ssyncadd.s32 $0xFFFFFC00  }
0x49: {  	[tilespmem:s22], [sflag:$0x7] =	stream.linear.gather [hbm4b:s14+s4], $0x400, $0x38;
	[tilespmem:$0x1CC00] =	vst v63  }
0x4a: {  	_ =	swait.ge [sflag:s21], $0x400  }
0x4b: {  	p0 =	por $0x1, $0x1;
	[sflag:s21] =	ssyncset.done $0x0  }
0x4c: {  	s2 =	simm.s32 @p0 $0x80;
	[sflag:s21] =	ssyncadd.s32 $0xFFFFFC00  }
0x4d: {  	s9 =	simm.s32 @p0 $0x0;
	s10 =	simm.s32 @p0 $0x1000;
	[bflag:$0x0] =	sbarrier.arrive $0xFFFF  }
0x4e: {  	[tilespmem:s10], [sflag:$0x1] =	stream.indirect.gather @p0 [hbm4b:s5+s2], $0x80, s9, s2, $0xb8;
	[tilespmem:$0x1CC00] =	vst v63  }
0x4f: {  	s2 =	simm.s32 @!p0 $0x3  }
0x50: {  	_ =	swait.ge @!p0 [sflag:s2], $0x4000  }
0x51: {  	[sflag:s2] =	ssyncset.done @!p0 $0x0  }
0x52: {  	s9 =	simm.s32 @!p0 $0x5;
	[sflag:s2] =	ssyncadd.s32 @!p0 $0xFFFFC000  }
0x53: {  	_ =	swait.ge @!p0 [sflag:s9], $0x400  }
0x54: {  	[sflag:s9] =	ssyncset.done @!p0 $0x0  }
0x55: {  	[sflag:s9] =	ssyncadd.s32 @!p0 $0xFFFFFC00  }
0x56: {  	_ =	swait.ge @!p0 [sflag:s9], $0x400  }
0x57: {  	s12 =	simm.s32 @!p0 $0x0;
	s10 =	simm.s32 @!p0 $0x80;
	[sflag:s9] =	ssyncset.done @!p0 $0x0  }
0x58: {  	s2 =	simm.s32 @!p0 $0x1000;
	[sflag:s9] =	ssyncadd.s32 @!p0 $0xFFFFFC00;
	s9 =	simm.s32 @!p0 $0x2  }
0x59: {  	[tilespmem:s2], [sflag:$0x1] =	stream.indirect.gather @!p0 [hbm4b:s5+s10], $0x80, s12, s10, $0xb8;
	[tilespmem:$0x1CC00] =	vst v63  }
0x5a: {  	_ =	swait.ge @!p0 [sflag:s9], $0x4000  }
0x5b: {  	s2 =	simm.s32 @!p0 $0xF80;
	[sflag:s9] =	ssyncset.done @!p0 $0x0  }
0x5c: {  	s12 =	simm.s32 @!p0 $0x5000;
	[sflag:s9] =	ssyncadd.s32 @!p0 $0xFFFFC000;
	s9 =	simm.s32 @!p0 $0x4  }
0x5d: {  	[spmem:s3] =	stream.indirect.scatter.add.f32 @!p0 [tilespmem:s12], [sflag:$0x4], $0x80, s2, s10, $0xb8;
	[tilespmem:$0x1CC00] =	vst v63  }
0x5e: {  	_ =	swait.ge @!p0 [sflag:s9], $0x4000  }
0x5f: {  	[sflag:s9] =	ssyncset.done @!p0 $0x0  }
0x60: {  	[sflag:s9] =	ssyncadd.s32 @!p0 $0xFFFFC000  }
0x61: {  	[tilespmem:s24], [sflag:$0x2] =	stream.indirect.gather [hbm4b:s5+s23], $0x80, s23, s23, $0xb8;
	[tilespmem:$0x1CC00] =	vst v63  }
0x62: {  	_ =	swait.ge [sflag:s25], $0x4000  }
0x63: {  	[sflag:s25] =	ssyncset.done $0x0  }
0x64: {  	[sflag:s25] =	ssyncadd.s32 $0xFFFFC000  }
0x65: {  	[spmem:s3] =	stream.indirect.scatter.add.f32 [tilespmem:s20], [sflag:$0x3], $0x80, s22, s23, $0xb8;
	[tilespmem:$0x1CC00] =	vst v63  }
0x66: {  	_ =	swait.ge [sflag:s26], $0x4000  }
0x67: {  	[sflag:s26] =	ssyncset.done $0x0  }
0x68: {  	s15 =	rddreg [dreg:$0x4];
	[sflag:s26] =	ssyncadd.s32 $0xFFFFC000  }
0x69: {  	[tilespmem:s20], [sflag:$0x1] =	stream.indirect.gather [hbm4b:s5+s23], $0x80, s15, s23, $0xb8;
	[tilespmem:$0x1CC00] =	vst v63  }
0x6a: {  	_ =	swait.ge [sflag:s28], $0x4000  }
0x6b: {  	[sflag:s28] =	ssyncset.done $0x0  }
0x6c: {  	s16 =	rddreg [dreg:$0x5];
	[sflag:s28] =	ssyncadd.s32 $0xFFFFC000  }
0x6d: {  	[spmem:s3] =	stream.indirect.scatter.add.f32 [tilespmem:s24], [sflag:$0x4], $0x80, s16, s23, $0xb8;
	[tilespmem:$0x1CC00] =	vst v63  }
0x6e: {  	_ =	swait.ge [sflag:s29], $0x4000  }
0x6f: {  	[sflag:s29] =	ssyncset.done $0x0  }
0x70: {  	s17 =	rddreg [dreg:$0x6];
	[sflag:s29] =	ssyncadd.s32 $0xFFFFC000  }
0x71: {  	[tilespmem:s24], [sflag:$0x2] =	stream.indirect.gather [hbm4b:s5+s23], $0x80, s17, s23, $0xb8;
	[tilespmem:$0x1CC00] =	vst v63  }
0x72: {  	_ =	swait.ge [sflag:s25], $0x4000  }
0x73: {  	[sflag:s25] =	ssyncset.done $0x0  }
0x74: {  	s9 =	rddreg [dreg:$0x7];
	[sflag:s25] =	ssyncadd.s32 $0xFFFFC000  }
0x75: {  	[spmem:s3] =	stream.indirect.scatter.add.f32 [tilespmem:s20], [sflag:$0x3], $0x80, s9, s23, $0xb8;
	[tilespmem:$0x1CC00] =	vst v63  }
0x76: {  	_ =	swait.ge [sflag:s26], $0x4000  }
0x77: {  	[sflag:s26] =	ssyncset.done $0x0  }
0x78: {  	[sflag:s26] =	ssyncadd.s32 $0xFFFFC000  }
0x79: {  	[tilespmem:s30], [sflag:$0x6] =	stream.linear.gather [hbm4b:s19+s4], $0x400, $0x38;
	[tilespmem:$0x1CC00] =	vst v63  }
0x7a: {  	_ = 	snop  }
0x7b: {  	[tilespmem:s31], [sflag:$0x6] =	stream.linear.gather [hbm4b:s18+s4], $0x400, $0x38;
	[tilespmem:$0x1CC00] =	vst v63  }
0x7c: {  	s10 =	rddreg [dreg:$0x8]  }
0x7d: {  	[tilespmem:s20], [sflag:$0x1] =	stream.indirect.gather [hbm4b:s5+s23], $0x80, s10, s23, $0xb8;
	[tilespmem:$0x1CC00] =	vst v63  }
0x7e: {  	_ =	swait.ge [sflag:s28], $0x4000  }
0x7f: {  	[sflag:s28] =	ssyncset.done $0x0  }
0x80: {  	s12 =	rddreg [dreg:$0x9];
	[sflag:s28] =	ssyncadd.s32 $0xFFFFC000  }
0x81: {  	[spmem:s3] =	stream.indirect.scatter.add.f32 [tilespmem:s24], [sflag:$0x4], $0x80, s12, s23, $0xb8;
	[tilespmem:$0x1CC00] =	vst v63  }
0x82: {  	_ =	swait.ge [sflag:s29], $0x4000  }
0x83: {  	[sflag:s29] =	ssyncset.done $0x0  }
0x84: {  	s13 =	rddreg [dreg:$0xa];
	[sflag:s29] =	ssyncadd.s32 $0xFFFFC000  }
0x85: {  	[tilespmem:s24], [sflag:$0x2] =	stream.indirect.gather [hbm4b:s5+s23], $0x80, s13, s23, $0xb8;
	[tilespmem:$0x1CC00] =	vst v63  }
0x86: {  	_ =	swait.ge [sflag:s25], $0x4000  }
0x87: {  	[sflag:s25] =	ssyncset.done $0x0  }
0x88: {  	s14 =	rddreg [dreg:$0xb];
	[sflag:s25] =	ssyncadd.s32 $0xFFFFC000  }
0x89: {  	[spmem:s3] =	stream.indirect.scatter.add.f32 [tilespmem:s20], [sflag:$0x3], $0x80, s14, s23, $0xb8;
	[tilespmem:$0x1CC00] =	vst v63  }
0x8a: {  	_ =	swait.ge [sflag:s26], $0x4000  }
0x8b: {  	[sflag:s26] =	ssyncset.done $0x0  }
0x8c: {  	s15 =	rddreg [dreg:$0xc];
	[sflag:s26] =	ssyncadd.s32 $0xFFFFC000  }
0x8d: {  	[tilespmem:s20], [sflag:$0x1] =	stream.indirect.gather [hbm4b:s5+s23], $0x80, s15, s23, $0xb8;
	[tilespmem:$0x1CC00] =	vst v63  }
0x8e: {  	_ =	swait.ge [sflag:s28], $0x4000  }
0x8f: {  	[sflag:s28] =	ssyncset.done $0x0  }
0x90: {  	s16 =	rddreg [dreg:$0xd];
	[sflag:s28] =	ssyncadd.s32 $0xFFFFC000  }
0x91: {  	[spmem:s3] =	stream.indirect.scatter.add.f32 [tilespmem:s24], [sflag:$0x4], $0x80, s16, s23, $0xb8;
	[tilespmem:$0x1CC00] =	vst v63  }
0x92: {  	_ =	swait.ge [sflag:s29], $0x4000  }
0x93: {  	[sflag:s29] =	ssyncset.done $0x0  }
0x94: {  	s17 =	rddreg [dreg:$0xe];
	[sflag:s29] =	ssyncadd.s32 $0xFFFFC000  }
0x95: {  	[tilespmem:s24], [sflag:$0x2] =	stream.indirect.gather [hbm4b:s5+s23], $0x80, s17, s23, $0xb8;
	[tilespmem:$0x1CC00] =	vst v63  }
0x96: {  	_ =	swait.ge [sflag:s25], $0x4000  }
0x97: {  	[sflag:s25] =	ssyncset.done $0x0  }
0x98: {  	s9 =	rddreg [dreg:$0xf];
	[sflag:s25] =	ssyncadd.s32 $0xFFFFC000  }
0x99: {  	[spmem:s3] =	stream.indirect.scatter.add.f32 [tilespmem:s20], [sflag:$0x3], $0x80, s9, s23, $0xb8;
	[tilespmem:$0x1CC00] =	vst v63  }
0x9a: {  	_ =	swait.ge [sflag:s26], $0x4000  }
0x9b: {  	[sflag:s26] =	ssyncset.done $0x0  }
0x9c: {  	[sflag:s26] =	ssyncadd.s32 $0xFFFFC000  }
0x9d: {  	_ =	swait.ge [sflag:s0], $0x400  }
0x9e: {  	[sflag:s0] =	ssyncset.done $0x0  }
0x9f: {  	[sflag:s0] =	ssyncadd.s32 $0xFFFFFC00  }
0xa0: {  	_ =	swait.ge [sflag:s0], $0x400  }
0xa1: {  	[sflag:s0] =	ssyncset.done $0x0  }
0xa2: {  	[sflag:s0] =	ssyncadd.s32 $0xFFFFFC00  }
0xa3: {  	[tilespmem:s20], [sflag:$0x1] =	stream.indirect.gather [hbm4b:s5+s23], $0x80, s30, s23, $0xb8;
	[tilespmem:$0x1CC00] =	vst v63  }
0xa4: {  	_ =	swait.ge [sflag:s28], $0x4000  }
0xa5: {  	[sflag:s28] =	ssyncset.done $0x0  }
0xa6: {  	s10 =	rddreg [dreg:$0x10];
	[sflag:s28] =	ssyncadd.s32 $0xFFFFC000  }
0xa7: {  	[spmem:s3] =	stream.indirect.scatter.add.f32 [tilespmem:s24], [sflag:$0x4], $0x80, s10, s23, $0xb8;
	[tilespmem:$0x1CC00] =	vst v63  }
0xa8: {  	_ =	swait.ge [sflag:s29], $0x4000  }
0xa9: {  	[sflag:s29] =	ssyncset.done $0x0  }
0xaa: {  	s12 =	rddreg [dreg:$0x11];
	[sflag:s29] =	ssyncadd.s32 $0xFFFFC000  }
0xab: {  	[tilespmem:s24], [sflag:$0x2] =	stream.indirect.gather [hbm4b:s5+s23], $0x80, s12, s23, $0xb8;
	[tilespmem:$0x1CC00] =	vst v63  }
0xac: {  	_ =	swait.ge [sflag:s25], $0x4000  }
0xad: {  	[sflag:s25] =	ssyncset.done $0x0  }
0xae: {  	[sflag:s25] =	ssyncadd.s32 $0xFFFFC000  }
0xaf: {  	[spmem:s3] =	stream.indirect.scatter.add.f32 [tilespmem:s20], [sflag:$0x3], $0x80, s31, s23, $0xb8;
	[tilespmem:$0x1CC00] =	vst v63  }
0xb0: {  	_ =	swait.ge [sflag:s26], $0x4000  }
0xb1: {  	[sflag:s26] =	ssyncset.done $0x0  }
0xb2: {  	s13 =	rddreg [dreg:$0x12];
	[sflag:s26] =	ssyncadd.s32 $0xFFFFC000  }
0xb3: {  	[tilespmem:s20], [sflag:$0x1] =	stream.indirect.gather [hbm4b:s5+s23], $0x80, s13, s23, $0xb8;
	[tilespmem:$0x1CC00] =	vst v63  }
0xb4: {  	_ =	swait.ge [sflag:s28], $0x4000  }
0xb5: {  	[sflag:s28] =	ssyncset.done $0x0  }
0xb6: {  	s14 =	rddreg [dreg:$0x13];
	[sflag:s28] =	ssyncadd.s32 $0xFFFFC000  }
0xb7: {  	[spmem:s3] =	stream.indirect.scatter.add.f32 [tilespmem:s24], [sflag:$0x4], $0x80, s14, s23, $0xb8;
	[tilespmem:$0x1CC00] =	vst v63  }
0xb8: {  	_ =	swait.ge [sflag:s29], $0x4000  }
0xb9: {  	[sflag:s29] =	ssyncset.done $0x0  }
0xba: {  	s15 =	rddreg [dreg:$0x14];
	[sflag:s29] =	ssyncadd.s32 $0xFFFFC000  }
0xbb: {  	[tilespmem:s24], [sflag:$0x2] =	stream.indirect.gather [hbm4b:s5+s23], $0x80, s15, s23, $0xb8;
	[tilespmem:$0x1CC00] =	vst v63  }
0xbc: {  	_ =	swait.ge [sflag:s25], $0x4000  }
0xbd: {  	[sflag:s25] =	ssyncset.done $0x0  }
0xbe: {  	s16 =	rddreg [dreg:$0x15];
	[sflag:s25] =	ssyncadd.s32 $0xFFFFC000  }
0xbf: {  	[spmem:s3] =	stream.indirect.scatter.add.f32 [tilespmem:s20], [sflag:$0x3], $0x80, s16, s23, $0xb8;
	[tilespmem:$0x1CC00] =	vst v63  }
0xc0: {  	p0 =	por $0x0, $0x0;
	_ =	swait.ge [sflag:s26], $0x4000  }
0xc1: {  	s2 =	sshrl.u32 @!p0 s11, $0x3;
	[sflag:s26] =	ssyncset.done $0x0  }
0xc2: {  	s9 =	sadd.s32 @!p0 s6, s2;
	s10 =	simm.s32 @!p0 $0x0;
	[sflag:s26] =	ssyncadd.s32 $0xFFFFC000  }
0xc3: {  	[tilespmem:s10], [sflag:$0x5] =	stream.linear.gather @!p0 [hbm4b:s9+s10], $0x400, $0x38;
	[tilespmem:$0x1CC00] =	vst v63  }
0xc4: {  	s2 =	sadd.s32 @!p0 s7, s2;
	s9 =	simm.s32 @!p0 $0x800  }
0xc5: {  	[tilespmem:s9], [sflag:$0x5] =	stream.linear.gather @!p0 [hbm4b:s2+s10], $0x400, $0x38;
	[tilespmem:$0x1CC00] =	vst v63  }
0xc6: {  	s17 =	rddreg [dreg:$0x16]  }
0xc7: {  	[tilespmem:s20], [sflag:$0x1] =	stream.indirect.gather [hbm4b:s5+s23], $0x80, s17, s23, $0xb8;
	[tilespmem:$0x1CC00] =	vst v63  }
0xc8: {  	_ =	swait.ge [sflag:s28], $0x4000  }
0xc9: {  	[sflag:s28] =	ssyncset.done $0x0  }
0xca: {  	s12 =	rddreg [dreg:$0x17];
	[sflag:s28] =	ssyncadd.s32 $0xFFFFC000  }
0xcb: {  	[spmem:s3] =	stream.indirect.scatter.add.f32 [tilespmem:s24], [sflag:$0x4], $0x80, s12, s23, $0xb8;
	[tilespmem:$0x1CC00] =	vst v63  }
0xcc: {  	_ =	swait.ge [sflag:s29], $0x4000  }
0xcd: {  	[sflag:s29] =	ssyncset.done $0x0  }
0xce: {  	s13 =	rddreg [dreg:$0x18];
	[sflag:s29] =	ssyncadd.s32 $0xFFFFC000  }
0xcf: {  	[tilespmem:s24], [sflag:$0x2] =	stream.indirect.gather [hbm4b:s5+s23], $0x80, s13, s23, $0xb8;
	[tilespmem:$0x1CC00] =	vst v63  }
0xd0: {  	_ =	swait.ge [sflag:s25], $0x4000  }
0xd1: {  	[sflag:s25] =	ssyncset.done $0x0  }
0xd2: {  	s14 =	rddreg [dreg:$0x19];
	[sflag:s25] =	ssyncadd.s32 $0xFFFFC000  }
0xd3: {  	[spmem:s3] =	stream.indirect.scatter.add.f32 [tilespmem:s20], [sflag:$0x3], $0x80, s14, s23, $0xb8;
	[tilespmem:$0x1CC00] =	vst v63  }
0xd4: {  	_ =	swait.ge [sflag:s26], $0x4000  }
0xd5: {  	[sflag:s26] =	ssyncset.done $0x0  }
0xd6: {  	s15 =	rddreg [dreg:$0x1a];
	[sflag:s26] =	ssyncadd.s32 $0xFFFFC000  }
0xd7: {  	[tilespmem:s20], [sflag:$0x1] =	stream.indirect.gather [hbm4b:s5+s23], $0x80, s15, s23, $0xb8;
	[tilespmem:$0x1CC00] =	vst v63  }
0xd8: {  	_ =	swait.ge [sflag:s28], $0x4000  }
0xd9: {  	[sflag:s28] =	ssyncset.done $0x0  }
0xda: {  	s16 =	rddreg [dreg:$0x1b];
	[sflag:s28] =	ssyncadd.s32 $0xFFFFC000  }
0xdb: {  	[spmem:s3] =	stream.indirect.scatter.add.f32 [tilespmem:s24], [sflag:$0x4], $0x80, s16, s23, $0xb8;
	[tilespmem:$0x1CC00] =	vst v63  }
0xdc: {  	_ =	swait.ge [sflag:s29], $0x4000  }
0xdd: {  	[sflag:s29] =	ssyncset.done $0x0  }
0xde: {  	s17 =	rddreg [dreg:$0x1c];
	[sflag:s29] =	ssyncadd.s32 $0xFFFFC000  }
0xdf: {  	[tilespmem:s24], [sflag:$0x2] =	stream.indirect.gather [hbm4b:s5+s23], $0x80, s17, s23, $0xb8;
	[tilespmem:$0x1CC00] =	vst v63  }
0xe0: {  	s2 =	simm.s32 $0x1;
	_ =	swait.ge [sflag:s25], $0x4000  }
0xe1: {  	s9 =	sadd.s32 $0x100, s18;
	s10 =	sadd.s32 $0x100, s19;
	[sflag:s25] =	ssyncset.done $0x0  }
0xe2: {  	s17 =	smov.u32 s11;
	s13 =	rddreg [dreg:$0x1d];
	[sflag:s25] =	ssyncadd.s32 $0xFFFFC000  }
.LBB2_2:
0xe3: {  	p1 =	seq.s32 s2, $0x0  }
0xe4: {  	[spmem:s3] =	stream.indirect.scatter.add.f32 [tilespmem:s20], [sflag:$0x3], $0x80, s13, s23, $0xb8;
	[tilespmem:$0x1CC00] =	vst v63  }
0xe5: {  	s13 =	simm.s32 @p1 $0x80;
	s14 =	simm.s32 @p1 $0x0;
	s15 =	simm.s32 @p1 $0x1000  }
0xe6: {  	[tilespmem:s15], [sflag:$0x1] =	stream.indirect.gather @p1 [hbm4b:s5+s13], $0x80, s14, s13, $0xb8;
	[tilespmem:$0x1CC00] =	vst v63  }
0xe7: {  	s13 =	simm.s32 @!p1 $0x3  }
0xe8: {  	_ =	swait.ge @!p1 [sflag:s13], $0x4000  }
0xe9: {  	[sflag:s13] =	ssyncset.done @!p1 $0x0  }
0xea: {  	s14 =	simm.s32 @!p1 $0x5;
	[sflag:s13] =	ssyncadd.s32 @!p1 $0xFFFFC000  }
0xeb: {  	_ =	swait.ge @!p1 [sflag:s14], $0x400  }
0xec: {  	[sflag:s14] =	ssyncset.done @!p1 $0x0  }
0xed: {  	[sflag:s14] =	ssyncadd.s32 @!p1 $0xFFFFFC00  }
0xee: {  	_ =	swait.ge @!p1 [sflag:s14], $0x400  }
0xef: {  	s16 =	simm.s32 @!p1 $0x0;
	s15 =	simm.s32 @!p1 $0x80;
	[sflag:s14] =	ssyncset.done @!p1 $0x0  }
0xf0: {  	s13 =	simm.s32 @!p1 $0x1000;
	[sflag:s14] =	ssyncadd.s32 @!p1 $0xFFFFFC00;
	s14 =	simm.s32 @!p1 $0x2  }
0xf1: {  	[tilespmem:s13], [sflag:$0x1] =	stream.indirect.gather @!p1 [hbm4b:s5+s15], $0x80, s16, s15, $0xb8;
	[tilespmem:$0x1CC00] =	vst v63  }
0xf2: {  	_ =	swait.ge @!p1 [sflag:s14], $0x4000  }
0xf3: {  	s13 =	simm.s32 @!p1 $0xF80;
	[sflag:s14] =	ssyncset.done @!p1 $0x0  }
0xf4: {  	s16 =	simm.s32 @!p1 $0x5000;
	[sflag:s14] =	ssyncadd.s32 @!p1 $0xFFFFC000;
	s14 =	simm.s32 @!p1 $0x4  }
0xf5: {  	[spmem:s3] =	stream.indirect.scatter.add.f32 @!p1 [tilespmem:s16], [sflag:$0x4], $0x80, s13, s15, $0xb8;
	[tilespmem:$0x1CC00] =	vst v63  }
0xf6: {  	_ =	swait.ge @!p1 [sflag:s14], $0x4000  }
0xf7: {  	[sflag:s14] =	ssyncset.done @!p1 $0x0  }
0xf8: {  	[sflag:s14] =	ssyncadd.s32 @!p1 $0xFFFFC000  }
0xf9: {  	[tilespmem:s24], [sflag:$0x2] =	stream.indirect.gather [hbm4b:s5+s23], $0x80, s23, s23, $0xb8;
	[tilespmem:$0x1CC00] =	vst v63  }
0xfa: {  	_ =	swait.ge [sflag:s25], $0x4000  }
0xfb: {  	[sflag:s25] =	ssyncset.done $0x0  }
0xfc: {  	[sflag:s25] =	ssyncadd.s32 $0xFFFFC000  }
0xfd: {  	[spmem:s3] =	stream.indirect.scatter.add.f32 [tilespmem:s20], [sflag:$0x3], $0x80, s22, s23, $0xb8;
	[tilespmem:$0x1CC00] =	vst v63  }
0xfe: {  	_ =	swait.ge [sflag:s26], $0x4000  }
0xff: {  	[sflag:s26] =	ssyncset.done $0x0  }
0x100: {  	s15 =	rddreg [dreg:$0x4];
	[sflag:s26] =	ssyncadd.s32 $0xFFFFC000  }
0x101: {  	[tilespmem:s20], [sflag:$0x1] =	stream.indirect.gather [hbm4b:s5+s23], $0x80, s15, s23, $0xb8;
	[tilespmem:$0x1CC00] =	vst v63  }
0x102: {  	_ =	swait.ge [sflag:s28], $0x4000  }
0x103: {  	[sflag:s28] =	ssyncset.done $0x0  }
0x104: {  	s16 =	rddreg [dreg:$0x5];
	[sflag:s28] =	ssyncadd.s32 $0xFFFFC000  }
0x105: {  	[spmem:s3] =	stream.indirect.scatter.add.f32 [tilespmem:s24], [sflag:$0x4], $0x80, s16, s23, $0xb8;
	[tilespmem:$0x1CC00] =	vst v63  }
0x106: {  	_ =	swait.ge [sflag:s29], $0x4000  }
0x107: {  	[sflag:s29] =	ssyncset.done $0x0  }
0x108: {  	s14 =	rddreg [dreg:$0x6];
	[sflag:s29] =	ssyncadd.s32 $0xFFFFC000  }
0x109: {  	[tilespmem:s24], [sflag:$0x2] =	stream.indirect.gather [hbm4b:s5+s23], $0x80, s14, s23, $0xb8;
	[tilespmem:$0x1CC00] =	vst v63  }
0x10a: {  	_ =	swait.ge [sflag:s25], $0x4000  }
0x10b: {  	[sflag:s25] =	ssyncset.done $0x0  }
0x10c: {  	s15 =	rddreg [dreg:$0x7];
	[sflag:s25] =	ssyncadd.s32 $0xFFFFC000  }
0x10d: {  	[spmem:s3] =	stream.indirect.scatter.add.f32 [tilespmem:s20], [sflag:$0x3], $0x80, s15, s23, $0xb8;
	[tilespmem:$0x1CC00] =	vst v63  }
0x10e: {  	_ =	swait.ge [sflag:s26], $0x4000  }
0x10f: {  	[sflag:s26] =	ssyncset.done $0x0  }
0x110: {  	[sflag:s26] =	ssyncadd.s32 $0xFFFFC000  }
0x111: {  	[tilespmem:s30], [sflag:$0x6] =	stream.linear.gather [hbm4b:s10+s4], $0x400, $0x38;
	[tilespmem:$0x1CC00] =	vst v63  }
0x112: {  	_ = 	snop  }
0x113: {  	[tilespmem:s31], [sflag:$0x6] =	stream.linear.gather [hbm4b:s9+s4], $0x400, $0x38;
	[tilespmem:$0x1CC00] =	vst v63  }
0x114: {  	s16 =	rddreg [dreg:$0x8]  }
0x115: {  	[tilespmem:s20], [sflag:$0x1] =	stream.indirect.gather [hbm4b:s5+s23], $0x80, s16, s23, $0xb8;
	[tilespmem:$0x1CC00] =	vst v63  }
0x116: {  	_ =	swait.ge [sflag:s28], $0x4000  }
0x117: {  	[sflag:s28] =	ssyncset.done $0x0  }
0x118: {  	s14 =	rddreg [dreg:$0x9];
	[sflag:s28] =	ssyncadd.s32 $0xFFFFC000  }
0x119: {  	[spmem:s3] =	stream.indirect.scatter.add.f32 [tilespmem:s24], [sflag:$0x4], $0x80, s14, s23, $0xb8;
	[tilespmem:$0x1CC00] =	vst v63  }
0x11a: {  	_ =	swait.ge [sflag:s29], $0x4000  }
0x11b: {  	[sflag:s29] =	ssyncset.done $0x0  }
0x11c: {  	s15 =	rddreg [dreg:$0xa];
	[sflag:s29] =	ssyncadd.s32 $0xFFFFC000  }
0x11d: {  	[tilespmem:s24], [sflag:$0x2] =	stream.indirect.gather [hbm4b:s5+s23], $0x80, s15, s23, $0xb8;
	[tilespmem:$0x1CC00] =	vst v63  }
0x11e: {  	_ =	swait.ge [sflag:s25], $0x4000  }
0x11f: {  	[sflag:s25] =	ssyncset.done $0x0  }
0x120: {  	s16 =	rddreg [dreg:$0xb];
	[sflag:s25] =	ssyncadd.s32 $0xFFFFC000  }
0x121: {  	[spmem:s3] =	stream.indirect.scatter.add.f32 [tilespmem:s20], [sflag:$0x3], $0x80, s16, s23, $0xb8;
	[tilespmem:$0x1CC00] =	vst v63  }
0x122: {  	_ =	swait.ge [sflag:s26], $0x4000  }
0x123: {  	[sflag:s26] =	ssyncset.done $0x0  }
0x124: {  	s14 =	rddreg [dreg:$0xc];
	[sflag:s26] =	ssyncadd.s32 $0xFFFFC000  }
0x125: {  	[tilespmem:s20], [sflag:$0x1] =	stream.indirect.gather [hbm4b:s5+s23], $0x80, s14, s23, $0xb8;
	[tilespmem:$0x1CC00] =	vst v63  }
0x126: {  	_ =	swait.ge [sflag:s28], $0x4000  }
0x127: {  	[sflag:s28] =	ssyncset.done $0x0  }
0x128: {  	s15 =	rddreg [dreg:$0xd];
	[sflag:s28] =	ssyncadd.s32 $0xFFFFC000  }
0x129: {  	[spmem:s3] =	stream.indirect.scatter.add.f32 [tilespmem:s24], [sflag:$0x4], $0x80, s15, s23, $0xb8;
	[tilespmem:$0x1CC00] =	vst v63  }
0x12a: {  	_ =	swait.ge [sflag:s29], $0x4000  }
0x12b: {  	[sflag:s29] =	ssyncset.done $0x0  }
0x12c: {  	s16 =	rddreg [dreg:$0xe];
	[sflag:s29] =	ssyncadd.s32 $0xFFFFC000  }
0x12d: {  	[tilespmem:s24], [sflag:$0x2] =	stream.indirect.gather [hbm4b:s5+s23], $0x80, s16, s23, $0xb8;
	[tilespmem:$0x1CC00] =	vst v63  }
0x12e: {  	_ =	swait.ge [sflag:s25], $0x4000  }
0x12f: {  	[sflag:s25] =	ssyncset.done $0x0  }
0x130: {  	s14 =	rddreg [dreg:$0xf];
	[sflag:s25] =	ssyncadd.s32 $0xFFFFC000  }
0x131: {  	[spmem:s3] =	stream.indirect.scatter.add.f32 [tilespmem:s20], [sflag:$0x3], $0x80, s14, s23, $0xb8;
	[tilespmem:$0x1CC00] =	vst v63  }
0x132: {  	_ =	swait.ge [sflag:s26], $0x4000  }
0x133: {  	[sflag:s26] =	ssyncset.done $0x0  }
0x134: {  	[sflag:s26] =	ssyncadd.s32 $0xFFFFC000  }
0x135: {  	_ =	swait.ge [sflag:s0], $0x400  }
0x136: {  	[sflag:s0] =	ssyncset.done $0x0  }
0x137: {  	[sflag:s0] =	ssyncadd.s32 $0xFFFFFC00  }
0x138: {  	_ =	swait.ge [sflag:s0], $0x400  }
0x139: {  	[sflag:s0] =	ssyncset.done $0x0  }
0x13a: {  	[sflag:s0] =	ssyncadd.s32 $0xFFFFFC00  }
0x13b: {  	[tilespmem:s20], [sflag:$0x1] =	stream.indirect.gather [hbm4b:s5+s23], $0x80, s30, s23, $0xb8;
	[tilespmem:$0x1CC00] =	vst v63  }
0x13c: {  	_ =	swait.ge [sflag:s28], $0x4000  }
0x13d: {  	[sflag:s28] =	ssyncset.done $0x0  }
0x13e: {  	s15 =	rddreg [dreg:$0x10];
	[sflag:s28] =	ssyncadd.s32 $0xFFFFC000  }
0x13f: {  	[spmem:s3] =	stream.indirect.scatter.add.f32 [tilespmem:s24], [sflag:$0x4], $0x80, s15, s23, $0xb8;
	[tilespmem:$0x1CC00] =	vst v63  }
0x140: {  	_ =	swait.ge [sflag:s29], $0x4000  }
0x141: {  	[sflag:s29] =	ssyncset.done $0x0  }
0x142: {  	s16 =	rddreg [dreg:$0x11];
	[sflag:s29] =	ssyncadd.s32 $0xFFFFC000  }
0x143: {  	[tilespmem:s24], [sflag:$0x2] =	stream.indirect.gather [hbm4b:s5+s23], $0x80, s16, s23, $0xb8;
	[tilespmem:$0x1CC00] =	vst v63  }
0x144: {  	_ =	swait.ge [sflag:s25], $0x4000  }
0x145: {  	[sflag:s25] =	ssyncset.done $0x0  }
0x146: {  	[sflag:s25] =	ssyncadd.s32 $0xFFFFC000  }
0x147: {  	[spmem:s3] =	stream.indirect.scatter.add.f32 [tilespmem:s20], [sflag:$0x3], $0x80, s31, s23, $0xb8;
	[tilespmem:$0x1CC00] =	vst v63  }
0x148: {  	_ =	swait.ge [sflag:s26], $0x4000  }
0x149: {  	[sflag:s26] =	ssyncset.done $0x0  }
0x14a: {  	s14 =	rddreg [dreg:$0x12];
	[sflag:s26] =	ssyncadd.s32 $0xFFFFC000  }
0x14b: {  	[tilespmem:s20], [sflag:$0x1] =	stream.indirect.gather [hbm4b:s5+s23], $0x80, s14, s23, $0xb8;
	[tilespmem:$0x1CC00] =	vst v63  }
0x14c: {  	_ =	swait.ge [sflag:s28], $0x4000  }
0x14d: {  	[sflag:s28] =	ssyncset.done $0x0  }
0x14e: {  	s15 =	rddreg [dreg:$0x13];
	[sflag:s28] =	ssyncadd.s32 $0xFFFFC000  }
0x14f: {  	[spmem:s3] =	stream.indirect.scatter.add.f32 [tilespmem:s24], [sflag:$0x4], $0x80, s15, s23, $0xb8;
	[tilespmem:$0x1CC00] =	vst v63  }
0x150: {  	_ =	swait.ge [sflag:s29], $0x4000  }
0x151: {  	[sflag:s29] =	ssyncset.done $0x0  }
0x152: {  	s16 =	rddreg [dreg:$0x14];
	[sflag:s29] =	ssyncadd.s32 $0xFFFFC000  }
0x153: {  	[tilespmem:s24], [sflag:$0x2] =	stream.indirect.gather [hbm4b:s5+s23], $0x80, s16, s23, $0xb8;
	[tilespmem:$0x1CC00] =	vst v63  }
0x154: {  	_ =	swait.ge [sflag:s25], $0x4000  }
0x155: {  	[sflag:s25] =	ssyncset.done $0x0  }
0x156: {  	s12 =	smov.u32 s2;
	s14 =	rddreg [dreg:$0x15];
	[sflag:s25] =	ssyncadd.s32 $0xFFFFC000  }
0x157: {  	[spmem:s3] =	stream.indirect.scatter.add.f32 [tilespmem:s20], [sflag:$0x3], $0x80, s14, s23, $0xb8;
	[tilespmem:$0x1CC00] =	vst v63  }
0x158: {  	s17 =	sadd.s32 $0x800, s17;
	p1 =	sgt.u32 s12, $0x3;
	_ =	swait.ge [sflag:s26], $0x4000  }
0x159: {  	s12 =	sshrl.u32 @!p1 s17, $0x3;
	[sflag:s26] =	ssyncset.done $0x0  }
0x15a: {  	s15 =	simm.s32 @!p1 $0x0;
	s14 =	sadd.s32 @!p1 s6, s12;
	[sflag:s26] =	ssyncadd.s32 $0xFFFFC000  }
0x15b: {  	[tilespmem:s15], [sflag:$0x5] =	stream.linear.gather @!p1 [hbm4b:s14+s15], $0x400, $0x38;
	[tilespmem:$0x1CC00] =	vst v63  }
0x15c: {  	s13 =	simm.s32 @!p1 $0x800;
	s12 =	sadd.s32 @!p1 s7, s12  }
0x15d: {  	[tilespmem:s13], [sflag:$0x5] =	stream.linear.gather @!p1 [hbm4b:s12+s15], $0x400, $0x38;
	[tilespmem:$0x1CC00] =	vst v63  }
0x15e: {  	s16 =	rddreg [dreg:$0x16]  }
0x15f: {  	[tilespmem:s20], [sflag:$0x1] =	stream.indirect.gather [hbm4b:s5+s23], $0x80, s16, s23, $0xb8;
	[tilespmem:$0x1CC00] =	vst v63  }
0x160: {  	_ =	swait.ge [sflag:s28], $0x4000  }
0x161: {  	[sflag:s28] =	ssyncset.done $0x0  }
0x162: {  	s15 =	rddreg [dreg:$0x17];
	[sflag:s28] =	ssyncadd.s32 $0xFFFFC000  }
0x163: {  	[spmem:s3] =	stream.indirect.scatter.add.f32 [tilespmem:s24], [sflag:$0x4], $0x80, s15, s23, $0xb8;
	[tilespmem:$0x1CC00] =	vst v63  }
0x164: {  	_ =	swait.ge [sflag:s29], $0x4000  }
0x165: {  	[sflag:s29] =	ssyncset.done $0x0  }
0x166: {  	s16 =	rddreg [dreg:$0x18];
	[sflag:s29] =	ssyncadd.s32 $0xFFFFC000  }
0x167: {  	[tilespmem:s24], [sflag:$0x2] =	stream.indirect.gather [hbm4b:s5+s23], $0x80, s16, s23, $0xb8;
	[tilespmem:$0x1CC00] =	vst v63  }
0x168: {  	_ =	swait.ge [sflag:s25], $0x4000  }
0x169: {  	[sflag:s25] =	ssyncset.done $0x0  }
0x16a: {  	s13 =	rddreg [dreg:$0x19];
	[sflag:s25] =	ssyncadd.s32 $0xFFFFC000  }
0x16b: {  	[spmem:s3] =	stream.indirect.scatter.add.f32 [tilespmem:s20], [sflag:$0x3], $0x80, s13, s23, $0xb8;
	[tilespmem:$0x1CC00] =	vst v63  }
0x16c: {  	_ =	swait.ge [sflag:s26], $0x4000  }
0x16d: {  	[sflag:s26] =	ssyncset.done $0x0  }
0x16e: {  	s14 =	rddreg [dreg:$0x1a];
	[sflag:s26] =	ssyncadd.s32 $0xFFFFC000  }
0x16f: {  	[tilespmem:s20], [sflag:$0x1] =	stream.indirect.gather [hbm4b:s5+s23], $0x80, s14, s23, $0xb8;
	[tilespmem:$0x1CC00] =	vst v63  }
0x170: {  	_ =	swait.ge [sflag:s28], $0x4000  }
0x171: {  	[sflag:s28] =	ssyncset.done $0x0  }
0x172: {  	s15 =	rddreg [dreg:$0x1b];
	[sflag:s28] =	ssyncadd.s32 $0xFFFFC000  }
0x173: {  	[spmem:s3] =	stream.indirect.scatter.add.f32 [tilespmem:s24], [sflag:$0x4], $0x80, s15, s23, $0xb8;
	[tilespmem:$0x1CC00] =	vst v63  }
0x174: {  	s2 =	sadd.s32 $0x1, s2;
	_ =	swait.ge [sflag:s29], $0x4000  }
0x175: {  	p0 =	sne.s32 s2, $0x5;
	[sflag:s29] =	ssyncset.done $0x0  }
.Ltmp0:
0x176: {  	s16 =	rddreg [dreg:$0x1c];
	[sflag:s29] =	ssyncadd.s32 $0xFFFFC000;
	(pc) =	sbr.rel @p0 .LBB2_2-.Ltmp0, $4  }
0x177: {  	[tilespmem:s24], [sflag:$0x2] =	stream.indirect.gather [hbm4b:s5+s23], $0x80, s16, s23, $0xb8;
	[tilespmem:$0x1CC00] =	vst v63  }
0x178: {  	_ =	swait.ge [sflag:s25], $0x4000  }
0x179: {  	s10 =	sadd.s32 $0x100, s10;
	[sflag:s25] =	ssyncset.done $0x0  }
0x17a: {  	s9 =	sadd.s32 $0x100, s9;
	s13 =	rddreg [dreg:$0x1d];
	[sflag:s25] =	ssyncadd.s32 $0xFFFFC000  }
0x17b: {  	[spmem:s3] =	stream.indirect.scatter.add.f32 [tilespmem:s20], [sflag:$0x3], $0x80, s13, s23, $0xb8;
	[tilespmem:$0x1CC00] =	vst v63  }
0x17c: {  	_ =	swait.ge [sflag:s28], $0x4000  }
0x17d: {  	[sflag:s28] =	ssyncset.done $0x0  }
0x17e: {  	s2 =	simm.s32 $0xF80;
	[sflag:s28] =	ssyncadd.s32 $0xFFFFC000  }
0x17f: {  	[spmem:s3] =	stream.indirect.scatter.add.f32 [tilespmem:s24], [sflag:$0x4], $0x80, s2, s23, $0xb8;
	[tilespmem:$0x1CC00] =	vst v63  }
0x180: {  	_ =	swait.ge [sflag:s26], $0x4000  }
0x181: {  	[sflag:s26] =	ssyncset.done $0x0  }
0x182: {  	[sflag:s26] =	ssyncadd.s32 $0xFFFFC000  }
0x183: {  	_ =	swait.ge [sflag:s29], $0x4000  }
0x184: {  	[sflag:s29] =	ssyncset.done $0x0  }
0x185: {  	[sflag:s29] =	ssyncadd.s32 $0xFFFFC000  }
0x186: {  	[bflag:$0x0] =	sbarrier.arrive $0xFFFF  }
0x187: {  	s16 =	stileid.u32;
	s10 =	sld [smem:$0x7FC]  }
0x188: {  	s2 =	sshll.u32 s16, $0x6  }
0x189: {  	s9 =	sshrl.u32 s8, $0x3;
	s2 =	sor.u32 $0x1C07, s2  }
0x18a: {  	[hbm:s10], [sflag:s2] =	dma.local [spmem:s9], $0x2780  }
0x18b: {  	_ =	swait.ge [sflag:s21], $0x2780  }
0x18c: {  	s17 =	sld [smem:$0x7FD];
	_ =	sdelay $0x1  }
0x18d: {  	s1 =	sadd.s32 $0x1, s1  }
0x18e: {  	p0 =	sne.s32 s1, s17  }
.Ltmp1:
0x18f: {  	_ = 	snop;
	(pc) =	sbr.rel @p0 .LBB2_1-.Ltmp1, $3  }
0x190: {  	_ =	sdelay $0x1  }
0x191: {  	[sflag:s21] =	ssyncset.done $0x0  }
0x192: {  	[sflag:s21] =	ssyncadd.s32 $0xFFFFD880  }
0x193: {  	_ =	sfence.sel $0x180000  }
0x194: {  	[bflag:$0x0] =	sbarrier.arrive $0xFFFF  }
0x195: {  	_ =	strace $0x9000004A  }
0x196: {  	s0 =	stileid.u32;
	[bflag:$0x2] =	sbarrier.arrive $0xFFFF  }
0x197: {  	p0 =	sne.s32 s0, $0x0;
	s0 =	rddreg [dreg:$0x3]  }
0x198: {  	s0 =	sadd.s32 @!p0 $0x100000, s0  }
0x199: {  	[sflag:s0] =	ssyncadd.tile.s32 @!p0 $0x1;
	_ =	shalt  }
.Lfunc_end2:
_tile_overlayer_lowered:
.L_overlay_start_2:
0x19a: {  	(tag) =	ssettag $0x2  }
0x19b: {  	s0 =	rddreg [dreg:$0x0];
	s2 =	stileid.u32  }
0x19c: {  	s1 =	rddreg [dreg:$0x1];
	p0 =	sne.s32 s2, $0x0  }
0x19d: {  	s3 =	rddreg [dreg:$0x2];
	[bflag:$0x3] =	sbarrier.arrive $0xFFFF;
	s2 =	simm.s32 @!p0 $0x1C07  }
0x19e: {  	[timem:s3], [sflag:s2] =	dma.local @!p0 [hbm:s0], s1  }
0x19f: {  	s0 =	simm.s32 @!p0 $0x7  }
0x1a0: {  	_ =	swait.ge @!p0 [sflag:s0], s1  }
0x1a1: {  	s1 =	ssub.s32 @!p0 $0x0, s1;
	[sflag:s0] =	ssyncset.done @!p0 $0x0  }
0x1a2: {  	[sflag:s0] =	ssyncadd.s32 @!p0 s1  }
0x1a3: {  	[bflag:$0x3] =	sbarrier.arrive $0xFFFF  }
0x1a4: {  	_ =	shalt  }

// kernel: kernel.15.cloned.1.call-start
scs
__scs_entry_jumppad:
0x0: {  	(pc) =	sbr.rel $0x88, $3  }
0x1: {  	(tag) =	ssettag $0x0;
	lr =	simm.s32 $0x1  }
0x2: {  	[smem:$0x3F98] =	sst lr;
	_ =	strace $0xD0000000  }
0x3: {  	_ = 	snop  }
0x4: {  	_ = 	snop  }
0x5: {  	_ = 	snop  }
0x6: {  	_ = 	snop  }
0x7: {  	_ = 	snop  }
__scs_overlays_trampoline_lowered:
0x8: {  	[smem:$0x3FA7] =	sst s0  }
0x9: {  	[smem:$0x3FA8] =	sst s1  }
0xa: {  	[smem:$0x3FA9] =	sst s2  }
0xb: {  	[smem:$0x3FAA] =	sst s3  }
0xc: {  	[smem:$0x3FAB] =	sst s4  }
0xd: {  	[smem:$0x3FAC] =	sst s5  }
0xe: {  	[smem:$0x3FAD] =	sst s6  }
0xf: {  	[smem:$0x3FAE] =	sst s7  }
0x10: {  	[smem:$0x3FAF] =	sst s8  }
0x11: {  	[smem:$0x3FB0] =	sst s9;
	s0 =	simm.s32 @!p0 $0x0  }
0x12: {  	s1 =	sld [smem:$0x3F96];
	s0 =	simm.s32 @p0 $0x1  }
0x13: {  	[smem:$0x3FB1] =	sst s0;
	s0 =	simm.s32 @!p1 $0x0  }
0x14: {  	s2 =	sld [smem:$0x3F95];
	s0 =	simm.s32 @p1 $0x1  }
0x15: {  	[smem:$0x3FB2] =	sst s0;
	s0 =	simm.s32 @!p2 $0x0  }
0x16: {  	s3 =	sld [smem:$0x3FDB];
	s0 =	simm.s32 @p2 $0x1  }
0x17: {  	s4 =	simm.s32 $0x1BF5;
	[smem:$0x3FB4] =	sst s0  }
0x18: {  	s0 =	sld [smem:$0x3F97];
	_ =	swait.ge [sflag:s4], $0x0  }
0x19: {  	s7 =	sld [smem:$0x3F98]  }
0x1a: {  	s8 =	sadd.s32 $0xFFFFE003, lr  }
0x1b: {  	s9 =	sadd.s32 $0xFFFFFEF7, lr;
	s5 =	simm.s32 $0xFFFFFFFF;
	p2 =	slt.u32 s8, $0xFFFFF086  }
0x1c: {  	p1 =	slt.u32 s9, $0xF7A;
	s5 =	simm.s32 @!p2 $0x0  }
0x1d: {  	s5 =	simm.s32 @p1 $0x1;
	p0 =	seq.s32 s7, s2  }
0x1e: {  	s7 =	smul.u32 @!p0 $0xF7A, s2;
	p2 =	seq.s32 @!p0 s5, $0x0  }
0x1f: {  	s9 =	smul.u32 $0xF7A, s1;
	s8 =	simm.s32 @!p0 $0x1BF5;
	p2 =	por !p2, p0  }
0x20: {  	[sflag:s8] =	ssyncset.s32 @!p0 $0xFFFFF086;
	s6 =	sadd.s32 @!p0 s3, s7;
	s7 =	simm.s32 @!p0 $0x108  }
0x21: {  	s3 =	sadd.s32 s3, s9;
	s6 =	sadd.s32 @!p0 $0x88, s6;
	s7 =	simm.s32 @p2 $0x1082  }
0x22: {  	[simem:s7], [sflag:s8] =	dma.local @!p0 [hbm:s6], $0xF7A  }
0x23: {  	s9 =	sor.u32 $0xD0000000, s2;
	s6 =	simm.s32 $0x108;
	_ =	swait.ge @!p0 [sflag:s8], $0x0  }
0x24: {  	s3 =	sadd.s32 $0x88, s3;
	s6 =	simm.s32 @!p1 $0x1082;
	[sflag:s4] =	ssyncset.s32 $0xFFFFF086  }
0x25: {  	[simem:s6], [sflag:s4] =	dma.local [hbm:s3], $0xF7A  }
0x26: {  	[smem:$0x3F98] =	sst s1;
	(tag) =	ssettag s2;
	_ =	strace s9  }
0x27: {  	s1 =	sld [smem:$0x3FA8]  }
0x28: {  	s2 =	sld [smem:$0x3FA9]  }
0x29: {  	s4 =	sld [smem:$0x3FAB]  }
0x2a: {  	p0 =	seq.s32 s5, $0x0;
	s5 =	sld [smem:$0x3FAC]  }
0x2b: {  	s6 =	sld [smem:$0x3FAD]  }
0x2c: {  	s7 =	sld [smem:$0x3FAE]  }
0x2d: {  	s3 =	simm.s32 $0x108;
	s8 =	sld [smem:$0x3FAF]  }
0x2e: {  	s3 =	simm.s32 @!p0 $0x1082;
	s9 =	sld [smem:$0x3FB0]  }
0x2f: {  	lr =	sadd.s32 s0, s3;
	s0 =	sld [smem:$0x3FA7]  }
0x30: {  	s3 =	sld [smem:$0x3FAA]  }
0x31: {  	[smem:$0x3FB3] =	sst s10  }
0x32: {  	s10 =	sld [smem:$0x3FB1];
	_ =	sdelay $0x3  }
0x33: {  	p0 =	seq.s32 s10, $0x1;
	s10 =	sld [smem:$0x3FB3];
	_ =	sdelay $0x3  }
0x34: {  	[smem:$0x3FB3] =	sst s10  }
0x35: {  	s10 =	sld [smem:$0x3FB2];
	_ =	sdelay $0x3  }
0x36: {  	p1 =	seq.s32 s10, $0x1;
	s10 =	sld [smem:$0x3FB3];
	_ =	sdelay $0x3  }
0x37: {  	[smem:$0x3FB3] =	sst s10  }
0x38: {  	s10 =	sld [smem:$0x3FB4]  }
0x39: {  	_ = 	snop;
	(pc) =	sbr.ind lr, $3  }
0x3a: {  	_ = 	snop  }
0x3b: {  	_ = 	snop  }
0x3c: {  	p2 =	seq.s32 s10, $0x1;
	s10 =	sld [smem:$0x3FB3]  }
0x3d: {  	_ =	shalt  }
0x3e: {  	_ =	shalt  }
0x3f: {  	_ =	shalt  }
0x40: {  	_ =	shalt  }
0x41: {  	_ =	shalt  }
0x42: {  	_ =	shalt  }
0x43: {  	_ =	shalt  }
0x44: {  	_ =	shalt  }
0x45: {  	_ =	shalt  }
0x46: {  	_ =	shalt  }
0x47: {  	_ =	shalt  }
0x48: {  	_ =	shalt  }
0x49: {  	_ =	shalt  }
0x4a: {  	_ =	shalt  }
0x4b: {  	_ =	shalt  }
0x4c: {  	_ =	shalt  }
0x4d: {  	_ =	shalt  }
0x4e: {  	_ =	shalt  }
0x4f: {  	_ =	shalt  }
0x50: {  	_ =	shalt  }
0x51: {  	_ =	shalt  }
0x52: {  	_ =	shalt  }
0x53: {  	_ =	shalt  }
0x54: {  	_ =	shalt  }
0x55: {  	_ =	shalt  }
0x56: {  	_ =	shalt  }
0x57: {  	_ =	shalt  }
0x58: {  	_ =	shalt  }
0x59: {  	_ =	shalt  }
0x5a: {  	_ =	shalt  }
0x5b: {  	_ =	shalt  }
0x5c: {  	_ =	shalt  }
0x5d: {  	_ =	shalt  }
0x5e: {  	_ =	shalt  }
0x5f: {  	_ =	shalt  }
0x60: {  	_ =	shalt  }
0x61: {  	_ =	shalt  }
0x62: {  	_ =	shalt  }
0x63: {  	_ =	shalt  }
0x64: {  	_ =	shalt  }
0x65: {  	_ =	shalt  }
0x66: {  	_ =	shalt  }
0x67: {  	_ =	shalt  }
0x68: {  	_ =	shalt  }
0x69: {  	_ =	shalt  }
0x6a: {  	_ =	shalt  }
0x6b: {  	_ =	shalt  }
0x6c: {  	_ =	shalt  }
0x6d: {  	_ =	shalt  }
0x6e: {  	_ =	shalt  }
0x6f: {  	_ =	shalt  }
0x70: {  	_ =	shalt  }
0x71: {  	_ =	shalt  }
0x72: {  	_ =	shalt  }
0x73: {  	_ =	shalt  }
0x74: {  	_ =	shalt  }
0x75: {  	_ =	shalt  }
0x76: {  	_ =	shalt  }
0x77: {  	_ =	shalt  }
0x78: {  	_ =	shalt  }
0x79: {  	_ =	shalt  }
0x7a: {  	_ =	shalt  }
0x7b: {  	_ =	shalt  }
0x7c: {  	_ =	shalt  }
0x7d: {  	_ =	shalt  }
0x7e: {  	_ =	shalt  }
0x7f: {  	_ =	shalt  }
0x80: {  	_ =	shalt  }
0x81: {  	_ =	shalt  }
0x82: {  	_ =	shalt  }
0x83: {  	_ =	shalt  }
0x84: {  	_ =	shalt  }
0x85: {  	_ =	shalt  }
0x86: {  	_ =	shalt  }
0x87: {  	_ =	shalt  }
.Lfunc_end0:
.L_simem_size_0:
called_computation.2_lowered:
.L_overlay_start_0:
0x88: {  	s2 =	sld [smem:$0x3FD9]  }
0x89: {  	s3 =	sld [smem:$0x3FFE];
	_ =	sdelay $0x1  }
0x8a: {  	s1 =	srdreg.scid  }
0x8b: {  	s0 =	sand.u32 $0x1, s1  }
0x8c: {  	s17 =	sshll.u32 s0, $0xA;
	s2 =	sadd.s32 s3, s2  }
0x8d: {  	s2 =	sadd.s32 s2, s17  }
0x8e: {  	[smem:$0x3FBF] =	sst s2  }
0x8f: {  	_ = 	snop  }
0x90: {  	s2 =	sld [smem:$0x3FD0];
	(tm) =	ssettm $0x1  }
0x91: {  	s18 =	sld [smem:$0x3FFB];
	_ =	sdelay $0x3  }
0x92: {  	_ =	strace s18  }
0x93: {  	s3 =	sld [smem:$0x3FFC];
	_ =	sdelay $0x3  }
0x94: {  	_ =	strace s3  }
0x95: {  	s3 =	sld [smem:$0x3FFD];
	_ =	sdelay $0x3  }
0x96: {  	_ =	strace s3  }
0x97: {  	_ =	strace $0x8FFFFFFF  }
0x98: {  	s19 =	sld [smem:$0x3FDB];
	_ =	sdelay $0x1  }
0x99: {  	s4 =	simm.s32 $_scs_section_size  }
0x9a: {  	s5 =	simm.s32 $_size__tile_overlayer_lowered;
	s6 =	simm.s32 $_tile_overlayer_lowered  }
0x9b: {  	s22 =	simm.s32 $0x1BFF;
	s21 =	sshll.u32 s6, $0x1;
	s3 =	sadd.s32 s4, s19  }
0x9c: {  	s7 =	simm.s32 $0x0;
	s20 =	sshll.u32 s5, $0x1;
	s5 =	sadd.s32 s21, s3  }
0x9d: {  	[timem:s7], [sflag:s22] =	dma.local [hbm:s5], s20  }
0x9e: {  	_ =	swait.ge [sflag:s22], s20  }
0x9f: {  	s4 =	ssub.s32 $0x0, s20;
	[sflag:s22] =	ssyncset.done $0x0  }
0xa0: {  	[sflag:s22] =	ssyncadd.s32 s4;
	_ =	sdelay $0x1  }
0xa1: {  	s23 =	simm.s32 $0x1B8B  }
0xa2: {  	_ =	swait.ge [sflag:s23], $0x1  }
0xa3: {  	[sflag:s23] =	ssyncset.done $0x0  }
0xa4: {  	s25 =	simm.s32 $0x1B8E;
	s24 =	sld [smem:$0x3FFE];
	[sflag:s23] =	ssyncadd.s32 $0xFFFFFFFF  }
0xa5: {  	s26 =	simm.s32 $execute0_lowered;
	[smem:$0x3FD2] =	sst s25  }
0xa6: {  	s5 =	sshll.u32 s26, $0x1;
	_ =	strace $0x8000004C;
	[dreg:$0x1] =	wrdreg $0xFFFFFFFF  }
0xa7: {  	s28 =	simm.s32 $_size_execute0_lowered;
	s3 =	sadd.s32 s3, s5;
	[dreg:$0x0] =	wrdreg $0x0  }
0xa8: {  	s5 =	sshll.u32 s28, $0x1;
	[dreg:$0x2] =	wrdreg s3  }
0xa9: {  	[dreg:$0x3] =	wrdreg s5  }
0xaa: {  	[dreg:$0x4] =	wrdreg $0xC0  }
0xab: {  	_ =	task [dreg:s7], $0x5FFFF  }
0xac: {  	[dreg:$0x1] =	wrdreg $0xFFFFFFFF  }
0xad: {  	[dreg:$0x0] =	wrdreg $0x60  }
0xae: {  	[dreg:$0x2] =	wrdreg s24  }
0xaf: {  	[dreg:$0x3] =	wrdreg s2  }
0xb0: {  	[dreg:$0x4] =	wrdreg $0x90000  }
0xb1: {  	[dreg:$0x5] =	wrdreg $0x9  }
0xb2: {  	_ =	task.clear_ibuf [dreg:s7], $0x6FFFF;
	_ =	strace $0x9000004C  }
0xb3: {  	s29 =	simm.s32 $0x9;
	_ =	strace $0x8000004E  }
0xb4: {  	_ =	swait.ge [sflag:s29], $0x1  }
0xb5: {  	[sflag:s29] =	ssyncadd.s32 $0xFFFFFFFF  }
0xb6: {  	_ =	strace $0x9000004E  }
0xb7: {  	_ =	sfence  }
0xb8: {  	s30 =	sld [smem:$0x0];
	_ =	sdelay $0x2  }
0xb9: {  	s31 =	sshll.u32 s1, $0xD;
	s1 =	sshrl.u32 s1, $0x2  }
0xba: {  	s3 =	sand.u32 $0x4000, s31;
	s1 =	sadd.s32 s1, s30  }
0xbb: {  	s0 =	sor.u32 s3, s0;
	s1 =	sshll.u32 s1, $0x11  }
0xbc: {  	s0 =	sor.u32 s1, s0  }
0xbd: {  	s0 =	sadd.s32 $0x8F2B, s0  }
0xbe: {  	[sflag:s0] =	ssyncadd.remote.s32 $0x1  }
0xbf: {  	_ =	sfence.sel $0xFFFF  }
0xc0: {  	[dreg:$0x0] =	wrdreg $0xFFFFFFFF;
	(pc) =	sbr.abs _section_cstart, $3  }
0xc1: {  	[dreg:$0x1] =	wrdreg $0xFFFFFFFF  }
0xc2: {  	_ =	task.clear_ibuf [dreg:s7], $0x2FFFF;
	_ =	strace $0x9FFFFFFF  }
0xc3: {  	(tm) =	ssettm $0x7FFFFFFF  }
tec
execute0_lowered:
.L_overlay_start_1:
0x0: {  	(tag) =	ssettag $0x1  }
0x1: {  	s0 =	rddreg [dreg:$0x0]  }
0x2: {  	s3 =	rddreg [dreg:$0x2];
	s1 =	srdreg.scid  }
0x3: {  	s12 =	stileid.u32;
	s4 =	simm.s32 $0x0;
	s9 =	simm.s32 $0x100  }
0x4: {  	s23 =	simm.s32 $0x880;
	s24 =	simm.s32 $0x180;
	[smem:$0x7FF] =	sst s4  }
0x5: {  	s26 =	simm.s32 $0x900;
	_ =	strace $0x8000004D;
	[dreg:$0x4] =	wrdreg s9  }
0x6: {  	s13 =	simm.s32 $0x200;
	s15 =	simm.s32 $0x980;
	[dreg:$0x5] =	wrdreg s23  }
0x7: {  	s17 =	simm.s32 $0x280;
	s19 =	simm.s32 $0xA00;
	[dreg:$0x6] =	wrdreg s24  }
0x8: {  	s28 =	simm.s32 $0x2;
	s29 =	simm.s32 $0x4;
	[dreg:$0x7] =	wrdreg s26  }
0x9: {  	s30 =	simm.s32 $0x400;
	s1 =	sand.u32 $0x1, s1;
	[dreg:$0x8] =	wrdreg s13  }
0xa: {  	s2 =	smul.u32 $0x2780, s12;
	s5 =	sadd.s32 $0x16C00, s0;
	[dreg:$0x9] =	wrdreg s15  }
0xb: {  	s6 =	sadd.s32 $0xCC00, s0;
	s10 =	smul.u32 $0x4F000, s12;
	[dreg:$0xa] =	wrdreg s17  }
0xc: {  	s7 =	smul.u32 $0x27800, s1;
	[dreg:$0xb] =	wrdreg s19;
	s23 =	simm.s32 $0xA80  }
0xd: {  	s8 =	ssub.s32 $0x2, s1;
	s24 =	simm.s32 $0x380;
	[dreg:$0xd] =	wrdreg s23  }
0xe: {  	s22 =	sshll.u32 s1, $0x4;
	s26 =	simm.s32 $0xB00;
	[dreg:$0xe] =	wrdreg s24  }
0xf: {  	s13 =	simm.s32 $0x480;
	s1 =	smul.u32 $0x28000, s1;
	[dreg:$0xf] =	wrdreg s26  }
0x10: {  	s15 =	smul.u32 $0x2800, s12;
	s17 =	simm.s32 $0x580;
	[dreg:$0x11] =	wrdreg s13  }
0x11: {  	s19 =	simm.s32 $0x600;
	s21 =	sshrl.u32 s8, $0x1;
	[dreg:$0x14] =	wrdreg s17  }
0x12: {  	s11 =	sor.u32 s12, s22;
	s25 =	sshrl.u32 s10, $0x2;
	[dreg:$0x16] =	wrdreg s19  }
0x13: {  	s23 =	simm.s32 $0x700;
	s24 =	simm.s32 $0xE80;
	s26 =	simm.s32 $0xF00  }
0x14: {  	s2 =	sadd.s32 s2, s7;
	s7 =	sadd.s32 $0x2C00, s0;
	[dreg:$0x1a] =	wrdreg s23  }
0x15: {  	s20 =	smul.u32 $0x2800, s11;
	s11 =	simm.s32 $0xB80;
	[dreg:$0x1b] =	wrdreg s24  }
0x16: {  	[dreg:$0x1d] =	wrdreg s26;
	s0 =	sadd.s32 s2, s0;
	s2 =	ssub.s32 s8, s21  }
0x17: {  	s8 =	sadd.s32 s25, s3;
	s21 =	simm.s32 $0x300;
	[dreg:$0x10] =	wrdreg s11  }
0x18: {  	s31 =	simm.s32 $0xC00;
	s14 =	sadd.s32 $0x4000, s8;
	[dreg:$0xc] =	wrdreg s21  }
0x19: {  	s1 =	sadd.s32 s15, s1;
	s16 =	sadd.s32 $0x8000, s8;
	[dreg:$0x1e] =	wrdreg s14  }
0x1a: {  	s23 =	simm.s32 $0x80;
	s18 =	sadd.s32 $0xC000, s8;
	[dreg:$0x1f] =	wrdreg s16  }
0x1b: {  	s24 =	simm.s32 $0x5000;
	s22 =	sadd.s32 $0x10000, s8;
	[smem:$0x7F8] =	sst s18  }
0x1c: {  	s26 =	simm.s32 $0x3;
	s0 =	sadd.s32 $0x3DE00, s0;
	[smem:$0x7F9] =	sst s22  }
0x1d: {  	s11 =	sadd.s32 $0x800, s1;
	s2 =	smax.u32 s2, $0x1;
	[smem:$0x7FC] =	sst s0  }
0x1e: {  	s10 =	sshrl.u32 s20, $0x3;
	s20 =	simm.s32 $0xD80;
	[smem:$0x7FD] =	sst s2  }
0x1f: {  	s1 =	sor.u32 $0x400, s1;
	s21 =	simm.s32 $0x680;
	[dreg:$0x17] =	wrdreg s20  }
0x20: {  	s1 =	sshrl.u32 s1, $0x3;
	s25 =	sadd.s32 s6, s10;
	[dreg:$0x18] =	wrdreg s21  }
0x21: {  	s10 =	sadd.s32 s7, s10;
	s14 =	simm.s32 $0x500;
	[smem:$0x7FA] =	sst s25  }
0x22: {  	s16 =	simm.s32 $0xC80;
	s18 =	simm.s32 $0xD00;
	[smem:$0x7FB] =	sst s10  }
0x23: {  	s22 =	simm.s32 $0xE00;
	s19 =	sadd.s32 s1, s6;
	[dreg:$0x12] =	wrdreg s14  }
0x24: {  	s20 =	simm.s32 $0x1000;
	s21 =	simm.s32 $0x7;
	[dreg:$0x13] =	wrdreg s16  }
0x25: {  	s0 =	simm.s32 $0x6;
	[dreg:$0x15] =	wrdreg s18;
	s18 =	sadd.s32 s1, s7  }
0x26: {  	[dreg:$0x19] =	wrdreg s22;
	s25 =	simm.s32 $0x780;
	s22 =	simm.s32 $0x800  }
0x27: {  	s1 =	simm.s32 $0x0;
	[dreg:$0x1c] =	wrdreg s25;
	s25 =	simm.s32 $0x1  }
.LBB2_1:
0x28: {  	s2 =	rddreg [dreg:$0x1]  }
0x29: {  	[tilespmem:s20], [sflag:$0x7] =	stream.linear.gather [hbm4b:s2+s4], $0x4000, $0x38;
	[tilespmem:$0x1CC00] =	vst v63  }
0x2a: {  	_ =	swait.ge [sflag:s21], $0x4000  }
0x2b: {  	[sflag:s21] =	ssyncset.done $0x0  }
0x2c: {  	[sflag:s21] =	ssyncadd.s32 $0xFFFFC000  }
0x2d: {  	[spmem:s8] =	stream.linear.scatter [tilespmem:s20], [sflag:$0x7], $0x4000, $0x38;
	[tilespmem:$0x1CC00] =	vst v63  }
0x2e: {  	_ =	swait.ge [sflag:s21], $0x4000  }
0x2f: {  	[sflag:s21] =	ssyncset.done $0x0  }
0x30: {  	s17 =	rddreg [dreg:$0x1e];
	[sflag:s21] =	ssyncadd.s32 $0xFFFFC000  }
0x31: {  	[spmem:s17] =	stream.linear.scatter [tilespmem:s20], [sflag:$0x7], $0x4000, $0x38;
	[tilespmem:$0x1CC00] =	vst v63  }
0x32: {  	_ =	swait.ge [sflag:s21], $0x4000  }
0x33: {  	[sflag:s21] =	ssyncset.done $0x0  }
0x34: {  	s9 =	rddreg [dreg:$0x1f];
	[sflag:s21] =	ssyncadd.s32 $0xFFFFC000  }
0x35: {  	[spmem:s9] =	stream.linear.scatter [tilespmem:s20], [sflag:$0x7], $0x4000, $0x38;
	[tilespmem:$0x1CC00] =	vst v63  }
0x36: {  	_ =	swait.ge [sflag:s21], $0x4000  }
0x37: {  	s10 =	sld [smem:$0x7F8]  }
0x38: {  	[sflag:s21] =	ssyncset.done $0x0  }
0x39: {  	[sflag:s21] =	ssyncadd.s32 $0xFFFFC000  }
0x3a: {  	[spmem:s10] =	stream.linear.scatter [tilespmem:s20], [sflag:$0x7], $0x4000, $0x38;
	[tilespmem:$0x1CC00] =	vst v63  }
0x3b: {  	_ =	swait.ge [sflag:s21], $0x4000  }
0x3c: {  	s12 =	sld [smem:$0x7F9]  }
0x3d: {  	[sflag:s21] =	ssyncset.done $0x0  }
0x3e: {  	[sflag:s21] =	ssyncadd.s32 $0xFFFFC000  }
0x3f: {  	[spmem:s12] =	stream.linear.scatter [tilespmem:s20], [sflag:$0x7], $0x3C00, $0x38;
	[tilespmem:$0x1CC00] =	vst v63  }
0x40: {  	_ =	swait.ge [sflag:s21], $0x3C00  }
0x41: {  	s13 =	sld [smem:$0x7FA]  }
0x42: {  	[sflag:s21] =	ssyncset.done $0x0  }
0x43: {  	[sflag:s21] =	ssyncadd.s32 $0xFFFFC400  }
0x44: {  	[tilespmem:s4], [sflag:$0x7] =	stream.linear.gather [hbm4b:s13+s4], $0x400, $0x38;
	[tilespmem:$0x1CC00] =	vst v63  }
0x45: {  	_ =	swait.ge [sflag:s21], $0x400  }
0x46: {  	s14 =	sld [smem:$0x7FB]  }
0x47: {  	[sflag:s21] =	ssyncset.done $0x0  }
0x48: {  	[sflag:s21] =	ssyncadd.s32 $0xFFFFFC00  }
0x49: {  	[tilespmem:s22], [sflag:$0x7] =	stream.linear.gather [hbm4b:s14+s4], $0x400, $0x38;
	[tilespmem:$0x1CC00] =	vst v63  }
0x4a: {  	_ =	swait.ge [sflag:s21], $0x400  }
0x4b: {  	p0 =	por $0x1, $0x1;
	[sflag:s21] =	ssyncset.done $0x0  }
0x4c: {  	s2 =	simm.s32 @p0 $0x80;
	[sflag:s21] =	ssyncadd.s32 $0xFFFFFC00  }
0x4d: {  	s9 =	simm.s32 @p0 $0x0;
	s10 =	simm.s32 @p0 $0x1000;
	[bflag:$0x0] =	sbarrier.arrive $0xFFFF  }
0x4e: {  	[tilespmem:s10], [sflag:$0x1] =	stream.indirect.gather @p0 [hbm4b:s5+s2], $0x80, s9, s2, $0xb8;
	[tilespmem:$0x1CC00] =	vst v63  }
0x4f: {  	s2 =	simm.s32 @!p0 $0x3  }
0x50: {  	_ =	swait.ge @!p0 [sflag:s2], $0x4000  }
0x51: {  	[sflag:s2] =	ssyncset.done @!p0 $0x0  }
0x52: {  	s9 =	simm.s32 @!p0 $0x5;
	[sflag:s2] =	ssyncadd.s32 @!p0 $0xFFFFC000  }
0x53: {  	_ =	swait.ge @!p0 [sflag:s9], $0x400  }
0x54: {  	[sflag:s9] =	ssyncset.done @!p0 $0x0  }
0x55: {  	[sflag:s9] =	ssyncadd.s32 @!p0 $0xFFFFFC00  }
0x56: {  	_ =	swait.ge @!p0 [sflag:s9], $0x400  }
0x57: {  	s12 =	simm.s32 @!p0 $0x0;
	s10 =	simm.s32 @!p0 $0x80;
	[sflag:s9] =	ssyncset.done @!p0 $0x0  }
0x58: {  	s2 =	simm.s32 @!p0 $0x1000;
	[sflag:s9] =	ssyncadd.s32 @!p0 $0xFFFFFC00;
	s9 =	simm.s32 @!p0 $0x2  }
0x59: {  	[tilespmem:s2], [sflag:$0x1] =	stream.indirect.gather @!p0 [hbm4b:s5+s10], $0x80, s12, s10, $0xb8;
	[tilespmem:$0x1CC00] =	vst v63  }
0x5a: {  	_ =	swait.ge @!p0 [sflag:s9], $0x4000  }
0x5b: {  	s2 =	simm.s32 @!p0 $0xF80;
	[sflag:s9] =	ssyncset.done @!p0 $0x0  }
0x5c: {  	s12 =	simm.s32 @!p0 $0x5000;
	[sflag:s9] =	ssyncadd.s32 @!p0 $0xFFFFC000;
	s9 =	simm.s32 @!p0 $0x4  }
0x5d: {  	[spmem:s3] =	stream.indirect.scatter.add.f32 @!p0 [tilespmem:s12], [sflag:$0x4], $0x80, s2, s10, $0xb8;
	[tilespmem:$0x1CC00] =	vst v63  }
0x5e: {  	_ =	swait.ge @!p0 [sflag:s9], $0x4000  }
0x5f: {  	[sflag:s9] =	ssyncset.done @!p0 $0x0  }
0x60: {  	[sflag:s9] =	ssyncadd.s32 @!p0 $0xFFFFC000  }
0x61: {  	[tilespmem:s24], [sflag:$0x2] =	stream.indirect.gather [hbm4b:s5+s23], $0x80, s23, s23, $0xb8;
	[tilespmem:$0x1CC00] =	vst v63  }
0x62: {  	_ =	swait.ge [sflag:s25], $0x4000  }
0x63: {  	[sflag:s25] =	ssyncset.done $0x0  }
0x64: {  	[sflag:s25] =	ssyncadd.s32 $0xFFFFC000  }
0x65: {  	[spmem:s3] =	stream.indirect.scatter.add.f32 [tilespmem:s20], [sflag:$0x3], $0x80, s22, s23, $0xb8;
	[tilespmem:$0x1CC00] =	vst v63  }
0x66: {  	_ =	swait.ge [sflag:s26], $0x4000  }
0x67: {  	[sflag:s26] =	ssyncset.done $0x0  }
0x68: {  	s15 =	rddreg [dreg:$0x4];
	[sflag:s26] =	ssyncadd.s32 $0xFFFFC000  }
0x69: {  	[tilespmem:s20], [sflag:$0x1] =	stream.indirect.gather [hbm4b:s5+s23], $0x80, s15, s23, $0xb8;
	[tilespmem:$0x1CC00] =	vst v63  }
0x6a: {  	_ =	swait.ge [sflag:s28], $0x4000  }
0x6b: {  	[sflag:s28] =	ssyncset.done $0x0  }
0x6c: {  	s16 =	rddreg [dreg:$0x5];
	[sflag:s28] =	ssyncadd.s32 $0xFFFFC000  }
0x6d: {  	[spmem:s3] =	stream.indirect.scatter.add.f32 [tilespmem:s24], [sflag:$0x4], $0x80, s16, s23, $0xb8;
	[tilespmem:$0x1CC00] =	vst v63  }
0x6e: {  	_ =	swait.ge [sflag:s29], $0x4000  }
0x6f: {  	[sflag:s29] =	ssyncset.done $0x0  }
0x70: {  	s17 =	rddreg [dreg:$0x6];
	[sflag:s29] =	ssyncadd.s32 $0xFFFFC000  }
0x71: {  	[tilespmem:s24], [sflag:$0x2] =	stream.indirect.gather [hbm4b:s5+s23], $0x80, s17, s23, $0xb8;
	[tilespmem:$0x1CC00] =	vst v63  }
0x72: {  	_ =	swait.ge [sflag:s25], $0x4000  }
0x73: {  	[sflag:s25] =	ssyncset.done $0x0  }
0x74: {  	s9 =	rddreg [dreg:$0x7];
	[sflag:s25] =	ssyncadd.s32 $0xFFFFC000  }
0x75: {  	[spmem:s3] =	stream.indirect.scatter.add.f32 [tilespmem:s20], [sflag:$0x3], $0x80, s9, s23, $0xb8;
	[tilespmem:$0x1CC00] =	vst v63  }
0x76: {  	_ =	swait.ge [sflag:s26], $0x4000  }
0x77: {  	[sflag:s26] =	ssyncset.done $0x0  }
0x78: {  	[sflag:s26] =	ssyncadd.s32 $0xFFFFC000  }
0x79: {  	[tilespmem:s30], [sflag:$0x6] =	stream.linear.gather [hbm4b:s19+s4], $0x400, $0x38;
	[tilespmem:$0x1CC00] =	vst v63  }
0x7a: {  	_ = 	snop  }
0x7b: {  	[tilespmem:s31], [sflag:$0x6] =	stream.linear.gather [hbm4b:s18+s4], $0x400, $0x38;
	[tilespmem:$0x1CC00] =	vst v63  }
0x7c: {  	s10 =	rddreg [dreg:$0x8]  }
0x7d: {  	[tilespmem:s20], [sflag:$0x1] =	stream.indirect.gather [hbm4b:s5+s23], $0x80, s10, s23, $0xb8;
	[tilespmem:$0x1CC00] =	vst v63  }
0x7e: {  	_ =	swait.ge [sflag:s28], $0x4000  }
0x7f: {  	[sflag:s28] =	ssyncset.done $0x0  }
0x80: {  	s12 =	rddreg [dreg:$0x9];
	[sflag:s28] =	ssyncadd.s32 $0xFFFFC000  }
0x81: {  	[spmem:s3] =	stream.indirect.scatter.add.f32 [tilespmem:s24], [sflag:$0x4], $0x80, s12, s23, $0xb8;
	[tilespmem:$0x1CC00] =	vst v63  }
0x82: {  	_ =	swait.ge [sflag:s29], $0x4000  }
0x83: {  	[sflag:s29] =	ssyncset.done $0x0  }
0x84: {  	s13 =	rddreg [dreg:$0xa];
	[sflag:s29] =	ssyncadd.s32 $0xFFFFC000  }
0x85: {  	[tilespmem:s24], [sflag:$0x2] =	stream.indirect.gather [hbm4b:s5+s23], $0x80, s13, s23, $0xb8;
	[tilespmem:$0x1CC00] =	vst v63  }
0x86: {  	_ =	swait.ge [sflag:s25], $0x4000  }
0x87: {  	[sflag:s25] =	ssyncset.done $0x0  }
0x88: {  	s14 =	rddreg [dreg:$0xb];
	[sflag:s25] =	ssyncadd.s32 $0xFFFFC000  }
0x89: {  	[spmem:s3] =	stream.indirect.scatter.add.f32 [tilespmem:s20], [sflag:$0x3], $0x80, s14, s23, $0xb8;
	[tilespmem:$0x1CC00] =	vst v63  }
0x8a: {  	_ =	swait.ge [sflag:s26], $0x4000  }
0x8b: {  	[sflag:s26] =	ssyncset.done $0x0  }
0x8c: {  	s15 =	rddreg [dreg:$0xc];
	[sflag:s26] =	ssyncadd.s32 $0xFFFFC000  }
0x8d: {  	[tilespmem:s20], [sflag:$0x1] =	stream.indirect.gather [hbm4b:s5+s23], $0x80, s15, s23, $0xb8;
	[tilespmem:$0x1CC00] =	vst v63  }
0x8e: {  	_ =	swait.ge [sflag:s28], $0x4000  }
0x8f: {  	[sflag:s28] =	ssyncset.done $0x0  }
0x90: {  	s16 =	rddreg [dreg:$0xd];
	[sflag:s28] =	ssyncadd.s32 $0xFFFFC000  }
0x91: {  	[spmem:s3] =	stream.indirect.scatter.add.f32 [tilespmem:s24], [sflag:$0x4], $0x80, s16, s23, $0xb8;
	[tilespmem:$0x1CC00] =	vst v63  }
0x92: {  	_ =	swait.ge [sflag:s29], $0x4000  }
0x93: {  	[sflag:s29] =	ssyncset.done $0x0  }
0x94: {  	s17 =	rddreg [dreg:$0xe];
	[sflag:s29] =	ssyncadd.s32 $0xFFFFC000  }
0x95: {  	[tilespmem:s24], [sflag:$0x2] =	stream.indirect.gather [hbm4b:s5+s23], $0x80, s17, s23, $0xb8;
	[tilespmem:$0x1CC00] =	vst v63  }
0x96: {  	_ =	swait.ge [sflag:s25], $0x4000  }
0x97: {  	[sflag:s25] =	ssyncset.done $0x0  }
0x98: {  	s9 =	rddreg [dreg:$0xf];
	[sflag:s25] =	ssyncadd.s32 $0xFFFFC000  }
0x99: {  	[spmem:s3] =	stream.indirect.scatter.add.f32 [tilespmem:s20], [sflag:$0x3], $0x80, s9, s23, $0xb8;
	[tilespmem:$0x1CC00] =	vst v63  }
0x9a: {  	_ =	swait.ge [sflag:s26], $0x4000  }
0x9b: {  	[sflag:s26] =	ssyncset.done $0x0  }
0x9c: {  	[sflag:s26] =	ssyncadd.s32 $0xFFFFC000  }
0x9d: {  	_ =	swait.ge [sflag:s0], $0x400  }
0x9e: {  	[sflag:s0] =	ssyncset.done $0x0  }
0x9f: {  	[sflag:s0] =	ssyncadd.s32 $0xFFFFFC00  }
0xa0: {  	_ =	swait.ge [sflag:s0], $0x400  }
0xa1: {  	[sflag:s0] =	ssyncset.done $0x0  }
0xa2: {  	[sflag:s0] =	ssyncadd.s32 $0xFFFFFC00  }
0xa3: {  	[tilespmem:s20], [sflag:$0x1] =	stream.indirect.gather [hbm4b:s5+s23], $0x80, s30, s23, $0xb8;
	[tilespmem:$0x1CC00] =	vst v63  }
0xa4: {  	_ =	swait.ge [sflag:s28], $0x4000  }
0xa5: {  	[sflag:s28] =	ssyncset.done $0x0  }
0xa6: {  	s10 =	rddreg [dreg:$0x10];
	[sflag:s28] =	ssyncadd.s32 $0xFFFFC000  }
0xa7: {  	[spmem:s3] =	stream.indirect.scatter.add.f32 [tilespmem:s24], [sflag:$0x4], $0x80, s10, s23, $0xb8;
	[tilespmem:$0x1CC00] =	vst v63  }
0xa8: {  	_ =	swait.ge [sflag:s29], $0x4000  }
0xa9: {  	[sflag:s29] =	ssyncset.done $0x0  }
0xaa: {  	s12 =	rddreg [dreg:$0x11];
	[sflag:s29] =	ssyncadd.s32 $0xFFFFC000  }
0xab: {  	[tilespmem:s24], [sflag:$0x2] =	stream.indirect.gather [hbm4b:s5+s23], $0x80, s12, s23, $0xb8;
	[tilespmem:$0x1CC00] =	vst v63  }
0xac: {  	_ =	swait.ge [sflag:s25], $0x4000  }
0xad: {  	[sflag:s25] =	ssyncset.done $0x0  }
0xae: {  	[sflag:s25] =	ssyncadd.s32 $0xFFFFC000  }
0xaf: {  	[spmem:s3] =	stream.indirect.scatter.add.f32 [tilespmem:s20], [sflag:$0x3], $0x80, s31, s23, $0xb8;
	[tilespmem:$0x1CC00] =	vst v63  }
0xb0: {  	_ =	swait.ge [sflag:s26], $0x4000  }
0xb1: {  	[sflag:s26] =	ssyncset.done $0x0  }
0xb2: {  	s13 =	rddreg [dreg:$0x12];
	[sflag:s26] =	ssyncadd.s32 $0xFFFFC000  }
0xb3: {  	[tilespmem:s20], [sflag:$0x1] =	stream.indirect.gather [hbm4b:s5+s23], $0x80, s13, s23, $0xb8;
	[tilespmem:$0x1CC00] =	vst v63  }
0xb4: {  	_ =	swait.ge [sflag:s28], $0x4000  }
0xb5: {  	[sflag:s28] =	ssyncset.done $0x0  }
0xb6: {  	s14 =	rddreg [dreg:$0x13];
	[sflag:s28] =	ssyncadd.s32 $0xFFFFC000  }
0xb7: {  	[spmem:s3] =	stream.indirect.scatter.add.f32 [tilespmem:s24], [sflag:$0x4], $0x80, s14, s23, $0xb8;
	[tilespmem:$0x1CC00] =	vst v63  }
0xb8: {  	_ =	swait.ge [sflag:s29], $0x4000  }
0xb9: {  	[sflag:s29] =	ssyncset.done $0x0  }
0xba: {  	s15 =	rddreg [dreg:$0x14];
	[sflag:s29] =	ssyncadd.s32 $0xFFFFC000  }
0xbb: {  	[tilespmem:s24], [sflag:$0x2] =	stream.indirect.gather [hbm4b:s5+s23], $0x80, s15, s23, $0xb8;
	[tilespmem:$0x1CC00] =	vst v63  }
0xbc: {  	_ =	swait.ge [sflag:s25], $0x4000  }
0xbd: {  	[sflag:s25] =	ssyncset.done $0x0  }
0xbe: {  	s16 =	rddreg [dreg:$0x15];
	[sflag:s25] =	ssyncadd.s32 $0xFFFFC000  }
0xbf: {  	[spmem:s3] =	stream.indirect.scatter.add.f32 [tilespmem:s20], [sflag:$0x3], $0x80, s16, s23, $0xb8;
	[tilespmem:$0x1CC00] =	vst v63  }
0xc0: {  	p0 =	por $0x0, $0x0;
	_ =	swait.ge [sflag:s26], $0x4000  }
0xc1: {  	s2 =	sshrl.u32 @!p0 s11, $0x3;
	[sflag:s26] =	ssyncset.done $0x0  }
0xc2: {  	s9 =	sadd.s32 @!p0 s6, s2;
	s10 =	simm.s32 @!p0 $0x0;
	[sflag:s26] =	ssyncadd.s32 $0xFFFFC000  }
0xc3: {  	[tilespmem:s10], [sflag:$0x5] =	stream.linear.gather @!p0 [hbm4b:s9+s10], $0x400, $0x38;
	[tilespmem:$0x1CC00] =	vst v63  }
0xc4: {  	s2 =	sadd.s32 @!p0 s7, s2;
	s9 =	simm.s32 @!p0 $0x800  }
0xc5: {  	[tilespmem:s9], [sflag:$0x5] =	stream.linear.gather @!p0 [hbm4b:s2+s10], $0x400, $0x38;
	[tilespmem:$0x1CC00] =	vst v63  }
0xc6: {  	s17 =	rddreg [dreg:$0x16]  }
0xc7: {  	[tilespmem:s20], [sflag:$0x1] =	stream.indirect.gather [hbm4b:s5+s23], $0x80, s17, s23, $0xb8;
	[tilespmem:$0x1CC00] =	vst v63  }
0xc8: {  	_ =	swait.ge [sflag:s28], $0x4000  }
0xc9: {  	[sflag:s28] =	ssyncset.done $0x0  }
0xca: {  	s12 =	rddreg [dreg:$0x17];
	[sflag:s28] =	ssyncadd.s32 $0xFFFFC000  }
0xcb: {  	[spmem:s3] =	stream.indirect.scatter.add.f32 [tilespmem:s24], [sflag:$0x4], $0x80, s12, s23, $0xb8;
	[tilespmem:$0x1CC00] =	vst v63  }
0xcc: {  	_ =	swait.ge [sflag:s29], $0x4000  }
0xcd: {  	[sflag:s29] =	ssyncset.done $0x0  }
0xce: {  	s13 =	rddreg [dreg:$0x18];
	[sflag:s29] =	ssyncadd.s32 $0xFFFFC000  }
0xcf: {  	[tilespmem:s24], [sflag:$0x2] =	stream.indirect.gather [hbm4b:s5+s23], $0x80, s13, s23, $0xb8;
	[tilespmem:$0x1CC00] =	vst v63  }
0xd0: {  	_ =	swait.ge [sflag:s25], $0x4000  }
0xd1: {  	[sflag:s25] =	ssyncset.done $0x0  }
0xd2: {  	s14 =	rddreg [dreg:$0x19];
	[sflag:s25] =	ssyncadd.s32 $0xFFFFC000  }
0xd3: {  	[spmem:s3] =	stream.indirect.scatter.add.f32 [tilespmem:s20], [sflag:$0x3], $0x80, s14, s23, $0xb8;
	[tilespmem:$0x1CC00] =	vst v63  }
0xd4: {  	_ =	swait.ge [sflag:s26], $0x4000  }
0xd5: {  	[sflag:s26] =	ssyncset.done $0x0  }
0xd6: {  	s15 =	rddreg [dreg:$0x1a];
	[sflag:s26] =	ssyncadd.s32 $0xFFFFC000  }
0xd7: {  	[tilespmem:s20], [sflag:$0x1] =	stream.indirect.gather [hbm4b:s5+s23], $0x80, s15, s23, $0xb8;
	[tilespmem:$0x1CC00] =	vst v63  }
0xd8: {  	_ =	swait.ge [sflag:s28], $0x4000  }
0xd9: {  	[sflag:s28] =	ssyncset.done $0x0  }
0xda: {  	s16 =	rddreg [dreg:$0x1b];
	[sflag:s28] =	ssyncadd.s32 $0xFFFFC000  }
0xdb: {  	[spmem:s3] =	stream.indirect.scatter.add.f32 [tilespmem:s24], [sflag:$0x4], $0x80, s16, s23, $0xb8;
	[tilespmem:$0x1CC00] =	vst v63  }
0xdc: {  	_ =	swait.ge [sflag:s29], $0x4000  }
0xdd: {  	[sflag:s29] =	ssyncset.done $0x0  }
0xde: {  	s17 =	rddreg [dreg:$0x1c];
	[sflag:s29] =	ssyncadd.s32 $0xFFFFC000  }
0xdf: {  	[tilespmem:s24], [sflag:$0x2] =	stream.indirect.gather [hbm4b:s5+s23], $0x80, s17, s23, $0xb8;
	[tilespmem:$0x1CC00] =	vst v63  }
0xe0: {  	s2 =	simm.s32 $0x1;
	_ =	swait.ge [sflag:s25], $0x4000  }
0xe1: {  	s9 =	sadd.s32 $0x100, s18;
	s10 =	sadd.s32 $0x100, s19;
	[sflag:s25] =	ssyncset.done $0x0  }
0xe2: {  	s17 =	smov.u32 s11;
	s13 =	rddreg [dreg:$0x1d];
	[sflag:s25] =	ssyncadd.s32 $0xFFFFC000  }
.LBB2_2:
0xe3: {  	p1 =	seq.s32 s2, $0x0  }
0xe4: {  	[spmem:s3] =	stream.indirect.scatter.add.f32 [tilespmem:s20], [sflag:$0x3], $0x80, s13, s23, $0xb8;
	[tilespmem:$0x1CC00] =	vst v63  }
0xe5: {  	s13 =	simm.s32 @p1 $0x80;
	s14 =	simm.s32 @p1 $0x0;
	s15 =	simm.s32 @p1 $0x1000  }
0xe6: {  	[tilespmem:s15], [sflag:$0x1] =	stream.indirect.gather @p1 [hbm4b:s5+s13], $0x80, s14, s13, $0xb8;
	[tilespmem:$0x1CC00] =	vst v63  }
0xe7: {  	s13 =	simm.s32 @!p1 $0x3  }
0xe8: {  	_ =	swait.ge @!p1 [sflag:s13], $0x4000  }
0xe9: {  	[sflag:s13] =	ssyncset.done @!p1 $0x0  }
0xea: {  	s14 =	simm.s32 @!p1 $0x5;
	[sflag:s13] =	ssyncadd.s32 @!p1 $0xFFFFC000  }
0xeb: {  	_ =	swait.ge @!p1 [sflag:s14], $0x400  }
0xec: {  	[sflag:s14] =	ssyncset.done @!p1 $0x0  }
0xed: {  	[sflag:s14] =	ssyncadd.s32 @!p1 $0xFFFFFC00  }
0xee: {  	_ =	swait.ge @!p1 [sflag:s14], $0x400  }
0xef: {  	s16 =	simm.s32 @!p1 $0x0;
	s15 =	simm.s32 @!p1 $0x80;
	[sflag:s14] =	ssyncset.done @!p1 $0x0  }
0xf0: {  	s13 =	simm.s32 @!p1 $0x1000;
	[sflag:s14] =	ssyncadd.s32 @!p1 $0xFFFFFC00;
	s14 =	simm.s32 @!p1 $0x2  }
0xf1: {  	[tilespmem:s13], [sflag:$0x1] =	stream.indirect.gather @!p1 [hbm4b:s5+s15], $0x80, s16, s15, $0xb8;
	[tilespmem:$0x1CC00] =	vst v63  }
0xf2: {  	_ =	swait.ge @!p1 [sflag:s14], $0x4000  }
0xf3: {  	s13 =	simm.s32 @!p1 $0xF80;
	[sflag:s14] =	ssyncset.done @!p1 $0x0  }
0xf4: {  	s16 =	simm.s32 @!p1 $0x5000;
	[sflag:s14] =	ssyncadd.s32 @!p1 $0xFFFFC000;
	s14 =	simm.s32 @!p1 $0x4  }
0xf5: {  	[spmem:s3] =	stream.indirect.scatter.add.f32 @!p1 [tilespmem:s16], [sflag:$0x4], $0x80, s13, s15, $0xb8;
	[tilespmem:$0x1CC00] =	vst v63  }
0xf6: {  	_ =	swait.ge @!p1 [sflag:s14], $0x4000  }
0xf7: {  	[sflag:s14] =	ssyncset.done @!p1 $0x0  }
0xf8: {  	[sflag:s14] =	ssyncadd.s32 @!p1 $0xFFFFC000  }
0xf9: {  	[tilespmem:s24], [sflag:$0x2] =	stream.indirect.gather [hbm4b:s5+s23], $0x80, s23, s23, $0xb8;
	[tilespmem:$0x1CC00] =	vst v63  }
0xfa: {  	_ =	swait.ge [sflag:s25], $0x4000  }
0xfb: {  	[sflag:s25] =	ssyncset.done $0x0  }
0xfc: {  	[sflag:s25] =	ssyncadd.s32 $0xFFFFC000  }
0xfd: {  	[spmem:s3] =	stream.indirect.scatter.add.f32 [tilespmem:s20], [sflag:$0x3], $0x80, s22, s23, $0xb8;
	[tilespmem:$0x1CC00] =	vst v63  }
0xfe: {  	_ =	swait.ge [sflag:s26], $0x4000  }
0xff: {  	[sflag:s26] =	ssyncset.done $0x0  }
0x100: {  	s15 =	rddreg [dreg:$0x4];
	[sflag:s26] =	ssyncadd.s32 $0xFFFFC000  }
0x101: {  	[tilespmem:s20], [sflag:$0x1] =	stream.indirect.gather [hbm4b:s5+s23], $0x80, s15, s23, $0xb8;
	[tilespmem:$0x1CC00] =	vst v63  }
0x102: {  	_ =	swait.ge [sflag:s28], $0x4000  }
0x103: {  	[sflag:s28] =	ssyncset.done $0x0  }
0x104: {  	s16 =	rddreg [dreg:$0x5];
	[sflag:s28] =	ssyncadd.s32 $0xFFFFC000  }
0x105: {  	[spmem:s3] =	stream.indirect.scatter.add.f32 [tilespmem:s24], [sflag:$0x4], $0x80, s16, s23, $0xb8;
	[tilespmem:$0x1CC00] =	vst v63  }
0x106: {  	_ =	swait.ge [sflag:s29], $0x4000  }
0x107: {  	[sflag:s29] =	ssyncset.done $0x0  }
0x108: {  	s14 =	rddreg [dreg:$0x6];
	[sflag:s29] =	ssyncadd.s32 $0xFFFFC000  }
0x109: {  	[tilespmem:s24], [sflag:$0x2] =	stream.indirect.gather [hbm4b:s5+s23], $0x80, s14, s23, $0xb8;
	[tilespmem:$0x1CC00] =	vst v63  }
0x10a: {  	_ =	swait.ge [sflag:s25], $0x4000  }
0x10b: {  	[sflag:s25] =	ssyncset.done $0x0  }
0x10c: {  	s15 =	rddreg [dreg:$0x7];
	[sflag:s25] =	ssyncadd.s32 $0xFFFFC000  }
0x10d: {  	[spmem:s3] =	stream.indirect.scatter.add.f32 [tilespmem:s20], [sflag:$0x3], $0x80, s15, s23, $0xb8;
	[tilespmem:$0x1CC00] =	vst v63  }
0x10e: {  	_ =	swait.ge [sflag:s26], $0x4000  }
0x10f: {  	[sflag:s26] =	ssyncset.done $0x0  }
0x110: {  	[sflag:s26] =	ssyncadd.s32 $0xFFFFC000  }
0x111: {  	[tilespmem:s30], [sflag:$0x6] =	stream.linear.gather [hbm4b:s10+s4], $0x400, $0x38;
	[tilespmem:$0x1CC00] =	vst v63  }
0x112: {  	_ = 	snop  }
0x113: {  	[tilespmem:s31], [sflag:$0x6] =	stream.linear.gather [hbm4b:s9+s4], $0x400, $0x38;
	[tilespmem:$0x1CC00] =	vst v63  }
0x114: {  	s16 =	rddreg [dreg:$0x8]  }
0x115: {  	[tilespmem:s20], [sflag:$0x1] =	stream.indirect.gather [hbm4b:s5+s23], $0x80, s16, s23, $0xb8;
	[tilespmem:$0x1CC00] =	vst v63  }
0x116: {  	_ =	swait.ge [sflag:s28], $0x4000  }
0x117: {  	[sflag:s28] =	ssyncset.done $0x0  }
0x118: {  	s14 =	rddreg [dreg:$0x9];
	[sflag:s28] =	ssyncadd.s32 $0xFFFFC000  }
0x119: {  	[spmem:s3] =	stream.indirect.scatter.add.f32 [tilespmem:s24], [sflag:$0x4], $0x80, s14, s23, $0xb8;
	[tilespmem:$0x1CC00] =	vst v63  }
0x11a: {  	_ =	swait.ge [sflag:s29], $0x4000  }
0x11b: {  	[sflag:s29] =	ssyncset.done $0x0  }
0x11c: {  	s15 =	rddreg [dreg:$0xa];
	[sflag:s29] =	ssyncadd.s32 $0xFFFFC000  }
0x11d: {  	[tilespmem:s24], [sflag:$0x2] =	stream.indirect.gather [hbm4b:s5+s23], $0x80, s15, s23, $0xb8;
	[tilespmem:$0x1CC00] =	vst v63  }
0x11e: {  	_ =	swait.ge [sflag:s25], $0x4000  }
0x11f: {  	[sflag:s25] =	ssyncset.done $0x0  }
0x120: {  	s16 =	rddreg [dreg:$0xb];
	[sflag:s25] =	ssyncadd.s32 $0xFFFFC000  }
0x121: {  	[spmem:s3] =	stream.indirect.scatter.add.f32 [tilespmem:s20], [sflag:$0x3], $0x80, s16, s23, $0xb8;
	[tilespmem:$0x1CC00] =	vst v63  }
0x122: {  	_ =	swait.ge [sflag:s26], $0x4000  }
0x123: {  	[sflag:s26] =	ssyncset.done $0x0  }
0x124: {  	s14 =	rddreg [dreg:$0xc];
	[sflag:s26] =	ssyncadd.s32 $0xFFFFC000  }
0x125: {  	[tilespmem:s20], [sflag:$0x1] =	stream.indirect.gather [hbm4b:s5+s23], $0x80, s14, s23, $0xb8;
	[tilespmem:$0x1CC00] =	vst v63  }
0x126: {  	_ =	swait.ge [sflag:s28], $0x4000  }
0x127: {  	[sflag:s28] =	ssyncset.done $0x0  }
0x128: {  	s15 =	rddreg [dreg:$0xd];
	[sflag:s28] =	ssyncadd.s32 $0xFFFFC000  }
0x129: {  	[spmem:s3] =	stream.indirect.scatter.add.f32 [tilespmem:s24], [sflag:$0x4], $0x80, s15, s23, $0xb8;
	[tilespmem:$0x1CC00] =	vst v63  }
0x12a: {  	_ =	swait.ge [sflag:s29], $0x4000  }
0x12b: {  	[sflag:s29] =	ssyncset.done $0x0  }
0x12c: {  	s16 =	rddreg [dreg:$0xe];
	[sflag:s29] =	ssyncadd.s32 $0xFFFFC000  }
0x12d: {  	[tilespmem:s24], [sflag:$0x2] =	stream.indirect.gather [hbm4b:s5+s23], $0x80, s16, s23, $0xb8;
	[tilespmem:$0x1CC00] =	vst v63  }
0x12e: {  	_ =	swait.ge [sflag:s25], $0x4000  }
0x12f: {  	[sflag:s25] =	ssyncset.done $0x0  }
0x130: {  	s14 =	rddreg [dreg:$0xf];
	[sflag:s25] =	ssyncadd.s32 $0xFFFFC000  }
0x131: {  	[spmem:s3] =	stream.indirect.scatter.add.f32 [tilespmem:s20], [sflag:$0x3], $0x80, s14, s23, $0xb8;
	[tilespmem:$0x1CC00] =	vst v63  }
0x132: {  	_ =	swait.ge [sflag:s26], $0x4000  }
0x133: {  	[sflag:s26] =	ssyncset.done $0x0  }
0x134: {  	[sflag:s26] =	ssyncadd.s32 $0xFFFFC000  }
0x135: {  	_ =	swait.ge [sflag:s0], $0x400  }
0x136: {  	[sflag:s0] =	ssyncset.done $0x0  }
0x137: {  	[sflag:s0] =	ssyncadd.s32 $0xFFFFFC00  }
0x138: {  	_ =	swait.ge [sflag:s0], $0x400  }
0x139: {  	[sflag:s0] =	ssyncset.done $0x0  }
0x13a: {  	[sflag:s0] =	ssyncadd.s32 $0xFFFFFC00  }
0x13b: {  	[tilespmem:s20], [sflag:$0x1] =	stream.indirect.gather [hbm4b:s5+s23], $0x80, s30, s23, $0xb8;
	[tilespmem:$0x1CC00] =	vst v63  }
0x13c: {  	_ =	swait.ge [sflag:s28], $0x4000  }
0x13d: {  	[sflag:s28] =	ssyncset.done $0x0  }
0x13e: {  	s15 =	rddreg [dreg:$0x10];
	[sflag:s28] =	ssyncadd.s32 $0xFFFFC000  }
0x13f: {  	[spmem:s3] =	stream.indirect.scatter.add.f32 [tilespmem:s24], [sflag:$0x4], $0x80, s15, s23, $0xb8;
	[tilespmem:$0x1CC00] =	vst v63  }
0x140: {  	_ =	swait.ge [sflag:s29], $0x4000  }
0x141: {  	[sflag:s29] =	ssyncset.done $0x0  }
0x142: {  	s16 =	rddreg [dreg:$0x11];
	[sflag:s29] =	ssyncadd.s32 $0xFFFFC000  }
0x143: {  	[tilespmem:s24], [sflag:$0x2] =	stream.indirect.gather [hbm4b:s5+s23], $0x80, s16, s23, $0xb8;
	[tilespmem:$0x1CC00] =	vst v63  }
0x144: {  	_ =	swait.ge [sflag:s25], $0x4000  }
0x145: {  	[sflag:s25] =	ssyncset.done $0x0  }
0x146: {  	[sflag:s25] =	ssyncadd.s32 $0xFFFFC000  }
0x147: {  	[spmem:s3] =	stream.indirect.scatter.add.f32 [tilespmem:s20], [sflag:$0x3], $0x80, s31, s23, $0xb8;
	[tilespmem:$0x1CC00] =	vst v63  }
0x148: {  	_ =	swait.ge [sflag:s26], $0x4000  }
0x149: {  	[sflag:s26] =	ssyncset.done $0x0  }
0x14a: {  	s14 =	rddreg [dreg:$0x12];
	[sflag:s26] =	ssyncadd.s32 $0xFFFFC000  }
0x14b: {  	[tilespmem:s20], [sflag:$0x1] =	stream.indirect.gather [hbm4b:s5+s23], $0x80, s14, s23, $0xb8;
	[tilespmem:$0x1CC00] =	vst v63  }
0x14c: {  	_ =	swait.ge [sflag:s28], $0x4000  }
0x14d: {  	[sflag:s28] =	ssyncset.done $0x0  }
0x14e: {  	s15 =	rddreg [dreg:$0x13];
	[sflag:s28] =	ssyncadd.s32 $0xFFFFC000  }
0x14f: {  	[spmem:s3] =	stream.indirect.scatter.add.f32 [tilespmem:s24], [sflag:$0x4], $0x80, s15, s23, $0xb8;
	[tilespmem:$0x1CC00] =	vst v63  }
0x150: {  	_ =	swait.ge [sflag:s29], $0x4000  }
0x151: {  	[sflag:s29] =	ssyncset.done $0x0  }
0x152: {  	s16 =	rddreg [dreg:$0x14];
	[sflag:s29] =	ssyncadd.s32 $0xFFFFC000  }
0x153: {  	[tilespmem:s24], [sflag:$0x2] =	stream.indirect.gather [hbm4b:s5+s23], $0x80, s16, s23, $0xb8;
	[tilespmem:$0x1CC00] =	vst v63  }
0x154: {  	_ =	swait.ge [sflag:s25], $0x4000  }
0x155: {  	[sflag:s25] =	ssyncset.done $0x0  }
0x156: {  	s12 =	smov.u32 s2;
	s14 =	rddreg [dreg:$0x15];
	[sflag:s25] =	ssyncadd.s32 $0xFFFFC000  }
0x157: {  	[spmem:s3] =	stream.indirect.scatter.add.f32 [tilespmem:s20], [sflag:$0x3], $0x80, s14, s23, $0xb8;
	[tilespmem:$0x1CC00] =	vst v63  }
0x158: {  	s17 =	sadd.s32 $0x800, s17;
	p1 =	sgt.u32 s12, $0x3;
	_ =	swait.ge [sflag:s26], $0x4000  }
0x159: {  	s12 =	sshrl.u32 @!p1 s17, $0x3;
	[sflag:s26] =	ssyncset.done $0x0  }
0x15a: {  	s15 =	simm.s32 @!p1 $0x0;
	s14 =	sadd.s32 @!p1 s6, s12;
	[sflag:s26] =	ssyncadd.s32 $0xFFFFC000  }
0x15b: {  	[tilespmem:s15], [sflag:$0x5] =	stream.linear.gather @!p1 [hbm4b:s14+s15], $0x400, $0x38;
	[tilespmem:$0x1CC00] =	vst v63  }
0x15c: {  	s13 =	simm.s32 @!p1 $0x800;
	s12 =	sadd.s32 @!p1 s7, s12  }
0x15d: {  	[tilespmem:s13], [sflag:$0x5] =	stream.linear.gather @!p1 [hbm4b:s12+s15], $0x400, $0x38;
	[tilespmem:$0x1CC00] =	vst v63  }
0x15e: {  	s16 =	rddreg [dreg:$0x16]  }
0x15f: {  	[tilespmem:s20], [sflag:$0x1] =	stream.indirect.gather [hbm4b:s5+s23], $0x80, s16, s23, $0xb8;
	[tilespmem:$0x1CC00] =	vst v63  }
0x160: {  	_ =	swait.ge [sflag:s28], $0x4000  }
0x161: {  	[sflag:s28] =	ssyncset.done $0x0  }
0x162: {  	s15 =	rddreg [dreg:$0x17];
	[sflag:s28] =	ssyncadd.s32 $0xFFFFC000  }
0x163: {  	[spmem:s3] =	stream.indirect.scatter.add.f32 [tilespmem:s24], [sflag:$0x4], $0x80, s15, s23, $0xb8;
	[tilespmem:$0x1CC00] =	vst v63  }
0x164: {  	_ =	swait.ge [sflag:s29], $0x4000  }
0x165: {  	[sflag:s29] =	ssyncset.done $0x0  }
0x166: {  	s16 =	rddreg [dreg:$0x18];
	[sflag:s29] =	ssyncadd.s32 $0xFFFFC000  }
0x167: {  	[tilespmem:s24], [sflag:$0x2] =	stream.indirect.gather [hbm4b:s5+s23], $0x80, s16, s23, $0xb8;
	[tilespmem:$0x1CC00] =	vst v63  }
0x168: {  	_ =	swait.ge [sflag:s25], $0x4000  }
0x169: {  	[sflag:s25] =	ssyncset.done $0x0  }
0x16a: {  	s13 =	rddreg [dreg:$0x19];
	[sflag:s25] =	ssyncadd.s32 $0xFFFFC000  }
0x16b: {  	[spmem:s3] =	stream.indirect.scatter.add.f32 [tilespmem:s20], [sflag:$0x3], $0x80, s13, s23, $0xb8;
	[tilespmem:$0x1CC00] =	vst v63  }
0x16c: {  	_ =	swait.ge [sflag:s26], $0x4000  }
0x16d: {  	[sflag:s26] =	ssyncset.done $0x0  }
0x16e: {  	s14 =	rddreg [dreg:$0x1a];
	[sflag:s26] =	ssyncadd.s32 $0xFFFFC000  }
0x16f: {  	[tilespmem:s20], [sflag:$0x1] =	stream.indirect.gather [hbm4b:s5+s23], $0x80, s14, s23, $0xb8;
	[tilespmem:$0x1CC00] =	vst v63  }
0x170: {  	_ =	swait.ge [sflag:s28], $0x4000  }
0x171: {  	[sflag:s28] =	ssyncset.done $0x0  }
0x172: {  	s15 =	rddreg [dreg:$0x1b];
	[sflag:s28] =	ssyncadd.s32 $0xFFFFC000  }
0x173: {  	[spmem:s3] =	stream.indirect.scatter.add.f32 [tilespmem:s24], [sflag:$0x4], $0x80, s15, s23, $0xb8;
	[tilespmem:$0x1CC00] =	vst v63  }
0x174: {  	s2 =	sadd.s32 $0x1, s2;
	_ =	swait.ge [sflag:s29], $0x4000  }
0x175: {  	p0 =	sne.s32 s2, $0x5;
	[sflag:s29] =	ssyncset.done $0x0  }
.Ltmp0:
0x176: {  	s16 =	rddreg [dreg:$0x1c];
	[sflag:s29] =	ssyncadd.s32 $0xFFFFC000;
	(pc) =	sbr.rel @p0 .LBB2_2-.Ltmp0, $4  }
0x177: {  	[tilespmem:s24], [sflag:$0x2] =	stream.indirect.gather [hbm4b:s5+s23], $0x80, s16, s23, $0xb8;
	[tilespmem:$0x1CC00] =	vst v63  }
0x178: {  	_ =	swait.ge [sflag:s25], $0x4000  }
0x179: {  	s10 =	sadd.s32 $0x100, s10;
	[sflag:s25] =	ssyncset.done $0x0  }
0x17a: {  	s9 =	sadd.s32 $0x100, s9;
	s13 =	rddreg [dreg:$0x1d];
	[sflag:s25] =	ssyncadd.s32 $0xFFFFC000  }
0x17b: {  	[spmem:s3] =	stream.indirect.scatter.add.f32 [tilespmem:s20], [sflag:$0x3], $0x80, s13, s23, $0xb8;
	[tilespmem:$0x1CC00] =	vst v63  }
0x17c: {  	_ =	swait.ge [sflag:s28], $0x4000  }
0x17d: {  	[sflag:s28] =	ssyncset.done $0x0  }
0x17e: {  	s2 =	simm.s32 $0xF80;
	[sflag:s28] =	ssyncadd.s32 $0xFFFFC000  }
0x17f: {  	[spmem:s3] =	stream.indirect.scatter.add.f32 [tilespmem:s24], [sflag:$0x4], $0x80, s2, s23, $0xb8;
	[tilespmem:$0x1CC00] =	vst v63  }
0x180: {  	_ =	swait.ge [sflag:s26], $0x4000  }
0x181: {  	[sflag:s26] =	ssyncset.done $0x0  }
0x182: {  	[sflag:s26] =	ssyncadd.s32 $0xFFFFC000  }
0x183: {  	_ =	swait.ge [sflag:s29], $0x4000  }
0x184: {  	[sflag:s29] =	ssyncset.done $0x0  }
0x185: {  	[sflag:s29] =	ssyncadd.s32 $0xFFFFC000  }
0x186: {  	[bflag:$0x0] =	sbarrier.arrive $0xFFFF  }
0x187: {  	s16 =	stileid.u32;
	s10 =	sld [smem:$0x7FC]  }
0x188: {  	s2 =	sshll.u32 s16, $0x6  }
0x189: {  	s9 =	sshrl.u32 s8, $0x3;
	s2 =	sor.u32 $0x1C07, s2  }
0x18a: {  	[hbm:s10], [sflag:s2] =	dma.local [spmem:s9], $0x2780  }
0x18b: {  	_ =	swait.ge [sflag:s21], $0x2780  }
0x18c: {  	s17 =	sld [smem:$0x7FD];
	_ =	sdelay $0x1  }
0x18d: {  	s1 =	sadd.s32 $0x1, s1  }
0x18e: {  	p0 =	sne.s32 s1, s17  }
.Ltmp1:
0x18f: {  	_ = 	snop;
	(pc) =	sbr.rel @p0 .LBB2_1-.Ltmp1, $3  }
0x190: {  	_ =	sdelay $0x1  }
0x191: {  	[sflag:s21] =	ssyncset.done $0x0  }
0x192: {  	[sflag:s21] =	ssyncadd.s32 $0xFFFFD880  }
0x193: {  	_ =	sfence.sel $0x180000  }
0x194: {  	[bflag:$0x0] =	sbarrier.arrive $0xFFFF  }
0x195: {  	_ =	strace $0x9000004D  }
0x196: {  	s0 =	stileid.u32;
	[bflag:$0x2] =	sbarrier.arrive $0xFFFF  }
0x197: {  	p0 =	sne.s32 s0, $0x0;
	s0 =	rddreg [dreg:$0x3]  }
0x198: {  	s0 =	sadd.s32 @!p0 $0x100000, s0  }
0x199: {  	[sflag:s0] =	ssyncadd.tile.s32 @!p0 $0x1;
	_ =	shalt  }
.Lfunc_end2:
_tile_overlayer_lowered:
.L_overlay_start_2:
0x19a: {  	(tag) =	ssettag $0x2  }
0x19b: {  	s0 =	rddreg [dreg:$0x0];
	s2 =	stileid.u32  }
0x19c: {  	s1 =	rddreg [dreg:$0x1];
	p0 =	sne.s32 s2, $0x0  }
0x19d: {  	s3 =	rddreg [dreg:$0x2];
	[bflag:$0x3] =	sbarrier.arrive $0xFFFF;
	s2 =	simm.s32 @!p0 $0x1C07  }
0x19e: {  	[timem:s3], [sflag:s2] =	dma.local @!p0 [hbm:s0], s1  }
0x19f: {  	s0 =	simm.s32 @!p0 $0x7  }
0x1a0: {  	_ =	swait.ge @!p0 [sflag:s0], s1  }
0x1a1: {  	s1 =	ssub.s32 @!p0 $0x0, s1;
	[sflag:s0] =	ssyncset.done @!p0 $0x0  }
0x1a2: {  	[sflag:s0] =	ssyncadd.s32 @!p0 s1  }
0x1a3: {  	[bflag:$0x3] =	sbarrier.arrive $0xFFFF  }
0x1a4: {  	_ =	shalt  }

// kernel: kernel.9.cloned.1.call-start
scs
__scs_entry_jumppad:
0x0: {  	(pc) =	sbr.rel $0x88, $3  }
0x1: {  	(tag) =	ssettag $0x0;
	lr =	simm.s32 $0x1  }
0x2: {  	[smem:$0x3F98] =	sst lr;
	_ =	strace $0xD0000000  }
0x3: {  	_ = 	snop  }
0x4: {  	_ = 	snop  }
0x5: {  	_ = 	snop  }
0x6: {  	_ = 	snop  }
0x7: {  	_ = 	snop  }
__scs_overlays_trampoline_lowered:
0x8: {  	[smem:$0x3FA7] =	sst s0  }
0x9: {  	[smem:$0x3FA8] =	sst s1  }
0xa: {  	[smem:$0x3FA9] =	sst s2  }
0xb: {  	[smem:$0x3FAA] =	sst s3  }
0xc: {  	[smem:$0x3FAB] =	sst s4  }
0xd: {  	[smem:$0x3FAC] =	sst s5  }
0xe: {  	[smem:$0x3FAD] =	sst s6  }
0xf: {  	[smem:$0x3FAE] =	sst s7  }
0x10: {  	[smem:$0x3FAF] =	sst s8  }
0x11: {  	[smem:$0x3FB0] =	sst s9;
	s0 =	simm.s32 @!p0 $0x0  }
0x12: {  	s1 =	sld [smem:$0x3F96];
	s0 =	simm.s32 @p0 $0x1  }
0x13: {  	[smem:$0x3FB1] =	sst s0;
	s0 =	simm.s32 @!p1 $0x0  }
0x14: {  	s2 =	sld [smem:$0x3F95];
	s0 =	simm.s32 @p1 $0x1  }
0x15: {  	[smem:$0x3FB2] =	sst s0;
	s0 =	simm.s32 @!p2 $0x0  }
0x16: {  	s3 =	sld [smem:$0x3FDB];
	s0 =	simm.s32 @p2 $0x1  }
0x17: {  	s4 =	simm.s32 $0x1BF5;
	[smem:$0x3FB4] =	sst s0  }
0x18: {  	s0 =	sld [smem:$0x3F97];
	_ =	swait.ge [sflag:s4], $0x0  }
0x19: {  	s7 =	sld [smem:$0x3F98]  }
0x1a: {  	s8 =	sadd.s32 $0xFFFFE003, lr  }
0x1b: {  	s9 =	sadd.s32 $0xFFFFFEF7, lr;
	s5 =	simm.s32 $0xFFFFFFFF;
	p2 =	slt.u32 s8, $0xFFFFF086  }
0x1c: {  	p1 =	slt.u32 s9, $0xF7A;
	s5 =	simm.s32 @!p2 $0x0  }
0x1d: {  	s5 =	simm.s32 @p1 $0x1;
	p0 =	seq.s32 s7, s2  }
0x1e: {  	s7 =	smul.u32 @!p0 $0xF7A, s2;
	p2 =	seq.s32 @!p0 s5, $0x0  }
0x1f: {  	s9 =	smul.u32 $0xF7A, s1;
	s8 =	simm.s32 @!p0 $0x1BF5;
	p2 =	por !p2, p0  }
0x20: {  	[sflag:s8] =	ssyncset.s32 @!p0 $0xFFFFF086;
	s6 =	sadd.s32 @!p0 s3, s7;
	s7 =	simm.s32 @!p0 $0x108  }
0x21: {  	s3 =	sadd.s32 s3, s9;
	s6 =	sadd.s32 @!p0 $0x88, s6;
	s7 =	simm.s32 @p2 $0x1082  }
0x22: {  	[simem:s7], [sflag:s8] =	dma.local @!p0 [hbm:s6], $0xF7A  }
0x23: {  	s9 =	sor.u32 $0xD0000000, s2;
	s6 =	simm.s32 $0x108;
	_ =	swait.ge @!p0 [sflag:s8], $0x0  }
0x24: {  	s3 =	sadd.s32 $0x88, s3;
	s6 =	simm.s32 @!p1 $0x1082;
	[sflag:s4] =	ssyncset.s32 $0xFFFFF086  }
0x25: {  	[simem:s6], [sflag:s4] =	dma.local [hbm:s3], $0xF7A  }
0x26: {  	[smem:$0x3F98] =	sst s1;
	(tag) =	ssettag s2;
	_ =	strace s9  }
0x27: {  	s1 =	sld [smem:$0x3FA8]  }
0x28: {  	s2 =	sld [smem:$0x3FA9]  }
0x29: {  	s4 =	sld [smem:$0x3FAB]  }
0x2a: {  	p0 =	seq.s32 s5, $0x0;
	s5 =	sld [smem:$0x3FAC]  }
0x2b: {  	s6 =	sld [smem:$0x3FAD]  }
0x2c: {  	s7 =	sld [smem:$0x3FAE]  }
0x2d: {  	s3 =	simm.s32 $0x108;
	s8 =	sld [smem:$0x3FAF]  }
0x2e: {  	s3 =	simm.s32 @!p0 $0x1082;
	s9 =	sld [smem:$0x3FB0]  }
0x2f: {  	lr =	sadd.s32 s0, s3;
	s0 =	sld [smem:$0x3FA7]  }
0x30: {  	s3 =	sld [smem:$0x3FAA]  }
0x31: {  	[smem:$0x3FB3] =	sst s10  }
0x32: {  	s10 =	sld [smem:$0x3FB1];
	_ =	sdelay $0x3  }
0x33: {  	p0 =	seq.s32 s10, $0x1;
	s10 =	sld [smem:$0x3FB3];
	_ =	sdelay $0x3  }
0x34: {  	[smem:$0x3FB3] =	sst s10  }
0x35: {  	s10 =	sld [smem:$0x3FB2];
	_ =	sdelay $0x3  }
0x36: {  	p1 =	seq.s32 s10, $0x1;
	s10 =	sld [smem:$0x3FB3];
	_ =	sdelay $0x3  }
0x37: {  	[smem:$0x3FB3] =	sst s10  }
0x38: {  	s10 =	sld [smem:$0x3FB4]  }
0x39: {  	_ = 	snop;
	(pc) =	sbr.ind lr, $3  }
0x3a: {  	_ = 	snop  }
0x3b: {  	_ = 	snop  }
0x3c: {  	p2 =	seq.s32 s10, $0x1;
	s10 =	sld [smem:$0x3FB3]  }
0x3d: {  	_ =	shalt  }
0x3e: {  	_ =	shalt  }
0x3f: {  	_ =	shalt  }
0x40: {  	_ =	shalt  }
0x41: {  	_ =	shalt  }
0x42: {  	_ =	shalt  }
0x43: {  	_ =	shalt  }
0x44: {  	_ =	shalt  }
0x45: {  	_ =	shalt  }
0x46: {  	_ =	shalt  }
0x47: {  	_ =	shalt  }
0x48: {  	_ =	shalt  }
0x49: {  	_ =	shalt  }
0x4a: {  	_ =	shalt  }
0x4b: {  	_ =	shalt  }
0x4c: {  	_ =	shalt  }
0x4d: {  	_ =	shalt  }
0x4e: {  	_ =	shalt  }
0x4f: {  	_ =	shalt  }
0x50: {  	_ =	shalt  }
0x51: {  	_ =	shalt  }
0x52: {  	_ =	shalt  }
0x53: {  	_ =	shalt  }
0x54: {  	_ =	shalt  }
0x55: {  	_ =	shalt  }
0x56: {  	_ =	shalt  }
0x57: {  	_ =	shalt  }
0x58: {  	_ =	shalt  }
0x59: {  	_ =	shalt  }
0x5a: {  	_ =	shalt  }
0x5b: {  	_ =	shalt  }
0x5c: {  	_ =	shalt  }
0x5d: {  	_ =	shalt  }
0x5e: {  	_ =	shalt  }
0x5f: {  	_ =	shalt  }
0x60: {  	_ =	shalt  }
0x61: {  	_ =	shalt  }
0x62: {  	_ =	shalt  }
0x63: {  	_ =	shalt  }
0x64: {  	_ =	shalt  }
0x65: {  	_ =	shalt  }
0x66: {  	_ =	shalt  }
0x67: {  	_ =	shalt  }
0x68: {  	_ =	shalt  }
0x69: {  	_ =	shalt  }
0x6a: {  	_ =	shalt  }
0x6b: {  	_ =	shalt  }
0x6c: {  	_ =	shalt  }
0x6d: {  	_ =	shalt  }
0x6e: {  	_ =	shalt  }
0x6f: {  	_ =	shalt  }
0x70: {  	_ =	shalt  }
0x71: {  	_ =	shalt  }
0x72: {  	_ =	shalt  }
0x73: {  	_ =	shalt  }
0x74: {  	_ =	shalt  }
0x75: {  	_ =	shalt  }
0x76: {  	_ =	shalt  }
0x77: {  	_ =	shalt  }
0x78: {  	_ =	shalt  }
0x79: {  	_ =	shalt  }
0x7a: {  	_ =	shalt  }
0x7b: {  	_ =	shalt  }
0x7c: {  	_ =	shalt  }
0x7d: {  	_ =	shalt  }
0x7e: {  	_ =	shalt  }
0x7f: {  	_ =	shalt  }
0x80: {  	_ =	shalt  }
0x81: {  	_ =	shalt  }
0x82: {  	_ =	shalt  }
0x83: {  	_ =	shalt  }
0x84: {  	_ =	shalt  }
0x85: {  	_ =	shalt  }
0x86: {  	_ =	shalt  }
0x87: {  	_ =	shalt  }
.Lfunc_end0:
.L_simem_size_0:
called_computation_lowered:
.L_overlay_start_0:
0x88: {  	s2 =	sld [smem:$0x3FD9]  }
0x89: {  	s3 =	sld [smem:$0x3FFE];
	_ =	sdelay $0x1  }
0x8a: {  	s1 =	srdreg.scid  }
0x8b: {  	s0 =	sand.u32 $0x1, s1  }
0x8c: {  	s16 =	sshll.u32 s0, $0xA;
	s2 =	sadd.s32 s3, s2  }
0x8d: {  	s2 =	sadd.s32 s2, s16  }
0x8e: {  	[smem:$0x3FBF] =	sst s2  }
0x8f: {  	_ = 	snop  }
0x90: {  	(tm) =	ssettm $0x1  }
0x91: {  	s17 =	sld [smem:$0x3FFB];
	_ =	sdelay $0x3  }
0x92: {  	_ =	strace s17  }
0x93: {  	s2 =	sld [smem:$0x3FFC];
	_ =	sdelay $0x3  }
0x94: {  	_ =	strace s2  }
0x95: {  	s2 =	sld [smem:$0x3FFD];
	_ =	sdelay $0x3  }
0x96: {  	_ =	strace s2  }
0x97: {  	_ =	strace $0x8FFFFFFF  }
0x98: {  	s18 =	sld [smem:$0x3FDB];
	_ =	sdelay $0x1  }
0x99: {  	s19 =	simm.s32 $_scs_section_size  }
0x9a: {  	s4 =	simm.s32 $_size__tile_overlayer_lowered;
	s5 =	simm.s32 $_tile_overlayer_lowered  }
0x9b: {  	s22 =	simm.s32 $0x1BFF;
	s21 =	sshll.u32 s5, $0x1;
	s2 =	sadd.s32 s19, s18  }
0x9c: {  	s6 =	simm.s32 $0x0;
	s20 =	sshll.u32 s4, $0x1;
	s4 =	sadd.s32 s21, s2  }
0x9d: {  	[timem:s6], [sflag:s22] =	dma.local [hbm:s4], s20  }
0x9e: {  	_ =	swait.ge [sflag:s22], s20  }
0x9f: {  	s3 =	ssub.s32 $0x0, s20;
	[sflag:s22] =	ssyncset.done $0x0  }
0xa0: {  	[sflag:s22] =	ssyncadd.s32 s3;
	_ =	sdelay $0x1  }
0xa1: {  	s23 =	simm.s32 $0x1B8B  }
0xa2: {  	_ =	swait.ge [sflag:s23], $0x1  }
0xa3: {  	[sflag:s23] =	ssyncset.done $0x0  }
0xa4: {  	s25 =	simm.s32 $0x1B8E;
	s24 =	sld [smem:$0x3FFE];
	[sflag:s23] =	ssyncadd.s32 $0xFFFFFFFF  }
0xa5: {  	s26 =	simm.s32 $execute0_lowered;
	[smem:$0x3FD2] =	sst s25  }
0xa6: {  	s4 =	sshll.u32 s26, $0x1;
	_ =	strace $0x80000046;
	[dreg:$0x1] =	wrdreg $0xFFFFFFFF  }
0xa7: {  	s28 =	simm.s32 $_size_execute0_lowered;
	s2 =	sadd.s32 s2, s4;
	[dreg:$0x0] =	wrdreg $0x0  }
0xa8: {  	s4 =	sshll.u32 s28, $0x1;
	[dreg:$0x2] =	wrdreg s2  }
0xa9: {  	[dreg:$0x3] =	wrdreg s4  }
0xaa: {  	[dreg:$0x4] =	wrdreg $0xC0  }
0xab: {  	_ =	task [dreg:s6], $0x5FFFF  }
0xac: {  	[dreg:$0x1] =	wrdreg $0xFFFFFFFF  }
0xad: {  	[dreg:$0x0] =	wrdreg $0x60  }
0xae: {  	[dreg:$0x2] =	wrdreg s24  }
0xaf: {  	[dreg:$0x3] =	wrdreg $0x2B000  }
0xb0: {  	[dreg:$0x4] =	wrdreg $0x9  }
0xb1: {  	_ =	task.clear_ibuf [dreg:s6], $0x5FFFF;
	_ =	strace $0x90000046  }
0xb2: {  	s29 =	simm.s32 $0x9;
	_ =	strace $0x80000048  }
0xb3: {  	_ =	swait.ge [sflag:s29], $0x1  }
0xb4: {  	[sflag:s29] =	ssyncadd.s32 $0xFFFFFFFF  }
0xb5: {  	_ =	strace $0x90000048  }
0xb6: {  	_ =	sfence  }
0xb7: {  	s30 =	sld [smem:$0x0];
	_ =	sdelay $0x2  }
0xb8: {  	s31 =	sshll.u32 s1, $0xD;
	s1 =	sshrl.u32 s1, $0x2  }
0xb9: {  	s3 =	sand.u32 $0x4000, s31;
	s1 =	sadd.s32 s1, s30  }
0xba: {  	s0 =	sor.u32 s3, s0;
	s1 =	sshll.u32 s1, $0x11  }
0xbb: {  	s0 =	sor.u32 s1, s0  }
0xbc: {  	s0 =	sadd.s32 $0x8F2B, s0  }
0xbd: {  	[sflag:s0] =	ssyncadd.remote.s32 $0x1  }
0xbe: {  	_ =	sfence.sel $0xFFFF  }
0xbf: {  	[dreg:$0x0] =	wrdreg $0xFFFFFFFF;
	(pc) =	sbr.abs _section_cstart, $3  }
0xc0: {  	[dreg:$0x1] =	wrdreg $0xFFFFFFFF  }
0xc1: {  	_ =	task.clear_ibuf [dreg:s6], $0x2FFFF;
	_ =	strace $0x9FFFFFFF  }
0xc2: {  	(tm) =	ssettm $0x7FFFFFFF  }
0xc3: {  	_ =	shalt  }
tec
execute0_lowered:
.L_overlay_start_1:
0x0: {  	(tag) =	ssettag $0x1  }
0x1: {  	s4 =	rddreg [dreg:$0x0]  }
0x2: {  	s2 =	rddreg [dreg:$0x1];
	s3 =	srdreg.scid  }
0x3: {  	s1 =	stileid.u32;
	s0 =	rddreg [dreg:$0x2];
	s10 =	simm.s32 $0x80  }
0x4: {  	s11 =	simm.s32 $0x2800;
	s14 =	simm.s32 $0x0;
	s5 =	sand.u32 $0x1, s3  }
0x5: {  	s6 =	smul.u32 $0x280, s1;
	s3 =	simm.s32 $0x0;
	s12 =	sshll.u32 s1, $0x6  }
0x6: {  	s7 =	sshll.u32 s5, $0x4;
	s8 =	smul.u32 $0x2800, s5;
	[smem:$0x7FF] =	sst s3  }
0x7: {  	s5 =	ssub.s32 $0x2, s5;
	s12 =	sor.u32 $0x1C01, s12;
	s7 =	sor.u32 s1, s7  }
0x8: {  	s9 =	sshrl.u32 s5, $0x1;
	s7 =	smul.u32 $0x500, s7;
	s8 =	sadd.s32 s6, s8  }
0x9: {  	_ =	strace $0x80000047;
	s9 =	ssub.s32 s5, s9;
	s8 =	sshrl.u32 s8, $0x3  }
0xa: {  	s5 =	sadd.s32 s6, s2;
	s7 =	sadd.s32 s7, s4;
	s8 =	sadd.s32 s8, s4  }
0xb: {  	s13 =	sshrl.u32 s5, $0x3;
	s4 =	sadd.s32 $0x2C00, s7;
	s6 =	sadd.s32 $0x16C00, s8  }
0xc: {  	v0 =	vimm.f32 $1.000000000e+00;
	v1 =	vimm.f32 $0.0e+00;
	s7 =	smax.u32 s9, $0x1;
	s8 =	simm.s32 $0x1;
	s9 =	simm.s32 $0x2880  }
.LBB2_1:
0xd: {  	[tilespmem:s3], [sflag:$0x1] =	stream.linear.gather [hbm4b:s4+s3], $0x2800, $0x38;
	[tilespmem:$0x2D80] =	vst v63  }
0xe: {  	_ =	swait.ge [sflag:s8], $0x2800  }
0xf: {  	[sflag:s8] =	ssyncset.done $0x0  }
0x10: {  	[sflag:s8] =	ssyncadd.s32 $0xFFFFD800  }
0x11: {  	[tilespmem:$0x2800] =	vst v0  }
0x12: {  	[tilespmem:$0x2810] =	vst v0  }
0x13: {  	[tilespmem:$0x2820] =	vst v0  }
0x14: {  	[tilespmem:$0x2830] =	vst v0  }
0x15: {  	[tilespmem:$0x2840] =	vst v0  }
0x16: {  	[tilespmem:$0x2850] =	vst v0  }
0x17: {  	[tilespmem:$0x2860] =	vst v0  }
0x18: {  	[tilespmem:$0x2870] =	vst v0  }
0x19: {  	[tilespmem:$0x2880] =	vst v1  }
0x1a: {  	[tilespmem:$0x2890] =	vst v1  }
0x1b: {  	[tilespmem:$0x28A0] =	vst v1  }
0x1c: {  	[tilespmem:$0x28B0] =	vst v1  }
0x1d: {  	[tilespmem:$0x28C0] =	vst v1  }
0x1e: {  	[tilespmem:$0x28D0] =	vst v1  }
0x1f: {  	[tilespmem:$0x28E0] =	vst v1  }
0x20: {  	[tilespmem:$0x28F0] =	vst v1  }
0x21: {  	[tilespmem:$0x2900] =	vst v1  }
0x22: {  	[tilespmem:$0x2910] =	vst v1  }
0x23: {  	[tilespmem:$0x2920] =	vst v1  }
0x24: {  	[tilespmem:$0x2930] =	vst v1  }
0x25: {  	[tilespmem:$0x2940] =	vst v1  }
0x26: {  	[tilespmem:$0x2950] =	vst v1  }
0x27: {  	[tilespmem:$0x2960] =	vst v1  }
0x28: {  	[tilespmem:$0x2970] =	vst v1  }
0x29: {  	[tilespmem:$0x2980] =	vst v1  }
0x2a: {  	[tilespmem:$0x2990] =	vst v1  }
0x2b: {  	[tilespmem:$0x29A0] =	vst v1  }
0x2c: {  	[tilespmem:$0x29B0] =	vst v1  }
0x2d: {  	[tilespmem:$0x29C0] =	vst v1  }
0x2e: {  	[tilespmem:$0x29D0] =	vst v1  }
0x2f: {  	[tilespmem:$0x29E0] =	vst v1  }
0x30: {  	[tilespmem:$0x29F0] =	vst v1  }
0x31: {  	[tilespmem:$0x2A00] =	vst v1  }
0x32: {  	[tilespmem:$0x2A10] =	vst v1  }
0x33: {  	[tilespmem:$0x2A20] =	vst v1  }
0x34: {  	[tilespmem:$0x2A30] =	vst v1  }
0x35: {  	[tilespmem:$0x2A40] =	vst v1  }
0x36: {  	[tilespmem:$0x2A50] =	vst v1  }
0x37: {  	[tilespmem:$0x2A60] =	vst v1  }
0x38: {  	[tilespmem:$0x2A70] =	vst v1  }
0x39: {  	[tilespmem:$0x2A80] =	vst v1  }
0x3a: {  	[tilespmem:$0x2A90] =	vst v1  }
0x3b: {  	[tilespmem:$0x2AA0] =	vst v1  }
0x3c: {  	[tilespmem:$0x2AB0] =	vst v1  }
0x3d: {  	[tilespmem:$0x2AC0] =	vst v1  }
0x3e: {  	[tilespmem:$0x2AD0] =	vst v1  }
0x3f: {  	[tilespmem:$0x2AE0] =	vst v1  }
0x40: {  	[tilespmem:$0x2AF0] =	vst v1  }
0x41: {  	[spmem:s5] =	stream.linear.scatter [tilespmem:s9], [sflag:$0x1], $0x280, $0x38;
	[tilespmem:$0x2D80] =	vst v63  }
0x42: {  	_ =	swait.ge [sflag:s8], $0x280  }
0x43: {  	[sflag:s8] =	ssyncset.done $0x0  }
0x44: {  	[sflag:s8] =	ssyncadd.s32 $0xFFFFFD80  }
0x45: {  	s15 =	simm.s32 $0x0;
	[bflag:$0x0] =	sbarrier.arrive $0xFFFF  }
0x46: {  	[spmem:s2] =	stream.indirect.scatter.add.f32 [tilespmem:s11], [sflag:$0x1], $0x1, s15, s10, $0xb8;
	[tilespmem:$0x2D80] =	vst v63  }
0x47: {  	_ =	swait.ge [sflag:s8], $0x80  }
0x48: {  	s15 =	simm.s32 $0x200;
	[sflag:s8] =	ssyncset.done $0x0  }
.LBB2_2:
0x49: {  	s16 =	sshra.s32 s15, $0x2;
	[sflag:s8] =	ssyncadd.s32 $0xFFFFFF80;
	p0 =	sne.s32 s15, $0x9E00  }
0x4a: {  	[spmem:s2] =	stream.indirect.scatter.add.f32 [tilespmem:s11], [sflag:$0x1], $0x1, s16, s10, $0xb8;
	[tilespmem:$0x2D80] =	vst v63  }
.Ltmp0:
0x4b: {  	_ = 	snop;
	(pc) =	sbr.rel @p0 .LBB2_2-.Ltmp0, $4  }
0x4c: {  	_ = 	snop  }
0x4d: {  	s15 =	sadd.s32 $0x200, s15  }
0x4e: {  	_ =	swait.ge [sflag:s8], $0x80  }
0x4f: {  	[sflag:s8] =	ssyncset.done $0x0  }
0x50: {  	s14 =	sadd.s32 $0x1, s14  }
0x51: {  	[sflag:s8] =	ssyncadd.s32 $0xFFFFFF80;
	p0 =	sne.s32 s14, s7  }
.Ltmp1:
0x52: {  	[bflag:$0x0] =	sbarrier.arrive $0xFFFF;
	(pc) =	sbr.rel @p0 .LBB2_1-.Ltmp1, $4  }
0x53: {  	[hbm:s6], [sflag:s12] =	dma.local [spmem:s13], $0x50  }
0x54: {  	_ =	swait.ge [sflag:s8], $0x50  }
0x55: {  	[sflag:s8] =	ssyncset.done $0x0  }
0x56: {  	[sflag:s8] =	ssyncadd.s32 $0xFFFFFFB0  }
0x57: {  	_ =	sfence.sel $0x180000  }
0x58: {  	[bflag:$0x0] =	sbarrier.arrive $0xFFFF  }
0x59: {  	p0 =	sne.s32 s1, $0x0;
	_ =	strace $0x90000047  }
0x5a: {  	s0 =	sadd.s32 @!p0 $0x100000, s0;
	[bflag:$0x2] =	sbarrier.arrive $0xFFFF  }
0x5b: {  	[sflag:s0] =	ssyncadd.tile.s32 @!p0 $0x1;
	_ =	shalt  }
.Lfunc_end2:
_tile_overlayer_lowered:
.L_overlay_start_2:
0x5c: {  	(tag) =	ssettag $0x2  }
0x5d: {  	s0 =	rddreg [dreg:$0x0];
	s2 =	stileid.u32  }
0x5e: {  	s1 =	rddreg [dreg:$0x1];
	p0 =	sne.s32 s2, $0x0  }
0x5f: {  	s3 =	rddreg [dreg:$0x2];
	[bflag:$0x3] =	sbarrier.arrive $0xFFFF;
	s2 =	simm.s32 @!p0 $0x1C01  }
0x60: {  	[timem:s3], [sflag:s2] =	dma.local @!p0 [hbm:s0], s1  }
0x61: {  	s0 =	simm.s32 @!p0 $0x1  }
0x62: {  	_ =	swait.ge @!p0 [sflag:s0], s1  }
0x63: {  	s1 =	ssub.s32 @!p0 $0x0, s1;
	[sflag:s0] =	ssyncset.done @!p0 $0x0  }
0x64: {  	[sflag:s0] =	ssyncadd.s32 @!p0 s1  }
0x65: {  	[bflag:$0x3] =	sbarrier.arrive $0xFFFF  }
0x66: {  	_ =	shalt  }

</sc_bundles>
